<compile_context>
chip_gen: v7x
topology: tpu7x:2x2x1
jax: 0.10.2.dev20260603
libtpu: 0.0.44.dev20260713+nightly
codegen_flags: <defaults>
</compile_context>

<pallas_src>
import functools

import jax
import jax.numpy as jnp
from jax import lax
from jax.experimental import pallas as pl
from jax.experimental.pallas import tpu as pltpu
from jax.experimental.pallas import tpu_sc as plsc

N = 10000
NFEAT = 128
NHID = 128
NCLASS = 64
DH = 64

_INFO = plsc.get_sparse_core_info()
NC = _INFO.num_cores
NS = _INFO.num_subcores
NW = NC * NS
BATCH = 128
ZROWS = 632
ACC_ROWS = NS * ZROWS
CP_CHUNK = 640
CP_LAST = N - 15 * CP_CHUNK
DEGW = 16

_MESH = dict(core_axis_name="c", subcore_axis_name="s")
_SC_PARAMS = pltpu.CompilerParams(use_tc_tiling_on_sc=False)


def _num_batches(e):
    nb = -(-e // (NW * BATCH))
    return nb + (nb % 2)




def _copy_out(acc, out_hbm, core, tid):

    @pl.when(tid < NS - 1)
    def _():
        base = tid * CP_CHUNK
        pltpu.sync_copy(acc.at[pl.ds(base, CP_CHUNK)],
                        out_hbm.at[core, pl.ds(base, CP_CHUNK)])

    @pl.when(tid == NS - 1)
    def _():
        base = (NS - 1) * CP_CHUNK
        pltpu.sync_copy(acc.at[pl.ds(base, CP_LAST)],
                        out_hbm.at[core, pl.ds(base, CP_LAST)])


def _make_deg(nb):

    @functools.partial(
        pl.kernel,
        out_type=jax.ShapeDtypeStruct((NC, N, DEGW), jnp.float32),
        mesh=plsc.VectorSubcoreMesh(**_MESH),
        compiler_params=_SC_PARAMS,
        scratch_types=[
            pltpu.VMEM((nb, BATCH), jnp.int32),
            pltpu.VMEM((BATCH, DEGW), jnp.float32),
            pltpu.VMEM_SHARED((ACC_ROWS, DEGW), jnp.float32),
        ],
    )
    def deg_kernel(col_hbm, ones_hbm, zeros_hbm, out_hbm, col_v, ones_v, acc):
        core = lax.axis_index("c")
        tid = lax.axis_index("s")
        w = core * NS + tid
        pltpu.sync_copy(col_hbm.at[w], col_v)
        pltpu.sync_copy(ones_hbm, ones_v)
        pltpu.sync_copy(zeros_hbm, acc.at[pl.ds(tid * ZROWS, ZROWS)])
        plsc.subcore_barrier()

        @pl.loop(0, nb)
        def _(j):
            pltpu.sync_copy(ones_v, acc.at[col_v.at[j]], add=True)

        plsc.subcore_barrier()
        _copy_out(acc, out_hbm, core, tid)

    return deg_kernel


def _make_spmm(npass, nb):
    shp = jax.ShapeDtypeStruct((NC, N, DH), jnp.float32)

    @functools.partial(
        pl.kernel,
        out_type=[shp] * npass,
        mesh=plsc.VectorSubcoreMesh(**_MESH),
        compiler_params=_SC_PARAMS,
        scratch_types=[
            pltpu.VMEM((nb, BATCH), jnp.int32),
            pltpu.VMEM((nb, BATCH), jnp.int32),
            pltpu.VMEM((BATCH, DH), jnp.float32),
            pltpu.VMEM((BATCH, DH), jnp.float32),
            pltpu.VMEM((BATCH, DH), jnp.float32),
            pltpu.VMEM((BATCH, DH), jnp.float32),
            pltpu.VMEM_SHARED((ACC_ROWS, DH), jnp.float32),
            pltpu.SemaphoreType.DMA,
            pltpu.SemaphoreType.DMA,
            pltpu.SemaphoreType.DMA,
            pltpu.SemaphoreType.DMA,
        ],
    )
    def spmm_kernel(row_hbm, col_hbm, *rest):
        hs = rest[:npass]
        zeros_hbm = rest[npass]
        outs = rest[npass + 1:npass + 1 + npass]
        (row_v, col_v, g0, g1, g2, g3, acc,
         sem0, sem1, sem2, sem3) = rest[npass + 1 + npass:]
        core = lax.axis_index("c")
        tid = lax.axis_index("s")
        w = core * NS + tid
        pltpu.sync_copy(row_hbm.at[w], row_v)
        pltpu.sync_copy(col_hbm.at[w], col_v)

        nbuf = 4
        bufs = (g0, g1, g2, g3)
        sems = (sem0, sem1, sem2, sem3)
        for b in range(nbuf):
            pltpu.async_copy(hs[0].at[col_v.at[b]], bufs[b], sems[b])
        for p in range(npass):
            h_hbm = hs[p]
            pltpu.sync_copy(zeros_hbm, acc.at[pl.ds(tid * ZROWS, ZROWS)])
            plsc.subcore_barrier()

            @pl.loop(0, nb, step=nbuf)
            def _(j0):
                for b in range(nbuf):
                    j = j0 + b
                    pltpu.make_async_copy(
                        h_hbm.at[col_v.at[j]], bufs[b], sems[b]).wait()
                    pltpu.sync_copy(bufs[b], acc.at[row_v.at[j]], add=True)

                    @pl.when(j + nbuf < nb)
                    def _():
                        pltpu.async_copy(
                            h_hbm.at[col_v.at[j + nbuf]], bufs[b], sems[b])

            if p + 1 < npass:
                for b in range(nbuf):
                    pltpu.async_copy(
                        hs[p + 1].at[col_v.at[b]], bufs[b], sems[b])
            plsc.subcore_barrier()
            _copy_out(acc, outs[p], core, tid)
            plsc.subcore_barrier()

    return spmm_kernel



BM = 5000


def _half_specs(n_arr, i3=False):
    if i3:
        return [pl.BlockSpec((NC, BM, DH), lambda i: (0, i, 0))] * n_arr
    return [pl.BlockSpec((BM, DH), lambda i: (i, 0))] * n_arr


def _tc_first_body(degp_ref, x_ref, w_ref, tlo_ref, thi_ref, dinv_ref):
    deg = degp_ref[0, :, 0:1] + degp_ref[1, :, 0:1] + 1.0
    dinv = lax.rsqrt(deg)
    t = jnp.dot(x_ref[...], w_ref[...], preferred_element_type=jnp.float32)
    tp = dinv * t
    tlo_ref[...] = tp[:, :DH]
    thi_ref[...] = tp[:, DH:]
    dinv_ref[...] = jnp.broadcast_to(dinv, (BM, NFEAT))


def _tc_first(degp, x, w1):
    return pl.pallas_call(
        _tc_first_body,
        grid=(N // BM,),
        in_specs=[
            pl.BlockSpec((NC, BM, DEGW), lambda i: (0, i, 0)),
            pl.BlockSpec((BM, NFEAT), lambda i: (i, 0)),
            pl.BlockSpec((NFEAT, NHID), lambda i: (0, 0)),
        ],
        out_specs=_half_specs(2) + [
            pl.BlockSpec((BM, NFEAT), lambda i: (i, 0))],
        out_shape=[
            jax.ShapeDtypeStruct((N, DH), jnp.float32),
            jax.ShapeDtypeStruct((N, DH), jnp.float32),
            jax.ShapeDtypeStruct((N, NFEAT), jnp.float32),
        ],
    )(degp, x, w1)


def _tc_mid_body(slo_ref, shi_ref, tlo_ref, thi_ref, dinv_ref, b_ref, w_ref,
                 *out_refs, dout):
    s = jnp.concatenate(
        [slo_ref[0] + slo_ref[1] + tlo_ref[...],
         shi_ref[0] + shi_ref[1] + thi_ref[...]], axis=1)
    h = jnp.maximum(dinv_ref[...] * s + b_ref[...], 0.0)
    t = jnp.dot(h, w_ref[...], preferred_element_type=jnp.float32)
    tp = dinv_ref[:, :dout] * t
    if len(out_refs) == 2:
        out_refs[0][...] = tp[:, :DH]
        out_refs[1][...] = tp[:, DH:]
    else:
        out_refs[0][...] = tp


def _tc_mid(slo, shi, tlo, thi, dinv, b, w):
    din, dout = w.shape
    n_out = dout // DH
    out_sds = jax.ShapeDtypeStruct((N, DH), jnp.float32)
    return pl.pallas_call(
        functools.partial(_tc_mid_body, dout=dout),
        grid=(N // BM,),
        in_specs=_half_specs(2, i3=True) + _half_specs(2) + [
            pl.BlockSpec((BM, NFEAT), lambda i: (i, 0)),
            pl.BlockSpec((1, din), lambda i: (0, 0)),
            pl.BlockSpec((din, dout), lambda i: (0, 0)),
        ],
        out_specs=_half_specs(n_out),
        out_shape=[out_sds] * n_out,
    )(slo, shi, tlo, thi, dinv, b, w)


def _tc_last_body(sp_ref, tp_ref, dinv_ref, b_ref, out_ref):
    z = dinv_ref[:, :NCLASS] * (sp_ref[0] + sp_ref[1] + tp_ref[...])
    z = z + b_ref[...]
    m = jnp.max(z, axis=1, keepdims=True)
    lse = jnp.log(jnp.sum(jnp.exp(z - m), axis=1, keepdims=True)) + m
    out_ref[...] = z - lse


def _tc_last(sp, tp, dinv, b):
    return pl.pallas_call(
        _tc_last_body,
        grid=(N // BM,),
        in_specs=_half_specs(1, i3=True) + _half_specs(1) + [
            pl.BlockSpec((BM, NFEAT), lambda i: (i, 0)),
            pl.BlockSpec((1, NCLASS), lambda i: (0, 0)),
        ],
        out_specs=pl.BlockSpec((BM, NCLASS), lambda i: (i, 0)),
        out_shape=jax.ShapeDtypeStruct((N, NCLASS), jnp.float32),
    )(sp, tp, dinv, b)




def kernel(x, adj, W1, b1, W2, b2, W3, b3):
    row, col = adj[0], adj[1]
    e = row.shape[0]
    nb = _num_batches(e)
    epad = NW * nb * BATCH
    pad = epad - e
    shape3 = (NW, nb, BATCH)
    trash = N + (jnp.arange(pad, dtype=jnp.int32) % (ACC_ROWS - N))
    spread = jnp.arange(pad, dtype=jnp.int32) % N
    row_p = jnp.concatenate([row, trash]).reshape(shape3)
    col_g = jnp.concatenate([col, spread]).reshape(shape3)
    col_d = jnp.concatenate([col, trash]).reshape(shape3)

    ones_src = jnp.ones((BATCH, DEGW), jnp.float32)
    zer_deg = jnp.zeros((ZROWS, DEGW), jnp.float32)
    zer_h = jnp.zeros((ZROWS, DH), jnp.float32)

    spmm2 = _make_spmm(2, nb)
    spmm1 = _make_spmm(1, nb)

    degp = _make_deg(nb)(col_d, ones_src, zer_deg)
    t1lo, t1hi, dinv = _tc_first(degp, x, W1)
    s1lo, s1hi = spmm2(row_p, col_g, t1lo, t1hi, zer_h)
    t2lo, t2hi = _tc_mid(s1lo, s1hi, t1lo, t1hi, dinv,
                         b1.reshape(1, NHID), W2)
    s2lo, s2hi = spmm2(row_p, col_g, t2lo, t2hi, zer_h)
    (t3p,) = _tc_mid(s2lo, s2hi, t2lo, t2hi, dinv, b2.reshape(1, NHID), W3)
    (s3,) = spmm1(row_p, col_g, t3p, zer_h)
    return _tc_last(s3, t3p, dinv, b3.reshape(1, NCLASS))

# --- scband reference (transcript-rebuilt; emitter-appended) ---
"""Pipeline reference for scband-gcn-graph-42838003810874 (READ-ONLY COPY).

The authoritative reference and input builder live on the scoring server;
editing this copy changes nothing except your own understanding.
"""

import jax, jax.numpy as jnp
import numpy as np

N = 10000
E = 320000
NFEAT = 128
NHID = 128
NCLASS = 64


def setup_inputs(seed: int = 0) -> dict:
    key = jax.random.key(seed)
    ks = jax.random.split(key, 9)
    x = jax.random.normal(ks[0], (N, NFEAT), dtype=jnp.float32)
    adj = jax.random.randint(ks[1], (2, E), 0, N, dtype=jnp.int32)
    s1 = 1.0 / np.sqrt(NFEAT)
    s2 = 1.0 / np.sqrt(NHID)
    W1 = jax.random.normal(ks[2], (NFEAT, NHID), dtype=jnp.float32) * s1
    b1 = jnp.zeros((NHID,), dtype=jnp.float32)
    W2 = jax.random.normal(ks[3], (NHID, NHID), dtype=jnp.float32) * s2
    b2 = jnp.zeros((NHID,), dtype=jnp.float32)
    W3 = jax.random.normal(ks[4], (NHID, NCLASS), dtype=jnp.float32) * s2
    b3 = jnp.zeros((NCLASS,), dtype=jnp.float32)
    return {"x": x, "adj": adj, "W1": W1, "b1": b1, "W2": W2, "b2": b2, "W3": W3, "b3": b3}


def reference(x, adj, W1, b1, W2, b2, W3, b3):
    n = x.shape[0]
    row = adj[0]
    col = adj[1]
    # add self loops (normalize_edge_index with add_self_loops=True)
    loop = jnp.arange(n, dtype=row.dtype)
    row = jnp.concatenate([row, loop])
    col = jnp.concatenate([col, loop])
    ones = jnp.ones(row.shape[0], dtype=x.dtype)
    deg = jax.ops.segment_sum(ones, col, num_segments=n)
    dinv = jnp.where(deg > 0, 1.0 / jnp.sqrt(deg), 0.0)
    vals = dinv[row] * dinv[col]

    def spmm(h):
        # out[row] += vals * h[col]  (torch.sparse mm semantics)
        return jax.ops.segment_sum(vals[:, None] * jnp.take(h, col, axis=0), row, num_segments=n)

    h = jax.nn.relu(spmm(x @ W1) + b1)
    # dropout is identity in eval mode
    h = jax.nn.relu(spmm(h @ W2) + b2)
    h = spmm(h @ W3) + b3
    # num_classes > 1 and primula=False -> log_softmax
    return jax.nn.log_softmax(h, axis=1)

if __name__ == "__main__":
    import jax
    _d = setup_inputs()
    print(jax.jit(kernel)(*tuple(_d.values())))

</pallas_src>

<mosaic_0001>
#map = affine_map<(d0, d1) -> (0, 0, 0)>
#map1 = affine_map<(d0, d1) -> (0, 0)>
module attributes {stable_mosaic.version = 14 : i64} {
  func.func @deg_kernel(%arg0: i32, %arg1: i32, %arg2: memref<32x80x128xi32, #tpu.memory_space<hbm>>, %arg3: memref<128x16xf32, #tpu.memory_space<hbm>>, %arg4: memref<632x16xf32, #tpu.memory_space<hbm>>, %arg5: memref<2x10000x16xf32, #tpu.memory_space<hbm>>, %arg6: memref<80x128xi32, #tpu.memory_space<vmem>>, %arg7: memref<128x16xf32, #tpu.memory_space<vmem>>, %arg8: memref<10112x16xf32, #tpu.memory_space<vmem_shared>>) attributes {dimension_semantics = [#tpu.dimension_semantics<core_parallel>, #tpu.dimension_semantics<subcore_parallel>], iteration_bounds = array<i64: 2, 16>, scalar_prefetch = 0 : i64, scratch_operands = 3 : i64, tpu.core_type = #tpu.core_type<sc_vector_subcore>, window_params = [{transform_indices = #map}, {transform_indices = #map1}, {transform_indices = #map1}, {transform_indices = #map}]} {
    %mul3A = arith.constant 16 : i32
    %mul3A_0 = arith.muli %arg0, %mul3A : i32
    %add3A = arith.addi %mul3A_0, %arg1 : i32
    "tpu.region"() ({
      %run_scoped3A = tpu.sem_alloc : memref<!tpu.dma_semaphore, #tpu.memory_space<semaphore_mem>>
      %dma_start3A = arith.constant 0 : i32
      %dma_start3A_14 = arith.constant 0 : i32
      %dma_start3A_15 = tpu.memref_slice %arg2[%add3A, %dma_start3A, %dma_start3A_14] : memref<32x80x128xi32, #tpu.memory_space<hbm>> -> memref<1x80x128xi32, #tpu.memory_space<hbm>>
      %dma_start3A_16 = tpu.memref_squeeze %dma_start3A_15 : memref<1x80x128xi32, #tpu.memory_space<hbm>> -> memref<80x128xi32, #tpu.memory_space<hbm>>
      %dma_start3A_17 = arith.constant 0 : i32
      %dma_start3A_18 = arith.constant 0 : i32
      %dma_start3A_19 = tpu.memref_slice %arg2[%add3A, %dma_start3A_17, %dma_start3A_18] : memref<32x80x128xi32, #tpu.memory_space<hbm>> -> memref<1x80x128xi32, #tpu.memory_space<hbm>>
      %dma_start3A_20 = tpu.memref_squeeze %dma_start3A_19 : memref<1x80x128xi32, #tpu.memory_space<hbm>> -> memref<80x128xi32, #tpu.memory_space<hbm>>
      tpu.enqueue_dma source(%dma_start3A_20 : memref<80x128xi32, #tpu.memory_space<hbm>>) target(%arg6 : memref<80x128xi32, #tpu.memory_space<vmem>>) target_semaphore(%run_scoped3A : memref<!tpu.dma_semaphore, #tpu.memory_space<semaphore_mem>>)
      %dma_wait3A = arith.constant 0 : i32
      %dma_wait3A_21 = arith.constant 0 : i32
      %dma_wait3A_22 = tpu.memref_slice %arg2[%add3A, %dma_wait3A, %dma_wait3A_21] : memref<32x80x128xi32, #tpu.memory_space<hbm>> -> memref<1x80x128xi32, #tpu.memory_space<hbm>>
      %dma_wait3A_23 = tpu.memref_squeeze %dma_wait3A_22 : memref<1x80x128xi32, #tpu.memory_space<hbm>> -> memref<80x128xi32, #tpu.memory_space<hbm>>
      %dma_wait3A_24 = arith.constant 0 : i32
      %dma_wait3A_25 = arith.constant 0 : i32
      %dma_wait3A_26 = tpu.memref_slice %arg2[%add3A, %dma_wait3A_24, %dma_wait3A_25] : memref<32x80x128xi32, #tpu.memory_space<hbm>> -> memref<1x80x128xi32, #tpu.memory_space<hbm>>
      %dma_wait3A_27 = tpu.memref_squeeze %dma_wait3A_26 : memref<1x80x128xi32, #tpu.memory_space<hbm>> -> memref<80x128xi32, #tpu.memory_space<hbm>>
      tpu.wait_dma2 semaphore(%run_scoped3A : memref<!tpu.dma_semaphore, #tpu.memory_space<semaphore_mem>>) src(%dma_wait3A_27 : memref<80x128xi32, #tpu.memory_space<hbm>>) dst(%arg6 : memref<80x128xi32, #tpu.memory_space<vmem>>)
      tpu.yield
    }) : () -> ()
    "tpu.region"() ({
      %run_scoped3A = tpu.sem_alloc : memref<!tpu.dma_semaphore, #tpu.memory_space<semaphore_mem>>
      tpu.enqueue_dma source(%arg3 : memref<128x16xf32, #tpu.memory_space<hbm>>) target(%arg7 : memref<128x16xf32, #tpu.memory_space<vmem>>) target_semaphore(%run_scoped3A : memref<!tpu.dma_semaphore, #tpu.memory_space<semaphore_mem>>)
      tpu.wait_dma2 semaphore(%run_scoped3A : memref<!tpu.dma_semaphore, #tpu.memory_space<semaphore_mem>>) src(%arg3 : memref<128x16xf32, #tpu.memory_space<hbm>>) dst(%arg7 : memref<128x16xf32, #tpu.memory_space<vmem>>)
      tpu.yield
    }) : () -> ()
    %mul3A_1 = arith.constant 632 : i32
    %mul3A_2 = arith.muli %arg1, %mul3A_1 : i32
    "tpu.region"() ({
      %run_scoped3A = tpu.sem_alloc : memref<!tpu.dma_semaphore, #tpu.memory_space<semaphore_mem>>
      %dma_start3A = arith.constant 0 : i32
      %dma_start3A_14 = tpu.memref_slice %arg8[%mul3A_2, %dma_start3A] : memref<10112x16xf32, #tpu.memory_space<vmem_shared>> -> memref<632x16xf32, #tpu.memory_space<vmem_shared>>
      tpu.enqueue_dma source(%arg4 : memref<632x16xf32, #tpu.memory_space<hbm>>) target(%dma_start3A_14 : memref<632x16xf32, #tpu.memory_space<vmem_shared>>) target_semaphore(%run_scoped3A : memref<!tpu.dma_semaphore, #tpu.memory_space<semaphore_mem>>)
      %dma_wait3A = arith.constant 0 : i32
      %dma_wait3A_15 = tpu.memref_slice %arg8[%mul3A_2, %dma_wait3A] : memref<10112x16xf32, #tpu.memory_space<vmem_shared>> -> memref<632x16xf32, #tpu.memory_space<vmem_shared>>
      tpu.wait_dma2 semaphore(%run_scoped3A : memref<!tpu.dma_semaphore, #tpu.memory_space<semaphore_mem>>) src(%arg4 : memref<632x16xf32, #tpu.memory_space<hbm>>) dst(%dma_wait3A_15 : memref<632x16xf32, #tpu.memory_space<vmem_shared>>)
      tpu.yield
    }) : () -> ()
    %barrier3A = arith.constant 0 : index
    tpu.barrier barrier_id(%barrier3A)
    %scan3A = arith.constant 0 : i32
    %scan3A_3 = arith.constant 80 : i32
    %scan3A_4 = arith.addi %scan3A, %scan3A_3 : i32
    %scan3A_5 = arith.constant 1 : i32
    scf.for %scan3A_14 = %scan3A to %scan3A_4 step %scan3A_5  : i32 {
      %mul3A_15 = arith.constant 1 : i32
      %mul3A_16 = arith.muli %scan3A_14, %mul3A_15 : i32
      %add3A_17 = arith.constant 0 : i32
      %add3A_18 = arith.addi %add3A_17, %mul3A_16 : i32
      "tpu.region"() ({
        %run_scoped3A = tpu.sem_alloc : memref<!tpu.dma_semaphore, #tpu.memory_space<semaphore_mem>>
        %dma_start3A = arith.constant 0 : i32
        %dma_start3A_19 = tpu.memref_slice %arg6[%add3A_18, %dma_start3A] : memref<80x128xi32, #tpu.memory_space<vmem>> -> memref<1x128xi32, #tpu.memory_space<vmem>>
        %dma_start3A_20 = tpu.memref_squeeze %dma_start3A_19 : memref<1x128xi32, #tpu.memory_space<vmem>> -> memref<128xi32, #tpu.memory_space<vmem>>
        %dma_start3A_21 = arith.constant 0 : i32
        %dma_start3A_22 = arith.constant 0 : i32
        %dma_start3A_23 = tpu.memref_slice %arg8[%dma_start3A_21, %dma_start3A_22] : memref<10112x16xf32, #tpu.memory_space<vmem_shared>> -> memref<10112x16xf32, #tpu.memory_space<vmem_shared>>
        tpu.enqueue_indirect_dma source(%arg7 : memref<128x16xf32, #tpu.memory_space<vmem>>) target(%dma_start3A_23 : memref<10112x16xf32, #tpu.memory_space<vmem_shared>>) offsets(%dma_start3A_20 : memref<128xi32, #tpu.memory_space<vmem>>) semaphore(%run_scoped3A : memref<!tpu.dma_semaphore, #tpu.memory_space<semaphore_mem>>) {add = true}
        %dma_wait3A = arith.constant 0 : i32
        %dma_wait3A_24 = tpu.memref_slice %arg6[%add3A_18, %dma_wait3A] : memref<80x128xi32, #tpu.memory_space<vmem>> -> memref<1x128xi32, #tpu.memory_space<vmem>>
        %dma_wait3A_25 = tpu.memref_squeeze %dma_wait3A_24 : memref<1x128xi32, #tpu.memory_space<vmem>> -> memref<128xi32, #tpu.memory_space<vmem>>
        %dma_wait3A_26 = arith.constant 0 : i32
        %dma_wait3A_27 = arith.constant 0 : i32
        %dma_wait3A_28 = tpu.memref_slice %arg8[%dma_wait3A_26, %dma_wait3A_27] : memref<10112x16xf32, #tpu.memory_space<vmem_shared>> -> memref<10112x16xf32, #tpu.memory_space<vmem_shared>>
        tpu.wait_indirect_dma semaphore(%run_scoped3A : memref<!tpu.dma_semaphore, #tpu.memory_space<semaphore_mem>>) src(%arg7 : memref<128x16xf32, #tpu.memory_space<vmem>>) dst(%dma_wait3A_28 : memref<10112x16xf32, #tpu.memory_space<vmem_shared>>)
        tpu.yield
      }) : () -> ()
    }
    %scan3A_6 = arith.constant 80 : i32
    %barrier3A_7 = arith.constant 0 : index
    tpu.barrier barrier_id(%barrier3A_7)
    %lt3A = arith.constant 15 : i32
    %lt3A_8 = arith.cmpi slt, %arg1, %lt3A : i32
    %convert_element_type3A = arith.extui %lt3A_8 : i1 to i32
    %cond3A = arith.constant 0 : i32
    %cond3A_9 = arith.cmpi ne, %convert_element_type3A, %cond3A : i32
    scf.if %cond3A_9 {
      %mul3A_14 = arith.constant 640 : i32
      %mul3A_15 = arith.muli %arg1, %mul3A_14 : i32
      "tpu.region"() ({
        %run_scoped3A = tpu.sem_alloc : memref<!tpu.dma_semaphore, #tpu.memory_space<semaphore_mem>>
        %dma_start3A = arith.constant 0 : i32
        %dma_start3A_16 = tpu.memref_slice %arg5[%arg0, %mul3A_15, %dma_start3A] : memref<2x10000x16xf32, #tpu.memory_space<hbm>> -> memref<1x640x16xf32, #tpu.memory_space<hbm>>
        %dma_start3A_17 = tpu.memref_squeeze %dma_start3A_16 : memref<1x640x16xf32, #tpu.memory_space<hbm>> -> memref<640x16xf32, #tpu.memory_space<hbm>>
        %dma_start3A_18 = arith.constant 0 : i32
        %dma_start3A_19 = tpu.memref_slice %arg8[%mul3A_15, %dma_start3A_18] : memref<10112x16xf32, #tpu.memory_space<vmem_shared>> -> memref<640x16xf32, #tpu.memory_space<vmem_shared>>
        tpu.enqueue_dma source(%dma_start3A_19 : memref<640x16xf32, #tpu.memory_space<vmem_shared>>) target(%dma_start3A_17 : memref<640x16xf32, #tpu.memory_space<hbm>>) target_semaphore(%run_scoped3A : memref<!tpu.dma_semaphore, #tpu.memory_space<semaphore_mem>>)
        %dma_wait3A = arith.constant 0 : i32
        %dma_wait3A_20 = tpu.memref_slice %arg5[%arg0, %mul3A_15, %dma_wait3A] : memref<2x10000x16xf32, #tpu.memory_space<hbm>> -> memref<1x640x16xf32, #tpu.memory_space<hbm>>
        %dma_wait3A_21 = tpu.memref_squeeze %dma_wait3A_20 : memref<1x640x16xf32, #tpu.memory_space<hbm>> -> memref<640x16xf32, #tpu.memory_space<hbm>>
        %dma_wait3A_22 = arith.constant 0 : i32
        %dma_wait3A_23 = tpu.memref_slice %arg8[%mul3A_15, %dma_wait3A_22] : memref<10112x16xf32, #tpu.memory_space<vmem_shared>> -> memref<640x16xf32, #tpu.memory_space<vmem_shared>>
        tpu.wait_dma2 semaphore(%run_scoped3A : memref<!tpu.dma_semaphore, #tpu.memory_space<semaphore_mem>>) src(%dma_wait3A_23 : memref<640x16xf32, #tpu.memory_space<vmem_shared>>) dst(%dma_wait3A_21 : memref<640x16xf32, #tpu.memory_space<hbm>>)
        tpu.yield
      }) : () -> ()
    } else {
    }
    %eq3A = arith.constant 15 : i32
    %eq3A_10 = arith.cmpi eq, %arg1, %eq3A : i32
    %convert_element_type3A_11 = arith.extui %eq3A_10 : i1 to i32
    %cond3A_12 = arith.constant 0 : i32
    %cond3A_13 = arith.cmpi ne, %convert_element_type3A_11, %cond3A_12 : i32
    scf.if %cond3A_13 {
      "tpu.region"() ({
        %run_scoped3A = tpu.sem_alloc : memref<!tpu.dma_semaphore, #tpu.memory_space<semaphore_mem>>
        %dma_start3A = arith.constant 9600 : i32
        %dma_start3A_14 = arith.constant 0 : i32
        %dma_start3A_15 = tpu.memref_slice %arg5[%arg0, %dma_start3A, %dma_start3A_14] : memref<2x10000x16xf32, #tpu.memory_space<hbm>> -> memref<1x400x16xf32, #tpu.memory_space<hbm>>
        %dma_start3A_16 = tpu.memref_squeeze %dma_start3A_15 : memref<1x400x16xf32, #tpu.memory_space<hbm>> -> memref<400x16xf32, #tpu.memory_space<hbm>>
        %dma_start3A_17 = arith.constant 9600 : i32
        %dma_start3A_18 = arith.constant 0 : i32
        %dma_start3A_19 = tpu.memref_slice %arg8[%dma_start3A_17, %dma_start3A_18] : memref<10112x16xf32, #tpu.memory_space<vmem_shared>> -> memref<400x16xf32, #tpu.memory_space<vmem_shared>>
        tpu.enqueue_dma source(%dma_start3A_19 : memref<400x16xf32, #tpu.memory_space<vmem_shared>>) target(%dma_start3A_16 : memref<400x16xf32, #tpu.memory_space<hbm>>) target_semaphore(%run_scoped3A : memref<!tpu.dma_semaphore, #tpu.memory_space<semaphore_mem>>)
        %dma_wait3A = arith.constant 9600 : i32
        %dma_wait3A_20 = arith.constant 0 : i32
        %dma_wait3A_21 = tpu.memref_slice %arg5[%arg0, %dma_wait3A, %dma_wait3A_20] : memref<2x10000x16xf32, #tpu.memory_space<hbm>> -> memref<1x400x16xf32, #tpu.memory_space<hbm>>
        %dma_wait3A_22 = tpu.memref_squeeze %dma_wait3A_21 : memref<1x400x16xf32, #tpu.memory_space<hbm>> -> memref<400x16xf32, #tpu.memory_space<hbm>>
        %dma_wait3A_23 = arith.constant 9600 : i32
        %dma_wait3A_24 = arith.constant 0 : i32
        %dma_wait3A_25 = tpu.memref_slice %arg8[%dma_wait3A_23, %dma_wait3A_24] : memref<10112x16xf32, #tpu.memory_space<vmem_shared>> -> memref<400x16xf32, #tpu.memory_space<vmem_shared>>
        tpu.wait_dma2 semaphore(%run_scoped3A : memref<!tpu.dma_semaphore, #tpu.memory_space<semaphore_mem>>) src(%dma_wait3A_25 : memref<400x16xf32, #tpu.memory_space<vmem_shared>>) dst(%dma_wait3A_22 : memref<400x16xf32, #tpu.memory_space<hbm>>)
        tpu.yield
      }) : () -> ()
    } else {
    }
    return
  }
}

#map = affine_map<(d0, d1) -> (0, 0, 0)>
#map1 = affine_map<(d0, d1) -> (0, 0)>
module attributes {stable_mosaic.version = 14 : i64} {
  func.func @spmm_kernel(%arg0: i32, %arg1: i32, %arg2: memref<32x80x128xi32, #tpu.memory_space<hbm>>, %arg3: memref<32x80x128xi32, #tpu.memory_space<hbm>>, %arg4: memref<10000x64xf32, #tpu.memory_space<hbm>>, %arg5: memref<632x64xf32, #tpu.memory_space<hbm>>, %arg6: memref<2x10000x64xf32, #tpu.memory_space<hbm>>, %arg7: memref<80x128xi32, #tpu.memory_space<vmem>>, %arg8: memref<80x128xi32, #tpu.memory_space<vmem>>, %arg9: memref<128x64xf32, #tpu.memory_space<vmem>>, %arg10: memref<128x64xf32, #tpu.memory_space<vmem>>, %arg11: memref<128x64xf32, #tpu.memory_space<vmem>>, %arg12: memref<128x64xf32, #tpu.memory_space<vmem>>, %arg13: memref<10112x64xf32, #tpu.memory_space<vmem_shared>>, %arg14: memref<!tpu.dma_semaphore, #tpu.memory_space<semaphore_mem>>, %arg15: memref<!tpu.dma_semaphore, #tpu.memory_space<semaphore_mem>>, %arg16: memref<!tpu.dma_semaphore, #tpu.memory_space<semaphore_mem>>, %arg17: memref<!tpu.dma_semaphore, #tpu.memory_space<semaphore_mem>>) attributes {dimension_semantics = [#tpu.dimension_semantics<core_parallel>, #tpu.dimension_semantics<subcore_parallel>], iteration_bounds = array<i64: 2, 16>, scalar_prefetch = 0 : i64, scratch_operands = 11 : i64, tpu.core_type = #tpu.core_type<sc_vector_subcore>, window_params = [{transform_indices = #map}, {transform_indices = #map}, {transform_indices = #map1}, {transform_indices = #map1}, {transform_indices = #map}]} {
    %mul3A = arith.constant 16 : i32
    %mul3A_0 = arith.muli %arg0, %mul3A : i32
    %add3A = arith.addi %mul3A_0, %arg1 : i32
    "tpu.region"() ({
      %run_scoped3A = tpu.sem_alloc : memref<!tpu.dma_semaphore, #tpu.memory_space<semaphore_mem>>
      %dma_start3A_42 = arith.constant 0 : i32
      %dma_start3A_43 = arith.constant 0 : i32
      %dma_start3A_44 = tpu.memref_slice %arg2[%add3A, %dma_start3A_42, %dma_start3A_43] : memref<32x80x128xi32, #tpu.memory_space<hbm>> -> memref<1x80x128xi32, #tpu.memory_space<hbm>>
      %dma_start3A_45 = tpu.memref_squeeze %dma_start3A_44 : memref<1x80x128xi32, #tpu.memory_space<hbm>> -> memref<80x128xi32, #tpu.memory_space<hbm>>
      %dma_start3A_46 = arith.constant 0 : i32
      %dma_start3A_47 = arith.constant 0 : i32
      %dma_start3A_48 = tpu.memref_slice %arg2[%add3A, %dma_start3A_46, %dma_start3A_47] : memref<32x80x128xi32, #tpu.memory_space<hbm>> -> memref<1x80x128xi32, #tpu.memory_space<hbm>>
      %dma_start3A_49 = tpu.memref_squeeze %dma_start3A_48 : memref<1x80x128xi32, #tpu.memory_space<hbm>> -> memref<80x128xi32, #tpu.memory_space<hbm>>
      tpu.enqueue_dma source(%dma_start3A_49 : memref<80x128xi32, #tpu.memory_space<hbm>>) target(%arg7 : memref<80x128xi32, #tpu.memory_space<vmem>>) target_semaphore(%run_scoped3A : memref<!tpu.dma_semaphore, #tpu.memory_space<semaphore_mem>>)
      %dma_wait3A = arith.constant 0 : i32
      %dma_wait3A_50 = arith.constant 0 : i32
      %dma_wait3A_51 = tpu.memref_slice %arg2[%add3A, %dma_wait3A, %dma_wait3A_50] : memref<32x80x128xi32, #tpu.memory_space<hbm>> -> memref<1x80x128xi32, #tpu.memory_space<hbm>>
      %dma_wait3A_52 = tpu.memref_squeeze %dma_wait3A_51 : memref<1x80x128xi32, #tpu.memory_space<hbm>> -> memref<80x128xi32, #tpu.memory_space<hbm>>
      %dma_wait3A_53 = arith.constant 0 : i32
      %dma_wait3A_54 = arith.constant 0 : i32
      %dma_wait3A_55 = tpu.memref_slice %arg2[%add3A, %dma_wait3A_53, %dma_wait3A_54] : memref<32x80x128xi32, #tpu.memory_space<hbm>> -> memref<1x80x128xi32, #tpu.memory_space<hbm>>
      %dma_wait3A_56 = tpu.memref_squeeze %dma_wait3A_55 : memref<1x80x128xi32, #tpu.memory_space<hbm>> -> memref<80x128xi32, #tpu.memory_space<hbm>>
      tpu.wait_dma2 semaphore(%run_scoped3A : memref<!tpu.dma_semaphore, #tpu.memory_space<semaphore_mem>>) src(%dma_wait3A_56 : memref<80x128xi32, #tpu.memory_space<hbm>>) dst(%arg7 : memref<80x128xi32, #tpu.memory_space<vmem>>)
      tpu.yield
    }) : () -> ()
    "tpu.region"() ({
      %run_scoped3A = tpu.sem_alloc : memref<!tpu.dma_semaphore, #tpu.memory_space<semaphore_mem>>
      %dma_start3A_42 = arith.constant 0 : i32
      %dma_start3A_43 = arith.constant 0 : i32
      %dma_start3A_44 = tpu.memref_slice %arg3[%add3A, %dma_start3A_42, %dma_start3A_43] : memref<32x80x128xi32, #tpu.memory_space<hbm>> -> memref<1x80x128xi32, #tpu.memory_space<hbm>>
      %dma_start3A_45 = tpu.memref_squeeze %dma_start3A_44 : memref<1x80x128xi32, #tpu.memory_space<hbm>> -> memref<80x128xi32, #tpu.memory_space<hbm>>
      %dma_start3A_46 = arith.constant 0 : i32
      %dma_start3A_47 = arith.constant 0 : i32
      %dma_start3A_48 = tpu.memref_slice %arg3[%add3A, %dma_start3A_46, %dma_start3A_47] : memref<32x80x128xi32, #tpu.memory_space<hbm>> -> memref<1x80x128xi32, #tpu.memory_space<hbm>>
      %dma_start3A_49 = tpu.memref_squeeze %dma_start3A_48 : memref<1x80x128xi32, #tpu.memory_space<hbm>> -> memref<80x128xi32, #tpu.memory_space<hbm>>
      tpu.enqueue_dma source(%dma_start3A_49 : memref<80x128xi32, #tpu.memory_space<hbm>>) target(%arg8 : memref<80x128xi32, #tpu.memory_space<vmem>>) target_semaphore(%run_scoped3A : memref<!tpu.dma_semaphore, #tpu.memory_space<semaphore_mem>>)
      %dma_wait3A = arith.constant 0 : i32
      %dma_wait3A_50 = arith.constant 0 : i32
      %dma_wait3A_51 = tpu.memref_slice %arg3[%add3A, %dma_wait3A, %dma_wait3A_50] : memref<32x80x128xi32, #tpu.memory_space<hbm>> -> memref<1x80x128xi32, #tpu.memory_space<hbm>>
      %dma_wait3A_52 = tpu.memref_squeeze %dma_wait3A_51 : memref<1x80x128xi32, #tpu.memory_space<hbm>> -> memref<80x128xi32, #tpu.memory_space<hbm>>
      %dma_wait3A_53 = arith.constant 0 : i32
      %dma_wait3A_54 = arith.constant 0 : i32
      %dma_wait3A_55 = tpu.memref_slice %arg3[%add3A, %dma_wait3A_53, %dma_wait3A_54] : memref<32x80x128xi32, #tpu.memory_space<hbm>> -> memref<1x80x128xi32, #tpu.memory_space<hbm>>
      %dma_wait3A_56 = tpu.memref_squeeze %dma_wait3A_55 : memref<1x80x128xi32, #tpu.memory_space<hbm>> -> memref<80x128xi32, #tpu.memory_space<hbm>>
      tpu.wait_dma2 semaphore(%run_scoped3A : memref<!tpu.dma_semaphore, #tpu.memory_space<semaphore_mem>>) src(%dma_wait3A_56 : memref<80x128xi32, #tpu.memory_space<hbm>>) dst(%arg8 : memref<80x128xi32, #tpu.memory_space<vmem>>)
      tpu.yield
    }) : () -> ()
    %dma_start3A = arith.constant 0 : i32
    %dma_start3A_1 = arith.constant 0 : i32
    %dma_start3A_2 = tpu.memref_slice %arg8[%dma_start3A, %dma_start3A_1] : memref<80x128xi32, #tpu.memory_space<vmem>> -> memref<1x128xi32, #tpu.memory_space<vmem>>
    %dma_start3A_3 = tpu.memref_squeeze %dma_start3A_2 : memref<1x128xi32, #tpu.memory_space<vmem>> -> memref<128xi32, #tpu.memory_space<vmem>>
    %dma_start3A_4 = arith.constant 0 : i32
    %dma_start3A_5 = arith.constant 0 : i32
    %dma_start3A_6 = tpu.memref_slice %arg4[%dma_start3A_4, %dma_start3A_5] : memref<10000x64xf32, #tpu.memory_space<hbm>> -> memref<10000x64xf32, #tpu.memory_space<hbm>>
    tpu.enqueue_indirect_dma source(%dma_start3A_6 : memref<10000x64xf32, #tpu.memory_space<hbm>>) target(%arg9 : memref<128x64xf32, #tpu.memory_space<vmem>>) offsets(%dma_start3A_3 : memref<128xi32, #tpu.memory_space<vmem>>) semaphore(%arg14 : memref<!tpu.dma_semaphore, #tpu.memory_space<semaphore_mem>>)
    %dma_start3A_7 = arith.constant 1 : i32
    %dma_start3A_8 = arith.constant 0 : i32
    %dma_start3A_9 = tpu.memref_slice %arg8[%dma_start3A_7, %dma_start3A_8] : memref<80x128xi32, #tpu.memory_space<vmem>> -> memref<1x128xi32, #tpu.memory_space<vmem>>
    %dma_start3A_10 = tpu.memref_squeeze %dma_start3A_9 : memref<1x128xi32, #tpu.memory_space<vmem>> -> memref<128xi32, #tpu.memory_space<vmem>>
    %dma_start3A_11 = arith.constant 0 : i32
    %dma_start3A_12 = arith.constant 0 : i32
    %dma_start3A_13 = tpu.memref_slice %arg4[%dma_start3A_11, %dma_start3A_12] : memref<10000x64xf32, #tpu.memory_space<hbm>> -> memref<10000x64xf32, #tpu.memory_space<hbm>>
    tpu.enqueue_indirect_dma source(%dma_start3A_13 : memref<10000x64xf32, #tpu.memory_space<hbm>>) target(%arg10 : memref<128x64xf32, #tpu.memory_space<vmem>>) offsets(%dma_start3A_10 : memref<128xi32, #tpu.memory_space<vmem>>) semaphore(%arg15 : memref<!tpu.dma_semaphore, #tpu.memory_space<semaphore_mem>>)
    %dma_start3A_14 = arith.constant 2 : i32
    %dma_start3A_15 = arith.constant 0 : i32
    %dma_start3A_16 = tpu.memref_slice %arg8[%dma_start3A_14, %dma_start3A_15] : memref<80x128xi32, #tpu.memory_space<vmem>> -> memref<1x128xi32, #tpu.memory_space<vmem>>
    %dma_start3A_17 = tpu.memref_squeeze %dma_start3A_16 : memref<1x128xi32, #tpu.memory_space<vmem>> -> memref<128xi32, #tpu.memory_space<vmem>>
    %dma_start3A_18 = arith.constant 0 : i32
    %dma_start3A_19 = arith.constant 0 : i32
    %dma_start3A_20 = tpu.memref_slice %arg4[%dma_start3A_18, %dma_start3A_19] : memref<10000x64xf32, #tpu.memory_space<hbm>> -> memref<10000x64xf32, #tpu.memory_space<hbm>>
    tpu.enqueue_indirect_dma source(%dma_start3A_20 : memref<10000x64xf32, #tpu.memory_space<hbm>>) target(%arg11 : memref<128x64xf32, #tpu.memory_space<vmem>>) offsets(%dma_start3A_17 : memref<128xi32, #tpu.memory_space<vmem>>) semaphore(%arg16 : memref<!tpu.dma_semaphore, #tpu.memory_space<semaphore_mem>>)
    %dma_start3A_21 = arith.constant 3 : i32
    %dma_start3A_22 = arith.constant 0 : i32
    %dma_start3A_23 = tpu.memref_slice %arg8[%dma_start3A_21, %dma_start3A_22] : memref<80x128xi32, #tpu.memory_space<vmem>> -> memref<1x128xi32, #tpu.memory_space<vmem>>
    %dma_start3A_24 = tpu.memref_squeeze %dma_start3A_23 : memref<1x128xi32, #tpu.memory_space<vmem>> -> memref<128xi32, #tpu.memory_space<vmem>>
    %dma_start3A_25 = arith.constant 0 : i32
    %dma_start3A_26 = arith.constant 0 : i32
    %dma_start3A_27 = tpu.memref_slice %arg4[%dma_start3A_25, %dma_start3A_26] : memref<10000x64xf32, #tpu.memory_space<hbm>> -> memref<10000x64xf32, #tpu.memory_space<hbm>>
    tpu.enqueue_indirect_dma source(%dma_start3A_27 : memref<10000x64xf32, #tpu.memory_space<hbm>>) target(%arg12 : memref<128x64xf32, #tpu.memory_space<vmem>>) offsets(%dma_start3A_24 : memref<128xi32, #tpu.memory_space<vmem>>) semaphore(%arg17 : memref<!tpu.dma_semaphore, #tpu.memory_space<semaphore_mem>>)
    %mul3A_28 = arith.constant 632 : i32
    %mul3A_29 = arith.muli %arg1, %mul3A_28 : i32
    "tpu.region"() ({
      %run_scoped3A = tpu.sem_alloc : memref<!tpu.dma_semaphore, #tpu.memory_space<semaphore_mem>>
      %dma_start3A_42 = arith.constant 0 : i32
      %dma_start3A_43 = tpu.memref_slice %arg13[%mul3A_29, %dma_start3A_42] : memref<10112x64xf32, #tpu.memory_space<vmem_shared>> -> memref<632x64xf32, #tpu.memory_space<vmem_shared>>
      tpu.enqueue_dma source(%arg5 : memref<632x64xf32, #tpu.memory_space<hbm>>) target(%dma_start3A_43 : memref<632x64xf32, #tpu.memory_space<vmem_shared>>) target_semaphore(%run_scoped3A : memref<!tpu.dma_semaphore, #tpu.memory_space<semaphore_mem>>)
      %dma_wait3A = arith.constant 0 : i32
      %dma_wait3A_44 = tpu.memref_slice %arg13[%mul3A_29, %dma_wait3A] : memref<10112x64xf32, #tpu.memory_space<vmem_shared>> -> memref<632x64xf32, #tpu.memory_space<vmem_shared>>
      tpu.wait_dma2 semaphore(%run_scoped3A : memref<!tpu.dma_semaphore, #tpu.memory_space<semaphore_mem>>) src(%arg5 : memref<632x64xf32, #tpu.memory_space<hbm>>) dst(%dma_wait3A_44 : memref<632x64xf32, #tpu.memory_space<vmem_shared>>)
      tpu.yield
    }) : () -> ()
    %barrier3A = arith.constant 0 : index
    tpu.barrier barrier_id(%barrier3A)
    %scan3A = arith.constant 0 : i32
    %scan3A_30 = arith.constant 20 : i32
    %scan3A_31 = arith.addi %scan3A, %scan3A_30 : i32
    %scan3A_32 = arith.constant 1 : i32
    scf.for %scan3A_42 = %scan3A to %scan3A_31 step %scan3A_32  : i32 {
      %mul3A_43 = arith.constant 4 : i32
      %mul3A_44 = arith.muli %scan3A_42, %mul3A_43 : i32
      %add3A_45 = arith.constant 0 : i32
      %add3A_46 = arith.addi %add3A_45, %mul3A_44 : i32
      %add3A_47 = arith.constant 0 : i32
      %add3A_48 = arith.addi %add3A_46, %add3A_47 : i32
      %dma_wait3A = arith.constant 0 : i32
      %dma_wait3A_49 = tpu.memref_slice %arg8[%add3A_48, %dma_wait3A] : memref<80x128xi32, #tpu.memory_space<vmem>> -> memref<1x128xi32, #tpu.memory_space<vmem>>
      %dma_wait3A_50 = tpu.memref_squeeze %dma_wait3A_49 : memref<1x128xi32, #tpu.memory_space<vmem>> -> memref<128xi32, #tpu.memory_space<vmem>>
      %dma_wait3A_51 = arith.constant 0 : i32
      %dma_wait3A_52 = arith.constant 0 : i32
      %dma_wait3A_53 = tpu.memref_slice %arg4[%dma_wait3A_51, %dma_wait3A_52] : memref<10000x64xf32, #tpu.memory_space<hbm>> -> memref<10000x64xf32, #tpu.memory_space<hbm>>
      tpu.wait_indirect_dma semaphore(%arg14 : memref<!tpu.dma_semaphore, #tpu.memory_space<semaphore_mem>>) src(%dma_wait3A_53 : memref<10000x64xf32, #tpu.memory_space<hbm>>) dst(%arg9 : memref<128x64xf32, #tpu.memory_space<vmem>>)
      "tpu.region"() ({
        %run_scoped3A = tpu.sem_alloc : memref<!tpu.dma_semaphore, #tpu.memory_space<semaphore_mem>>
        %dma_start3A_106 = arith.constant 0 : i32
        %dma_start3A_107 = tpu.memref_slice %arg7[%add3A_48, %dma_start3A_106] : memref<80x128xi32, #tpu.memory_space<vmem>> -> memref<1x128xi32, #tpu.memory_space<vmem>>
        %dma_start3A_108 = tpu.memref_squeeze %dma_start3A_107 : memref<1x128xi32, #tpu.memory_space<vmem>> -> memref<128xi32, #tpu.memory_space<vmem>>
        %dma_start3A_109 = arith.constant 0 : i32
        %dma_start3A_110 = arith.constant 0 : i32
        %dma_start3A_111 = tpu.memref_slice %arg13[%dma_start3A_109, %dma_start3A_110] : memref<10112x64xf32, #tpu.memory_space<vmem_shared>> -> memref<10112x64xf32, #tpu.memory_space<vmem_shared>>
        tpu.enqueue_indirect_dma source(%arg9 : memref<128x64xf32, #tpu.memory_space<vmem>>) target(%dma_start3A_111 : memref<10112x64xf32, #tpu.memory_space<vmem_shared>>) offsets(%dma_start3A_108 : memref<128xi32, #tpu.memory_space<vmem>>) semaphore(%run_scoped3A : memref<!tpu.dma_semaphore, #tpu.memory_space<semaphore_mem>>) {add = true}
        %dma_wait3A_112 = arith.constant 0 : i32
        %dma_wait3A_113 = tpu.memref_slice %arg7[%add3A_48, %dma_wait3A_112] : memref<80x128xi32, #tpu.memory_space<vmem>> -> memref<1x128xi32, #tpu.memory_space<vmem>>
        %dma_wait3A_114 = tpu.memref_squeeze %dma_wait3A_113 : memref<1x128xi32, #tpu.memory_space<vmem>> -> memref<128xi32, #tpu.memory_space<vmem>>
        %dma_wait3A_115 = arith.constant 0 : i32
        %dma_wait3A_116 = arith.constant 0 : i32
        %dma_wait3A_117 = tpu.memref_slice %arg13[%dma_wait3A_115, %dma_wait3A_116] : memref<10112x64xf32, #tpu.memory_space<vmem_shared>> -> memref<10112x64xf32, #tpu.memory_space<vmem_shared>>
        tpu.wait_indirect_dma semaphore(%run_scoped3A : memref<!tpu.dma_semaphore, #tpu.memory_space<semaphore_mem>>) src(%arg9 : memref<128x64xf32, #tpu.memory_space<vmem>>) dst(%dma_wait3A_117 : memref<10112x64xf32, #tpu.memory_space<vmem_shared>>)
        tpu.yield
      }) : () -> ()
      %add3A_54 = arith.constant 4 : i32
      %add3A_55 = arith.addi %add3A_48, %add3A_54 : i32
      %lt3A_56 = arith.constant 80 : i32
      %lt3A_57 = arith.cmpi slt, %add3A_55, %lt3A_56 : i32
      %convert_element_type3A_58 = arith.extui %lt3A_57 : i1 to i32
      %cond3A_59 = arith.constant 0 : i32
      %cond3A_60 = arith.cmpi ne, %convert_element_type3A_58, %cond3A_59 : i32
      scf.if %cond3A_60 {
        %add3A_106 = arith.constant 4 : i32
        %add3A_107 = arith.addi %add3A_48, %add3A_106 : i32
        %dma_start3A_108 = arith.constant 0 : i32
        %dma_start3A_109 = tpu.memref_slice %arg8[%add3A_107, %dma_start3A_108] : memref<80x128xi32, #tpu.memory_space<vmem>> -> memref<1x128xi32, #tpu.memory_space<vmem>>
        %dma_start3A_110 = tpu.memref_squeeze %dma_start3A_109 : memref<1x128xi32, #tpu.memory_space<vmem>> -> memref<128xi32, #tpu.memory_space<vmem>>
        %dma_start3A_111 = arith.constant 0 : i32
        %dma_start3A_112 = arith.constant 0 : i32
        %dma_start3A_113 = tpu.memref_slice %arg4[%dma_start3A_111, %dma_start3A_112] : memref<10000x64xf32, #tpu.memory_space<hbm>> -> memref<10000x64xf32, #tpu.memory_space<hbm>>
        tpu.enqueue_indirect_dma source(%dma_start3A_113 : memref<10000x64xf32, #tpu.memory_space<hbm>>) target(%arg9 : memref<128x64xf32, #tpu.memory_space<vmem>>) offsets(%dma_start3A_110 : memref<128xi32, #tpu.memory_space<vmem>>) semaphore(%arg14 : memref<!tpu.dma_semaphore, #tpu.memory_space<semaphore_mem>>)
      } else {
      }
      %add3A_61 = arith.constant 1 : i32
      %add3A_62 = arith.addi %add3A_46, %add3A_61 : i32
      %dma_wait3A_63 = arith.constant 0 : i32
      %dma_wait3A_64 = tpu.memref_slice %arg8[%add3A_62, %dma_wait3A_63] : memref<80x128xi32, #tpu.memory_space<vmem>> -> memref<1x128xi32, #tpu.memory_space<vmem>>
      %dma_wait3A_65 = tpu.memref_squeeze %dma_wait3A_64 : memref<1x128xi32, #tpu.memory_space<vmem>> -> memref<128xi32, #tpu.memory_space<vmem>>
      %dma_wait3A_66 = arith.constant 0 : i32
      %dma_wait3A_67 = arith.constant 0 : i32
      %dma_wait3A_68 = tpu.memref_slice %arg4[%dma_wait3A_66, %dma_wait3A_67] : memref<10000x64xf32, #tpu.memory_space<hbm>> -> memref<10000x64xf32, #tpu.memory_space<hbm>>
      tpu.wait_indirect_dma semaphore(%arg15 : memref<!tpu.dma_semaphore, #tpu.memory_space<semaphore_mem>>) src(%dma_wait3A_68 : memref<10000x64xf32, #tpu.memory_space<hbm>>) dst(%arg10 : memref<128x64xf32, #tpu.memory_space<vmem>>)
      "tpu.region"() ({
        %run_scoped3A = tpu.sem_alloc : memref<!tpu.dma_semaphore, #tpu.memory_space<semaphore_mem>>
        %dma_start3A_106 = arith.constant 0 : i32
        %dma_start3A_107 = tpu.memref_slice %arg7[%add3A_62, %dma_start3A_106] : memref<80x128xi32, #tpu.memory_space<vmem>> -> memref<1x128xi32, #tpu.memory_space<vmem>>
        %dma_start3A_108 = tpu.memref_squeeze %dma_start3A_107 : memref<1x128xi32, #tpu.memory_space<vmem>> -> memref<128xi32, #tpu.memory_space<vmem>>
        %dma_start3A_109 = arith.constant 0 : i32
        %dma_start3A_110 = arith.constant 0 : i32
        %dma_start3A_111 = tpu.memref_slice %arg13[%dma_start3A_109, %dma_start3A_110] : memref<10112x64xf32, #tpu.memory_space<vmem_shared>> -> memref<10112x64xf32, #tpu.memory_space<vmem_shared>>
        tpu.enqueue_indirect_dma source(%arg10 : memref<128x64xf32, #tpu.memory_space<vmem>>) target(%dma_start3A_111 : memref<10112x64xf32, #tpu.memory_space<vmem_shared>>) offsets(%dma_start3A_108 : memref<128xi32, #tpu.memory_space<vmem>>) semaphore(%run_scoped3A : memref<!tpu.dma_semaphore, #tpu.memory_space<semaphore_mem>>) {add = true}
        %dma_wait3A_112 = arith.constant 0 : i32
        %dma_wait3A_113 = tpu.memref_slice %arg7[%add3A_62, %dma_wait3A_112] : memref<80x128xi32, #tpu.memory_space<vmem>> -> memref<1x128xi32, #tpu.memory_space<vmem>>
        %dma_wait3A_114 = tpu.memref_squeeze %dma_wait3A_113 : memref<1x128xi32, #tpu.memory_space<vmem>> -> memref<128xi32, #tpu.memory_space<vmem>>
        %dma_wait3A_115 = arith.constant 0 : i32
        %dma_wait3A_116 = arith.constant 0 : i32
        %dma_wait3A_117 = tpu.memref_slice %arg13[%dma_wait3A_115, %dma_wait3A_116] : memref<10112x64xf32, #tpu.memory_space<vmem_shared>> -> memref<10112x64xf32, #tpu.memory_space<vmem_shared>>
        tpu.wait_indirect_dma semaphore(%run_scoped3A : memref<!tpu.dma_semaphore, #tpu.memory_space<semaphore_mem>>) src(%arg10 : memref<128x64xf32, #tpu.memory_space<vmem>>) dst(%dma_wait3A_117 : memref<10112x64xf32, #tpu.memory_space<vmem_shared>>)
        tpu.yield
      }) : () -> ()
      %add3A_69 = arith.constant 4 : i32
      %add3A_70 = arith.addi %add3A_62, %add3A_69 : i32
      %lt3A_71 = arith.constant 80 : i32
      %lt3A_72 = arith.cmpi slt, %add3A_70, %lt3A_71 : i32
      %convert_element_type3A_73 = arith.extui %lt3A_72 : i1 to i32
      %cond3A_74 = arith.constant 0 : i32
      %cond3A_75 = arith.cmpi ne, %convert_element_type3A_73, %cond3A_74 : i32
      scf.if %cond3A_75 {
        %add3A_106 = arith.constant 4 : i32
        %add3A_107 = arith.addi %add3A_62, %add3A_106 : i32
        %dma_start3A_108 = arith.constant 0 : i32
        %dma_start3A_109 = tpu.memref_slice %arg8[%add3A_107, %dma_start3A_108] : memref<80x128xi32, #tpu.memory_space<vmem>> -> memref<1x128xi32, #tpu.memory_space<vmem>>
        %dma_start3A_110 = tpu.memref_squeeze %dma_start3A_109 : memref<1x128xi32, #tpu.memory_space<vmem>> -> memref<128xi32, #tpu.memory_space<vmem>>
        %dma_start3A_111 = arith.constant 0 : i32
        %dma_start3A_112 = arith.constant 0 : i32
        %dma_start3A_113 = tpu.memref_slice %arg4[%dma_start3A_111, %dma_start3A_112] : memref<10000x64xf32, #tpu.memory_space<hbm>> -> memref<10000x64xf32, #tpu.memory_space<hbm>>
        tpu.enqueue_indirect_dma source(%dma_start3A_113 : memref<10000x64xf32, #tpu.memory_space<hbm>>) target(%arg10 : memref<128x64xf32, #tpu.memory_space<vmem>>) offsets(%dma_start3A_110 : memref<128xi32, #tpu.memory_space<vmem>>) semaphore(%arg15 : memref<!tpu.dma_semaphore, #tpu.memory_space<semaphore_mem>>)
      } else {
      }
      %add3A_76 = arith.constant 2 : i32
      %add3A_77 = arith.addi %add3A_46, %add3A_76 : i32
      %dma_wait3A_78 = arith.constant 0 : i32
      %dma_wait3A_79 = tpu.memref_slice %arg8[%add3A_77, %dma_wait3A_78] : memref<80x128xi32, #tpu.memory_space<vmem>> -> memref<1x128xi32, #tpu.memory_space<vmem>>
      %dma_wait3A_80 = tpu.memref_squeeze %dma_wait3A_79 : memref<1x128xi32, #tpu.memory_space<vmem>> -> memref<128xi32, #tpu.memory_space<vmem>>
      %dma_wait3A_81 = arith.constant 0 : i32
      %dma_wait3A_82 = arith.constant 0 : i32
      %dma_wait3A_83 = tpu.memref_slice %arg4[%dma_wait3A_81, %dma_wait3A_82] : memref<10000x64xf32, #tpu.memory_space<hbm>> -> memref<10000x64xf32, #tpu.memory_space<hbm>>
      tpu.wait_indirect_dma semaphore(%arg16 : memref<!tpu.dma_semaphore, #tpu.memory_space<semaphore_mem>>) src(%dma_wait3A_83 : memref<10000x64xf32, #tpu.memory_space<hbm>>) dst(%arg11 : memref<128x64xf32, #tpu.memory_space<vmem>>)
      "tpu.region"() ({
        %run_scoped3A = tpu.sem_alloc : memref<!tpu.dma_semaphore, #tpu.memory_space<semaphore_mem>>
        %dma_start3A_106 = arith.constant 0 : i32
        %dma_start3A_107 = tpu.memref_slice %arg7[%add3A_77, %dma_start3A_106] : memref<80x128xi32, #tpu.memory_space<vmem>> -> memref<1x128xi32, #tpu.memory_space<vmem>>
        %dma_start3A_108 = tpu.memref_squeeze %dma_start3A_107 : memref<1x128xi32, #tpu.memory_space<vmem>> -> memref<128xi32, #tpu.memory_space<vmem>>
        %dma_start3A_109 = arith.constant 0 : i32
        %dma_start3A_110 = arith.constant 0 : i32
        %dma_start3A_111 = tpu.memref_slice %arg13[%dma_start3A_109, %dma_start3A_110] : memref<10112x64xf32, #tpu.memory_space<vmem_shared>> -> memref<10112x64xf32, #tpu.memory_space<vmem_shared>>
        tpu.enqueue_indirect_dma source(%arg11 : memref<128x64xf32, #tpu.memory_space<vmem>>) target(%dma_start3A_111 : memref<10112x64xf32, #tpu.memory_space<vmem_shared>>) offsets(%dma_start3A_108 : memref<128xi32, #tpu.memory_space<vmem>>) semaphore(%run_scoped3A : memref<!tpu.dma_semaphore, #tpu.memory_space<semaphore_mem>>) {add = true}
        %dma_wait3A_112 = arith.constant 0 : i32
        %dma_wait3A_113 = tpu.memref_slice %arg7[%add3A_77, %dma_wait3A_112] : memref<80x128xi32, #tpu.memory_space<vmem>> -> memref<1x128xi32, #tpu.memory_space<vmem>>
        %dma_wait3A_114 = tpu.memref_squeeze %dma_wait3A_113 : memref<1x128xi32, #tpu.memory_space<vmem>> -> memref<128xi32, #tpu.memory_space<vmem>>
        %dma_wait3A_115 = arith.constant 0 : i32
        %dma_wait3A_116 = arith.constant 0 : i32
        %dma_wait3A_117 = tpu.memref_slice %arg13[%dma_wait3A_115, %dma_wait3A_116] : memref<10112x64xf32, #tpu.memory_space<vmem_shared>> -> memref<10112x64xf32, #tpu.memory_space<vmem_shared>>
        tpu.wait_indirect_dma semaphore(%run_scoped3A : memref<!tpu.dma_semaphore, #tpu.memory_space<semaphore_mem>>) src(%arg11 : memref<128x64xf32, #tpu.memory_space<vmem>>) dst(%dma_wait3A_117 : memref<10112x64xf32, #tpu.memory_space<vmem_shared>>)
        tpu.yield
      }) : () -> ()
      %add3A_84 = arith.constant 4 : i32
      %add3A_85 = arith.addi %add3A_77, %add3A_84 : i32
      %lt3A_86 = arith.constant 80 : i32
      %lt3A_87 = arith.cmpi slt, %add3A_85, %lt3A_86 : i32
      %convert_element_type3A_88 = arith.extui %lt3A_87 : i1 to i32
      %cond3A_89 = arith.constant 0 : i32
      %cond3A_90 = arith.cmpi ne, %convert_element_type3A_88, %cond3A_89 : i32
      scf.if %cond3A_90 {
        %add3A_106 = arith.constant 4 : i32
        %add3A_107 = arith.addi %add3A_77, %add3A_106 : i32
        %dma_start3A_108 = arith.constant 0 : i32
        %dma_start3A_109 = tpu.memref_slice %arg8[%add3A_107, %dma_start3A_108] : memref<80x128xi32, #tpu.memory_space<vmem>> -> memref<1x128xi32, #tpu.memory_space<vmem>>
        %dma_start3A_110 = tpu.memref_squeeze %dma_start3A_109 : memref<1x128xi32, #tpu.memory_space<vmem>> -> memref<128xi32, #tpu.memory_space<vmem>>
        %dma_start3A_111 = arith.constant 0 : i32
        %dma_start3A_112 = arith.constant 0 : i32
        %dma_start3A_113 = tpu.memref_slice %arg4[%dma_start3A_111, %dma_start3A_112] : memref<10000x64xf32, #tpu.memory_space<hbm>> -> memref<10000x64xf32, #tpu.memory_space<hbm>>
        tpu.enqueue_indirect_dma source(%dma_start3A_113 : memref<10000x64xf32, #tpu.memory_space<hbm>>) target(%arg11 : memref<128x64xf32, #tpu.memory_space<vmem>>) offsets(%dma_start3A_110 : memref<128xi32, #tpu.memory_space<vmem>>) semaphore(%arg16 : memref<!tpu.dma_semaphore, #tpu.memory_space<semaphore_mem>>)
      } else {
      }
      %add3A_91 = arith.constant 3 : i32
      %add3A_92 = arith.addi %add3A_46, %add3A_91 : i32
      %dma_wait3A_93 = arith.constant 0 : i32
      %dma_wait3A_94 = tpu.memref_slice %arg8[%add3A_92, %dma_wait3A_93] : memref<80x128xi32, #tpu.memory_space<vmem>> -> memref<1x128xi32, #tpu.memory_space<vmem>>
      %dma_wait3A_95 = tpu.memref_squeeze %dma_wait3A_94 : memref<1x128xi32, #tpu.memory_space<vmem>> -> memref<128xi32, #tpu.memory_space<vmem>>
      %dma_wait3A_96 = arith.constant 0 : i32
      %dma_wait3A_97 = arith.constant 0 : i32
      %dma_wait3A_98 = tpu.memref_slice %arg4[%dma_wait3A_96, %dma_wait3A_97] : memref<10000x64xf32, #tpu.memory_space<hbm>> -> memref<10000x64xf32, #tpu.memory_space<hbm>>
      tpu.wait_indirect_dma semaphore(%arg17 : memref<!tpu.dma_semaphore, #tpu.memory_space<semaphore_mem>>) src(%dma_wait3A_98 : memref<10000x64xf32, #tpu.memory_space<hbm>>) dst(%arg12 : memref<128x64xf32, #tpu.memory_space<vmem>>)
      "tpu.region"() ({
        %run_scoped3A = tpu.sem_alloc : memref<!tpu.dma_semaphore, #tpu.memory_space<semaphore_mem>>
        %dma_start3A_106 = arith.constant 0 : i32
        %dma_start3A_107 = tpu.memref_slice %arg7[%add3A_92, %dma_start3A_106] : memref<80x128xi32, #tpu.memory_space<vmem>> -> memref<1x128xi32, #tpu.memory_space<vmem>>
        %dma_start3A_108 = tpu.memref_squeeze %dma_start3A_107 : memref<1x128xi32, #tpu.memory_space<vmem>> -> memref<128xi32, #tpu.memory_space<vmem>>
        %dma_start3A_109 = arith.constant 0 : i32
        %dma_start3A_110 = arith.constant 0 : i32
        %dma_start3A_111 = tpu.memref_slice %arg13[%dma_start3A_109, %dma_start3A_110] : memref<10112x64xf32, #tpu.memory_space<vmem_shared>> -> memref<10112x64xf32, #tpu.memory_space<vmem_shared>>
        tpu.enqueue_indirect_dma source(%arg12 : memref<128x64xf32, #tpu.memory_space<vmem>>) target(%dma_start3A_111 : memref<10112x64xf32, #tpu.memory_space<vmem_shared>>) offsets(%dma_start3A_108 : memref<128xi32, #tpu.memory_space<vmem>>) semaphore(%run_scoped3A : memref<!tpu.dma_semaphore, #tpu.memory_space<semaphore_mem>>) {add = true}
        %dma_wait3A_112 = arith.constant 0 : i32
        %dma_wait3A_113 = tpu.memref_slice %arg7[%add3A_92, %dma_wait3A_112] : memref<80x128xi32, #tpu.memory_space<vmem>> -> memref<1x128xi32, #tpu.memory_space<vmem>>
        %dma_wait3A_114 = tpu.memref_squeeze %dma_wait3A_113 : memref<1x128xi32, #tpu.memory_space<vmem>> -> memref<128xi32, #tpu.memory_space<vmem>>
        %dma_wait3A_115 = arith.constant 0 : i32
        %dma_wait3A_116 = arith.constant 0 : i32
        %dma_wait3A_117 = tpu.memref_slice %arg13[%dma_wait3A_115, %dma_wait3A_116] : memref<10112x64xf32, #tpu.memory_space<vmem_shared>> -> memref<10112x64xf32, #tpu.memory_space<vmem_shared>>
        tpu.wait_indirect_dma semaphore(%run_scoped3A : memref<!tpu.dma_semaphore, #tpu.memory_space<semaphore_mem>>) src(%arg12 : memref<128x64xf32, #tpu.memory_space<vmem>>) dst(%dma_wait3A_117 : memref<10112x64xf32, #tpu.memory_space<vmem_shared>>)
        tpu.yield
      }) : () -> ()
      %add3A_99 = arith.constant 4 : i32
      %add3A_100 = arith.addi %add3A_92, %add3A_99 : i32
      %lt3A_101 = arith.constant 80 : i32
      %lt3A_102 = arith.cmpi slt, %add3A_100, %lt3A_101 : i32
      %convert_element_type3A_103 = arith.extui %lt3A_102 : i1 to i32
      %cond3A_104 = arith.constant 0 : i32
      %cond3A_105 = arith.cmpi ne, %convert_element_type3A_103, %cond3A_104 : i32
      scf.if %cond3A_105 {
        %add3A_106 = arith.constant 4 : i32
        %add3A_107 = arith.addi %add3A_92, %add3A_106 : i32
        %dma_start3A_108 = arith.constant 0 : i32
        %dma_start3A_109 = tpu.memref_slice %arg8[%add3A_107, %dma_start3A_108] : memref<80x128xi32, #tpu.memory_space<vmem>> -> memref<1x128xi32, #tpu.memory_space<vmem>>
        %dma_start3A_110 = tpu.memref_squeeze %dma_start3A_109 : memref<1x128xi32, #tpu.memory_space<vmem>> -> memref<128xi32, #tpu.memory_space<vmem>>
        %dma_start3A_111 = arith.constant 0 : i32
        %dma_start3A_112 = arith.constant 0 : i32
        %dma_start3A_113 = tpu.memref_slice %arg4[%dma_start3A_111, %dma_start3A_112] : memref<10000x64xf32, #tpu.memory_space<hbm>> -> memref<10000x64xf32, #tpu.memory_space<hbm>>
        tpu.enqueue_indirect_dma source(%dma_start3A_113 : memref<10000x64xf32, #tpu.memory_space<hbm>>) target(%arg12 : memref<128x64xf32, #tpu.memory_space<vmem>>) offsets(%dma_start3A_110 : memref<128xi32, #tpu.memory_space<vmem>>) semaphore(%arg17 : memref<!tpu.dma_semaphore, #tpu.memory_space<semaphore_mem>>)
      } else {
      }
    }
    %scan3A_33 = arith.constant 20 : i32
    %barrier3A_34 = arith.constant 0 : index
    tpu.barrier barrier_id(%barrier3A_34)
    %lt3A = arith.constant 15 : i32
    %lt3A_35 = arith.cmpi slt, %arg1, %lt3A : i32
    %convert_element_type3A = arith.extui %lt3A_35 : i1 to i32
    %cond3A = arith.constant 0 : i32
    %cond3A_36 = arith.cmpi ne, %convert_element_type3A, %cond3A : i32
    scf.if %cond3A_36 {
      %mul3A_42 = arith.constant 640 : i32
      %mul3A_43 = arith.muli %arg1, %mul3A_42 : i32
      "tpu.region"() ({
        %run_scoped3A = tpu.sem_alloc : memref<!tpu.dma_semaphore, #tpu.memory_space<semaphore_mem>>
        %dma_start3A_44 = arith.constant 0 : i32
        %dma_start3A_45 = tpu.memref_slice %arg6[%arg0, %mul3A_43, %dma_start3A_44] : memref<2x10000x64xf32, #tpu.memory_space<hbm>> -> memref<1x640x64xf32, #tpu.memory_space<hbm>>
        %dma_start3A_46 = tpu.memref_squeeze %dma_start3A_45 : memref<1x640x64xf32, #tpu.memory_space<hbm>> -> memref<640x64xf32, #tpu.memory_space<hbm>>
        %dma_start3A_47 = arith.constant 0 : i32
        %dma_start3A_48 = tpu.memref_slice %arg13[%mul3A_43, %dma_start3A_47] : memref<10112x64xf32, #tpu.memory_space<vmem_shared>> -> memref<640x64xf32, #tpu.memory_space<vmem_shared>>
        tpu.enqueue_dma source(%dma_start3A_48 : memref<640x64xf32, #tpu.memory_space<vmem_shared>>) target(%dma_start3A_46 : memref<640x64xf32, #tpu.memory_space<hbm>>) target_semaphore(%run_scoped3A : memref<!tpu.dma_semaphore, #tpu.memory_space<semaphore_mem>>)
        %dma_wait3A = arith.constant 0 : i32
        %dma_wait3A_49 = tpu.memref_slice %arg6[%arg0, %mul3A_43, %dma_wait3A] : memref<2x10000x64xf32, #tpu.memory_space<hbm>> -> memref<1x640x64xf32, #tpu.memory_space<hbm>>
        %dma_wait3A_50 = tpu.memref_squeeze %dma_wait3A_49 : memref<1x640x64xf32, #tpu.memory_space<hbm>> -> memref<640x64xf32, #tpu.memory_space<hbm>>
        %dma_wait3A_51 = arith.constant 0 : i32
        %dma_wait3A_52 = tpu.memref_slice %arg13[%mul3A_43, %dma_wait3A_51] : memref<10112x64xf32, #tpu.memory_space<vmem_shared>> -> memref<640x64xf32, #tpu.memory_space<vmem_shared>>
        tpu.wait_dma2 semaphore(%run_scoped3A : memref<!tpu.dma_semaphore, #tpu.memory_space<semaphore_mem>>) src(%dma_wait3A_52 : memref<640x64xf32, #tpu.memory_space<vmem_shared>>) dst(%dma_wait3A_50 : memref<640x64xf32, #tpu.memory_space<hbm>>)
        tpu.yield
      }) : () -> ()
    } else {
    }
    %eq3A = arith.constant 15 : i32
    %eq3A_37 = arith.cmpi eq, %arg1, %eq3A : i32
    %convert_element_type3A_38 = arith.extui %eq3A_37 : i1 to i32
    %cond3A_39 = arith.constant 0 : i32
    %cond3A_40 = arith.cmpi ne, %convert_element_type3A_38, %cond3A_39 : i32
    scf.if %cond3A_40 {
      "tpu.region"() ({
        %run_scoped3A = tpu.sem_alloc : memref<!tpu.dma_semaphore, #tpu.memory_space<semaphore_mem>>
        %dma_start3A_42 = arith.constant 9600 : i32
        %dma_start3A_43 = arith.constant 0 : i32
        %dma_start3A_44 = tpu.memref_slice %arg6[%arg0, %dma_start3A_42, %dma_start3A_43] : memref<2x10000x64xf32, #tpu.memory_space<hbm>> -> memref<1x400x64xf32, #tpu.memory_space<hbm>>
        %dma_start3A_45 = tpu.memref_squeeze %dma_start3A_44 : memref<1x400x64xf32, #tpu.memory_space<hbm>> -> memref<400x64xf32, #tpu.memory_space<hbm>>
        %dma_start3A_46 = arith.constant 9600 : i32
        %dma_start3A_47 = arith.constant 0 : i32
        %dma_start3A_48 = tpu.memref_slice %arg13[%dma_start3A_46, %dma_start3A_47] : memref<10112x64xf32, #tpu.memory_space<vmem_shared>> -> memref<400x64xf32, #tpu.memory_space<vmem_shared>>
        tpu.enqueue_dma source(%dma_start3A_48 : memref<400x64xf32, #tpu.memory_space<vmem_shared>>) target(%dma_start3A_45 : memref<400x64xf32, #tpu.memory_space<hbm>>) target_semaphore(%run_scoped3A : memref<!tpu.dma_semaphore, #tpu.memory_space<semaphore_mem>>)
        %dma_wait3A = arith.constant 9600 : i32
        %dma_wait3A_49 = arith.constant 0 : i32
        %dma_wait3A_50 = tpu.memref_slice %arg6[%arg0, %dma_wait3A, %dma_wait3A_49] : memref<2x10000x64xf32, #tpu.memory_space<hbm>> -> memref<1x400x64xf32, #tpu.memory_space<hbm>>
        %dma_wait3A_51 = tpu.memref_squeeze %dma_wait3A_50 : memref<1x400x64xf32, #tpu.memory_space<hbm>> -> memref<400x64xf32, #tpu.memory_space<hbm>>
        %dma_wait3A_52 = arith.constant 9600 : i32
        %dma_wait3A_53 = arith.constant 0 : i32
        %dma_wait3A_54 = tpu.memref_slice %arg13[%dma_wait3A_52, %dma_wait3A_53] : memref<10112x64xf32, #tpu.memory_space<vmem_shared>> -> memref<400x64xf32, #tpu.memory_space<vmem_shared>>
        tpu.wait_dma2 semaphore(%run_scoped3A : memref<!tpu.dma_semaphore, #tpu.memory_space<semaphore_mem>>) src(%dma_wait3A_54 : memref<400x64xf32, #tpu.memory_space<vmem_shared>>) dst(%dma_wait3A_51 : memref<400x64xf32, #tpu.memory_space<hbm>>)
        tpu.yield
      }) : () -> ()
    } else {
    }
    %barrier3A_41 = arith.constant 0 : index
    tpu.barrier barrier_id(%barrier3A_41)
    return
  }
}

#map = affine_map<(d0, d1) -> (0, 0, 0)>
#map1 = affine_map<(d0, d1) -> (0, 0)>
module attributes {stable_mosaic.version = 14 : i64} {
  func.func @spmm_kernel(%arg0: i32, %arg1: i32, %arg2: memref<32x80x128xi32, #tpu.memory_space<hbm>>, %arg3: memref<32x80x128xi32, #tpu.memory_space<hbm>>, %arg4: memref<10000x64xf32, #tpu.memory_space<hbm>>, %arg5: memref<10000x64xf32, #tpu.memory_space<hbm>>, %arg6: memref<632x64xf32, #tpu.memory_space<hbm>>, %arg7: memref<2x10000x64xf32, #tpu.memory_space<hbm>>, %arg8: memref<2x10000x64xf32, #tpu.memory_space<hbm>>, %arg9: memref<80x128xi32, #tpu.memory_space<vmem>>, %arg10: memref<80x128xi32, #tpu.memory_space<vmem>>, %arg11: memref<128x64xf32, #tpu.memory_space<vmem>>, %arg12: memref<128x64xf32, #tpu.memory_space<vmem>>, %arg13: memref<128x64xf32, #tpu.memory_space<vmem>>, %arg14: memref<128x64xf32, #tpu.memory_space<vmem>>, %arg15: memref<10112x64xf32, #tpu.memory_space<vmem_shared>>, %arg16: memref<!tpu.dma_semaphore, #tpu.memory_space<semaphore_mem>>, %arg17: memref<!tpu.dma_semaphore, #tpu.memory_space<semaphore_mem>>, %arg18: memref<!tpu.dma_semaphore, #tpu.memory_space<semaphore_mem>>, %arg19: memref<!tpu.dma_semaphore, #tpu.memory_space<semaphore_mem>>) attributes {dimension_semantics = [#tpu.dimension_semantics<core_parallel>, #tpu.dimension_semantics<subcore_parallel>], iteration_bounds = array<i64: 2, 16>, scalar_prefetch = 0 : i64, scratch_operands = 11 : i64, tpu.core_type = #tpu.core_type<sc_vector_subcore>, window_params = [{transform_indices = #map}, {transform_indices = #map}, {transform_indices = #map1}, {transform_indices = #map1}, {transform_indices = #map1}, {transform_indices = #map}, {transform_indices = #map}]} {
    %mul3A = arith.constant 16 : i32
    %mul3A_0 = arith.muli %arg0, %mul3A : i32
    %add3A = arith.addi %mul3A_0, %arg1 : i32
    "tpu.region"() ({
      %run_scoped3A = tpu.sem_alloc : memref<!tpu.dma_semaphore, #tpu.memory_space<semaphore_mem>>
      %dma_start3A_90 = arith.constant 0 : i32
      %dma_start3A_91 = arith.constant 0 : i32
      %dma_start3A_92 = tpu.memref_slice %arg2[%add3A, %dma_start3A_90, %dma_start3A_91] : memref<32x80x128xi32, #tpu.memory_space<hbm>> -> memref<1x80x128xi32, #tpu.memory_space<hbm>>
      %dma_start3A_93 = tpu.memref_squeeze %dma_start3A_92 : memref<1x80x128xi32, #tpu.memory_space<hbm>> -> memref<80x128xi32, #tpu.memory_space<hbm>>
      %dma_start3A_94 = arith.constant 0 : i32
      %dma_start3A_95 = arith.constant 0 : i32
      %dma_start3A_96 = tpu.memref_slice %arg2[%add3A, %dma_start3A_94, %dma_start3A_95] : memref<32x80x128xi32, #tpu.memory_space<hbm>> -> memref<1x80x128xi32, #tpu.memory_space<hbm>>
      %dma_start3A_97 = tpu.memref_squeeze %dma_start3A_96 : memref<1x80x128xi32, #tpu.memory_space<hbm>> -> memref<80x128xi32, #tpu.memory_space<hbm>>
      tpu.enqueue_dma source(%dma_start3A_97 : memref<80x128xi32, #tpu.memory_space<hbm>>) target(%arg9 : memref<80x128xi32, #tpu.memory_space<vmem>>) target_semaphore(%run_scoped3A : memref<!tpu.dma_semaphore, #tpu.memory_space<semaphore_mem>>)
      %dma_wait3A = arith.constant 0 : i32
      %dma_wait3A_98 = arith.constant 0 : i32
      %dma_wait3A_99 = tpu.memref_slice %arg2[%add3A, %dma_wait3A, %dma_wait3A_98] : memref<32x80x128xi32, #tpu.memory_space<hbm>> -> memref<1x80x128xi32, #tpu.memory_space<hbm>>
      %dma_wait3A_100 = tpu.memref_squeeze %dma_wait3A_99 : memref<1x80x128xi32, #tpu.memory_space<hbm>> -> memref<80x128xi32, #tpu.memory_space<hbm>>
      %dma_wait3A_101 = arith.constant 0 : i32
      %dma_wait3A_102 = arith.constant 0 : i32
      %dma_wait3A_103 = tpu.memref_slice %arg2[%add3A, %dma_wait3A_101, %dma_wait3A_102] : memref<32x80x128xi32, #tpu.memory_space<hbm>> -> memref<1x80x128xi32, #tpu.memory_space<hbm>>
      %dma_wait3A_104 = tpu.memref_squeeze %dma_wait3A_103 : memref<1x80x128xi32, #tpu.memory_space<hbm>> -> memref<80x128xi32, #tpu.memory_space<hbm>>
      tpu.wait_dma2 semaphore(%run_scoped3A : memref<!tpu.dma_semaphore, #tpu.memory_space<semaphore_mem>>) src(%dma_wait3A_104 : memref<80x128xi32, #tpu.memory_space<hbm>>) dst(%arg9 : memref<80x128xi32, #tpu.memory_space<vmem>>)
      tpu.yield
    }) : () -> ()
    "tpu.region"() ({
      %run_scoped3A = tpu.sem_alloc : memref<!tpu.dma_semaphore, #tpu.memory_space<semaphore_mem>>
      %dma_start3A_90 = arith.constant 0 : i32
      %dma_start3A_91 = arith.constant 0 : i32
      %dma_start3A_92 = tpu.memref_slice %arg3[%add3A, %dma_start3A_90, %dma_start3A_91] : memref<32x80x128xi32, #tpu.memory_space<hbm>> -> memref<1x80x128xi32, #tpu.memory_space<hbm>>
      %dma_start3A_93 = tpu.memref_squeeze %dma_start3A_92 : memref<1x80x128xi32, #tpu.memory_space<hbm>> -> memref<80x128xi32, #tpu.memory_space<hbm>>
      %dma_start3A_94 = arith.constant 0 : i32
      %dma_start3A_95 = arith.constant 0 : i32
      %dma_start3A_96 = tpu.memref_slice %arg3[%add3A, %dma_start3A_94, %dma_start3A_95] : memref<32x80x128xi32, #tpu.memory_space<hbm>> -> memref<1x80x128xi32, #tpu.memory_space<hbm>>
      %dma_start3A_97 = tpu.memref_squeeze %dma_start3A_96 : memref<1x80x128xi32, #tpu.memory_space<hbm>> -> memref<80x128xi32, #tpu.memory_space<hbm>>
      tpu.enqueue_dma source(%dma_start3A_97 : memref<80x128xi32, #tpu.memory_space<hbm>>) target(%arg10 : memref<80x128xi32, #tpu.memory_space<vmem>>) target_semaphore(%run_scoped3A : memref<!tpu.dma_semaphore, #tpu.memory_space<semaphore_mem>>)
      %dma_wait3A = arith.constant 0 : i32
      %dma_wait3A_98 = arith.constant 0 : i32
      %dma_wait3A_99 = tpu.memref_slice %arg3[%add3A, %dma_wait3A, %dma_wait3A_98] : memref<32x80x128xi32, #tpu.memory_space<hbm>> -> memref<1x80x128xi32, #tpu.memory_space<hbm>>
      %dma_wait3A_100 = tpu.memref_squeeze %dma_wait3A_99 : memref<1x80x128xi32, #tpu.memory_space<hbm>> -> memref<80x128xi32, #tpu.memory_space<hbm>>
      %dma_wait3A_101 = arith.constant 0 : i32
      %dma_wait3A_102 = arith.constant 0 : i32
      %dma_wait3A_103 = tpu.memref_slice %arg3[%add3A, %dma_wait3A_101, %dma_wait3A_102] : memref<32x80x128xi32, #tpu.memory_space<hbm>> -> memref<1x80x128xi32, #tpu.memory_space<hbm>>
      %dma_wait3A_104 = tpu.memref_squeeze %dma_wait3A_103 : memref<1x80x128xi32, #tpu.memory_space<hbm>> -> memref<80x128xi32, #tpu.memory_space<hbm>>
      tpu.wait_dma2 semaphore(%run_scoped3A : memref<!tpu.dma_semaphore, #tpu.memory_space<semaphore_mem>>) src(%dma_wait3A_104 : memref<80x128xi32, #tpu.memory_space<hbm>>) dst(%arg10 : memref<80x128xi32, #tpu.memory_space<vmem>>)
      tpu.yield
    }) : () -> ()
    %dma_start3A = arith.constant 0 : i32
    %dma_start3A_1 = arith.constant 0 : i32
    %dma_start3A_2 = tpu.memref_slice %arg10[%dma_start3A, %dma_start3A_1] : memref<80x128xi32, #tpu.memory_space<vmem>> -> memref<1x128xi32, #tpu.memory_space<vmem>>
    %dma_start3A_3 = tpu.memref_squeeze %dma_start3A_2 : memref<1x128xi32, #tpu.memory_space<vmem>> -> memref<128xi32, #tpu.memory_space<vmem>>
    %dma_start3A_4 = arith.constant 0 : i32
    %dma_start3A_5 = arith.constant 0 : i32
    %dma_start3A_6 = tpu.memref_slice %arg4[%dma_start3A_4, %dma_start3A_5] : memref<10000x64xf32, #tpu.memory_space<hbm>> -> memref<10000x64xf32, #tpu.memory_space<hbm>>
    tpu.enqueue_indirect_dma source(%dma_start3A_6 : memref<10000x64xf32, #tpu.memory_space<hbm>>) target(%arg11 : memref<128x64xf32, #tpu.memory_space<vmem>>) offsets(%dma_start3A_3 : memref<128xi32, #tpu.memory_space<vmem>>) semaphore(%arg16 : memref<!tpu.dma_semaphore, #tpu.memory_space<semaphore_mem>>)
    %dma_start3A_7 = arith.constant 1 : i32
    %dma_start3A_8 = arith.constant 0 : i32
    %dma_start3A_9 = tpu.memref_slice %arg10[%dma_start3A_7, %dma_start3A_8] : memref<80x128xi32, #tpu.memory_space<vmem>> -> memref<1x128xi32, #tpu.memory_space<vmem>>
    %dma_start3A_10 = tpu.memref_squeeze %dma_start3A_9 : memref<1x128xi32, #tpu.memory_space<vmem>> -> memref<128xi32, #tpu.memory_space<vmem>>
    %dma_start3A_11 = arith.constant 0 : i32
    %dma_start3A_12 = arith.constant 0 : i32
    %dma_start3A_13 = tpu.memref_slice %arg4[%dma_start3A_11, %dma_start3A_12] : memref<10000x64xf32, #tpu.memory_space<hbm>> -> memref<10000x64xf32, #tpu.memory_space<hbm>>
    tpu.enqueue_indirect_dma source(%dma_start3A_13 : memref<10000x64xf32, #tpu.memory_space<hbm>>) target(%arg12 : memref<128x64xf32, #tpu.memory_space<vmem>>) offsets(%dma_start3A_10 : memref<128xi32, #tpu.memory_space<vmem>>) semaphore(%arg17 : memref<!tpu.dma_semaphore, #tpu.memory_space<semaphore_mem>>)
    %dma_start3A_14 = arith.constant 2 : i32
    %dma_start3A_15 = arith.constant 0 : i32
    %dma_start3A_16 = tpu.memref_slice %arg10[%dma_start3A_14, %dma_start3A_15] : memref<80x128xi32, #tpu.memory_space<vmem>> -> memref<1x128xi32, #tpu.memory_space<vmem>>
    %dma_start3A_17 = tpu.memref_squeeze %dma_start3A_16 : memref<1x128xi32, #tpu.memory_space<vmem>> -> memref<128xi32, #tpu.memory_space<vmem>>
    %dma_start3A_18 = arith.constant 0 : i32
    %dma_start3A_19 = arith.constant 0 : i32
    %dma_start3A_20 = tpu.memref_slice %arg4[%dma_start3A_18, %dma_start3A_19] : memref<10000x64xf32, #tpu.memory_space<hbm>> -> memref<10000x64xf32, #tpu.memory_space<hbm>>
    tpu.enqueue_indirect_dma source(%dma_start3A_20 : memref<10000x64xf32, #tpu.memory_space<hbm>>) target(%arg13 : memref<128x64xf32, #tpu.memory_space<vmem>>) offsets(%dma_start3A_17 : memref<128xi32, #tpu.memory_space<vmem>>) semaphore(%arg18 : memref<!tpu.dma_semaphore, #tpu.memory_space<semaphore_mem>>)
    %dma_start3A_21 = arith.constant 3 : i32
    %dma_start3A_22 = arith.constant 0 : i32
    %dma_start3A_23 = tpu.memref_slice %arg10[%dma_start3A_21, %dma_start3A_22] : memref<80x128xi32, #tpu.memory_space<vmem>> -> memref<1x128xi32, #tpu.memory_space<vmem>>
    %dma_start3A_24 = tpu.memref_squeeze %dma_start3A_23 : memref<1x128xi32, #tpu.memory_space<vmem>> -> memref<128xi32, #tpu.memory_space<vmem>>
    %dma_start3A_25 = arith.constant 0 : i32
    %dma_start3A_26 = arith.constant 0 : i32
    %dma_start3A_27 = tpu.memref_slice %arg4[%dma_start3A_25, %dma_start3A_26] : memref<10000x64xf32, #tpu.memory_space<hbm>> -> memref<10000x64xf32, #tpu.memory_space<hbm>>
    tpu.enqueue_indirect_dma source(%dma_start3A_27 : memref<10000x64xf32, #tpu.memory_space<hbm>>) target(%arg14 : memref<128x64xf32, #tpu.memory_space<vmem>>) offsets(%dma_start3A_24 : memref<128xi32, #tpu.memory_space<vmem>>) semaphore(%arg19 : memref<!tpu.dma_semaphore, #tpu.memory_space<semaphore_mem>>)
    %mul3A_28 = arith.constant 632 : i32
    %mul3A_29 = arith.muli %arg1, %mul3A_28 : i32
    "tpu.region"() ({
      %run_scoped3A = tpu.sem_alloc : memref<!tpu.dma_semaphore, #tpu.memory_space<semaphore_mem>>
      %dma_start3A_90 = arith.constant 0 : i32
      %dma_start3A_91 = tpu.memref_slice %arg15[%mul3A_29, %dma_start3A_90] : memref<10112x64xf32, #tpu.memory_space<vmem_shared>> -> memref<632x64xf32, #tpu.memory_space<vmem_shared>>
      tpu.enqueue_dma source(%arg6 : memref<632x64xf32, #tpu.memory_space<hbm>>) target(%dma_start3A_91 : memref<632x64xf32, #tpu.memory_space<vmem_shared>>) target_semaphore(%run_scoped3A : memref<!tpu.dma_semaphore, #tpu.memory_space<semaphore_mem>>)
      %dma_wait3A = arith.constant 0 : i32
      %dma_wait3A_92 = tpu.memref_slice %arg15[%mul3A_29, %dma_wait3A] : memref<10112x64xf32, #tpu.memory_space<vmem_shared>> -> memref<632x64xf32, #tpu.memory_space<vmem_shared>>
      tpu.wait_dma2 semaphore(%run_scoped3A : memref<!tpu.dma_semaphore, #tpu.memory_space<semaphore_mem>>) src(%arg6 : memref<632x64xf32, #tpu.memory_space<hbm>>) dst(%dma_wait3A_92 : memref<632x64xf32, #tpu.memory_space<vmem_shared>>)
      tpu.yield
    }) : () -> ()
    %barrier3A = arith.constant 0 : index
    tpu.barrier barrier_id(%barrier3A)
    %scan3A = arith.constant 0 : i32
    %scan3A_30 = arith.constant 20 : i32
    %scan3A_31 = arith.addi %scan3A, %scan3A_30 : i32
    %scan3A_32 = arith.constant 1 : i32
    scf.for %scan3A_90 = %scan3A to %scan3A_31 step %scan3A_32  : i32 {
      %mul3A_91 = arith.constant 4 : i32
      %mul3A_92 = arith.muli %scan3A_90, %mul3A_91 : i32
      %add3A_93 = arith.constant 0 : i32
      %add3A_94 = arith.addi %add3A_93, %mul3A_92 : i32
      %add3A_95 = arith.constant 0 : i32
      %add3A_96 = arith.addi %add3A_94, %add3A_95 : i32
      %dma_wait3A = arith.constant 0 : i32
      %dma_wait3A_97 = tpu.memref_slice %arg10[%add3A_96, %dma_wait3A] : memref<80x128xi32, #tpu.memory_space<vmem>> -> memref<1x128xi32, #tpu.memory_space<vmem>>
      %dma_wait3A_98 = tpu.memref_squeeze %dma_wait3A_97 : memref<1x128xi32, #tpu.memory_space<vmem>> -> memref<128xi32, #tpu.memory_space<vmem>>
      %dma_wait3A_99 = arith.constant 0 : i32
      %dma_wait3A_100 = arith.constant 0 : i32
      %dma_wait3A_101 = tpu.memref_slice %arg4[%dma_wait3A_99, %dma_wait3A_100] : memref<10000x64xf32, #tpu.memory_space<hbm>> -> memref<10000x64xf32, #tpu.memory_space<hbm>>
      tpu.wait_indirect_dma semaphore(%arg16 : memref<!tpu.dma_semaphore, #tpu.memory_space<semaphore_mem>>) src(%dma_wait3A_101 : memref<10000x64xf32, #tpu.memory_space<hbm>>) dst(%arg11 : memref<128x64xf32, #tpu.memory_space<vmem>>)
      "tpu.region"() ({
        %run_scoped3A = tpu.sem_alloc : memref<!tpu.dma_semaphore, #tpu.memory_space<semaphore_mem>>
        %dma_start3A_154 = arith.constant 0 : i32
        %dma_start3A_155 = tpu.memref_slice %arg9[%add3A_96, %dma_start3A_154] : memref<80x128xi32, #tpu.memory_space<vmem>> -> memref<1x128xi32, #tpu.memory_space<vmem>>
        %dma_start3A_156 = tpu.memref_squeeze %dma_start3A_155 : memref<1x128xi32, #tpu.memory_space<vmem>> -> memref<128xi32, #tpu.memory_space<vmem>>
        %dma_start3A_157 = arith.constant 0 : i32
        %dma_start3A_158 = arith.constant 0 : i32
        %dma_start3A_159 = tpu.memref_slice %arg15[%dma_start3A_157, %dma_start3A_158] : memref<10112x64xf32, #tpu.memory_space<vmem_shared>> -> memref<10112x64xf32, #tpu.memory_space<vmem_shared>>
        tpu.enqueue_indirect_dma source(%arg11 : memref<128x64xf32, #tpu.memory_space<vmem>>) target(%dma_start3A_159 : memref<10112x64xf32, #tpu.memory_space<vmem_shared>>) offsets(%dma_start3A_156 : memref<128xi32, #tpu.memory_space<vmem>>) semaphore(%run_scoped3A : memref<!tpu.dma_semaphore, #tpu.memory_space<semaphore_mem>>) {add = true}
        %dma_wait3A_160 = arith.constant 0 : i32
        %dma_wait3A_161 = tpu.memref_slice %arg9[%add3A_96, %dma_wait3A_160] : memref<80x128xi32, #tpu.memory_space<vmem>> -> memref<1x128xi32, #tpu.memory_space<vmem>>
        %dma_wait3A_162 = tpu.memref_squeeze %dma_wait3A_161 : memref<1x128xi32, #tpu.memory_space<vmem>> -> memref<128xi32, #tpu.memory_space<vmem>>
        %dma_wait3A_163 = arith.constant 0 : i32
        %dma_wait3A_164 = arith.constant 0 : i32
        %dma_wait3A_165 = tpu.memref_slice %arg15[%dma_wait3A_163, %dma_wait3A_164] : memref<10112x64xf32, #tpu.memory_space<vmem_shared>> -> memref<10112x64xf32, #tpu.memory_space<vmem_shared>>
        tpu.wait_indirect_dma semaphore(%run_scoped3A : memref<!tpu.dma_semaphore, #tpu.memory_space<semaphore_mem>>) src(%arg11 : memref<128x64xf32, #tpu.memory_space<vmem>>) dst(%dma_wait3A_165 : memref<10112x64xf32, #tpu.memory_space<vmem_shared>>)
        tpu.yield
      }) : () -> ()
      %add3A_102 = arith.constant 4 : i32
      %add3A_103 = arith.addi %add3A_96, %add3A_102 : i32
      %lt3A_104 = arith.constant 80 : i32
      %lt3A_105 = arith.cmpi slt, %add3A_103, %lt3A_104 : i32
      %convert_element_type3A_106 = arith.extui %lt3A_105 : i1 to i32
      %cond3A_107 = arith.constant 0 : i32
      %cond3A_108 = arith.cmpi ne, %convert_element_type3A_106, %cond3A_107 : i32
      scf.if %cond3A_108 {
        %add3A_154 = arith.constant 4 : i32
        %add3A_155 = arith.addi %add3A_96, %add3A_154 : i32
        %dma_start3A_156 = arith.constant 0 : i32
        %dma_start3A_157 = tpu.memref_slice %arg10[%add3A_155, %dma_start3A_156] : memref<80x128xi32, #tpu.memory_space<vmem>> -> memref<1x128xi32, #tpu.memory_space<vmem>>
        %dma_start3A_158 = tpu.memref_squeeze %dma_start3A_157 : memref<1x128xi32, #tpu.memory_space<vmem>> -> memref<128xi32, #tpu.memory_space<vmem>>
        %dma_start3A_159 = arith.constant 0 : i32
        %dma_start3A_160 = arith.constant 0 : i32
        %dma_start3A_161 = tpu.memref_slice %arg4[%dma_start3A_159, %dma_start3A_160] : memref<10000x64xf32, #tpu.memory_space<hbm>> -> memref<10000x64xf32, #tpu.memory_space<hbm>>
        tpu.enqueue_indirect_dma source(%dma_start3A_161 : memref<10000x64xf32, #tpu.memory_space<hbm>>) target(%arg11 : memref<128x64xf32, #tpu.memory_space<vmem>>) offsets(%dma_start3A_158 : memref<128xi32, #tpu.memory_space<vmem>>) semaphore(%arg16 : memref<!tpu.dma_semaphore, #tpu.memory_space<semaphore_mem>>)
      } else {
      }
      %add3A_109 = arith.constant 1 : i32
      %add3A_110 = arith.addi %add3A_94, %add3A_109 : i32
      %dma_wait3A_111 = arith.constant 0 : i32
      %dma_wait3A_112 = tpu.memref_slice %arg10[%add3A_110, %dma_wait3A_111] : memref<80x128xi32, #tpu.memory_space<vmem>> -> memref<1x128xi32, #tpu.memory_space<vmem>>
      %dma_wait3A_113 = tpu.memref_squeeze %dma_wait3A_112 : memref<1x128xi32, #tpu.memory_space<vmem>> -> memref<128xi32, #tpu.memory_space<vmem>>
      %dma_wait3A_114 = arith.constant 0 : i32
      %dma_wait3A_115 = arith.constant 0 : i32
      %dma_wait3A_116 = tpu.memref_slice %arg4[%dma_wait3A_114, %dma_wait3A_115] : memref<10000x64xf32, #tpu.memory_space<hbm>> -> memref<10000x64xf32, #tpu.memory_space<hbm>>
      tpu.wait_indirect_dma semaphore(%arg17 : memref<!tpu.dma_semaphore, #tpu.memory_space<semaphore_mem>>) src(%dma_wait3A_116 : memref<10000x64xf32, #tpu.memory_space<hbm>>) dst(%arg12 : memref<128x64xf32, #tpu.memory_space<vmem>>)
      "tpu.region"() ({
        %run_scoped3A = tpu.sem_alloc : memref<!tpu.dma_semaphore, #tpu.memory_space<semaphore_mem>>
        %dma_start3A_154 = arith.constant 0 : i32
        %dma_start3A_155 = tpu.memref_slice %arg9[%add3A_110, %dma_start3A_154] : memref<80x128xi32, #tpu.memory_space<vmem>> -> memref<1x128xi32, #tpu.memory_space<vmem>>
        %dma_start3A_156 = tpu.memref_squeeze %dma_start3A_155 : memref<1x128xi32, #tpu.memory_space<vmem>> -> memref<128xi32, #tpu.memory_space<vmem>>
        %dma_start3A_157 = arith.constant 0 : i32
        %dma_start3A_158 = arith.constant 0 : i32
        %dma_start3A_159 = tpu.memref_slice %arg15[%dma_start3A_157, %dma_start3A_158] : memref<10112x64xf32, #tpu.memory_space<vmem_shared>> -> memref<10112x64xf32, #tpu.memory_space<vmem_shared>>
        tpu.enqueue_indirect_dma source(%arg12 : memref<128x64xf32, #tpu.memory_space<vmem>>) target(%dma_start3A_159 : memref<10112x64xf32, #tpu.memory_space<vmem_shared>>) offsets(%dma_start3A_156 : memref<128xi32, #tpu.memory_space<vmem>>) semaphore(%run_scoped3A : memref<!tpu.dma_semaphore, #tpu.memory_space<semaphore_mem>>) {add = true}
        %dma_wait3A_160 = arith.constant 0 : i32
        %dma_wait3A_161 = tpu.memref_slice %arg9[%add3A_110, %dma_wait3A_160] : memref<80x128xi32, #tpu.memory_space<vmem>> -> memref<1x128xi32, #tpu.memory_space<vmem>>
        %dma_wait3A_162 = tpu.memref_squeeze %dma_wait3A_161 : memref<1x128xi32, #tpu.memory_space<vmem>> -> memref<128xi32, #tpu.memory_space<vmem>>
        %dma_wait3A_163 = arith.constant 0 : i32
        %dma_wait3A_164 = arith.constant 0 : i32
        %dma_wait3A_165 = tpu.memref_slice %arg15[%dma_wait3A_163, %dma_wait3A_164] : memref<10112x64xf32, #tpu.memory_space<vmem_shared>> -> memref<10112x64xf32, #tpu.memory_space<vmem_shared>>
        tpu.wait_indirect_dma semaphore(%run_scoped3A : memref<!tpu.dma_semaphore, #tpu.memory_space<semaphore_mem>>) src(%arg12 : memref<128x64xf32, #tpu.memory_space<vmem>>) dst(%dma_wait3A_165 : memref<10112x64xf32, #tpu.memory_space<vmem_shared>>)
        tpu.yield
      }) : () -> ()
      %add3A_117 = arith.constant 4 : i32
      %add3A_118 = arith.addi %add3A_110, %add3A_117 : i32
      %lt3A_119 = arith.constant 80 : i32
      %lt3A_120 = arith.cmpi slt, %add3A_118, %lt3A_119 : i32
      %convert_element_type3A_121 = arith.extui %lt3A_120 : i1 to i32
      %cond3A_122 = arith.constant 0 : i32
      %cond3A_123 = arith.cmpi ne, %convert_element_type3A_121, %cond3A_122 : i32
      scf.if %cond3A_123 {
        %add3A_154 = arith.constant 4 : i32
        %add3A_155 = arith.addi %add3A_110, %add3A_154 : i32
        %dma_start3A_156 = arith.constant 0 : i32
        %dma_start3A_157 = tpu.memref_slice %arg10[%add3A_155, %dma_start3A_156] : memref<80x128xi32, #tpu.memory_space<vmem>> -> memref<1x128xi32, #tpu.memory_space<vmem>>
        %dma_start3A_158 = tpu.memref_squeeze %dma_start3A_157 : memref<1x128xi32, #tpu.memory_space<vmem>> -> memref<128xi32, #tpu.memory_space<vmem>>
        %dma_start3A_159 = arith.constant 0 : i32
        %dma_start3A_160 = arith.constant 0 : i32
        %dma_start3A_161 = tpu.memref_slice %arg4[%dma_start3A_159, %dma_start3A_160] : memref<10000x64xf32, #tpu.memory_space<hbm>> -> memref<10000x64xf32, #tpu.memory_space<hbm>>
        tpu.enqueue_indirect_dma source(%dma_start3A_161 : memref<10000x64xf32, #tpu.memory_space<hbm>>) target(%arg12 : memref<128x64xf32, #tpu.memory_space<vmem>>) offsets(%dma_start3A_158 : memref<128xi32, #tpu.memory_space<vmem>>) semaphore(%arg17 : memref<!tpu.dma_semaphore, #tpu.memory_space<semaphore_mem>>)
      } else {
      }
      %add3A_124 = arith.constant 2 : i32
      %add3A_125 = arith.addi %add3A_94, %add3A_124 : i32
      %dma_wait3A_126 = arith.constant 0 : i32
      %dma_wait3A_127 = tpu.memref_slice %arg10[%add3A_125, %dma_wait3A_126] : memref<80x128xi32, #tpu.memory_space<vmem>> -> memref<1x128xi32, #tpu.memory_space<vmem>>
      %dma_wait3A_128 = tpu.memref_squeeze %dma_wait3A_127 : memref<1x128xi32, #tpu.memory_space<vmem>> -> memref<128xi32, #tpu.memory_space<vmem>>
      %dma_wait3A_129 = arith.constant 0 : i32
      %dma_wait3A_130 = arith.constant 0 : i32
      %dma_wait3A_131 = tpu.memref_slice %arg4[%dma_wait3A_129, %dma_wait3A_130] : memref<10000x64xf32, #tpu.memory_space<hbm>> -> memref<10000x64xf32, #tpu.memory_space<hbm>>
      tpu.wait_indirect_dma semaphore(%arg18 : memref<!tpu.dma_semaphore, #tpu.memory_space<semaphore_mem>>) src(%dma_wait3A_131 : memref<10000x64xf32, #tpu.memory_space<hbm>>) dst(%arg13 : memref<128x64xf32, #tpu.memory_space<vmem>>)
      "tpu.region"() ({
        %run_scoped3A = tpu.sem_alloc : memref<!tpu.dma_semaphore, #tpu.memory_space<semaphore_mem>>
        %dma_start3A_154 = arith.constant 0 : i32
        %dma_start3A_155 = tpu.memref_slice %arg9[%add3A_125, %dma_start3A_154] : memref<80x128xi32, #tpu.memory_space<vmem>> -> memref<1x128xi32, #tpu.memory_space<vmem>>
        %dma_start3A_156 = tpu.memref_squeeze %dma_start3A_155 : memref<1x128xi32, #tpu.memory_space<vmem>> -> memref<128xi32, #tpu.memory_space<vmem>>
        %dma_start3A_157 = arith.constant 0 : i32
        %dma_start3A_158 = arith.constant 0 : i32
        %dma_start3A_159 = tpu.memref_slice %arg15[%dma_start3A_157, %dma_start3A_158] : memref<10112x64xf32, #tpu.memory_space<vmem_shared>> -> memref<10112x64xf32, #tpu.memory_space<vmem_shared>>
        tpu.enqueue_indirect_dma source(%arg13 : memref<128x64xf32, #tpu.memory_space<vmem>>) target(%dma_start3A_159 : memref<10112x64xf32, #tpu.memory_space<vmem_shared>>) offsets(%dma_start3A_156 : memref<128xi32, #tpu.memory_space<vmem>>) semaphore(%run_scoped3A : memref<!tpu.dma_semaphore, #tpu.memory_space<semaphore_mem>>) {add = true}
        %dma_wait3A_160 = arith.constant 0 : i32
        %dma_wait3A_161 = tpu.memref_slice %arg9[%add3A_125, %dma_wait3A_160] : memref<80x128xi32, #tpu.memory_space<vmem>> -> memref<1x128xi32, #tpu.memory_space<vmem>>
        %dma_wait3A_162 = tpu.memref_squeeze %dma_wait3A_161 : memref<1x128xi32, #tpu.memory_space<vmem>> -> memref<128xi32, #tpu.memory_space<vmem>>
        %dma_wait3A_163 = arith.constant 0 : i32
        %dma_wait3A_164 = arith.constant 0 : i32
        %dma_wait3A_165 = tpu.memref_slice %arg15[%dma_wait3A_163, %dma_wait3A_164] : memref<10112x64xf32, #tpu.memory_space<vmem_shared>> -> memref<10112x64xf32, #tpu.memory_space<vmem_shared>>
        tpu.wait_indirect_dma semaphore(%run_scoped3A : memref<!tpu.dma_semaphore, #tpu.memory_space<semaphore_mem>>) src(%arg13 : memref<128x64xf32, #tpu.memory_space<vmem>>) dst(%dma_wait3A_165 : memref<10112x64xf32, #tpu.memory_space<vmem_shared>>)
        tpu.yield
      }) : () -> ()
      %add3A_132 = arith.constant 4 : i32
      %add3A_133 = arith.addi %add3A_125, %add3A_132 : i32
      %lt3A_134 = arith.constant 80 : i32
      %lt3A_135 = arith.cmpi slt, %add3A_133, %lt3A_134 : i32
      %convert_element_type3A_136 = arith.extui %lt3A_135 : i1 to i32
      %cond3A_137 = arith.constant 0 : i32
      %cond3A_138 = arith.cmpi ne, %convert_element_type3A_136, %cond3A_137 : i32
      scf.if %cond3A_138 {
        %add3A_154 = arith.constant 4 : i32
        %add3A_155 = arith.addi %add3A_125, %add3A_154 : i32
        %dma_start3A_156 = arith.constant 0 : i32
        %dma_start3A_157 = tpu.memref_slice %arg10[%add3A_155, %dma_start3A_156] : memref<80x128xi32, #tpu.memory_space<vmem>> -> memref<1x128xi32, #tpu.memory_space<vmem>>
        %dma_start3A_158 = tpu.memref_squeeze %dma_start3A_157 : memref<1x128xi32, #tpu.memory_space<vmem>> -> memref<128xi32, #tpu.memory_space<vmem>>
        %dma_start3A_159 = arith.constant 0 : i32
        %dma_start3A_160 = arith.constant 0 : i32
        %dma_start3A_161 = tpu.memref_slice %arg4[%dma_start3A_159, %dma_start3A_160] : memref<10000x64xf32, #tpu.memory_space<hbm>> -> memref<10000x64xf32, #tpu.memory_space<hbm>>
        tpu.enqueue_indirect_dma source(%dma_start3A_161 : memref<10000x64xf32, #tpu.memory_space<hbm>>) target(%arg13 : memref<128x64xf32, #tpu.memory_space<vmem>>) offsets(%dma_start3A_158 : memref<128xi32, #tpu.memory_space<vmem>>) semaphore(%arg18 : memref<!tpu.dma_semaphore, #tpu.memory_space<semaphore_mem>>)
      } else {
      }
      %add3A_139 = arith.constant 3 : i32
      %add3A_140 = arith.addi %add3A_94, %add3A_139 : i32
      %dma_wait3A_141 = arith.constant 0 : i32
      %dma_wait3A_142 = tpu.memref_slice %arg10[%add3A_140, %dma_wait3A_141] : memref<80x128xi32, #tpu.memory_space<vmem>> -> memref<1x128xi32, #tpu.memory_space<vmem>>
      %dma_wait3A_143 = tpu.memref_squeeze %dma_wait3A_142 : memref<1x128xi32, #tpu.memory_space<vmem>> -> memref<128xi32, #tpu.memory_space<vmem>>
      %dma_wait3A_144 = arith.constant 0 : i32
      %dma_wait3A_145 = arith.constant 0 : i32
      %dma_wait3A_146 = tpu.memref_slice %arg4[%dma_wait3A_144, %dma_wait3A_145] : memref<10000x64xf32, #tpu.memory_space<hbm>> -> memref<10000x64xf32, #tpu.memory_space<hbm>>
      tpu.wait_indirect_dma semaphore(%arg19 : memref<!tpu.dma_semaphore, #tpu.memory_space<semaphore_mem>>) src(%dma_wait3A_146 : memref<10000x64xf32, #tpu.memory_space<hbm>>) dst(%arg14 : memref<128x64xf32, #tpu.memory_space<vmem>>)
      "tpu.region"() ({
        %run_scoped3A = tpu.sem_alloc : memref<!tpu.dma_semaphore, #tpu.memory_space<semaphore_mem>>
        %dma_start3A_154 = arith.constant 0 : i32
        %dma_start3A_155 = tpu.memref_slice %arg9[%add3A_140, %dma_start3A_154] : memref<80x128xi32, #tpu.memory_space<vmem>> -> memref<1x128xi32, #tpu.memory_space<vmem>>
        %dma_start3A_156 = tpu.memref_squeeze %dma_start3A_155 : memref<1x128xi32, #tpu.memory_space<vmem>> -> memref<128xi32, #tpu.memory_space<vmem>>
        %dma_start3A_157 = arith.constant 0 : i32
        %dma_start3A_158 = arith.constant 0 : i32
        %dma_start3A_159 = tpu.memref_slice %arg15[%dma_start3A_157, %dma_start3A_158] : memref<10112x64xf32, #tpu.memory_space<vmem_shared>> -> memref<10112x64xf32, #tpu.memory_space<vmem_shared>>
        tpu.enqueue_indirect_dma source(%arg14 : memref<128x64xf32, #tpu.memory_space<vmem>>) target(%dma_start3A_159 : memref<10112x64xf32, #tpu.memory_space<vmem_shared>>) offsets(%dma_start3A_156 : memref<128xi32, #tpu.memory_space<vmem>>) semaphore(%run_scoped3A : memref<!tpu.dma_semaphore, #tpu.memory_space<semaphore_mem>>) {add = true}
        %dma_wait3A_160 = arith.constant 0 : i32
        %dma_wait3A_161 = tpu.memref_slice %arg9[%add3A_140, %dma_wait3A_160] : memref<80x128xi32, #tpu.memory_space<vmem>> -> memref<1x128xi32, #tpu.memory_space<vmem>>
        %dma_wait3A_162 = tpu.memref_squeeze %dma_wait3A_161 : memref<1x128xi32, #tpu.memory_space<vmem>> -> memref<128xi32, #tpu.memory_space<vmem>>
        %dma_wait3A_163 = arith.constant 0 : i32
        %dma_wait3A_164 = arith.constant 0 : i32
        %dma_wait3A_165 = tpu.memref_slice %arg15[%dma_wait3A_163, %dma_wait3A_164] : memref<10112x64xf32, #tpu.memory_space<vmem_shared>> -> memref<10112x64xf32, #tpu.memory_space<vmem_shared>>
        tpu.wait_indirect_dma semaphore(%run_scoped3A : memref<!tpu.dma_semaphore, #tpu.memory_space<semaphore_mem>>) src(%arg14 : memref<128x64xf32, #tpu.memory_space<vmem>>) dst(%dma_wait3A_165 : memref<10112x64xf32, #tpu.memory_space<vmem_shared>>)
        tpu.yield
      }) : () -> ()
      %add3A_147 = arith.constant 4 : i32
      %add3A_148 = arith.addi %add3A_140, %add3A_147 : i32
      %lt3A_149 = arith.constant 80 : i32
      %lt3A_150 = arith.cmpi slt, %add3A_148, %lt3A_149 : i32
      %convert_element_type3A_151 = arith.extui %lt3A_150 : i1 to i32
      %cond3A_152 = arith.constant 0 : i32
      %cond3A_153 = arith.cmpi ne, %convert_element_type3A_151, %cond3A_152 : i32
      scf.if %cond3A_153 {
        %add3A_154 = arith.constant 4 : i32
        %add3A_155 = arith.addi %add3A_140, %add3A_154 : i32
        %dma_start3A_156 = arith.constant 0 : i32
        %dma_start3A_157 = tpu.memref_slice %arg10[%add3A_155, %dma_start3A_156] : memref<80x128xi32, #tpu.memory_space<vmem>> -> memref<1x128xi32, #tpu.memory_space<vmem>>
        %dma_start3A_158 = tpu.memref_squeeze %dma_start3A_157 : memref<1x128xi32, #tpu.memory_space<vmem>> -> memref<128xi32, #tpu.memory_space<vmem>>
        %dma_start3A_159 = arith.constant 0 : i32
        %dma_start3A_160 = arith.constant 0 : i32
        %dma_start3A_161 = tpu.memref_slice %arg4[%dma_start3A_159, %dma_start3A_160] : memref<10000x64xf32, #tpu.memory_space<hbm>> -> memref<10000x64xf32, #tpu.memory_space<hbm>>
        tpu.enqueue_indirect_dma source(%dma_start3A_161 : memref<10000x64xf32, #tpu.memory_space<hbm>>) target(%arg14 : memref<128x64xf32, #tpu.memory_space<vmem>>) offsets(%dma_start3A_158 : memref<128xi32, #tpu.memory_space<vmem>>) semaphore(%arg19 : memref<!tpu.dma_semaphore, #tpu.memory_space<semaphore_mem>>)
      } else {
      }
    }
    %scan3A_33 = arith.constant 20 : i32
    %dma_start3A_34 = arith.constant 0 : i32
    %dma_start3A_35 = arith.constant 0 : i32
    %dma_start3A_36 = tpu.memref_slice %arg10[%dma_start3A_34, %dma_start3A_35] : memref<80x128xi32, #tpu.memory_space<vmem>> -> memref<1x128xi32, #tpu.memory_space<vmem>>
    %dma_start3A_37 = tpu.memref_squeeze %dma_start3A_36 : memref<1x128xi32, #tpu.memory_space<vmem>> -> memref<128xi32, #tpu.memory_space<vmem>>
    %dma_start3A_38 = arith.constant 0 : i32
    %dma_start3A_39 = arith.constant 0 : i32
    %dma_start3A_40 = tpu.memref_slice %arg5[%dma_start3A_38, %dma_start3A_39] : memref<10000x64xf32, #tpu.memory_space<hbm>> -> memref<10000x64xf32, #tpu.memory_space<hbm>>
    tpu.enqueue_indirect_dma source(%dma_start3A_40 : memref<10000x64xf32, #tpu.memory_space<hbm>>) target(%arg11 : memref<128x64xf32, #tpu.memory_space<vmem>>) offsets(%dma_start3A_37 : memref<128xi32, #tpu.memory_space<vmem>>) semaphore(%arg16 : memref<!tpu.dma_semaphore, #tpu.memory_space<semaphore_mem>>)
    %dma_start3A_41 = arith.constant 1 : i32
    %dma_start3A_42 = arith.constant 0 : i32
    %dma_start3A_43 = tpu.memref_slice %arg10[%dma_start3A_41, %dma_start3A_42] : memref<80x128xi32, #tpu.memory_space<vmem>> -> memref<1x128xi32, #tpu.memory_space<vmem>>
    %dma_start3A_44 = tpu.memref_squeeze %dma_start3A_43 : memref<1x128xi32, #tpu.memory_space<vmem>> -> memref<128xi32, #tpu.memory_space<vmem>>
    %dma_start3A_45 = arith.constant 0 : i32
    %dma_start3A_46 = arith.constant 0 : i32
    %dma_start3A_47 = tpu.memref_slice %arg5[%dma_start3A_45, %dma_start3A_46] : memref<10000x64xf32, #tpu.memory_space<hbm>> -> memref<10000x64xf32, #tpu.memory_space<hbm>>
    tpu.enqueue_indirect_dma source(%dma_start3A_47 : memref<10000x64xf32, #tpu.memory_space<hbm>>) target(%arg12 : memref<128x64xf32, #tpu.memory_space<vmem>>) offsets(%dma_start3A_44 : memref<128xi32, #tpu.memory_space<vmem>>) semaphore(%arg17 : memref<!tpu.dma_semaphore, #tpu.memory_space<semaphore_mem>>)
    %dma_start3A_48 = arith.constant 2 : i32
    %dma_start3A_49 = arith.constant 0 : i32
    %dma_start3A_50 = tpu.memref_slice %arg10[%dma_start3A_48, %dma_start3A_49] : memref<80x128xi32, #tpu.memory_space<vmem>> -> memref<1x128xi32, #tpu.memory_space<vmem>>
    %dma_start3A_51 = tpu.memref_squeeze %dma_start3A_50 : memref<1x128xi32, #tpu.memory_space<vmem>> -> memref<128xi32, #tpu.memory_space<vmem>>
    %dma_start3A_52 = arith.constant 0 : i32
    %dma_start3A_53 = arith.constant 0 : i32
    %dma_start3A_54 = tpu.memref_slice %arg5[%dma_start3A_52, %dma_start3A_53] : memref<10000x64xf32, #tpu.memory_space<hbm>> -> memref<10000x64xf32, #tpu.memory_space<hbm>>
    tpu.enqueue_indirect_dma source(%dma_start3A_54 : memref<10000x64xf32, #tpu.memory_space<hbm>>) target(%arg13 : memref<128x64xf32, #tpu.memory_space<vmem>>) offsets(%dma_start3A_51 : memref<128xi32, #tpu.memory_space<vmem>>) semaphore(%arg18 : memref<!tpu.dma_semaphore, #tpu.memory_space<semaphore_mem>>)
    %dma_start3A_55 = arith.constant 3 : i32
    %dma_start3A_56 = arith.constant 0 : i32
    %dma_start3A_57 = tpu.memref_slice %arg10[%dma_start3A_55, %dma_start3A_56] : memref<80x128xi32, #tpu.memory_space<vmem>> -> memref<1x128xi32, #tpu.memory_space<vmem>>
    %dma_start3A_58 = tpu.memref_squeeze %dma_start3A_57 : memref<1x128xi32, #tpu.memory_space<vmem>> -> memref<128xi32, #tpu.memory_space<vmem>>
    %dma_start3A_59 = arith.constant 0 : i32
    %dma_start3A_60 = arith.constant 0 : i32
    %dma_start3A_61 = tpu.memref_slice %arg5[%dma_start3A_59, %dma_start3A_60] : memref<10000x64xf32, #tpu.memory_space<hbm>> -> memref<10000x64xf32, #tpu.memory_space<hbm>>
    tpu.enqueue_indirect_dma source(%dma_start3A_61 : memref<10000x64xf32, #tpu.memory_space<hbm>>) target(%arg14 : memref<128x64xf32, #tpu.memory_space<vmem>>) offsets(%dma_start3A_58 : memref<128xi32, #tpu.memory_space<vmem>>) semaphore(%arg19 : memref<!tpu.dma_semaphore, #tpu.memory_space<semaphore_mem>>)
    %barrier3A_62 = arith.constant 0 : index
    tpu.barrier barrier_id(%barrier3A_62)
    %lt3A = arith.constant 15 : i32
    %lt3A_63 = arith.cmpi slt, %arg1, %lt3A : i32
    %convert_element_type3A = arith.extui %lt3A_63 : i1 to i32
    %cond3A = arith.constant 0 : i32
    %cond3A_64 = arith.cmpi ne, %convert_element_type3A, %cond3A : i32
    scf.if %cond3A_64 {
      %mul3A_90 = arith.constant 640 : i32
      %mul3A_91 = arith.muli %arg1, %mul3A_90 : i32
      "tpu.region"() ({
        %run_scoped3A = tpu.sem_alloc : memref<!tpu.dma_semaphore, #tpu.memory_space<semaphore_mem>>
        %dma_start3A_92 = arith.constant 0 : i32
        %dma_start3A_93 = tpu.memref_slice %arg7[%arg0, %mul3A_91, %dma_start3A_92] : memref<2x10000x64xf32, #tpu.memory_space<hbm>> -> memref<1x640x64xf32, #tpu.memory_space<hbm>>
        %dma_start3A_94 = tpu.memref_squeeze %dma_start3A_93 : memref<1x640x64xf32, #tpu.memory_space<hbm>> -> memref<640x64xf32, #tpu.memory_space<hbm>>
        %dma_start3A_95 = arith.constant 0 : i32
        %dma_start3A_96 = tpu.memref_slice %arg15[%mul3A_91, %dma_start3A_95] : memref<10112x64xf32, #tpu.memory_space<vmem_shared>> -> memref<640x64xf32, #tpu.memory_space<vmem_shared>>
        tpu.enqueue_dma source(%dma_start3A_96 : memref<640x64xf32, #tpu.memory_space<vmem_shared>>) target(%dma_start3A_94 : memref<640x64xf32, #tpu.memory_space<hbm>>) target_semaphore(%run_scoped3A : memref<!tpu.dma_semaphore, #tpu.memory_space<semaphore_mem>>)
        %dma_wait3A = arith.constant 0 : i32
        %dma_wait3A_97 = tpu.memref_slice %arg7[%arg0, %mul3A_91, %dma_wait3A] : memref<2x10000x64xf32, #tpu.memory_space<hbm>> -> memref<1x640x64xf32, #tpu.memory_space<hbm>>
        %dma_wait3A_98 = tpu.memref_squeeze %dma_wait3A_97 : memref<1x640x64xf32, #tpu.memory_space<hbm>> -> memref<640x64xf32, #tpu.memory_space<hbm>>
        %dma_wait3A_99 = arith.constant 0 : i32
        %dma_wait3A_100 = tpu.memref_slice %arg15[%mul3A_91, %dma_wait3A_99] : memref<10112x64xf32, #tpu.memory_space<vmem_shared>> -> memref<640x64xf32, #tpu.memory_space<vmem_shared>>
        tpu.wait_dma2 semaphore(%run_scoped3A : memref<!tpu.dma_semaphore, #tpu.memory_space<semaphore_mem>>) src(%dma_wait3A_100 : memref<640x64xf32, #tpu.memory_space<vmem_shared>>) dst(%dma_wait3A_98 : memref<640x64xf32, #tpu.memory_space<hbm>>)
        tpu.yield
      }) : () -> ()
    } else {
    }
    %eq3A = arith.constant 15 : i32
    %eq3A_65 = arith.cmpi eq, %arg1, %eq3A : i32
    %convert_element_type3A_66 = arith.extui %eq3A_65 : i1 to i32
    %cond3A_67 = arith.constant 0 : i32
    %cond3A_68 = arith.cmpi ne, %convert_element_type3A_66, %cond3A_67 : i32
    scf.if %cond3A_68 {
      "tpu.region"() ({
        %run_scoped3A = tpu.sem_alloc : memref<!tpu.dma_semaphore, #tpu.memory_space<semaphore_mem>>
        %dma_start3A_90 = arith.constant 9600 : i32
        %dma_start3A_91 = arith.constant 0 : i32
        %dma_start3A_92 = tpu.memref_slice %arg7[%arg0, %dma_start3A_90, %dma_start3A_91] : memref<2x10000x64xf32, #tpu.memory_space<hbm>> -> memref<1x400x64xf32, #tpu.memory_space<hbm>>
        %dma_start3A_93 = tpu.memref_squeeze %dma_start3A_92 : memref<1x400x64xf32, #tpu.memory_space<hbm>> -> memref<400x64xf32, #tpu.memory_space<hbm>>
        %dma_start3A_94 = arith.constant 9600 : i32
        %dma_start3A_95 = arith.constant 0 : i32
        %dma_start3A_96 = tpu.memref_slice %arg15[%dma_start3A_94, %dma_start3A_95] : memref<10112x64xf32, #tpu.memory_space<vmem_shared>> -> memref<400x64xf32, #tpu.memory_space<vmem_shared>>
        tpu.enqueue_dma source(%dma_start3A_96 : memref<400x64xf32, #tpu.memory_space<vmem_shared>>) target(%dma_start3A_93 : memref<400x64xf32, #tpu.memory_space<hbm>>) target_semaphore(%run_scoped3A : memref<!tpu.dma_semaphore, #tpu.memory_space<semaphore_mem>>)
        %dma_wait3A = arith.constant 9600 : i32
        %dma_wait3A_97 = arith.constant 0 : i32
        %dma_wait3A_98 = tpu.memref_slice %arg7[%arg0, %dma_wait3A, %dma_wait3A_97] : memref<2x10000x64xf32, #tpu.memory_space<hbm>> -> memref<1x400x64xf32, #tpu.memory_space<hbm>>
        %dma_wait3A_99 = tpu.memref_squeeze %dma_wait3A_98 : memref<1x400x64xf32, #tpu.memory_space<hbm>> -> memref<400x64xf32, #tpu.memory_space<hbm>>
        %dma_wait3A_100 = arith.constant 9600 : i32
        %dma_wait3A_101 = arith.constant 0 : i32
        %dma_wait3A_102 = tpu.memref_slice %arg15[%dma_wait3A_100, %dma_wait3A_101] : memref<10112x64xf32, #tpu.memory_space<vmem_shared>> -> memref<400x64xf32, #tpu.memory_space<vmem_shared>>
        tpu.wait_dma2 semaphore(%run_scoped3A : memref<!tpu.dma_semaphore, #tpu.memory_space<semaphore_mem>>) src(%dma_wait3A_102 : memref<400x64xf32, #tpu.memory_space<vmem_shared>>) dst(%dma_wait3A_99 : memref<400x64xf32, #tpu.memory_space<hbm>>)
        tpu.yield
      }) : () -> ()
    } else {
    }
    %barrier3A_69 = arith.constant 0 : index
    tpu.barrier barrier_id(%barrier3A_69)
    %mul3A_70 = arith.constant 632 : i32
    %mul3A_71 = arith.muli %arg1, %mul3A_70 : i32
    "tpu.region"() ({
      %run_scoped3A = tpu.sem_alloc : memref<!tpu.dma_semaphore, #tpu.memory_space<semaphore_mem>>
      %dma_start3A_90 = arith.constant 0 : i32
      %dma_start3A_91 = tpu.memref_slice %arg15[%mul3A_71, %dma_start3A_90] : memref<10112x64xf32, #tpu.memory_space<vmem_shared>> -> memref<632x64xf32, #tpu.memory_space<vmem_shared>>
      tpu.enqueue_dma source(%arg6 : memref<632x64xf32, #tpu.memory_space<hbm>>) target(%dma_start3A_91 : memref<632x64xf32, #tpu.memory_space<vmem_shared>>) target_semaphore(%run_scoped3A : memref<!tpu.dma_semaphore, #tpu.memory_space<semaphore_mem>>)
      %dma_wait3A = arith.constant 0 : i32
      %dma_wait3A_92 = tpu.memref_slice %arg15[%mul3A_71, %dma_wait3A] : memref<10112x64xf32, #tpu.memory_space<vmem_shared>> -> memref<632x64xf32, #tpu.memory_space<vmem_shared>>
      tpu.wait_dma2 semaphore(%run_scoped3A : memref<!tpu.dma_semaphore, #tpu.memory_space<semaphore_mem>>) src(%arg6 : memref<632x64xf32, #tpu.memory_space<hbm>>) dst(%dma_wait3A_92 : memref<632x64xf32, #tpu.memory_space<vmem_shared>>)
      tpu.yield
    }) : () -> ()
    %barrier3A_72 = arith.constant 0 : index
    tpu.barrier barrier_id(%barrier3A_72)
    %scan3A_73 = arith.constant 0 : i32
    %scan3A_74 = arith.constant 20 : i32
    %scan3A_75 = arith.addi %scan3A_73, %scan3A_74 : i32
    %scan3A_76 = arith.constant 1 : i32
    scf.for %scan3A_90 = %scan3A_73 to %scan3A_75 step %scan3A_76  : i32 {
      %mul3A_91 = arith.constant 4 : i32
      %mul3A_92 = arith.muli %scan3A_90, %mul3A_91 : i32
      %add3A_93 = arith.constant 0 : i32
      %add3A_94 = arith.addi %add3A_93, %mul3A_92 : i32
      %add3A_95 = arith.constant 0 : i32
      %add3A_96 = arith.addi %add3A_94, %add3A_95 : i32
      %dma_wait3A = arith.constant 0 : i32
      %dma_wait3A_97 = tpu.memref_slice %arg10[%add3A_96, %dma_wait3A] : memref<80x128xi32, #tpu.memory_space<vmem>> -> memref<1x128xi32, #tpu.memory_space<vmem>>
      %dma_wait3A_98 = tpu.memref_squeeze %dma_wait3A_97 : memref<1x128xi32, #tpu.memory_space<vmem>> -> memref<128xi32, #tpu.memory_space<vmem>>
      %dma_wait3A_99 = arith.constant 0 : i32
      %dma_wait3A_100 = arith.constant 0 : i32
      %dma_wait3A_101 = tpu.memref_slice %arg5[%dma_wait3A_99, %dma_wait3A_100] : memref<10000x64xf32, #tpu.memory_space<hbm>> -> memref<10000x64xf32, #tpu.memory_space<hbm>>
      tpu.wait_indirect_dma semaphore(%arg16 : memref<!tpu.dma_semaphore, #tpu.memory_space<semaphore_mem>>) src(%dma_wait3A_101 : memref<10000x64xf32, #tpu.memory_space<hbm>>) dst(%arg11 : memref<128x64xf32, #tpu.memory_space<vmem>>)
      "tpu.region"() ({
        %run_scoped3A = tpu.sem_alloc : memref<!tpu.dma_semaphore, #tpu.memory_space<semaphore_mem>>
        %dma_start3A_154 = arith.constant 0 : i32
        %dma_start3A_155 = tpu.memref_slice %arg9[%add3A_96, %dma_start3A_154] : memref<80x128xi32, #tpu.memory_space<vmem>> -> memref<1x128xi32, #tpu.memory_space<vmem>>
        %dma_start3A_156 = tpu.memref_squeeze %dma_start3A_155 : memref<1x128xi32, #tpu.memory_space<vmem>> -> memref<128xi32, #tpu.memory_space<vmem>>
        %dma_start3A_157 = arith.constant 0 : i32
        %dma_start3A_158 = arith.constant 0 : i32
        %dma_start3A_159 = tpu.memref_slice %arg15[%dma_start3A_157, %dma_start3A_158] : memref<10112x64xf32, #tpu.memory_space<vmem_shared>> -> memref<10112x64xf32, #tpu.memory_space<vmem_shared>>
        tpu.enqueue_indirect_dma source(%arg11 : memref<128x64xf32, #tpu.memory_space<vmem>>) target(%dma_start3A_159 : memref<10112x64xf32, #tpu.memory_space<vmem_shared>>) offsets(%dma_start3A_156 : memref<128xi32, #tpu.memory_space<vmem>>) semaphore(%run_scoped3A : memref<!tpu.dma_semaphore, #tpu.memory_space<semaphore_mem>>) {add = true}
        %dma_wait3A_160 = arith.constant 0 : i32
        %dma_wait3A_161 = tpu.memref_slice %arg9[%add3A_96, %dma_wait3A_160] : memref<80x128xi32, #tpu.memory_space<vmem>> -> memref<1x128xi32, #tpu.memory_space<vmem>>
        %dma_wait3A_162 = tpu.memref_squeeze %dma_wait3A_161 : memref<1x128xi32, #tpu.memory_space<vmem>> -> memref<128xi32, #tpu.memory_space<vmem>>
        %dma_wait3A_163 = arith.constant 0 : i32
        %dma_wait3A_164 = arith.constant 0 : i32
        %dma_wait3A_165 = tpu.memref_slice %arg15[%dma_wait3A_163, %dma_wait3A_164] : memref<10112x64xf32, #tpu.memory_space<vmem_shared>> -> memref<10112x64xf32, #tpu.memory_space<vmem_shared>>
        tpu.wait_indirect_dma semaphore(%run_scoped3A : memref<!tpu.dma_semaphore, #tpu.memory_space<semaphore_mem>>) src(%arg11 : memref<128x64xf32, #tpu.memory_space<vmem>>) dst(%dma_wait3A_165 : memref<10112x64xf32, #tpu.memory_space<vmem_shared>>)
        tpu.yield
      }) : () -> ()
      %add3A_102 = arith.constant 4 : i32
      %add3A_103 = arith.addi %add3A_96, %add3A_102 : i32
      %lt3A_104 = arith.constant 80 : i32
      %lt3A_105 = arith.cmpi slt, %add3A_103, %lt3A_104 : i32
      %convert_element_type3A_106 = arith.extui %lt3A_105 : i1 to i32
      %cond3A_107 = arith.constant 0 : i32
      %cond3A_108 = arith.cmpi ne, %convert_element_type3A_106, %cond3A_107 : i32
      scf.if %cond3A_108 {
        %add3A_154 = arith.constant 4 : i32
        %add3A_155 = arith.addi %add3A_96, %add3A_154 : i32
        %dma_start3A_156 = arith.constant 0 : i32
        %dma_start3A_157 = tpu.memref_slice %arg10[%add3A_155, %dma_start3A_156] : memref<80x128xi32, #tpu.memory_space<vmem>> -> memref<1x128xi32, #tpu.memory_space<vmem>>
        %dma_start3A_158 = tpu.memref_squeeze %dma_start3A_157 : memref<1x128xi32, #tpu.memory_space<vmem>> -> memref<128xi32, #tpu.memory_space<vmem>>
        %dma_start3A_159 = arith.constant 0 : i32
        %dma_start3A_160 = arith.constant 0 : i32
        %dma_start3A_161 = tpu.memref_slice %arg5[%dma_start3A_159, %dma_start3A_160] : memref<10000x64xf32, #tpu.memory_space<hbm>> -> memref<10000x64xf32, #tpu.memory_space<hbm>>
        tpu.enqueue_indirect_dma source(%dma_start3A_161 : memref<10000x64xf32, #tpu.memory_space<hbm>>) target(%arg11 : memref<128x64xf32, #tpu.memory_space<vmem>>) offsets(%dma_start3A_158 : memref<128xi32, #tpu.memory_space<vmem>>) semaphore(%arg16 : memref<!tpu.dma_semaphore, #tpu.memory_space<semaphore_mem>>)
      } else {
      }
      %add3A_109 = arith.constant 1 : i32
      %add3A_110 = arith.addi %add3A_94, %add3A_109 : i32
      %dma_wait3A_111 = arith.constant 0 : i32
      %dma_wait3A_112 = tpu.memref_slice %arg10[%add3A_110, %dma_wait3A_111] : memref<80x128xi32, #tpu.memory_space<vmem>> -> memref<1x128xi32, #tpu.memory_space<vmem>>
      %dma_wait3A_113 = tpu.memref_squeeze %dma_wait3A_112 : memref<1x128xi32, #tpu.memory_space<vmem>> -> memref<128xi32, #tpu.memory_space<vmem>>
      %dma_wait3A_114 = arith.constant 0 : i32
      %dma_wait3A_115 = arith.constant 0 : i32
      %dma_wait3A_116 = tpu.memref_slice %arg5[%dma_wait3A_114, %dma_wait3A_115] : memref<10000x64xf32, #tpu.memory_space<hbm>> -> memref<10000x64xf32, #tpu.memory_space<hbm>>
      tpu.wait_indirect_dma semaphore(%arg17 : memref<!tpu.dma_semaphore, #tpu.memory_space<semaphore_mem>>) src(%dma_wait3A_116 : memref<10000x64xf32, #tpu.memory_space<hbm>>) dst(%arg12 : memref<128x64xf32, #tpu.memory_space<vmem>>)
      "tpu.region"() ({
        %run_scoped3A = tpu.sem_alloc : memref<!tpu.dma_semaphore, #tpu.memory_space<semaphore_mem>>
        %dma_start3A_154 = arith.constant 0 : i32
        %dma_start3A_155 = tpu.memref_slice %arg9[%add3A_110, %dma_start3A_154] : memref<80x128xi32, #tpu.memory_space<vmem>> -> memref<1x128xi32, #tpu.memory_space<vmem>>
        %dma_start3A_156 = tpu.memref_squeeze %dma_start3A_155 : memref<1x128xi32, #tpu.memory_space<vmem>> -> memref<128xi32, #tpu.memory_space<vmem>>
        %dma_start3A_157 = arith.constant 0 : i32
        %dma_start3A_158 = arith.constant 0 : i32
        %dma_start3A_159 = tpu.memref_slice %arg15[%dma_start3A_157, %dma_start3A_158] : memref<10112x64xf32, #tpu.memory_space<vmem_shared>> -> memref<10112x64xf32, #tpu.memory_space<vmem_shared>>
        tpu.enqueue_indirect_dma source(%arg12 : memref<128x64xf32, #tpu.memory_space<vmem>>) target(%dma_start3A_159 : memref<10112x64xf32, #tpu.memory_space<vmem_shared>>) offsets(%dma_start3A_156 : memref<128xi32, #tpu.memory_space<vmem>>) semaphore(%run_scoped3A : memref<!tpu.dma_semaphore, #tpu.memory_space<semaphore_mem>>) {add = true}
        %dma_wait3A_160 = arith.constant 0 : i32
        %dma_wait3A_161 = tpu.memref_slice %arg9[%add3A_110, %dma_wait3A_160] : memref<80x128xi32, #tpu.memory_space<vmem>> -> memref<1x128xi32, #tpu.memory_space<vmem>>
        %dma_wait3A_162 = tpu.memref_squeeze %dma_wait3A_161 : memref<1x128xi32, #tpu.memory_space<vmem>> -> memref<128xi32, #tpu.memory_space<vmem>>
        %dma_wait3A_163 = arith.constant 0 : i32
        %dma_wait3A_164 = arith.constant 0 : i32
        %dma_wait3A_165 = tpu.memref_slice %arg15[%dma_wait3A_163, %dma_wait3A_164] : memref<10112x64xf32, #tpu.memory_space<vmem_shared>> -> memref<10112x64xf32, #tpu.memory_space<vmem_shared>>
        tpu.wait_indirect_dma semaphore(%run_scoped3A : memref<!tpu.dma_semaphore, #tpu.memory_space<semaphore_mem>>) src(%arg12 : memref<128x64xf32, #tpu.memory_space<vmem>>) dst(%dma_wait3A_165 : memref<10112x64xf32, #tpu.memory_space<vmem_shared>>)
        tpu.yield
      }) : () -> ()
      %add3A_117 = arith.constant 4 : i32
      %add3A_118 = arith.addi %add3A_110, %add3A_117 : i32
      %lt3A_119 = arith.constant 80 : i32
      %lt3A_120 = arith.cmpi slt, %add3A_118, %lt3A_119 : i32
      %convert_element_type3A_121 = arith.extui %lt3A_120 : i1 to i32
      %cond3A_122 = arith.constant 0 : i32
      %cond3A_123 = arith.cmpi ne, %convert_element_type3A_121, %cond3A_122 : i32
      scf.if %cond3A_123 {
        %add3A_154 = arith.constant 4 : i32
        %add3A_155 = arith.addi %add3A_110, %add3A_154 : i32
        %dma_start3A_156 = arith.constant 0 : i32
        %dma_start3A_157 = tpu.memref_slice %arg10[%add3A_155, %dma_start3A_156] : memref<80x128xi32, #tpu.memory_space<vmem>> -> memref<1x128xi32, #tpu.memory_space<vmem>>
        %dma_start3A_158 = tpu.memref_squeeze %dma_start3A_157 : memref<1x128xi32, #tpu.memory_space<vmem>> -> memref<128xi32, #tpu.memory_space<vmem>>
        %dma_start3A_159 = arith.constant 0 : i32
        %dma_start3A_160 = arith.constant 0 : i32
        %dma_start3A_161 = tpu.memref_slice %arg5[%dma_start3A_159, %dma_start3A_160] : memref<10000x64xf32, #tpu.memory_space<hbm>> -> memref<10000x64xf32, #tpu.memory_space<hbm>>
        tpu.enqueue_indirect_dma source(%dma_start3A_161 : memref<10000x64xf32, #tpu.memory_space<hbm>>) target(%arg12 : memref<128x64xf32, #tpu.memory_space<vmem>>) offsets(%dma_start3A_158 : memref<128xi32, #tpu.memory_space<vmem>>) semaphore(%arg17 : memref<!tpu.dma_semaphore, #tpu.memory_space<semaphore_mem>>)
      } else {
      }
      %add3A_124 = arith.constant 2 : i32
      %add3A_125 = arith.addi %add3A_94, %add3A_124 : i32
      %dma_wait3A_126 = arith.constant 0 : i32
      %dma_wait3A_127 = tpu.memref_slice %arg10[%add3A_125, %dma_wait3A_126] : memref<80x128xi32, #tpu.memory_space<vmem>> -> memref<1x128xi32, #tpu.memory_space<vmem>>
      %dma_wait3A_128 = tpu.memref_squeeze %dma_wait3A_127 : memref<1x128xi32, #tpu.memory_space<vmem>> -> memref<128xi32, #tpu.memory_space<vmem>>
      %dma_wait3A_129 = arith.constant 0 : i32
      %dma_wait3A_130 = arith.constant 0 : i32
      %dma_wait3A_131 = tpu.memref_slice %arg5[%dma_wait3A_129, %dma_wait3A_130] : memref<10000x64xf32, #tpu.memory_space<hbm>> -> memref<10000x64xf32, #tpu.memory_space<hbm>>
      tpu.wait_indirect_dma semaphore(%arg18 : memref<!tpu.dma_semaphore, #tpu.memory_space<semaphore_mem>>) src(%dma_wait3A_131 : memref<10000x64xf32, #tpu.memory_space<hbm>>) dst(%arg13 : memref<128x64xf32, #tpu.memory_space<vmem>>)
      "tpu.region"() ({
        %run_scoped3A = tpu.sem_alloc : memref<!tpu.dma_semaphore, #tpu.memory_space<semaphore_mem>>
        %dma_start3A_154 = arith.constant 0 : i32
        %dma_start3A_155 = tpu.memref_slice %arg9[%add3A_125, %dma_start3A_154] : memref<80x128xi32, #tpu.memory_space<vmem>> -> memref<1x128xi32, #tpu.memory_space<vmem>>
        %dma_start3A_156 = tpu.memref_squeeze %dma_start3A_155 : memref<1x128xi32, #tpu.memory_space<vmem>> -> memref<128xi32, #tpu.memory_space<vmem>>
        %dma_start3A_157 = arith.constant 0 : i32
        %dma_start3A_158 = arith.constant 0 : i32
        %dma_start3A_159 = tpu.memref_slice %arg15[%dma_start3A_157, %dma_start3A_158] : memref<10112x64xf32, #tpu.memory_space<vmem_shared>> -> memref<10112x64xf32, #tpu.memory_space<vmem_shared>>
        tpu.enqueue_indirect_dma source(%arg13 : memref<128x64xf32, #tpu.memory_space<vmem>>) target(%dma_start3A_159 : memref<10112x64xf32, #tpu.memory_space<vmem_shared>>) offsets(%dma_start3A_156 : memref<128xi32, #tpu.memory_space<vmem>>) semaphore(%run_scoped3A : memref<!tpu.dma_semaphore, #tpu.memory_space<semaphore_mem>>) {add = true}
        %dma_wait3A_160 = arith.constant 0 : i32
        %dma_wait3A_161 = tpu.memref_slice %arg9[%add3A_125, %dma_wait3A_160] : memref<80x128xi32, #tpu.memory_space<vmem>> -> memref<1x128xi32, #tpu.memory_space<vmem>>
        %dma_wait3A_162 = tpu.memref_squeeze %dma_wait3A_161 : memref<1x128xi32, #tpu.memory_space<vmem>> -> memref<128xi32, #tpu.memory_space<vmem>>
        %dma_wait3A_163 = arith.constant 0 : i32
        %dma_wait3A_164 = arith.constant 0 : i32
        %dma_wait3A_165 = tpu.memref_slice %arg15[%dma_wait3A_163, %dma_wait3A_164] : memref<10112x64xf32, #tpu.memory_space<vmem_shared>> -> memref<10112x64xf32, #tpu.memory_space<vmem_shared>>
        tpu.wait_indirect_dma semaphore(%run_scoped3A : memref<!tpu.dma_semaphore, #tpu.memory_space<semaphore_mem>>) src(%arg13 : memref<128x64xf32, #tpu.memory_space<vmem>>) dst(%dma_wait3A_165 : memref<10112x64xf32, #tpu.memory_space<vmem_shared>>)
        tpu.yield
      }) : () -> ()
      %add3A_132 = arith.constant 4 : i32
      %add3A_133 = arith.addi %add3A_125, %add3A_132 : i32
      %lt3A_134 = arith.constant 80 : i32
      %lt3A_135 = arith.cmpi slt, %add3A_133, %lt3A_134 : i32
      %convert_element_type3A_136 = arith.extui %lt3A_135 : i1 to i32
      %cond3A_137 = arith.constant 0 : i32
      %cond3A_138 = arith.cmpi ne, %convert_element_type3A_136, %cond3A_137 : i32
      scf.if %cond3A_138 {
        %add3A_154 = arith.constant 4 : i32
        %add3A_155 = arith.addi %add3A_125, %add3A_154 : i32
        %dma_start3A_156 = arith.constant 0 : i32
        %dma_start3A_157 = tpu.memref_slice %arg10[%add3A_155, %dma_start3A_156] : memref<80x128xi32, #tpu.memory_space<vmem>> -> memref<1x128xi32, #tpu.memory_space<vmem>>
        %dma_start3A_158 = tpu.memref_squeeze %dma_start3A_157 : memref<1x128xi32, #tpu.memory_space<vmem>> -> memref<128xi32, #tpu.memory_space<vmem>>
        %dma_start3A_159 = arith.constant 0 : i32
        %dma_start3A_160 = arith.constant 0 : i32
        %dma_start3A_161 = tpu.memref_slice %arg5[%dma_start3A_159, %dma_start3A_160] : memref<10000x64xf32, #tpu.memory_space<hbm>> -> memref<10000x64xf32, #tpu.memory_space<hbm>>
        tpu.enqueue_indirect_dma source(%dma_start3A_161 : memref<10000x64xf32, #tpu.memory_space<hbm>>) target(%arg13 : memref<128x64xf32, #tpu.memory_space<vmem>>) offsets(%dma_start3A_158 : memref<128xi32, #tpu.memory_space<vmem>>) semaphore(%arg18 : memref<!tpu.dma_semaphore, #tpu.memory_space<semaphore_mem>>)
      } else {
      }
      %add3A_139 = arith.constant 3 : i32
      %add3A_140 = arith.addi %add3A_94, %add3A_139 : i32
      %dma_wait3A_141 = arith.constant 0 : i32
      %dma_wait3A_142 = tpu.memref_slice %arg10[%add3A_140, %dma_wait3A_141] : memref<80x128xi32, #tpu.memory_space<vmem>> -> memref<1x128xi32, #tpu.memory_space<vmem>>
      %dma_wait3A_143 = tpu.memref_squeeze %dma_wait3A_142 : memref<1x128xi32, #tpu.memory_space<vmem>> -> memref<128xi32, #tpu.memory_space<vmem>>
      %dma_wait3A_144 = arith.constant 0 : i32
      %dma_wait3A_145 = arith.constant 0 : i32
      %dma_wait3A_146 = tpu.memref_slice %arg5[%dma_wait3A_144, %dma_wait3A_145] : memref<10000x64xf32, #tpu.memory_space<hbm>> -> memref<10000x64xf32, #tpu.memory_space<hbm>>
      tpu.wait_indirect_dma semaphore(%arg19 : memref<!tpu.dma_semaphore, #tpu.memory_space<semaphore_mem>>) src(%dma_wait3A_146 : memref<10000x64xf32, #tpu.memory_space<hbm>>) dst(%arg14 : memref<128x64xf32, #tpu.memory_space<vmem>>)
      "tpu.region"() ({
        %run_scoped3A = tpu.sem_alloc : memref<!tpu.dma_semaphore, #tpu.memory_space<semaphore_mem>>
        %dma_start3A_154 = arith.constant 0 : i32
        %dma_start3A_155 = tpu.memref_slice %arg9[%add3A_140, %dma_start3A_154] : memref<80x128xi32, #tpu.memory_space<vmem>> -> memref<1x128xi32, #tpu.memory_space<vmem>>
        %dma_start3A_156 = tpu.memref_squeeze %dma_start3A_155 : memref<1x128xi32, #tpu.memory_space<vmem>> -> memref<128xi32, #tpu.memory_space<vmem>>
        %dma_start3A_157 = arith.constant 0 : i32
        %dma_start3A_158 = arith.constant 0 : i32
        %dma_start3A_159 = tpu.memref_slice %arg15[%dma_start3A_157, %dma_start3A_158] : memref<10112x64xf32, #tpu.memory_space<vmem_shared>> -> memref<10112x64xf32, #tpu.memory_space<vmem_shared>>
        tpu.enqueue_indirect_dma source(%arg14 : memref<128x64xf32, #tpu.memory_space<vmem>>) target(%dma_start3A_159 : memref<10112x64xf32, #tpu.memory_space<vmem_shared>>) offsets(%dma_start3A_156 : memref<128xi32, #tpu.memory_space<vmem>>) semaphore(%run_scoped3A : memref<!tpu.dma_semaphore, #tpu.memory_space<semaphore_mem>>) {add = true}
        %dma_wait3A_160 = arith.constant 0 : i32
        %dma_wait3A_161 = tpu.memref_slice %arg9[%add3A_140, %dma_wait3A_160] : memref<80x128xi32, #tpu.memory_space<vmem>> -> memref<1x128xi32, #tpu.memory_space<vmem>>
        %dma_wait3A_162 = tpu.memref_squeeze %dma_wait3A_161 : memref<1x128xi32, #tpu.memory_space<vmem>> -> memref<128xi32, #tpu.memory_space<vmem>>
        %dma_wait3A_163 = arith.constant 0 : i32
        %dma_wait3A_164 = arith.constant 0 : i32
        %dma_wait3A_165 = tpu.memref_slice %arg15[%dma_wait3A_163, %dma_wait3A_164] : memref<10112x64xf32, #tpu.memory_space<vmem_shared>> -> memref<10112x64xf32, #tpu.memory_space<vmem_shared>>
        tpu.wait_indirect_dma semaphore(%run_scoped3A : memref<!tpu.dma_semaphore, #tpu.memory_space<semaphore_mem>>) src(%arg14 : memref<128x64xf32, #tpu.memory_space<vmem>>) dst(%dma_wait3A_165 : memref<10112x64xf32, #tpu.memory_space<vmem_shared>>)
        tpu.yield
      }) : () -> ()
      %add3A_147 = arith.constant 4 : i32
      %add3A_148 = arith.addi %add3A_140, %add3A_147 : i32
      %lt3A_149 = arith.constant 80 : i32
      %lt3A_150 = arith.cmpi slt, %add3A_148, %lt3A_149 : i32
      %convert_element_type3A_151 = arith.extui %lt3A_150 : i1 to i32
      %cond3A_152 = arith.constant 0 : i32
      %cond3A_153 = arith.cmpi ne, %convert_element_type3A_151, %cond3A_152 : i32
      scf.if %cond3A_153 {
        %add3A_154 = arith.constant 4 : i32
        %add3A_155 = arith.addi %add3A_140, %add3A_154 : i32
        %dma_start3A_156 = arith.constant 0 : i32
        %dma_start3A_157 = tpu.memref_slice %arg10[%add3A_155, %dma_start3A_156] : memref<80x128xi32, #tpu.memory_space<vmem>> -> memref<1x128xi32, #tpu.memory_space<vmem>>
        %dma_start3A_158 = tpu.memref_squeeze %dma_start3A_157 : memref<1x128xi32, #tpu.memory_space<vmem>> -> memref<128xi32, #tpu.memory_space<vmem>>
        %dma_start3A_159 = arith.constant 0 : i32
        %dma_start3A_160 = arith.constant 0 : i32
        %dma_start3A_161 = tpu.memref_slice %arg5[%dma_start3A_159, %dma_start3A_160] : memref<10000x64xf32, #tpu.memory_space<hbm>> -> memref<10000x64xf32, #tpu.memory_space<hbm>>
        tpu.enqueue_indirect_dma source(%dma_start3A_161 : memref<10000x64xf32, #tpu.memory_space<hbm>>) target(%arg14 : memref<128x64xf32, #tpu.memory_space<vmem>>) offsets(%dma_start3A_158 : memref<128xi32, #tpu.memory_space<vmem>>) semaphore(%arg19 : memref<!tpu.dma_semaphore, #tpu.memory_space<semaphore_mem>>)
      } else {
      }
    }
    %scan3A_77 = arith.constant 20 : i32
    %barrier3A_78 = arith.constant 0 : index
    tpu.barrier barrier_id(%barrier3A_78)
    %lt3A_79 = arith.constant 15 : i32
    %lt3A_80 = arith.cmpi slt, %arg1, %lt3A_79 : i32
    %convert_element_type3A_81 = arith.extui %lt3A_80 : i1 to i32
    %cond3A_82 = arith.constant 0 : i32
    %cond3A_83 = arith.cmpi ne, %convert_element_type3A_81, %cond3A_82 : i32
    scf.if %cond3A_83 {
      %mul3A_90 = arith.constant 640 : i32
      %mul3A_91 = arith.muli %arg1, %mul3A_90 : i32
      "tpu.region"() ({
        %run_scoped3A = tpu.sem_alloc : memref<!tpu.dma_semaphore, #tpu.memory_space<semaphore_mem>>
        %dma_start3A_92 = arith.constant 0 : i32
        %dma_start3A_93 = tpu.memref_slice %arg8[%arg0, %mul3A_91, %dma_start3A_92] : memref<2x10000x64xf32, #tpu.memory_space<hbm>> -> memref<1x640x64xf32, #tpu.memory_space<hbm>>
        %dma_start3A_94 = tpu.memref_squeeze %dma_start3A_93 : memref<1x640x64xf32, #tpu.memory_space<hbm>> -> memref<640x64xf32, #tpu.memory_space<hbm>>
        %dma_start3A_95 = arith.constant 0 : i32
        %dma_start3A_96 = tpu.memref_slice %arg15[%mul3A_91, %dma_start3A_95] : memref<10112x64xf32, #tpu.memory_space<vmem_shared>> -> memref<640x64xf32, #tpu.memory_space<vmem_shared>>
        tpu.enqueue_dma source(%dma_start3A_96 : memref<640x64xf32, #tpu.memory_space<vmem_shared>>) target(%dma_start3A_94 : memref<640x64xf32, #tpu.memory_space<hbm>>) target_semaphore(%run_scoped3A : memref<!tpu.dma_semaphore, #tpu.memory_space<semaphore_mem>>)
        %dma_wait3A = arith.constant 0 : i32
        %dma_wait3A_97 = tpu.memref_slice %arg8[%arg0, %mul3A_91, %dma_wait3A] : memref<2x10000x64xf32, #tpu.memory_space<hbm>> -> memref<1x640x64xf32, #tpu.memory_space<hbm>>
        %dma_wait3A_98 = tpu.memref_squeeze %dma_wait3A_97 : memref<1x640x64xf32, #tpu.memory_space<hbm>> -> memref<640x64xf32, #tpu.memory_space<hbm>>
        %dma_wait3A_99 = arith.constant 0 : i32
        %dma_wait3A_100 = tpu.memref_slice %arg15[%mul3A_91, %dma_wait3A_99] : memref<10112x64xf32, #tpu.memory_space<vmem_shared>> -> memref<640x64xf32, #tpu.memory_space<vmem_shared>>
        tpu.wait_dma2 semaphore(%run_scoped3A : memref<!tpu.dma_semaphore, #tpu.memory_space<semaphore_mem>>) src(%dma_wait3A_100 : memref<640x64xf32, #tpu.memory_space<vmem_shared>>) dst(%dma_wait3A_98 : memref<640x64xf32, #tpu.memory_space<hbm>>)
        tpu.yield
      }) : () -> ()
    } else {
    }
    %eq3A_84 = arith.constant 15 : i32
    %eq3A_85 = arith.cmpi eq, %arg1, %eq3A_84 : i32
    %convert_element_type3A_86 = arith.extui %eq3A_85 : i1 to i32
    %cond3A_87 = arith.constant 0 : i32
    %cond3A_88 = arith.cmpi ne, %convert_element_type3A_86, %cond3A_87 : i32
    scf.if %cond3A_88 {
      "tpu.region"() ({
        %run_scoped3A = tpu.sem_alloc : memref<!tpu.dma_semaphore, #tpu.memory_space<semaphore_mem>>
        %dma_start3A_90 = arith.constant 9600 : i32
        %dma_start3A_91 = arith.constant 0 : i32
        %dma_start3A_92 = tpu.memref_slice %arg8[%arg0, %dma_start3A_90, %dma_start3A_91] : memref<2x10000x64xf32, #tpu.memory_space<hbm>> -> memref<1x400x64xf32, #tpu.memory_space<hbm>>
        %dma_start3A_93 = tpu.memref_squeeze %dma_start3A_92 : memref<1x400x64xf32, #tpu.memory_space<hbm>> -> memref<400x64xf32, #tpu.memory_space<hbm>>
        %dma_start3A_94 = arith.constant 9600 : i32
        %dma_start3A_95 = arith.constant 0 : i32
        %dma_start3A_96 = tpu.memref_slice %arg15[%dma_start3A_94, %dma_start3A_95] : memref<10112x64xf32, #tpu.memory_space<vmem_shared>> -> memref<400x64xf32, #tpu.memory_space<vmem_shared>>
        tpu.enqueue_dma source(%dma_start3A_96 : memref<400x64xf32, #tpu.memory_space<vmem_shared>>) target(%dma_start3A_93 : memref<400x64xf32, #tpu.memory_space<hbm>>) target_semaphore(%run_scoped3A : memref<!tpu.dma_semaphore, #tpu.memory_space<semaphore_mem>>)
        %dma_wait3A = arith.constant 9600 : i32
        %dma_wait3A_97 = arith.constant 0 : i32
        %dma_wait3A_98 = tpu.memref_slice %arg8[%arg0, %dma_wait3A, %dma_wait3A_97] : memref<2x10000x64xf32, #tpu.memory_space<hbm>> -> memref<1x400x64xf32, #tpu.memory_space<hbm>>
        %dma_wait3A_99 = tpu.memref_squeeze %dma_wait3A_98 : memref<1x400x64xf32, #tpu.memory_space<hbm>> -> memref<400x64xf32, #tpu.memory_space<hbm>>
        %dma_wait3A_100 = arith.constant 9600 : i32
        %dma_wait3A_101 = arith.constant 0 : i32
        %dma_wait3A_102 = tpu.memref_slice %arg15[%dma_wait3A_100, %dma_wait3A_101] : memref<10112x64xf32, #tpu.memory_space<vmem_shared>> -> memref<400x64xf32, #tpu.memory_space<vmem_shared>>
        tpu.wait_dma2 semaphore(%run_scoped3A : memref<!tpu.dma_semaphore, #tpu.memory_space<semaphore_mem>>) src(%dma_wait3A_102 : memref<400x64xf32, #tpu.memory_space<vmem_shared>>) dst(%dma_wait3A_99 : memref<400x64xf32, #tpu.memory_space<hbm>>)
        tpu.yield
      }) : () -> ()
    } else {
    }
    %barrier3A_89 = arith.constant 0 : index
    tpu.barrier barrier_id(%barrier3A_89)
    return
  }
}

#map = affine_map<(d0, d1) -> (0, 0, 0)>
#map1 = affine_map<(d0, d1) -> (0, 0)>
module attributes {stable_mosaic.version = 14 : i64} {
  func.func @spmm_kernel(%arg0: i32, %arg1: i32, %arg2: memref<32x80x128xi32, #tpu.memory_space<hbm>>, %arg3: memref<32x80x128xi32, #tpu.memory_space<hbm>>, %arg4: memref<10000x64xf32, #tpu.memory_space<hbm>>, %arg5: memref<10000x64xf32, #tpu.memory_space<hbm>>, %arg6: memref<632x64xf32, #tpu.memory_space<hbm>>, %arg7: memref<2x10000x64xf32, #tpu.memory_space<hbm>>, %arg8: memref<2x10000x64xf32, #tpu.memory_space<hbm>>, %arg9: memref<80x128xi32, #tpu.memory_space<vmem>>, %arg10: memref<80x128xi32, #tpu.memory_space<vmem>>, %arg11: memref<128x64xf32, #tpu.memory_space<vmem>>, %arg12: memref<128x64xf32, #tpu.memory_space<vmem>>, %arg13: memref<128x64xf32, #tpu.memory_space<vmem>>, %arg14: memref<128x64xf32, #tpu.memory_space<vmem>>, %arg15: memref<10112x64xf32, #tpu.memory_space<vmem_shared>>, %arg16: memref<!tpu.dma_semaphore, #tpu.memory_space<semaphore_mem>>, %arg17: memref<!tpu.dma_semaphore, #tpu.memory_space<semaphore_mem>>, %arg18: memref<!tpu.dma_semaphore, #tpu.memory_space<semaphore_mem>>, %arg19: memref<!tpu.dma_semaphore, #tpu.memory_space<semaphore_mem>>) attributes {dimension_semantics = [#tpu.dimension_semantics<core_parallel>, #tpu.dimension_semantics<subcore_parallel>], iteration_bounds = array<i64: 2, 16>, scalar_prefetch = 0 : i64, scratch_operands = 11 : i64, tpu.core_type = #tpu.core_type<sc_vector_subcore>, window_params = [{transform_indices = #map}, {transform_indices = #map}, {transform_indices = #map1}, {transform_indices = #map1}, {transform_indices = #map1}, {transform_indices = #map}, {transform_indices = #map}]} {
    %mul3A = arith.constant 16 : i32
    %mul3A_0 = arith.muli %arg0, %mul3A : i32
    %add3A = arith.addi %mul3A_0, %arg1 : i32
    "tpu.region"() ({
      %run_scoped3A = tpu.sem_alloc : memref<!tpu.dma_semaphore, #tpu.memory_space<semaphore_mem>>
      %dma_start3A_90 = arith.constant 0 : i32
      %dma_start3A_91 = arith.constant 0 : i32
      %dma_start3A_92 = tpu.memref_slice %arg2[%add3A, %dma_start3A_90, %dma_start3A_91] : memref<32x80x128xi32, #tpu.memory_space<hbm>> -> memref<1x80x128xi32, #tpu.memory_space<hbm>>
      %dma_start3A_93 = tpu.memref_squeeze %dma_start3A_92 : memref<1x80x128xi32, #tpu.memory_space<hbm>> -> memref<80x128xi32, #tpu.memory_space<hbm>>
      %dma_start3A_94 = arith.constant 0 : i32
      %dma_start3A_95 = arith.constant 0 : i32
      %dma_start3A_96 = tpu.memref_slice %arg2[%add3A, %dma_start3A_94, %dma_start3A_95] : memref<32x80x128xi32, #tpu.memory_space<hbm>> -> memref<1x80x128xi32, #tpu.memory_space<hbm>>
      %dma_start3A_97 = tpu.memref_squeeze %dma_start3A_96 : memref<1x80x128xi32, #tpu.memory_space<hbm>> -> memref<80x128xi32, #tpu.memory_space<hbm>>
      tpu.enqueue_dma source(%dma_start3A_97 : memref<80x128xi32, #tpu.memory_space<hbm>>) target(%arg9 : memref<80x128xi32, #tpu.memory_space<vmem>>) target_semaphore(%run_scoped3A : memref<!tpu.dma_semaphore, #tpu.memory_space<semaphore_mem>>)
      %dma_wait3A = arith.constant 0 : i32
      %dma_wait3A_98 = arith.constant 0 : i32
      %dma_wait3A_99 = tpu.memref_slice %arg2[%add3A, %dma_wait3A, %dma_wait3A_98] : memref<32x80x128xi32, #tpu.memory_space<hbm>> -> memref<1x80x128xi32, #tpu.memory_space<hbm>>
      %dma_wait3A_100 = tpu.memref_squeeze %dma_wait3A_99 : memref<1x80x128xi32, #tpu.memory_space<hbm>> -> memref<80x128xi32, #tpu.memory_space<hbm>>
      %dma_wait3A_101 = arith.constant 0 : i32
      %dma_wait3A_102 = arith.constant 0 : i32
      %dma_wait3A_103 = tpu.memref_slice %arg2[%add3A, %dma_wait3A_101, %dma_wait3A_102] : memref<32x80x128xi32, #tpu.memory_space<hbm>> -> memref<1x80x128xi32, #tpu.memory_space<hbm>>
      %dma_wait3A_104 = tpu.memref_squeeze %dma_wait3A_103 : memref<1x80x128xi32, #tpu.memory_space<hbm>> -> memref<80x128xi32, #tpu.memory_space<hbm>>
      tpu.wait_dma2 semaphore(%run_scoped3A : memref<!tpu.dma_semaphore, #tpu.memory_space<semaphore_mem>>) src(%dma_wait3A_104 : memref<80x128xi32, #tpu.memory_space<hbm>>) dst(%arg9 : memref<80x128xi32, #tpu.memory_space<vmem>>)
      tpu.yield
    }) : () -> ()
    "tpu.region"() ({
      %run_scoped3A = tpu.sem_alloc : memref<!tpu.dma_semaphore, #tpu.memory_space<semaphore_mem>>
      %dma_start3A_90 = arith.constant 0 : i32
      %dma_start3A_91 = arith.constant 0 : i32
      %dma_start3A_92 = tpu.memref_slice %arg3[%add3A, %dma_start3A_90, %dma_start3A_91] : memref<32x80x128xi32, #tpu.memory_space<hbm>> -> memref<1x80x128xi32, #tpu.memory_space<hbm>>
      %dma_start3A_93 = tpu.memref_squeeze %dma_start3A_92 : memref<1x80x128xi32, #tpu.memory_space<hbm>> -> memref<80x128xi32, #tpu.memory_space<hbm>>
      %dma_start3A_94 = arith.constant 0 : i32
      %dma_start3A_95 = arith.constant 0 : i32
      %dma_start3A_96 = tpu.memref_slice %arg3[%add3A, %dma_start3A_94, %dma_start3A_95] : memref<32x80x128xi32, #tpu.memory_space<hbm>> -> memref<1x80x128xi32, #tpu.memory_space<hbm>>
      %dma_start3A_97 = tpu.memref_squeeze %dma_start3A_96 : memref<1x80x128xi32, #tpu.memory_space<hbm>> -> memref<80x128xi32, #tpu.memory_space<hbm>>
      tpu.enqueue_dma source(%dma_start3A_97 : memref<80x128xi32, #tpu.memory_space<hbm>>) target(%arg10 : memref<80x128xi32, #tpu.memory_space<vmem>>) target_semaphore(%run_scoped3A : memref<!tpu.dma_semaphore, #tpu.memory_space<semaphore_mem>>)
      %dma_wait3A = arith.constant 0 : i32
      %dma_wait3A_98 = arith.constant 0 : i32
      %dma_wait3A_99 = tpu.memref_slice %arg3[%add3A, %dma_wait3A, %dma_wait3A_98] : memref<32x80x128xi32, #tpu.memory_space<hbm>> -> memref<1x80x128xi32, #tpu.memory_space<hbm>>
      %dma_wait3A_100 = tpu.memref_squeeze %dma_wait3A_99 : memref<1x80x128xi32, #tpu.memory_space<hbm>> -> memref<80x128xi32, #tpu.memory_space<hbm>>
      %dma_wait3A_101 = arith.constant 0 : i32
      %dma_wait3A_102 = arith.constant 0 : i32
      %dma_wait3A_103 = tpu.memref_slice %arg3[%add3A, %dma_wait3A_101, %dma_wait3A_102] : memref<32x80x128xi32, #tpu.memory_space<hbm>> -> memref<1x80x128xi32, #tpu.memory_space<hbm>>
      %dma_wait3A_104 = tpu.memref_squeeze %dma_wait3A_103 : memref<1x80x128xi32, #tpu.memory_space<hbm>> -> memref<80x128xi32, #tpu.memory_space<hbm>>
      tpu.wait_dma2 semaphore(%run_scoped3A : memref<!tpu.dma_semaphore, #tpu.memory_space<semaphore_mem>>) src(%dma_wait3A_104 : memref<80x128xi32, #tpu.memory_space<hbm>>) dst(%arg10 : memref<80x128xi32, #tpu.memory_space<vmem>>)
      tpu.yield
    }) : () -> ()
    %dma_start3A = arith.constant 0 : i32
    %dma_start3A_1 = arith.constant 0 : i32
    %dma_start3A_2 = tpu.memref_slice %arg10[%dma_start3A, %dma_start3A_1] : memref<80x128xi32, #tpu.memory_space<vmem>> -> memref<1x128xi32, #tpu.memory_space<vmem>>
    %dma_start3A_3 = tpu.memref_squeeze %dma_start3A_2 : memref<1x128xi32, #tpu.memory_space<vmem>> -> memref<128xi32, #tpu.memory_space<vmem>>
    %dma_start3A_4 = arith.constant 0 : i32
    %dma_start3A_5 = arith.constant 0 : i32
    %dma_start3A_6 = tpu.memref_slice %arg4[%dma_start3A_4, %dma_start3A_5] : memref<10000x64xf32, #tpu.memory_space<hbm>> -> memref<10000x64xf32, #tpu.memory_space<hbm>>
    tpu.enqueue_indirect_dma source(%dma_start3A_6 : memref<10000x64xf32, #tpu.memory_space<hbm>>) target(%arg11 : memref<128x64xf32, #tpu.memory_space<vmem>>) offsets(%dma_start3A_3 : memref<128xi32, #tpu.memory_space<vmem>>) semaphore(%arg16 : memref<!tpu.dma_semaphore, #tpu.memory_space<semaphore_mem>>)
    %dma_start3A_7 = arith.constant 1 : i32
    %dma_start3A_8 = arith.constant 0 : i32
    %dma_start3A_9 = tpu.memref_slice %arg10[%dma_start3A_7, %dma_start3A_8] : memref<80x128xi32, #tpu.memory_space<vmem>> -> memref<1x128xi32, #tpu.memory_space<vmem>>
    %dma_start3A_10 = tpu.memref_squeeze %dma_start3A_9 : memref<1x128xi32, #tpu.memory_space<vmem>> -> memref<128xi32, #tpu.memory_space<vmem>>
    %dma_start3A_11 = arith.constant 0 : i32
    %dma_start3A_12 = arith.constant 0 : i32
    %dma_start3A_13 = tpu.memref_slice %arg4[%dma_start3A_11, %dma_start3A_12] : memref<10000x64xf32, #tpu.memory_space<hbm>> -> memref<10000x64xf32, #tpu.memory_space<hbm>>
    tpu.enqueue_indirect_dma source(%dma_start3A_13 : memref<10000x64xf32, #tpu.memory_space<hbm>>) target(%arg12 : memref<128x64xf32, #tpu.memory_space<vmem>>) offsets(%dma_start3A_10 : memref<128xi32, #tpu.memory_space<vmem>>) semaphore(%arg17 : memref<!tpu.dma_semaphore, #tpu.memory_space<semaphore_mem>>)
    %dma_start3A_14 = arith.constant 2 : i32
    %dma_start3A_15 = arith.constant 0 : i32
    %dma_start3A_16 = tpu.memref_slice %arg10[%dma_start3A_14, %dma_start3A_15] : memref<80x128xi32, #tpu.memory_space<vmem>> -> memref<1x128xi32, #tpu.memory_space<vmem>>
    %dma_start3A_17 = tpu.memref_squeeze %dma_start3A_16 : memref<1x128xi32, #tpu.memory_space<vmem>> -> memref<128xi32, #tpu.memory_space<vmem>>
    %dma_start3A_18 = arith.constant 0 : i32
    %dma_start3A_19 = arith.constant 0 : i32
    %dma_start3A_20 = tpu.memref_slice %arg4[%dma_start3A_18, %dma_start3A_19] : memref<10000x64xf32, #tpu.memory_space<hbm>> -> memref<10000x64xf32, #tpu.memory_space<hbm>>
    tpu.enqueue_indirect_dma source(%dma_start3A_20 : memref<10000x64xf32, #tpu.memory_space<hbm>>) target(%arg13 : memref<128x64xf32, #tpu.memory_space<vmem>>) offsets(%dma_start3A_17 : memref<128xi32, #tpu.memory_space<vmem>>) semaphore(%arg18 : memref<!tpu.dma_semaphore, #tpu.memory_space<semaphore_mem>>)
    %dma_start3A_21 = arith.constant 3 : i32
    %dma_start3A_22 = arith.constant 0 : i32
    %dma_start3A_23 = tpu.memref_slice %arg10[%dma_start3A_21, %dma_start3A_22] : memref<80x128xi32, #tpu.memory_space<vmem>> -> memref<1x128xi32, #tpu.memory_space<vmem>>
    %dma_start3A_24 = tpu.memref_squeeze %dma_start3A_23 : memref<1x128xi32, #tpu.memory_space<vmem>> -> memref<128xi32, #tpu.memory_space<vmem>>
    %dma_start3A_25 = arith.constant 0 : i32
    %dma_start3A_26 = arith.constant 0 : i32
    %dma_start3A_27 = tpu.memref_slice %arg4[%dma_start3A_25, %dma_start3A_26] : memref<10000x64xf32, #tpu.memory_space<hbm>> -> memref<10000x64xf32, #tpu.memory_space<hbm>>
    tpu.enqueue_indirect_dma source(%dma_start3A_27 : memref<10000x64xf32, #tpu.memory_space<hbm>>) target(%arg14 : memref<128x64xf32, #tpu.memory_space<vmem>>) offsets(%dma_start3A_24 : memref<128xi32, #tpu.memory_space<vmem>>) semaphore(%arg19 : memref<!tpu.dma_semaphore, #tpu.memory_space<semaphore_mem>>)
    %mul3A_28 = arith.constant 632 : i32
    %mul3A_29 = arith.muli %arg1, %mul3A_28 : i32
    "tpu.region"() ({
      %run_scoped3A = tpu.sem_alloc : memref<!tpu.dma_semaphore, #tpu.memory_space<semaphore_mem>>
      %dma_start3A_90 = arith.constant 0 : i32
      %dma_start3A_91 = tpu.memref_slice %arg15[%mul3A_29, %dma_start3A_90] : memref<10112x64xf32, #tpu.memory_space<vmem_shared>> -> memref<632x64xf32, #tpu.memory_space<vmem_shared>>
      tpu.enqueue_dma source(%arg6 : memref<632x64xf32, #tpu.memory_space<hbm>>) target(%dma_start3A_91 : memref<632x64xf32, #tpu.memory_space<vmem_shared>>) target_semaphore(%run_scoped3A : memref<!tpu.dma_semaphore, #tpu.memory_space<semaphore_mem>>)
      %dma_wait3A = arith.constant 0 : i32
      %dma_wait3A_92 = tpu.memref_slice %arg15[%mul3A_29, %dma_wait3A] : memref<10112x64xf32, #tpu.memory_space<vmem_shared>> -> memref<632x64xf32, #tpu.memory_space<vmem_shared>>
      tpu.wait_dma2 semaphore(%run_scoped3A : memref<!tpu.dma_semaphore, #tpu.memory_space<semaphore_mem>>) src(%arg6 : memref<632x64xf32, #tpu.memory_space<hbm>>) dst(%dma_wait3A_92 : memref<632x64xf32, #tpu.memory_space<vmem_shared>>)
      tpu.yield
    }) : () -> ()
    %barrier3A = arith.constant 0 : index
    tpu.barrier barrier_id(%barrier3A)
    %scan3A = arith.constant 0 : i32
    %scan3A_30 = arith.constant 20 : i32
    %scan3A_31 = arith.addi %scan3A, %scan3A_30 : i32
    %scan3A_32 = arith.constant 1 : i32
    scf.for %scan3A_90 = %scan3A to %scan3A_31 step %scan3A_32  : i32 {
      %mul3A_91 = arith.constant 4 : i32
      %mul3A_92 = arith.muli %scan3A_90, %mul3A_91 : i32
      %add3A_93 = arith.constant 0 : i32
      %add3A_94 = arith.addi %add3A_93, %mul3A_92 : i32
      %add3A_95 = arith.constant 0 : i32
      %add3A_96 = arith.addi %add3A_94, %add3A_95 : i32
      %dma_wait3A = arith.constant 0 : i32
      %dma_wait3A_97 = tpu.memref_slice %arg10[%add3A_96, %dma_wait3A] : memref<80x128xi32, #tpu.memory_space<vmem>> -> memref<1x128xi32, #tpu.memory_space<vmem>>
      %dma_wait3A_98 = tpu.memref_squeeze %dma_wait3A_97 : memref<1x128xi32, #tpu.memory_space<vmem>> -> memref<128xi32, #tpu.memory_space<vmem>>
      %dma_wait3A_99 = arith.constant 0 : i32
      %dma_wait3A_100 = arith.constant 0 : i32
      %dma_wait3A_101 = tpu.memref_slice %arg4[%dma_wait3A_99, %dma_wait3A_100] : memref<10000x64xf32, #tpu.memory_space<hbm>> -> memref<10000x64xf32, #tpu.memory_space<hbm>>
      tpu.wait_indirect_dma semaphore(%arg16 : memref<!tpu.dma_semaphore, #tpu.memory_space<semaphore_mem>>) src(%dma_wait3A_101 : memref<10000x64xf32, #tpu.memory_space<hbm>>) dst(%arg11 : memref<128x64xf32, #tpu.memory_space<vmem>>)
      "tpu.region"() ({
        %run_scoped3A = tpu.sem_alloc : memref<!tpu.dma_semaphore, #tpu.memory_space<semaphore_mem>>
        %dma_start3A_154 = arith.constant 0 : i32
        %dma_start3A_155 = tpu.memref_slice %arg9[%add3A_96, %dma_start3A_154] : memref<80x128xi32, #tpu.memory_space<vmem>> -> memref<1x128xi32, #tpu.memory_space<vmem>>
        %dma_start3A_156 = tpu.memref_squeeze %dma_start3A_155 : memref<1x128xi32, #tpu.memory_space<vmem>> -> memref<128xi32, #tpu.memory_space<vmem>>
        %dma_start3A_157 = arith.constant 0 : i32
        %dma_start3A_158 = arith.constant 0 : i32
        %dma_start3A_159 = tpu.memref_slice %arg15[%dma_start3A_157, %dma_start3A_158] : memref<10112x64xf32, #tpu.memory_space<vmem_shared>> -> memref<10112x64xf32, #tpu.memory_space<vmem_shared>>
        tpu.enqueue_indirect_dma source(%arg11 : memref<128x64xf32, #tpu.memory_space<vmem>>) target(%dma_start3A_159 : memref<10112x64xf32, #tpu.memory_space<vmem_shared>>) offsets(%dma_start3A_156 : memref<128xi32, #tpu.memory_space<vmem>>) semaphore(%run_scoped3A : memref<!tpu.dma_semaphore, #tpu.memory_space<semaphore_mem>>) {add = true}
        %dma_wait3A_160 = arith.constant 0 : i32
        %dma_wait3A_161 = tpu.memref_slice %arg9[%add3A_96, %dma_wait3A_160] : memref<80x128xi32, #tpu.memory_space<vmem>> -> memref<1x128xi32, #tpu.memory_space<vmem>>
        %dma_wait3A_162 = tpu.memref_squeeze %dma_wait3A_161 : memref<1x128xi32, #tpu.memory_space<vmem>> -> memref<128xi32, #tpu.memory_space<vmem>>
        %dma_wait3A_163 = arith.constant 0 : i32
        %dma_wait3A_164 = arith.constant 0 : i32
        %dma_wait3A_165 = tpu.memref_slice %arg15[%dma_wait3A_163, %dma_wait3A_164] : memref<10112x64xf32, #tpu.memory_space<vmem_shared>> -> memref<10112x64xf32, #tpu.memory_space<vmem_shared>>
        tpu.wait_indirect_dma semaphore(%run_scoped3A : memref<!tpu.dma_semaphore, #tpu.memory_space<semaphore_mem>>) src(%arg11 : memref<128x64xf32, #tpu.memory_space<vmem>>) dst(%dma_wait3A_165 : memref<10112x64xf32, #tpu.memory_space<vmem_shared>>)
        tpu.yield
      }) : () -> ()
      %add3A_102 = arith.constant 4 : i32
      %add3A_103 = arith.addi %add3A_96, %add3A_102 : i32
      %lt3A_104 = arith.constant 80 : i32
      %lt3A_105 = arith.cmpi slt, %add3A_103, %lt3A_104 : i32
      %convert_element_type3A_106 = arith.extui %lt3A_105 : i1 to i32
      %cond3A_107 = arith.constant 0 : i32
      %cond3A_108 = arith.cmpi ne, %convert_element_type3A_106, %cond3A_107 : i32
      scf.if %cond3A_108 {
        %add3A_154 = arith.constant 4 : i32
        %add3A_155 = arith.addi %add3A_96, %add3A_154 : i32
        %dma_start3A_156 = arith.constant 0 : i32
        %dma_start3A_157 = tpu.memref_slice %arg10[%add3A_155, %dma_start3A_156] : memref<80x128xi32, #tpu.memory_space<vmem>> -> memref<1x128xi32, #tpu.memory_space<vmem>>
        %dma_start3A_158 = tpu.memref_squeeze %dma_start3A_157 : memref<1x128xi32, #tpu.memory_space<vmem>> -> memref<128xi32, #tpu.memory_space<vmem>>
        %dma_start3A_159 = arith.constant 0 : i32
        %dma_start3A_160 = arith.constant 0 : i32
        %dma_start3A_161 = tpu.memref_slice %arg4[%dma_start3A_159, %dma_start3A_160] : memref<10000x64xf32, #tpu.memory_space<hbm>> -> memref<10000x64xf32, #tpu.memory_space<hbm>>
        tpu.enqueue_indirect_dma source(%dma_start3A_161 : memref<10000x64xf32, #tpu.memory_space<hbm>>) target(%arg11 : memref<128x64xf32, #tpu.memory_space<vmem>>) offsets(%dma_start3A_158 : memref<128xi32, #tpu.memory_space<vmem>>) semaphore(%arg16 : memref<!tpu.dma_semaphore, #tpu.memory_space<semaphore_mem>>)
      } else {
      }
      %add3A_109 = arith.constant 1 : i32
      %add3A_110 = arith.addi %add3A_94, %add3A_109 : i32
      %dma_wait3A_111 = arith.constant 0 : i32
      %dma_wait3A_112 = tpu.memref_slice %arg10[%add3A_110, %dma_wait3A_111] : memref<80x128xi32, #tpu.memory_space<vmem>> -> memref<1x128xi32, #tpu.memory_space<vmem>>
      %dma_wait3A_113 = tpu.memref_squeeze %dma_wait3A_112 : memref<1x128xi32, #tpu.memory_space<vmem>> -> memref<128xi32, #tpu.memory_space<vmem>>
      %dma_wait3A_114 = arith.constant 0 : i32
      %dma_wait3A_115 = arith.constant 0 : i32
      %dma_wait3A_116 = tpu.memref_slice %arg4[%dma_wait3A_114, %dma_wait3A_115] : memref<10000x64xf32, #tpu.memory_space<hbm>> -> memref<10000x64xf32, #tpu.memory_space<hbm>>
      tpu.wait_indirect_dma semaphore(%arg17 : memref<!tpu.dma_semaphore, #tpu.memory_space<semaphore_mem>>) src(%dma_wait3A_116 : memref<10000x64xf32, #tpu.memory_space<hbm>>) dst(%arg12 : memref<128x64xf32, #tpu.memory_space<vmem>>)
      "tpu.region"() ({
        %run_scoped3A = tpu.sem_alloc : memref<!tpu.dma_semaphore, #tpu.memory_space<semaphore_mem>>
        %dma_start3A_154 = arith.constant 0 : i32
        %dma_start3A_155 = tpu.memref_slice %arg9[%add3A_110, %dma_start3A_154] : memref<80x128xi32, #tpu.memory_space<vmem>> -> memref<1x128xi32, #tpu.memory_space<vmem>>
        %dma_start3A_156 = tpu.memref_squeeze %dma_start3A_155 : memref<1x128xi32, #tpu.memory_space<vmem>> -> memref<128xi32, #tpu.memory_space<vmem>>
        %dma_start3A_157 = arith.constant 0 : i32
        %dma_start3A_158 = arith.constant 0 : i32
        %dma_start3A_159 = tpu.memref_slice %arg15[%dma_start3A_157, %dma_start3A_158] : memref<10112x64xf32, #tpu.memory_space<vmem_shared>> -> memref<10112x64xf32, #tpu.memory_space<vmem_shared>>
        tpu.enqueue_indirect_dma source(%arg12 : memref<128x64xf32, #tpu.memory_space<vmem>>) target(%dma_start3A_159 : memref<10112x64xf32, #tpu.memory_space<vmem_shared>>) offsets(%dma_start3A_156 : memref<128xi32, #tpu.memory_space<vmem>>) semaphore(%run_scoped3A : memref<!tpu.dma_semaphore, #tpu.memory_space<semaphore_mem>>) {add = true}
        %dma_wait3A_160 = arith.constant 0 : i32
        %dma_wait3A_161 = tpu.memref_slice %arg9[%add3A_110, %dma_wait3A_160] : memref<80x128xi32, #tpu.memory_space<vmem>> -> memref<1x128xi32, #tpu.memory_space<vmem>>
        %dma_wait3A_162 = tpu.memref_squeeze %dma_wait3A_161 : memref<1x128xi32, #tpu.memory_space<vmem>> -> memref<128xi32, #tpu.memory_space<vmem>>
        %dma_wait3A_163 = arith.constant 0 : i32
        %dma_wait3A_164 = arith.constant 0 : i32
        %dma_wait3A_165 = tpu.memref_slice %arg15[%dma_wait3A_163, %dma_wait3A_164] : memref<10112x64xf32, #tpu.memory_space<vmem_shared>> -> memref<10112x64xf32, #tpu.memory_space<vmem_shared>>
        tpu.wait_indirect_dma semaphore(%run_scoped3A : memref<!tpu.dma_semaphore, #tpu.memory_space<semaphore_mem>>) src(%arg12 : memref<128x64xf32, #tpu.memory_space<vmem>>) dst(%dma_wait3A_165 : memref<10112x64xf32, #tpu.memory_space<vmem_shared>>)
        tpu.yield
      }) : () -> ()
      %add3A_117 = arith.constant 4 : i32
      %add3A_118 = arith.addi %add3A_110, %add3A_117 : i32
      %lt3A_119 = arith.constant 80 : i32
      %lt3A_120 = arith.cmpi slt, %add3A_118, %lt3A_119 : i32
      %convert_element_type3A_121 = arith.extui %lt3A_120 : i1 to i32
      %cond3A_122 = arith.constant 0 : i32
      %cond3A_123 = arith.cmpi ne, %convert_element_type3A_121, %cond3A_122 : i32
      scf.if %cond3A_123 {
        %add3A_154 = arith.constant 4 : i32
        %add3A_155 = arith.addi %add3A_110, %add3A_154 : i32
        %dma_start3A_156 = arith.constant 0 : i32
        %dma_start3A_157 = tpu.memref_slice %arg10[%add3A_155, %dma_start3A_156] : memref<80x128xi32, #tpu.memory_space<vmem>> -> memref<1x128xi32, #tpu.memory_space<vmem>>
        %dma_start3A_158 = tpu.memref_squeeze %dma_start3A_157 : memref<1x128xi32, #tpu.memory_space<vmem>> -> memref<128xi32, #tpu.memory_space<vmem>>
        %dma_start3A_159 = arith.constant 0 : i32
        %dma_start3A_160 = arith.constant 0 : i32
        %dma_start3A_161 = tpu.memref_slice %arg4[%dma_start3A_159, %dma_start3A_160] : memref<10000x64xf32, #tpu.memory_space<hbm>> -> memref<10000x64xf32, #tpu.memory_space<hbm>>
        tpu.enqueue_indirect_dma source(%dma_start3A_161 : memref<10000x64xf32, #tpu.memory_space<hbm>>) target(%arg12 : memref<128x64xf32, #tpu.memory_space<vmem>>) offsets(%dma_start3A_158 : memref<128xi32, #tpu.memory_space<vmem>>) semaphore(%arg17 : memref<!tpu.dma_semaphore, #tpu.memory_space<semaphore_mem>>)
      } else {
      }
      %add3A_124 = arith.constant 2 : i32
      %add3A_125 = arith.addi %add3A_94, %add3A_124 : i32
      %dma_wait3A_126 = arith.constant 0 : i32
      %dma_wait3A_127 = tpu.memref_slice %arg10[%add3A_125, %dma_wait3A_126] : memref<80x128xi32, #tpu.memory_space<vmem>> -> memref<1x128xi32, #tpu.memory_space<vmem>>
      %dma_wait3A_128 = tpu.memref_squeeze %dma_wait3A_127 : memref<1x128xi32, #tpu.memory_space<vmem>> -> memref<128xi32, #tpu.memory_space<vmem>>
      %dma_wait3A_129 = arith.constant 0 : i32
      %dma_wait3A_130 = arith.constant 0 : i32
      %dma_wait3A_131 = tpu.memref_slice %arg4[%dma_wait3A_129, %dma_wait3A_130] : memref<10000x64xf32, #tpu.memory_space<hbm>> -> memref<10000x64xf32, #tpu.memory_space<hbm>>
      tpu.wait_indirect_dma semaphore(%arg18 : memref<!tpu.dma_semaphore, #tpu.memory_space<semaphore_mem>>) src(%dma_wait3A_131 : memref<10000x64xf32, #tpu.memory_space<hbm>>) dst(%arg13 : memref<128x64xf32, #tpu.memory_space<vmem>>)
      "tpu.region"() ({
        %run_scoped3A = tpu.sem_alloc : memref<!tpu.dma_semaphore, #tpu.memory_space<semaphore_mem>>
        %dma_start3A_154 = arith.constant 0 : i32
        %dma_start3A_155 = tpu.memref_slice %arg9[%add3A_125, %dma_start3A_154] : memref<80x128xi32, #tpu.memory_space<vmem>> -> memref<1x128xi32, #tpu.memory_space<vmem>>
        %dma_start3A_156 = tpu.memref_squeeze %dma_start3A_155 : memref<1x128xi32, #tpu.memory_space<vmem>> -> memref<128xi32, #tpu.memory_space<vmem>>
        %dma_start3A_157 = arith.constant 0 : i32
        %dma_start3A_158 = arith.constant 0 : i32
        %dma_start3A_159 = tpu.memref_slice %arg15[%dma_start3A_157, %dma_start3A_158] : memref<10112x64xf32, #tpu.memory_space<vmem_shared>> -> memref<10112x64xf32, #tpu.memory_space<vmem_shared>>
        tpu.enqueue_indirect_dma source(%arg13 : memref<128x64xf32, #tpu.memory_space<vmem>>) target(%dma_start3A_159 : memref<10112x64xf32, #tpu.memory_space<vmem_shared>>) offsets(%dma_start3A_156 : memref<128xi32, #tpu.memory_space<vmem>>) semaphore(%run_scoped3A : memref<!tpu.dma_semaphore, #tpu.memory_space<semaphore_mem>>) {add = true}
        %dma_wait3A_160 = arith.constant 0 : i32
        %dma_wait3A_161 = tpu.memref_slice %arg9[%add3A_125, %dma_wait3A_160] : memref<80x128xi32, #tpu.memory_space<vmem>> -> memref<1x128xi32, #tpu.memory_space<vmem>>
        %dma_wait3A_162 = tpu.memref_squeeze %dma_wait3A_161 : memref<1x128xi32, #tpu.memory_space<vmem>> -> memref<128xi32, #tpu.memory_space<vmem>>
        %dma_wait3A_163 = arith.constant 0 : i32
        %dma_wait3A_164 = arith.constant 0 : i32
        %dma_wait3A_165 = tpu.memref_slice %arg15[%dma_wait3A_163, %dma_wait3A_164] : memref<10112x64xf32, #tpu.memory_space<vmem_shared>> -> memref<10112x64xf32, #tpu.memory_space<vmem_shared>>
        tpu.wait_indirect_dma semaphore(%run_scoped3A : memref<!tpu.dma_semaphore, #tpu.memory_space<semaphore_mem>>) src(%arg13 : memref<128x64xf32, #tpu.memory_space<vmem>>) dst(%dma_wait3A_165 : memref<10112x64xf32, #tpu.memory_space<vmem_shared>>)
        tpu.yield
      }) : () -> ()
      %add3A_132 = arith.constant 4 : i32
      %add3A_133 = arith.addi %add3A_125, %add3A_132 : i32
      %lt3A_134 = arith.constant 80 : i32
      %lt3A_135 = arith.cmpi slt, %add3A_133, %lt3A_134 : i32
      %convert_element_type3A_136 = arith.extui %lt3A_135 : i1 to i32
      %cond3A_137 = arith.constant 0 : i32
      %cond3A_138 = arith.cmpi ne, %convert_element_type3A_136, %cond3A_137 : i32
      scf.if %cond3A_138 {
        %add3A_154 = arith.constant 4 : i32
        %add3A_155 = arith.addi %add3A_125, %add3A_154 : i32
        %dma_start3A_156 = arith.constant 0 : i32
        %dma_start3A_157 = tpu.memref_slice %arg10[%add3A_155, %dma_start3A_156] : memref<80x128xi32, #tpu.memory_space<vmem>> -> memref<1x128xi32, #tpu.memory_space<vmem>>
        %dma_start3A_158 = tpu.memref_squeeze %dma_start3A_157 : memref<1x128xi32, #tpu.memory_space<vmem>> -> memref<128xi32, #tpu.memory_space<vmem>>
        %dma_start3A_159 = arith.constant 0 : i32
        %dma_start3A_160 = arith.constant 0 : i32
        %dma_start3A_161 = tpu.memref_slice %arg4[%dma_start3A_159, %dma_start3A_160] : memref<10000x64xf32, #tpu.memory_space<hbm>> -> memref<10000x64xf32, #tpu.memory_space<hbm>>
        tpu.enqueue_indirect_dma source(%dma_start3A_161 : memref<10000x64xf32, #tpu.memory_space<hbm>>) target(%arg13 : memref<128x64xf32, #tpu.memory_space<vmem>>) offsets(%dma_start3A_158 : memref<128xi32, #tpu.memory_space<vmem>>) semaphore(%arg18 : memref<!tpu.dma_semaphore, #tpu.memory_space<semaphore_mem>>)
      } else {
      }
      %add3A_139 = arith.constant 3 : i32
      %add3A_140 = arith.addi %add3A_94, %add3A_139 : i32
      %dma_wait3A_141 = arith.constant 0 : i32
      %dma_wait3A_142 = tpu.memref_slice %arg10[%add3A_140, %dma_wait3A_141] : memref<80x128xi32, #tpu.memory_space<vmem>> -> memref<1x128xi32, #tpu.memory_space<vmem>>
      %dma_wait3A_143 = tpu.memref_squeeze %dma_wait3A_142 : memref<1x128xi32, #tpu.memory_space<vmem>> -> memref<128xi32, #tpu.memory_space<vmem>>
      %dma_wait3A_144 = arith.constant 0 : i32
      %dma_wait3A_145 = arith.constant 0 : i32
      %dma_wait3A_146 = tpu.memref_slice %arg4[%dma_wait3A_144, %dma_wait3A_145] : memref<10000x64xf32, #tpu.memory_space<hbm>> -> memref<10000x64xf32, #tpu.memory_space<hbm>>
      tpu.wait_indirect_dma semaphore(%arg19 : memref<!tpu.dma_semaphore, #tpu.memory_space<semaphore_mem>>) src(%dma_wait3A_146 : memref<10000x64xf32, #tpu.memory_space<hbm>>) dst(%arg14 : memref<128x64xf32, #tpu.memory_space<vmem>>)
      "tpu.region"() ({
        %run_scoped3A = tpu.sem_alloc : memref<!tpu.dma_semaphore, #tpu.memory_space<semaphore_mem>>
        %dma_start3A_154 = arith.constant 0 : i32
        %dma_start3A_155 = tpu.memref_slice %arg9[%add3A_140, %dma_start3A_154] : memref<80x128xi32, #tpu.memory_space<vmem>> -> memref<1x128xi32, #tpu.memory_space<vmem>>
        %dma_start3A_156 = tpu.memref_squeeze %dma_start3A_155 : memref<1x128xi32, #tpu.memory_space<vmem>> -> memref<128xi32, #tpu.memory_space<vmem>>
        %dma_start3A_157 = arith.constant 0 : i32
        %dma_start3A_158 = arith.constant 0 : i32
        %dma_start3A_159 = tpu.memref_slice %arg15[%dma_start3A_157, %dma_start3A_158] : memref<10112x64xf32, #tpu.memory_space<vmem_shared>> -> memref<10112x64xf32, #tpu.memory_space<vmem_shared>>
        tpu.enqueue_indirect_dma source(%arg14 : memref<128x64xf32, #tpu.memory_space<vmem>>) target(%dma_start3A_159 : memref<10112x64xf32, #tpu.memory_space<vmem_shared>>) offsets(%dma_start3A_156 : memref<128xi32, #tpu.memory_space<vmem>>) semaphore(%run_scoped3A : memref<!tpu.dma_semaphore, #tpu.memory_space<semaphore_mem>>) {add = true}
        %dma_wait3A_160 = arith.constant 0 : i32
        %dma_wait3A_161 = tpu.memref_slice %arg9[%add3A_140, %dma_wait3A_160] : memref<80x128xi32, #tpu.memory_space<vmem>> -> memref<1x128xi32, #tpu.memory_space<vmem>>
        %dma_wait3A_162 = tpu.memref_squeeze %dma_wait3A_161 : memref<1x128xi32, #tpu.memory_space<vmem>> -> memref<128xi32, #tpu.memory_space<vmem>>
        %dma_wait3A_163 = arith.constant 0 : i32
        %dma_wait3A_164 = arith.constant 0 : i32
        %dma_wait3A_165 = tpu.memref_slice %arg15[%dma_wait3A_163, %dma_wait3A_164] : memref<10112x64xf32, #tpu.memory_space<vmem_shared>> -> memref<10112x64xf32, #tpu.memory_space<vmem_shared>>
        tpu.wait_indirect_dma semaphore(%run_scoped3A : memref<!tpu.dma_semaphore, #tpu.memory_space<semaphore_mem>>) src(%arg14 : memref<128x64xf32, #tpu.memory_space<vmem>>) dst(%dma_wait3A_165 : memref<10112x64xf32, #tpu.memory_space<vmem_shared>>)
        tpu.yield
      }) : () -> ()
      %add3A_147 = arith.constant 4 : i32
      %add3A_148 = arith.addi %add3A_140, %add3A_147 : i32
      %lt3A_149 = arith.constant 80 : i32
      %lt3A_150 = arith.cmpi slt, %add3A_148, %lt3A_149 : i32
      %convert_element_type3A_151 = arith.extui %lt3A_150 : i1 to i32
      %cond3A_152 = arith.constant 0 : i32
      %cond3A_153 = arith.cmpi ne, %convert_element_type3A_151, %cond3A_152 : i32
      scf.if %cond3A_153 {
        %add3A_154 = arith.constant 4 : i32
        %add3A_155 = arith.addi %add3A_140, %add3A_154 : i32
        %dma_start3A_156 = arith.constant 0 : i32
        %dma_start3A_157 = tpu.memref_slice %arg10[%add3A_155, %dma_start3A_156] : memref<80x128xi32, #tpu.memory_space<vmem>> -> memref<1x128xi32, #tpu.memory_space<vmem>>
        %dma_start3A_158 = tpu.memref_squeeze %dma_start3A_157 : memref<1x128xi32, #tpu.memory_space<vmem>> -> memref<128xi32, #tpu.memory_space<vmem>>
        %dma_start3A_159 = arith.constant 0 : i32
        %dma_start3A_160 = arith.constant 0 : i32
        %dma_start3A_161 = tpu.memref_slice %arg4[%dma_start3A_159, %dma_start3A_160] : memref<10000x64xf32, #tpu.memory_space<hbm>> -> memref<10000x64xf32, #tpu.memory_space<hbm>>
        tpu.enqueue_indirect_dma source(%dma_start3A_161 : memref<10000x64xf32, #tpu.memory_space<hbm>>) target(%arg14 : memref<128x64xf32, #tpu.memory_space<vmem>>) offsets(%dma_start3A_158 : memref<128xi32, #tpu.memory_space<vmem>>) semaphore(%arg19 : memref<!tpu.dma_semaphore, #tpu.memory_space<semaphore_mem>>)
      } else {
      }
    }
    %scan3A_33 = arith.constant 20 : i32
    %dma_start3A_34 = arith.constant 0 : i32
    %dma_start3A_35 = arith.constant 0 : i32
    %dma_start3A_36 = tpu.memref_slice %arg10[%dma_start3A_34, %dma_start3A_35] : memref<80x128xi32, #tpu.memory_space<vmem>> -> memref<1x128xi32, #tpu.memory_space<vmem>>
    %dma_start3A_37 = tpu.memref_squeeze %dma_start3A_36 : memref<1x128xi32, #tpu.memory_space<vmem>> -> memref<128xi32, #tpu.memory_space<vmem>>
    %dma_start3A_38 = arith.constant 0 : i32
    %dma_start3A_39 = arith.constant 0 : i32
    %dma_start3A_40 = tpu.memref_slice %arg5[%dma_start3A_38, %dma_start3A_39] : memref<10000x64xf32, #tpu.memory_space<hbm>> -> memref<10000x64xf32, #tpu.memory_space<hbm>>
    tpu.enqueue_indirect_dma source(%dma_start3A_40 : memref<10000x64xf32, #tpu.memory_space<hbm>>) target(%arg11 : memref<128x64xf32, #tpu.memory_space<vmem>>) offsets(%dma_start3A_37 : memref<128xi32, #tpu.memory_space<vmem>>) semaphore(%arg16 : memref<!tpu.dma_semaphore, #tpu.memory_space<semaphore_mem>>)
    %dma_start3A_41 = arith.constant 1 : i32
    %dma_start3A_42 = arith.constant 0 : i32
    %dma_start3A_43 = tpu.memref_slice %arg10[%dma_start3A_41, %dma_start3A_42] : memref<80x128xi32, #tpu.memory_space<vmem>> -> memref<1x128xi32, #tpu.memory_space<vmem>>
    %dma_start3A_44 = tpu.memref_squeeze %dma_start3A_43 : memref<1x128xi32, #tpu.memory_space<vmem>> -> memref<128xi32, #tpu.memory_space<vmem>>
    %dma_start3A_45 = arith.constant 0 : i32
    %dma_start3A_46 = arith.constant 0 : i32
    %dma_start3A_47 = tpu.memref_slice %arg5[%dma_start3A_45, %dma_start3A_46] : memref<10000x64xf32, #tpu.memory_space<hbm>> -> memref<10000x64xf32, #tpu.memory_space<hbm>>
    tpu.enqueue_indirect_dma source(%dma_start3A_47 : memref<10000x64xf32, #tpu.memory_space<hbm>>) target(%arg12 : memref<128x64xf32, #tpu.memory_space<vmem>>) offsets(%dma_start3A_44 : memref<128xi32, #tpu.memory_space<vmem>>) semaphore(%arg17 : memref<!tpu.dma_semaphore, #tpu.memory_space<semaphore_mem>>)
    %dma_start3A_48 = arith.constant 2 : i32
    %dma_start3A_49 = arith.constant 0 : i32
    %dma_start3A_50 = tpu.memref_slice %arg10[%dma_start3A_48, %dma_start3A_49] : memref<80x128xi32, #tpu.memory_space<vmem>> -> memref<1x128xi32, #tpu.memory_space<vmem>>
    %dma_start3A_51 = tpu.memref_squeeze %dma_start3A_50 : memref<1x128xi32, #tpu.memory_space<vmem>> -> memref<128xi32, #tpu.memory_space<vmem>>
    %dma_start3A_52 = arith.constant 0 : i32
    %dma_start3A_53 = arith.constant 0 : i32
    %dma_start3A_54 = tpu.memref_slice %arg5[%dma_start3A_52, %dma_start3A_53] : memref<10000x64xf32, #tpu.memory_space<hbm>> -> memref<10000x64xf32, #tpu.memory_space<hbm>>
    tpu.enqueue_indirect_dma source(%dma_start3A_54 : memref<10000x64xf32, #tpu.memory_space<hbm>>) target(%arg13 : memref<128x64xf32, #tpu.memory_space<vmem>>) offsets(%dma_start3A_51 : memref<128xi32, #tpu.memory_space<vmem>>) semaphore(%arg18 : memref<!tpu.dma_semaphore, #tpu.memory_space<semaphore_mem>>)
    %dma_start3A_55 = arith.constant 3 : i32
    %dma_start3A_56 = arith.constant 0 : i32
    %dma_start3A_57 = tpu.memref_slice %arg10[%dma_start3A_55, %dma_start3A_56] : memref<80x128xi32, #tpu.memory_space<vmem>> -> memref<1x128xi32, #tpu.memory_space<vmem>>
    %dma_start3A_58 = tpu.memref_squeeze %dma_start3A_57 : memref<1x128xi32, #tpu.memory_space<vmem>> -> memref<128xi32, #tpu.memory_space<vmem>>
    %dma_start3A_59 = arith.constant 0 : i32
    %dma_start3A_60 = arith.constant 0 : i32
    %dma_start3A_61 = tpu.memref_slice %arg5[%dma_start3A_59, %dma_start3A_60] : memref<10000x64xf32, #tpu.memory_space<hbm>> -> memref<10000x64xf32, #tpu.memory_space<hbm>>
    tpu.enqueue_indirect_dma source(%dma_start3A_61 : memref<10000x64xf32, #tpu.memory_space<hbm>>) target(%arg14 : memref<128x64xf32, #tpu.memory_space<vmem>>) offsets(%dma_start3A_58 : memref<128xi32, #tpu.memory_space<vmem>>) semaphore(%arg19 : memref<!tpu.dma_semaphore, #tpu.memory_space<semaphore_mem>>)
    %barrier3A_62 = arith.constant 0 : index
    tpu.barrier barrier_id(%barrier3A_62)
    %lt3A = arith.constant 15 : i32
    %lt3A_63 = arith.cmpi slt, %arg1, %lt3A : i32
    %convert_element_type3A = arith.extui %lt3A_63 : i1 to i32
    %cond3A = arith.constant 0 : i32
    %cond3A_64 = arith.cmpi ne, %convert_element_type3A, %cond3A : i32
    scf.if %cond3A_64 {
      %mul3A_90 = arith.constant 640 : i32
      %mul3A_91 = arith.muli %arg1, %mul3A_90 : i32
      "tpu.region"() ({
        %run_scoped3A = tpu.sem_alloc : memref<!tpu.dma_semaphore, #tpu.memory_space<semaphore_mem>>
        %dma_start3A_92 = arith.constant 0 : i32
        %dma_start3A_93 = tpu.memref_slice %arg7[%arg0, %mul3A_91, %dma_start3A_92] : memref<2x10000x64xf32, #tpu.memory_space<hbm>> -> memref<1x640x64xf32, #tpu.memory_space<hbm>>
        %dma_start3A_94 = tpu.memref_squeeze %dma_start3A_93 : memref<1x640x64xf32, #tpu.memory_space<hbm>> -> memref<640x64xf32, #tpu.memory_space<hbm>>
        %dma_start3A_95 = arith.constant 0 : i32
        %dma_start3A_96 = tpu.memref_slice %arg15[%mul3A_91, %dma_start3A_95] : memref<10112x64xf32, #tpu.memory_space<vmem_shared>> -> memref<640x64xf32, #tpu.memory_space<vmem_shared>>
        tpu.enqueue_dma source(%dma_start3A_96 : memref<640x64xf32, #tpu.memory_space<vmem_shared>>) target(%dma_start3A_94 : memref<640x64xf32, #tpu.memory_space<hbm>>) target_semaphore(%run_scoped3A : memref<!tpu.dma_semaphore, #tpu.memory_space<semaphore_mem>>)
        %dma_wait3A = arith.constant 0 : i32
        %dma_wait3A_97 = tpu.memref_slice %arg7[%arg0, %mul3A_91, %dma_wait3A] : memref<2x10000x64xf32, #tpu.memory_space<hbm>> -> memref<1x640x64xf32, #tpu.memory_space<hbm>>
        %dma_wait3A_98 = tpu.memref_squeeze %dma_wait3A_97 : memref<1x640x64xf32, #tpu.memory_space<hbm>> -> memref<640x64xf32, #tpu.memory_space<hbm>>
        %dma_wait3A_99 = arith.constant 0 : i32
        %dma_wait3A_100 = tpu.memref_slice %arg15[%mul3A_91, %dma_wait3A_99] : memref<10112x64xf32, #tpu.memory_space<vmem_shared>> -> memref<640x64xf32, #tpu.memory_space<vmem_shared>>
        tpu.wait_dma2 semaphore(%run_scoped3A : memref<!tpu.dma_semaphore, #tpu.memory_space<semaphore_mem>>) src(%dma_wait3A_100 : memref<640x64xf32, #tpu.memory_space<vmem_shared>>) dst(%dma_wait3A_98 : memref<640x64xf32, #tpu.memory_space<hbm>>)
        tpu.yield
      }) : () -> ()
    } else {
    }
    %eq3A = arith.constant 15 : i32
    %eq3A_65 = arith.cmpi eq, %arg1, %eq3A : i32
    %convert_element_type3A_66 = arith.extui %eq3A_65 : i1 to i32
    %cond3A_67 = arith.constant 0 : i32
    %cond3A_68 = arith.cmpi ne, %convert_element_type3A_66, %cond3A_67 : i32
    scf.if %cond3A_68 {
      "tpu.region"() ({
        %run_scoped3A = tpu.sem_alloc : memref<!tpu.dma_semaphore, #tpu.memory_space<semaphore_mem>>
        %dma_start3A_90 = arith.constant 9600 : i32
        %dma_start3A_91 = arith.constant 0 : i32
        %dma_start3A_92 = tpu.memref_slice %arg7[%arg0, %dma_start3A_90, %dma_start3A_91] : memref<2x10000x64xf32, #tpu.memory_space<hbm>> -> memref<1x400x64xf32, #tpu.memory_space<hbm>>
        %dma_start3A_93 = tpu.memref_squeeze %dma_start3A_92 : memref<1x400x64xf32, #tpu.memory_space<hbm>> -> memref<400x64xf32, #tpu.memory_space<hbm>>
        %dma_start3A_94 = arith.constant 9600 : i32
        %dma_start3A_95 = arith.constant 0 : i32
        %dma_start3A_96 = tpu.memref_slice %arg15[%dma_start3A_94, %dma_start3A_95] : memref<10112x64xf32, #tpu.memory_space<vmem_shared>> -> memref<400x64xf32, #tpu.memory_space<vmem_shared>>
        tpu.enqueue_dma source(%dma_start3A_96 : memref<400x64xf32, #tpu.memory_space<vmem_shared>>) target(%dma_start3A_93 : memref<400x64xf32, #tpu.memory_space<hbm>>) target_semaphore(%run_scoped3A : memref<!tpu.dma_semaphore, #tpu.memory_space<semaphore_mem>>)
        %dma_wait3A = arith.constant 9600 : i32
        %dma_wait3A_97 = arith.constant 0 : i32
        %dma_wait3A_98 = tpu.memref_slice %arg7[%arg0, %dma_wait3A, %dma_wait3A_97] : memref<2x10000x64xf32, #tpu.memory_space<hbm>> -> memref<1x400x64xf32, #tpu.memory_space<hbm>>
        %dma_wait3A_99 = tpu.memref_squeeze %dma_wait3A_98 : memref<1x400x64xf32, #tpu.memory_space<hbm>> -> memref<400x64xf32, #tpu.memory_space<hbm>>
        %dma_wait3A_100 = arith.constant 9600 : i32
        %dma_wait3A_101 = arith.constant 0 : i32
        %dma_wait3A_102 = tpu.memref_slice %arg15[%dma_wait3A_100, %dma_wait3A_101] : memref<10112x64xf32, #tpu.memory_space<vmem_shared>> -> memref<400x64xf32, #tpu.memory_space<vmem_shared>>
        tpu.wait_dma2 semaphore(%run_scoped3A : memref<!tpu.dma_semaphore, #tpu.memory_space<semaphore_mem>>) src(%dma_wait3A_102 : memref<400x64xf32, #tpu.memory_space<vmem_shared>>) dst(%dma_wait3A_99 : memref<400x64xf32, #tpu.memory_space<hbm>>)
        tpu.yield
      }) : () -> ()
    } else {
    }
    %barrier3A_69 = arith.constant 0 : index
    tpu.barrier barrier_id(%barrier3A_69)
    %mul3A_70 = arith.constant 632 : i32
    %mul3A_71 = arith.muli %arg1, %mul3A_70 : i32
    "tpu.region"() ({
      %run_scoped3A = tpu.sem_alloc : memref<!tpu.dma_semaphore, #tpu.memory_space<semaphore_mem>>
      %dma_start3A_90 = arith.constant 0 : i32
      %dma_start3A_91 = tpu.memref_slice %arg15[%mul3A_71, %dma_start3A_90] : memref<10112x64xf32, #tpu.memory_space<vmem_shared>> -> memref<632x64xf32, #tpu.memory_space<vmem_shared>>
      tpu.enqueue_dma source(%arg6 : memref<632x64xf32, #tpu.memory_space<hbm>>) target(%dma_start3A_91 : memref<632x64xf32, #tpu.memory_space<vmem_shared>>) target_semaphore(%run_scoped3A : memref<!tpu.dma_semaphore, #tpu.memory_space<semaphore_mem>>)
      %dma_wait3A = arith.constant 0 : i32
      %dma_wait3A_92 = tpu.memref_slice %arg15[%mul3A_71, %dma_wait3A] : memref<10112x64xf32, #tpu.memory_space<vmem_shared>> -> memref<632x64xf32, #tpu.memory_space<vmem_shared>>
      tpu.wait_dma2 semaphore(%run_scoped3A : memref<!tpu.dma_semaphore, #tpu.memory_space<semaphore_mem>>) src(%arg6 : memref<632x64xf32, #tpu.memory_space<hbm>>) dst(%dma_wait3A_92 : memref<632x64xf32, #tpu.memory_space<vmem_shared>>)
      tpu.yield
    }) : () -> ()
    %barrier3A_72 = arith.constant 0 : index
    tpu.barrier barrier_id(%barrier3A_72)
    %scan3A_73 = arith.constant 0 : i32
    %scan3A_74 = arith.constant 20 : i32
    %scan3A_75 = arith.addi %scan3A_73, %scan3A_74 : i32
    %scan3A_76 = arith.constant 1 : i32
    scf.for %scan3A_90 = %scan3A_73 to %scan3A_75 step %scan3A_76  : i32 {
      %mul3A_91 = arith.constant 4 : i32
      %mul3A_92 = arith.muli %scan3A_90, %mul3A_91 : i32
      %add3A_93 = arith.constant 0 : i32
      %add3A_94 = arith.addi %add3A_93, %mul3A_92 : i32
      %add3A_95 = arith.constant 0 : i32
      %add3A_96 = arith.addi %add3A_94, %add3A_95 : i32
      %dma_wait3A = arith.constant 0 : i32
      %dma_wait3A_97 = tpu.memref_slice %arg10[%add3A_96, %dma_wait3A] : memref<80x128xi32, #tpu.memory_space<vmem>> -> memref<1x128xi32, #tpu.memory_space<vmem>>
      %dma_wait3A_98 = tpu.memref_squeeze %dma_wait3A_97 : memref<1x128xi32, #tpu.memory_space<vmem>> -> memref<128xi32, #tpu.memory_space<vmem>>
      %dma_wait3A_99 = arith.constant 0 : i32
      %dma_wait3A_100 = arith.constant 0 : i32
      %dma_wait3A_101 = tpu.memref_slice %arg5[%dma_wait3A_99, %dma_wait3A_100] : memref<10000x64xf32, #tpu.memory_space<hbm>> -> memref<10000x64xf32, #tpu.memory_space<hbm>>
      tpu.wait_indirect_dma semaphore(%arg16 : memref<!tpu.dma_semaphore, #tpu.memory_space<semaphore_mem>>) src(%dma_wait3A_101 : memref<10000x64xf32, #tpu.memory_space<hbm>>) dst(%arg11 : memref<128x64xf32, #tpu.memory_space<vmem>>)
      "tpu.region"() ({
        %run_scoped3A = tpu.sem_alloc : memref<!tpu.dma_semaphore, #tpu.memory_space<semaphore_mem>>
        %dma_start3A_154 = arith.constant 0 : i32
        %dma_start3A_155 = tpu.memref_slice %arg9[%add3A_96, %dma_start3A_154] : memref<80x128xi32, #tpu.memory_space<vmem>> -> memref<1x128xi32, #tpu.memory_space<vmem>>
        %dma_start3A_156 = tpu.memref_squeeze %dma_start3A_155 : memref<1x128xi32, #tpu.memory_space<vmem>> -> memref<128xi32, #tpu.memory_space<vmem>>
        %dma_start3A_157 = arith.constant 0 : i32
        %dma_start3A_158 = arith.constant 0 : i32
        %dma_start3A_159 = tpu.memref_slice %arg15[%dma_start3A_157, %dma_start3A_158] : memref<10112x64xf32, #tpu.memory_space<vmem_shared>> -> memref<10112x64xf32, #tpu.memory_space<vmem_shared>>
        tpu.enqueue_indirect_dma source(%arg11 : memref<128x64xf32, #tpu.memory_space<vmem>>) target(%dma_start3A_159 : memref<10112x64xf32, #tpu.memory_space<vmem_shared>>) offsets(%dma_start3A_156 : memref<128xi32, #tpu.memory_space<vmem>>) semaphore(%run_scoped3A : memref<!tpu.dma_semaphore, #tpu.memory_space<semaphore_mem>>) {add = true}
        %dma_wait3A_160 = arith.constant 0 : i32
        %dma_wait3A_161 = tpu.memref_slice %arg9[%add3A_96, %dma_wait3A_160] : memref<80x128xi32, #tpu.memory_space<vmem>> -> memref<1x128xi32, #tpu.memory_space<vmem>>
        %dma_wait3A_162 = tpu.memref_squeeze %dma_wait3A_161 : memref<1x128xi32, #tpu.memory_space<vmem>> -> memref<128xi32, #tpu.memory_space<vmem>>
        %dma_wait3A_163 = arith.constant 0 : i32
        %dma_wait3A_164 = arith.constant 0 : i32
        %dma_wait3A_165 = tpu.memref_slice %arg15[%dma_wait3A_163, %dma_wait3A_164] : memref<10112x64xf32, #tpu.memory_space<vmem_shared>> -> memref<10112x64xf32, #tpu.memory_space<vmem_shared>>
        tpu.wait_indirect_dma semaphore(%run_scoped3A : memref<!tpu.dma_semaphore, #tpu.memory_space<semaphore_mem>>) src(%arg11 : memref<128x64xf32, #tpu.memory_space<vmem>>) dst(%dma_wait3A_165 : memref<10112x64xf32, #tpu.memory_space<vmem_shared>>)
        tpu.yield
      }) : () -> ()
      %add3A_102 = arith.constant 4 : i32
      %add3A_103 = arith.addi %add3A_96, %add3A_102 : i32
      %lt3A_104 = arith.constant 80 : i32
      %lt3A_105 = arith.cmpi slt, %add3A_103, %lt3A_104 : i32
      %convert_element_type3A_106 = arith.extui %lt3A_105 : i1 to i32
      %cond3A_107 = arith.constant 0 : i32
      %cond3A_108 = arith.cmpi ne, %convert_element_type3A_106, %cond3A_107 : i32
      scf.if %cond3A_108 {
        %add3A_154 = arith.constant 4 : i32
        %add3A_155 = arith.addi %add3A_96, %add3A_154 : i32
        %dma_start3A_156 = arith.constant 0 : i32
        %dma_start3A_157 = tpu.memref_slice %arg10[%add3A_155, %dma_start3A_156] : memref<80x128xi32, #tpu.memory_space<vmem>> -> memref<1x128xi32, #tpu.memory_space<vmem>>
        %dma_start3A_158 = tpu.memref_squeeze %dma_start3A_157 : memref<1x128xi32, #tpu.memory_space<vmem>> -> memref<128xi32, #tpu.memory_space<vmem>>
        %dma_start3A_159 = arith.constant 0 : i32
        %dma_start3A_160 = arith.constant 0 : i32
        %dma_start3A_161 = tpu.memref_slice %arg5[%dma_start3A_159, %dma_start3A_160] : memref<10000x64xf32, #tpu.memory_space<hbm>> -> memref<10000x64xf32, #tpu.memory_space<hbm>>
        tpu.enqueue_indirect_dma source(%dma_start3A_161 : memref<10000x64xf32, #tpu.memory_space<hbm>>) target(%arg11 : memref<128x64xf32, #tpu.memory_space<vmem>>) offsets(%dma_start3A_158 : memref<128xi32, #tpu.memory_space<vmem>>) semaphore(%arg16 : memref<!tpu.dma_semaphore, #tpu.memory_space<semaphore_mem>>)
      } else {
      }
      %add3A_109 = arith.constant 1 : i32
      %add3A_110 = arith.addi %add3A_94, %add3A_109 : i32
      %dma_wait3A_111 = arith.constant 0 : i32
      %dma_wait3A_112 = tpu.memref_slice %arg10[%add3A_110, %dma_wait3A_111] : memref<80x128xi32, #tpu.memory_space<vmem>> -> memref<1x128xi32, #tpu.memory_space<vmem>>
      %dma_wait3A_113 = tpu.memref_squeeze %dma_wait3A_112 : memref<1x128xi32, #tpu.memory_space<vmem>> -> memref<128xi32, #tpu.memory_space<vmem>>
      %dma_wait3A_114 = arith.constant 0 : i32
      %dma_wait3A_115 = arith.constant 0 : i32
      %dma_wait3A_116 = tpu.memref_slice %arg5[%dma_wait3A_114, %dma_wait3A_115] : memref<10000x64xf32, #tpu.memory_space<hbm>> -> memref<10000x64xf32, #tpu.memory_space<hbm>>
      tpu.wait_indirect_dma semaphore(%arg17 : memref<!tpu.dma_semaphore, #tpu.memory_space<semaphore_mem>>) src(%dma_wait3A_116 : memref<10000x64xf32, #tpu.memory_space<hbm>>) dst(%arg12 : memref<128x64xf32, #tpu.memory_space<vmem>>)
      "tpu.region"() ({
        %run_scoped3A = tpu.sem_alloc : memref<!tpu.dma_semaphore, #tpu.memory_space<semaphore_mem>>
        %dma_start3A_154 = arith.constant 0 : i32
        %dma_start3A_155 = tpu.memref_slice %arg9[%add3A_110, %dma_start3A_154] : memref<80x128xi32, #tpu.memory_space<vmem>> -> memref<1x128xi32, #tpu.memory_space<vmem>>
        %dma_start3A_156 = tpu.memref_squeeze %dma_start3A_155 : memref<1x128xi32, #tpu.memory_space<vmem>> -> memref<128xi32, #tpu.memory_space<vmem>>
        %dma_start3A_157 = arith.constant 0 : i32
        %dma_start3A_158 = arith.constant 0 : i32
        %dma_start3A_159 = tpu.memref_slice %arg15[%dma_start3A_157, %dma_start3A_158] : memref<10112x64xf32, #tpu.memory_space<vmem_shared>> -> memref<10112x64xf32, #tpu.memory_space<vmem_shared>>
        tpu.enqueue_indirect_dma source(%arg12 : memref<128x64xf32, #tpu.memory_space<vmem>>) target(%dma_start3A_159 : memref<10112x64xf32, #tpu.memory_space<vmem_shared>>) offsets(%dma_start3A_156 : memref<128xi32, #tpu.memory_space<vmem>>) semaphore(%run_scoped3A : memref<!tpu.dma_semaphore, #tpu.memory_space<semaphore_mem>>) {add = true}
        %dma_wait3A_160 = arith.constant 0 : i32
        %dma_wait3A_161 = tpu.memref_slice %arg9[%add3A_110, %dma_wait3A_160] : memref<80x128xi32, #tpu.memory_space<vmem>> -> memref<1x128xi32, #tpu.memory_space<vmem>>
        %dma_wait3A_162 = tpu.memref_squeeze %dma_wait3A_161 : memref<1x128xi32, #tpu.memory_space<vmem>> -> memref<128xi32, #tpu.memory_space<vmem>>
        %dma_wait3A_163 = arith.constant 0 : i32
        %dma_wait3A_164 = arith.constant 0 : i32
        %dma_wait3A_165 = tpu.memref_slice %arg15[%dma_wait3A_163, %dma_wait3A_164] : memref<10112x64xf32, #tpu.memory_space<vmem_shared>> -> memref<10112x64xf32, #tpu.memory_space<vmem_shared>>
        tpu.wait_indirect_dma semaphore(%run_scoped3A : memref<!tpu.dma_semaphore, #tpu.memory_space<semaphore_mem>>) src(%arg12 : memref<128x64xf32, #tpu.memory_space<vmem>>) dst(%dma_wait3A_165 : memref<10112x64xf32, #tpu.memory_space<vmem_shared>>)
        tpu.yield
      }) : () -> ()
      %add3A_117 = arith.constant 4 : i32
      %add3A_118 = arith.addi %add3A_110, %add3A_117 : i32
      %lt3A_119 = arith.constant 80 : i32
      %lt3A_120 = arith.cmpi slt, %add3A_118, %lt3A_119 : i32
      %convert_element_type3A_121 = arith.extui %lt3A_120 : i1 to i32
      %cond3A_122 = arith.constant 0 : i32
      %cond3A_123 = arith.cmpi ne, %convert_element_type3A_121, %cond3A_122 : i32
      scf.if %cond3A_123 {
        %add3A_154 = arith.constant 4 : i32
        %add3A_155 = arith.addi %add3A_110, %add3A_154 : i32
        %dma_start3A_156 = arith.constant 0 : i32
        %dma_start3A_157 = tpu.memref_slice %arg10[%add3A_155, %dma_start3A_156] : memref<80x128xi32, #tpu.memory_space<vmem>> -> memref<1x128xi32, #tpu.memory_space<vmem>>
        %dma_start3A_158 = tpu.memref_squeeze %dma_start3A_157 : memref<1x128xi32, #tpu.memory_space<vmem>> -> memref<128xi32, #tpu.memory_space<vmem>>
        %dma_start3A_159 = arith.constant 0 : i32
        %dma_start3A_160 = arith.constant 0 : i32
        %dma_start3A_161 = tpu.memref_slice %arg5[%dma_start3A_159, %dma_start3A_160] : memref<10000x64xf32, #tpu.memory_space<hbm>> -> memref<10000x64xf32, #tpu.memory_space<hbm>>
        tpu.enqueue_indirect_dma source(%dma_start3A_161 : memref<10000x64xf32, #tpu.memory_space<hbm>>) target(%arg12 : memref<128x64xf32, #tpu.memory_space<vmem>>) offsets(%dma_start3A_158 : memref<128xi32, #tpu.memory_space<vmem>>) semaphore(%arg17 : memref<!tpu.dma_semaphore, #tpu.memory_space<semaphore_mem>>)
      } else {
      }
      %add3A_124 = arith.constant 2 : i32
      %add3A_125 = arith.addi %add3A_94, %add3A_124 : i32
      %dma_wait3A_126 = arith.constant 0 : i32
      %dma_wait3A_127 = tpu.memref_slice %arg10[%add3A_125, %dma_wait3A_126] : memref<80x128xi32, #tpu.memory_space<vmem>> -> memref<1x128xi32, #tpu.memory_space<vmem>>
      %dma_wait3A_128 = tpu.memref_squeeze %dma_wait3A_127 : memref<1x128xi32, #tpu.memory_space<vmem>> -> memref<128xi32, #tpu.memory_space<vmem>>
      %dma_wait3A_129 = arith.constant 0 : i32
      %dma_wait3A_130 = arith.constant 0 : i32
      %dma_wait3A_131 = tpu.memref_slice %arg5[%dma_wait3A_129, %dma_wait3A_130] : memref<10000x64xf32, #tpu.memory_space<hbm>> -> memref<10000x64xf32, #tpu.memory_space<hbm>>
      tpu.wait_indirect_dma semaphore(%arg18 : memref<!tpu.dma_semaphore, #tpu.memory_space<semaphore_mem>>) src(%dma_wait3A_131 : memref<10000x64xf32, #tpu.memory_space<hbm>>) dst(%arg13 : memref<128x64xf32, #tpu.memory_space<vmem>>)
      "tpu.region"() ({
        %run_scoped3A = tpu.sem_alloc : memref<!tpu.dma_semaphore, #tpu.memory_space<semaphore_mem>>
        %dma_start3A_154 = arith.constant 0 : i32
        %dma_start3A_155 = tpu.memref_slice %arg9[%add3A_125, %dma_start3A_154] : memref<80x128xi32, #tpu.memory_space<vmem>> -> memref<1x128xi32, #tpu.memory_space<vmem>>
        %dma_start3A_156 = tpu.memref_squeeze %dma_start3A_155 : memref<1x128xi32, #tpu.memory_space<vmem>> -> memref<128xi32, #tpu.memory_space<vmem>>
        %dma_start3A_157 = arith.constant 0 : i32
        %dma_start3A_158 = arith.constant 0 : i32
        %dma_start3A_159 = tpu.memref_slice %arg15[%dma_start3A_157, %dma_start3A_158] : memref<10112x64xf32, #tpu.memory_space<vmem_shared>> -> memref<10112x64xf32, #tpu.memory_space<vmem_shared>>
        tpu.enqueue_indirect_dma source(%arg13 : memref<128x64xf32, #tpu.memory_space<vmem>>) target(%dma_start3A_159 : memref<10112x64xf32, #tpu.memory_space<vmem_shared>>) offsets(%dma_start3A_156 : memref<128xi32, #tpu.memory_space<vmem>>) semaphore(%run_scoped3A : memref<!tpu.dma_semaphore, #tpu.memory_space<semaphore_mem>>) {add = true}
        %dma_wait3A_160 = arith.constant 0 : i32
        %dma_wait3A_161 = tpu.memref_slice %arg9[%add3A_125, %dma_wait3A_160] : memref<80x128xi32, #tpu.memory_space<vmem>> -> memref<1x128xi32, #tpu.memory_space<vmem>>
        %dma_wait3A_162 = tpu.memref_squeeze %dma_wait3A_161 : memref<1x128xi32, #tpu.memory_space<vmem>> -> memref<128xi32, #tpu.memory_space<vmem>>
        %dma_wait3A_163 = arith.constant 0 : i32
        %dma_wait3A_164 = arith.constant 0 : i32
        %dma_wait3A_165 = tpu.memref_slice %arg15[%dma_wait3A_163, %dma_wait3A_164] : memref<10112x64xf32, #tpu.memory_space<vmem_shared>> -> memref<10112x64xf32, #tpu.memory_space<vmem_shared>>
        tpu.wait_indirect_dma semaphore(%run_scoped3A : memref<!tpu.dma_semaphore, #tpu.memory_space<semaphore_mem>>) src(%arg13 : memref<128x64xf32, #tpu.memory_space<vmem>>) dst(%dma_wait3A_165 : memref<10112x64xf32, #tpu.memory_space<vmem_shared>>)
        tpu.yield
      }) : () -> ()
      %add3A_132 = arith.constant 4 : i32
      %add3A_133 = arith.addi %add3A_125, %add3A_132 : i32
      %lt3A_134 = arith.constant 80 : i32
      %lt3A_135 = arith.cmpi slt, %add3A_133, %lt3A_134 : i32
      %convert_element_type3A_136 = arith.extui %lt3A_135 : i1 to i32
      %cond3A_137 = arith.constant 0 : i32
      %cond3A_138 = arith.cmpi ne, %convert_element_type3A_136, %cond3A_137 : i32
      scf.if %cond3A_138 {
        %add3A_154 = arith.constant 4 : i32
        %add3A_155 = arith.addi %add3A_125, %add3A_154 : i32
        %dma_start3A_156 = arith.constant 0 : i32
        %dma_start3A_157 = tpu.memref_slice %arg10[%add3A_155, %dma_start3A_156] : memref<80x128xi32, #tpu.memory_space<vmem>> -> memref<1x128xi32, #tpu.memory_space<vmem>>
        %dma_start3A_158 = tpu.memref_squeeze %dma_start3A_157 : memref<1x128xi32, #tpu.memory_space<vmem>> -> memref<128xi32, #tpu.memory_space<vmem>>
        %dma_start3A_159 = arith.constant 0 : i32
        %dma_start3A_160 = arith.constant 0 : i32
        %dma_start3A_161 = tpu.memref_slice %arg5[%dma_start3A_159, %dma_start3A_160] : memref<10000x64xf32, #tpu.memory_space<hbm>> -> memref<10000x64xf32, #tpu.memory_space<hbm>>
        tpu.enqueue_indirect_dma source(%dma_start3A_161 : memref<10000x64xf32, #tpu.memory_space<hbm>>) target(%arg13 : memref<128x64xf32, #tpu.memory_space<vmem>>) offsets(%dma_start3A_158 : memref<128xi32, #tpu.memory_space<vmem>>) semaphore(%arg18 : memref<!tpu.dma_semaphore, #tpu.memory_space<semaphore_mem>>)
      } else {
      }
      %add3A_139 = arith.constant 3 : i32
      %add3A_140 = arith.addi %add3A_94, %add3A_139 : i32
      %dma_wait3A_141 = arith.constant 0 : i32
      %dma_wait3A_142 = tpu.memref_slice %arg10[%add3A_140, %dma_wait3A_141] : memref<80x128xi32, #tpu.memory_space<vmem>> -> memref<1x128xi32, #tpu.memory_space<vmem>>
      %dma_wait3A_143 = tpu.memref_squeeze %dma_wait3A_142 : memref<1x128xi32, #tpu.memory_space<vmem>> -> memref<128xi32, #tpu.memory_space<vmem>>
      %dma_wait3A_144 = arith.constant 0 : i32
      %dma_wait3A_145 = arith.constant 0 : i32
      %dma_wait3A_146 = tpu.memref_slice %arg5[%dma_wait3A_144, %dma_wait3A_145] : memref<10000x64xf32, #tpu.memory_space<hbm>> -> memref<10000x64xf32, #tpu.memory_space<hbm>>
      tpu.wait_indirect_dma semaphore(%arg19 : memref<!tpu.dma_semaphore, #tpu.memory_space<semaphore_mem>>) src(%dma_wait3A_146 : memref<10000x64xf32, #tpu.memory_space<hbm>>) dst(%arg14 : memref<128x64xf32, #tpu.memory_space<vmem>>)
      "tpu.region"() ({
        %run_scoped3A = tpu.sem_alloc : memref<!tpu.dma_semaphore, #tpu.memory_space<semaphore_mem>>
        %dma_start3A_154 = arith.constant 0 : i32
        %dma_start3A_155 = tpu.memref_slice %arg9[%add3A_140, %dma_start3A_154] : memref<80x128xi32, #tpu.memory_space<vmem>> -> memref<1x128xi32, #tpu.memory_space<vmem>>
        %dma_start3A_156 = tpu.memref_squeeze %dma_start3A_155 : memref<1x128xi32, #tpu.memory_space<vmem>> -> memref<128xi32, #tpu.memory_space<vmem>>
        %dma_start3A_157 = arith.constant 0 : i32
        %dma_start3A_158 = arith.constant 0 : i32
        %dma_start3A_159 = tpu.memref_slice %arg15[%dma_start3A_157, %dma_start3A_158] : memref<10112x64xf32, #tpu.memory_space<vmem_shared>> -> memref<10112x64xf32, #tpu.memory_space<vmem_shared>>
        tpu.enqueue_indirect_dma source(%arg14 : memref<128x64xf32, #tpu.memory_space<vmem>>) target(%dma_start3A_159 : memref<10112x64xf32, #tpu.memory_space<vmem_shared>>) offsets(%dma_start3A_156 : memref<128xi32, #tpu.memory_space<vmem>>) semaphore(%run_scoped3A : memref<!tpu.dma_semaphore, #tpu.memory_space<semaphore_mem>>) {add = true}
        %dma_wait3A_160 = arith.constant 0 : i32
        %dma_wait3A_161 = tpu.memref_slice %arg9[%add3A_140, %dma_wait3A_160] : memref<80x128xi32, #tpu.memory_space<vmem>> -> memref<1x128xi32, #tpu.memory_space<vmem>>
        %dma_wait3A_162 = tpu.memref_squeeze %dma_wait3A_161 : memref<1x128xi32, #tpu.memory_space<vmem>> -> memref<128xi32, #tpu.memory_space<vmem>>
        %dma_wait3A_163 = arith.constant 0 : i32
        %dma_wait3A_164 = arith.constant 0 : i32
        %dma_wait3A_165 = tpu.memref_slice %arg15[%dma_wait3A_163, %dma_wait3A_164] : memref<10112x64xf32, #tpu.memory_space<vmem_shared>> -> memref<10112x64xf32, #tpu.memory_space<vmem_shared>>
        tpu.wait_indirect_dma semaphore(%run_scoped3A : memref<!tpu.dma_semaphore, #tpu.memory_space<semaphore_mem>>) src(%arg14 : memref<128x64xf32, #tpu.memory_space<vmem>>) dst(%dma_wait3A_165 : memref<10112x64xf32, #tpu.memory_space<vmem_shared>>)
        tpu.yield
      }) : () -> ()
      %add3A_147 = arith.constant 4 : i32
      %add3A_148 = arith.addi %add3A_140, %add3A_147 : i32
      %lt3A_149 = arith.constant 80 : i32
      %lt3A_150 = arith.cmpi slt, %add3A_148, %lt3A_149 : i32
      %convert_element_type3A_151 = arith.extui %lt3A_150 : i1 to i32
      %cond3A_152 = arith.constant 0 : i32
      %cond3A_153 = arith.cmpi ne, %convert_element_type3A_151, %cond3A_152 : i32
      scf.if %cond3A_153 {
        %add3A_154 = arith.constant 4 : i32
        %add3A_155 = arith.addi %add3A_140, %add3A_154 : i32
        %dma_start3A_156 = arith.constant 0 : i32
        %dma_start3A_157 = tpu.memref_slice %arg10[%add3A_155, %dma_start3A_156] : memref<80x128xi32, #tpu.memory_space<vmem>> -> memref<1x128xi32, #tpu.memory_space<vmem>>
        %dma_start3A_158 = tpu.memref_squeeze %dma_start3A_157 : memref<1x128xi32, #tpu.memory_space<vmem>> -> memref<128xi32, #tpu.memory_space<vmem>>
        %dma_start3A_159 = arith.constant 0 : i32
        %dma_start3A_160 = arith.constant 0 : i32
        %dma_start3A_161 = tpu.memref_slice %arg5[%dma_start3A_159, %dma_start3A_160] : memref<10000x64xf32, #tpu.memory_space<hbm>> -> memref<10000x64xf32, #tpu.memory_space<hbm>>
        tpu.enqueue_indirect_dma source(%dma_start3A_161 : memref<10000x64xf32, #tpu.memory_space<hbm>>) target(%arg14 : memref<128x64xf32, #tpu.memory_space<vmem>>) offsets(%dma_start3A_158 : memref<128xi32, #tpu.memory_space<vmem>>) semaphore(%arg19 : memref<!tpu.dma_semaphore, #tpu.memory_space<semaphore_mem>>)
      } else {
      }
    }
    %scan3A_77 = arith.constant 20 : i32
    %barrier3A_78 = arith.constant 0 : index
    tpu.barrier barrier_id(%barrier3A_78)
    %lt3A_79 = arith.constant 15 : i32
    %lt3A_80 = arith.cmpi slt, %arg1, %lt3A_79 : i32
    %convert_element_type3A_81 = arith.extui %lt3A_80 : i1 to i32
    %cond3A_82 = arith.constant 0 : i32
    %cond3A_83 = arith.cmpi ne, %convert_element_type3A_81, %cond3A_82 : i32
    scf.if %cond3A_83 {
      %mul3A_90 = arith.constant 640 : i32
      %mul3A_91 = arith.muli %arg1, %mul3A_90 : i32
      "tpu.region"() ({
        %run_scoped3A = tpu.sem_alloc : memref<!tpu.dma_semaphore, #tpu.memory_space<semaphore_mem>>
        %dma_start3A_92 = arith.constant 0 : i32
        %dma_start3A_93 = tpu.memref_slice %arg8[%arg0, %mul3A_91, %dma_start3A_92] : memref<2x10000x64xf32, #tpu.memory_space<hbm>> -> memref<1x640x64xf32, #tpu.memory_space<hbm>>
        %dma_start3A_94 = tpu.memref_squeeze %dma_start3A_93 : memref<1x640x64xf32, #tpu.memory_space<hbm>> -> memref<640x64xf32, #tpu.memory_space<hbm>>
        %dma_start3A_95 = arith.constant 0 : i32
        %dma_start3A_96 = tpu.memref_slice %arg15[%mul3A_91, %dma_start3A_95] : memref<10112x64xf32, #tpu.memory_space<vmem_shared>> -> memref<640x64xf32, #tpu.memory_space<vmem_shared>>
        tpu.enqueue_dma source(%dma_start3A_96 : memref<640x64xf32, #tpu.memory_space<vmem_shared>>) target(%dma_start3A_94 : memref<640x64xf32, #tpu.memory_space<hbm>>) target_semaphore(%run_scoped3A : memref<!tpu.dma_semaphore, #tpu.memory_space<semaphore_mem>>)
        %dma_wait3A = arith.constant 0 : i32
        %dma_wait3A_97 = tpu.memref_slice %arg8[%arg0, %mul3A_91, %dma_wait3A] : memref<2x10000x64xf32, #tpu.memory_space<hbm>> -> memref<1x640x64xf32, #tpu.memory_space<hbm>>
        %dma_wait3A_98 = tpu.memref_squeeze %dma_wait3A_97 : memref<1x640x64xf32, #tpu.memory_space<hbm>> -> memref<640x64xf32, #tpu.memory_space<hbm>>
        %dma_wait3A_99 = arith.constant 0 : i32
        %dma_wait3A_100 = tpu.memref_slice %arg15[%mul3A_91, %dma_wait3A_99] : memref<10112x64xf32, #tpu.memory_space<vmem_shared>> -> memref<640x64xf32, #tpu.memory_space<vmem_shared>>
        tpu.wait_dma2 semaphore(%run_scoped3A : memref<!tpu.dma_semaphore, #tpu.memory_space<semaphore_mem>>) src(%dma_wait3A_100 : memref<640x64xf32, #tpu.memory_space<vmem_shared>>) dst(%dma_wait3A_98 : memref<640x64xf32, #tpu.memory_space<hbm>>)
        tpu.yield
      }) : () -> ()
    } else {
    }
    %eq3A_84 = arith.constant 15 : i32
    %eq3A_85 = arith.cmpi eq, %arg1, %eq3A_84 : i32
    %convert_element_type3A_86 = arith.extui %eq3A_85 : i1 to i32
    %cond3A_87 = arith.constant 0 : i32
    %cond3A_88 = arith.cmpi ne, %convert_element_type3A_86, %cond3A_87 : i32
    scf.if %cond3A_88 {
      "tpu.region"() ({
        %run_scoped3A = tpu.sem_alloc : memref<!tpu.dma_semaphore, #tpu.memory_space<semaphore_mem>>
        %dma_start3A_90 = arith.constant 9600 : i32
        %dma_start3A_91 = arith.constant 0 : i32
        %dma_start3A_92 = tpu.memref_slice %arg8[%arg0, %dma_start3A_90, %dma_start3A_91] : memref<2x10000x64xf32, #tpu.memory_space<hbm>> -> memref<1x400x64xf32, #tpu.memory_space<hbm>>
        %dma_start3A_93 = tpu.memref_squeeze %dma_start3A_92 : memref<1x400x64xf32, #tpu.memory_space<hbm>> -> memref<400x64xf32, #tpu.memory_space<hbm>>
        %dma_start3A_94 = arith.constant 9600 : i32
        %dma_start3A_95 = arith.constant 0 : i32
        %dma_start3A_96 = tpu.memref_slice %arg15[%dma_start3A_94, %dma_start3A_95] : memref<10112x64xf32, #tpu.memory_space<vmem_shared>> -> memref<400x64xf32, #tpu.memory_space<vmem_shared>>
        tpu.enqueue_dma source(%dma_start3A_96 : memref<400x64xf32, #tpu.memory_space<vmem_shared>>) target(%dma_start3A_93 : memref<400x64xf32, #tpu.memory_space<hbm>>) target_semaphore(%run_scoped3A : memref<!tpu.dma_semaphore, #tpu.memory_space<semaphore_mem>>)
        %dma_wait3A = arith.constant 9600 : i32
        %dma_wait3A_97 = arith.constant 0 : i32
        %dma_wait3A_98 = tpu.memref_slice %arg8[%arg0, %dma_wait3A, %dma_wait3A_97] : memref<2x10000x64xf32, #tpu.memory_space<hbm>> -> memref<1x400x64xf32, #tpu.memory_space<hbm>>
        %dma_wait3A_99 = tpu.memref_squeeze %dma_wait3A_98 : memref<1x400x64xf32, #tpu.memory_space<hbm>> -> memref<400x64xf32, #tpu.memory_space<hbm>>
        %dma_wait3A_100 = arith.constant 9600 : i32
        %dma_wait3A_101 = arith.constant 0 : i32
        %dma_wait3A_102 = tpu.memref_slice %arg15[%dma_wait3A_100, %dma_wait3A_101] : memref<10112x64xf32, #tpu.memory_space<vmem_shared>> -> memref<400x64xf32, #tpu.memory_space<vmem_shared>>
        tpu.wait_dma2 semaphore(%run_scoped3A : memref<!tpu.dma_semaphore, #tpu.memory_space<semaphore_mem>>) src(%dma_wait3A_102 : memref<400x64xf32, #tpu.memory_space<vmem_shared>>) dst(%dma_wait3A_99 : memref<400x64xf32, #tpu.memory_space<hbm>>)
        tpu.yield
      }) : () -> ()
    } else {
    }
    %barrier3A_89 = arith.constant 0 : index
    tpu.barrier barrier_id(%barrier3A_89)
    return
  }
}

module attributes {stable_mosaic.version = 14 : i64} {
  func.func @_tc_first_body(%arg0: i32, %arg1: memref<2x5000x16xf32, #tpu.memory_space<vmem>>, %arg2: memref<5000x128xf32, #tpu.memory_space<vmem>>, %arg3: memref<128x128xf32, #tpu.memory_space<vmem>>, %arg4: memref<5000x64xf32, #tpu.memory_space<vmem>>, %arg5: memref<5000x64xf32, #tpu.memory_space<vmem>>, %arg6: memref<5000x128xf32, #tpu.memory_space<vmem>>) attributes {dimension_semantics = [#tpu.dimension_semantics<arbitrary>], iteration_bounds = array<i64: 2>, scalar_prefetch = 0 : i64, scratch_operands = 0 : i64, tpu.core_type = #tpu.core_type<tc>, window_params = [{transform_indices = @transform_0, window_bounds = array<i64: 2, 5000, 16>}, {transform_indices = @transform_1, window_bounds = array<i64: 5000, 128>}, {pipeline_mode = #tpu.pipeline_mode<synchronous>, transform_indices = @transform_2, window_bounds = array<i64: 128, 128>}, {transform_indices = @transform_3, window_bounds = array<i64: 5000, 64>}, {transform_indices = @transform_4, window_bounds = array<i64: 5000, 64>}, {transform_indices = @transform_5, window_bounds = array<i64: 5000, 128>}]} {
    %get3A = arith.constant 0 : index
    %get3A_0 = arith.constant 0 : index
    %get3A_1 = arith.constant 0 : index
    %get3A_2 = vector.load %arg1[%get3A, %get3A_0, %get3A_1] : memref<2x5000x16xf32, #tpu.memory_space<vmem>>, vector<1x5000x1xf32>
    %get3A_3 = vector.shape_cast %get3A_2 : vector<1x5000x1xf32> to vector<5000x1xf32>
    %get3A_4 = arith.constant 1 : index
    %get3A_5 = arith.constant 0 : index
    %get3A_6 = arith.constant 0 : index
    %get3A_7 = vector.load %arg1[%get3A_4, %get3A_5, %get3A_6] : memref<2x5000x16xf32, #tpu.memory_space<vmem>>, vector<1x5000x1xf32>
    %get3A_8 = vector.shape_cast %get3A_7 : vector<1x5000x1xf32> to vector<5000x1xf32>
    %add3A = arith.addf %get3A_3, %get3A_8 : vector<5000x1xf32>
    %add3A_9 = arith.constant 1.000000e+00 : f32
    %add3A_10 = vector.broadcast %add3A_9 : f32 to vector<5000x1xf32>
    %add3A_11 = arith.addf %add3A, %add3A_10 : vector<5000x1xf32>
    %rsqrt3A = math.rsqrt %add3A_11 : vector<5000x1xf32>
    %get3A_12 = arith.constant 0 : index
    %get3A_13 = arith.constant 0 : index
    %get3A_14 = vector.load %arg2[%get3A_12, %get3A_13] : memref<5000x128xf32, #tpu.memory_space<vmem>>, vector<5000x128xf32>
    %get3A_15 = arith.constant 0 : index
    %get3A_16 = arith.constant 0 : index
    %get3A_17 = vector.load %arg3[%get3A_15, %get3A_16] : memref<128x128xf32, #tpu.memory_space<vmem>>, vector<128x128xf32>
    %dot_general3A = arith.constant dense<0.000000e+00> : vector<5000x128xf32>
    %dot_general3A_18 = tpu.matmul %get3A_14, %get3A_17, %dot_general3A {dimension_numbers = #tpu.dot_dimension_numbers<[1], [0], [0], [1], [0, 0, 1, 1], [], []>, transpose_lhs_hint = false} : vector<5000x128xf32>, vector<128x128xf32>, vector<5000x128xf32> -> vector<5000x128xf32>
    %mul3A = vector.broadcast %rsqrt3A : vector<5000x1xf32> to vector<5000x128xf32>
    %mul3A_19 = arith.mulf %mul3A, %dot_general3A_18 : vector<5000x128xf32>
    %slice3A = vector.extract_strided_slice %mul3A_19 {offsets = [0, 0], sizes = [5000, 64], strides = [1, 1]} : vector<5000x128xf32> to vector<5000x64xf32>
    %swap3A = arith.constant 0 : index
    %swap3A_20 = arith.constant 0 : index
    %swap3A_21 = vector.load %arg4[%swap3A, %swap3A_20] : memref<5000x64xf32, #tpu.memory_space<vmem>>, vector<5000x64xf32>
    tpu.vector_store %arg4[%swap3A, %swap3A_20], %slice3A {strides = array<i32>} : memref<5000x64xf32, #tpu.memory_space<vmem>>, vector<5000x64xf32>,
    %slice3A_22 = vector.extract_strided_slice %mul3A_19 {offsets = [0, 64], sizes = [5000, 64], strides = [1, 1]} : vector<5000x128xf32> to vector<5000x64xf32>
    %swap3A_23 = arith.constant 0 : index
    %swap3A_24 = arith.constant 0 : index
    %swap3A_25 = vector.load %arg5[%swap3A_23, %swap3A_24] : memref<5000x64xf32, #tpu.memory_space<vmem>>, vector<5000x64xf32>
    tpu.vector_store %arg5[%swap3A_23, %swap3A_24], %slice3A_22 {strides = array<i32>} : memref<5000x64xf32, #tpu.memory_space<vmem>>, vector<5000x64xf32>,
    %broadcast_in_dim3A = vector.shape_cast %rsqrt3A : vector<5000x1xf32> to vector<5000x1xf32>
    %broadcast_in_dim3A_26 = vector.broadcast %broadcast_in_dim3A : vector<5000x1xf32> to vector<5000x128xf32>
    %swap3A_27 = arith.constant 0 : index
    %swap3A_28 = arith.constant 0 : index
    %swap3A_29 = vector.load %arg6[%swap3A_27, %swap3A_28] : memref<5000x128xf32, #tpu.memory_space<vmem>>, vector<5000x128xf32>
    tpu.vector_store %arg6[%swap3A_27, %swap3A_28], %broadcast_in_dim3A_26 {strides = array<i32>} : memref<5000x128xf32, #tpu.memory_space<vmem>>, vector<5000x128xf32>,
    return
  }
  func.func @transform_0(%arg0: i32) -> (i32, i32, i32) {
    %c0_i32 = arith.constant 0 : i32
    %c0_i32_0 = arith.constant 0 : i32
    %c0_i32_1 = arith.constant 0 : i32
    return %c0_i32, %arg0, %c0_i32_0 : i32, i32, i32
  }
  func.func @transform_1(%arg0: i32) -> (i32, i32) {
    %c0_i32 = arith.constant 0 : i32
    %c0_i32_0 = arith.constant 0 : i32
    return %arg0, %c0_i32 : i32, i32
  }
  func.func @transform_2(%arg0: i32) -> (i32, i32) {
    %c0_i32 = arith.constant 0 : i32
    %c0_i32_0 = arith.constant 0 : i32
    %c0_i32_1 = arith.constant 0 : i32
    return %c0_i32, %c0_i32_0 : i32, i32
  }
  func.func @transform_3(%arg0: i32) -> (i32, i32) {
    %c0_i32 = arith.constant 0 : i32
    %c0_i32_0 = arith.constant 0 : i32
    return %arg0, %c0_i32 : i32, i32
  }
  func.func @transform_4(%arg0: i32) -> (i32, i32) {
    %c0_i32 = arith.constant 0 : i32
    %c0_i32_0 = arith.constant 0 : i32
    return %arg0, %c0_i32 : i32, i32
  }
  func.func @transform_5(%arg0: i32) -> (i32, i32) {
    %c0_i32 = arith.constant 0 : i32
    %c0_i32_0 = arith.constant 0 : i32
    return %arg0, %c0_i32 : i32, i32
  }
}

module attributes {stable_mosaic.version = 14 : i64} {
  func.func @_tc_mid_body(%arg0: i32, %arg1: memref<2x5000x64xf32, #tpu.memory_space<vmem>>, %arg2: memref<2x5000x64xf32, #tpu.memory_space<vmem>>, %arg3: memref<5000x64xf32, #tpu.memory_space<vmem>>, %arg4: memref<5000x64xf32, #tpu.memory_space<vmem>>, %arg5: memref<5000x128xf32, #tpu.memory_space<vmem>>, %arg6: memref<1x128xf32, #tpu.memory_space<vmem>>, %arg7: memref<128x128xf32, #tpu.memory_space<vmem>>, %arg8: memref<5000x64xf32, #tpu.memory_space<vmem>>, %arg9: memref<5000x64xf32, #tpu.memory_space<vmem>>) attributes {dimension_semantics = [#tpu.dimension_semantics<arbitrary>], iteration_bounds = array<i64: 2>, scalar_prefetch = 0 : i64, scratch_operands = 0 : i64, tpu.core_type = #tpu.core_type<tc>, window_params = [{transform_indices = @transform_0, window_bounds = array<i64: 2, 5000, 64>}, {transform_indices = @transform_1, window_bounds = array<i64: 2, 5000, 64>}, {transform_indices = @transform_2, window_bounds = array<i64: 5000, 64>}, {transform_indices = @transform_3, window_bounds = array<i64: 5000, 64>}, {transform_indices = @transform_4, window_bounds = array<i64: 5000, 128>}, {pipeline_mode = #tpu.pipeline_mode<synchronous>, transform_indices = @transform_5, window_bounds = array<i64: 1, 128>}, {pipeline_mode = #tpu.pipeline_mode<synchronous>, transform_indices = @transform_6, window_bounds = array<i64: 128, 128>}, {transform_indices = @transform_7, window_bounds = array<i64: 5000, 64>}, {transform_indices = @transform_8, window_bounds = array<i64: 5000, 64>}]} {
    %get3A = arith.constant 0 : index
    %get3A_0 = arith.constant 0 : index
    %get3A_1 = arith.constant 0 : index
    %get3A_2 = vector.load %arg1[%get3A, %get3A_0, %get3A_1] : memref<2x5000x64xf32, #tpu.memory_space<vmem>>, vector<1x5000x64xf32>
    %get3A_3 = vector.shape_cast %get3A_2 : vector<1x5000x64xf32> to vector<5000x64xf32>
    %get3A_4 = arith.constant 1 : index
    %get3A_5 = arith.constant 0 : index
    %get3A_6 = arith.constant 0 : index
    %get3A_7 = vector.load %arg1[%get3A_4, %get3A_5, %get3A_6] : memref<2x5000x64xf32, #tpu.memory_space<vmem>>, vector<1x5000x64xf32>
    %get3A_8 = vector.shape_cast %get3A_7 : vector<1x5000x64xf32> to vector<5000x64xf32>
    %add3A = arith.addf %get3A_3, %get3A_8 : vector<5000x64xf32>
    %get3A_9 = arith.constant 0 : index
    %get3A_10 = arith.constant 0 : index
    %get3A_11 = vector.load %arg3[%get3A_9, %get3A_10] : memref<5000x64xf32, #tpu.memory_space<vmem>>, vector<5000x64xf32>
    %add3A_12 = arith.addf %add3A, %get3A_11 : vector<5000x64xf32>
    %get3A_13 = arith.constant 0 : index
    %get3A_14 = arith.constant 0 : index
    %get3A_15 = arith.constant 0 : index
    %get3A_16 = vector.load %arg2[%get3A_13, %get3A_14, %get3A_15] : memref<2x5000x64xf32, #tpu.memory_space<vmem>>, vector<1x5000x64xf32>
    %get3A_17 = vector.shape_cast %get3A_16 : vector<1x5000x64xf32> to vector<5000x64xf32>
    %get3A_18 = arith.constant 1 : index
    %get3A_19 = arith.constant 0 : index
    %get3A_20 = arith.constant 0 : index
    %get3A_21 = vector.load %arg2[%get3A_18, %get3A_19, %get3A_20] : memref<2x5000x64xf32, #tpu.memory_space<vmem>>, vector<1x5000x64xf32>
    %get3A_22 = vector.shape_cast %get3A_21 : vector<1x5000x64xf32> to vector<5000x64xf32>
    %add3A_23 = arith.addf %get3A_17, %get3A_22 : vector<5000x64xf32>
    %get3A_24 = arith.constant 0 : index
    %get3A_25 = arith.constant 0 : index
    %get3A_26 = vector.load %arg4[%get3A_24, %get3A_25] : memref<5000x64xf32, #tpu.memory_space<vmem>>, vector<5000x64xf32>
    %add3A_27 = arith.addf %add3A_23, %get3A_26 : vector<5000x64xf32>
    %concatenate3A = tpu.concatenate %add3A_12, %add3A_27 in 1 : vector<5000x64xf32>, vector<5000x64xf32> -> vector<5000x128xf32>
    %get3A_28 = arith.constant 0 : index
    %get3A_29 = arith.constant 0 : index
    %get3A_30 = vector.load %arg5[%get3A_28, %get3A_29] : memref<5000x128xf32, #tpu.memory_space<vmem>>, vector<5000x128xf32>
    %mul3A = arith.mulf %get3A_30, %concatenate3A : vector<5000x128xf32>
    %get3A_31 = arith.constant 0 : index
    %get3A_32 = arith.constant 0 : index
    %get3A_33 = vector.load %arg6[%get3A_31, %get3A_32] : memref<1x128xf32, #tpu.memory_space<vmem>>, vector<1x128xf32>
    %add3A_34 = vector.broadcast %get3A_33 : vector<1x128xf32> to vector<5000x128xf32>
    %add3A_35 = arith.addf %mul3A, %add3A_34 : vector<5000x128xf32>
    %max3A = arith.constant 0.000000e+00 : f32
    %max3A_36 = vector.broadcast %max3A : f32 to vector<5000x128xf32>
    %max3A_37 = arith.maximumf %add3A_35, %max3A_36 : vector<5000x128xf32>
    %get3A_38 = arith.constant 0 : index
    %get3A_39 = arith.constant 0 : index
    %get3A_40 = vector.load %arg7[%get3A_38, %get3A_39] : memref<128x128xf32, #tpu.memory_space<vmem>>, vector<128x128xf32>
    %dot_general3A = arith.constant dense<0.000000e+00> : vector<5000x128xf32>
    %dot_general3A_41 = tpu.matmul %max3A_37, %get3A_40, %dot_general3A {dimension_numbers = #tpu.dot_dimension_numbers<[1], [0], [0], [1], [0, 0, 1, 1], [], []>, transpose_lhs_hint = false} : vector<5000x128xf32>, vector<128x128xf32>, vector<5000x128xf32> -> vector<5000x128xf32>
    %get3A_42 = arith.constant 0 : index
    %get3A_43 = arith.constant 0 : index
    %get3A_44 = vector.load %arg5[%get3A_42, %get3A_43] : memref<5000x128xf32, #tpu.memory_space<vmem>>, vector<5000x128xf32>
    %mul3A_45 = arith.mulf %get3A_44, %dot_general3A_41 : vector<5000x128xf32>
    %slice3A = vector.extract_strided_slice %mul3A_45 {offsets = [0, 0], sizes = [5000, 64], strides = [1, 1]} : vector<5000x128xf32> to vector<5000x64xf32>
    %swap3A = arith.constant 0 : index
    %swap3A_46 = arith.constant 0 : index
    %swap3A_47 = vector.load %arg8[%swap3A, %swap3A_46] : memref<5000x64xf32, #tpu.memory_space<vmem>>, vector<5000x64xf32>
    tpu.vector_store %arg8[%swap3A, %swap3A_46], %slice3A {strides = array<i32>} : memref<5000x64xf32, #tpu.memory_space<vmem>>, vector<5000x64xf32>,
    %slice3A_48 = vector.extract_strided_slice %mul3A_45 {offsets = [0, 64], sizes = [5000, 64], strides = [1, 1]} : vector<5000x128xf32> to vector<5000x64xf32>
    %swap3A_49 = arith.constant 0 : index
    %swap3A_50 = arith.constant 0 : index
    %swap3A_51 = vector.load %arg9[%swap3A_49, %swap3A_50] : memref<5000x64xf32, #tpu.memory_space<vmem>>, vector<5000x64xf32>
    tpu.vector_store %arg9[%swap3A_49, %swap3A_50], %slice3A_48 {strides = array<i32>} : memref<5000x64xf32, #tpu.memory_space<vmem>>, vector<5000x64xf32>,
    return
  }
  func.func @transform_0(%arg0: i32) -> (i32, i32, i32) {
    %c0_i32 = arith.constant 0 : i32
    %c0_i32_0 = arith.constant 0 : i32
    %c0_i32_1 = arith.constant 0 : i32
    return %c0_i32, %arg0, %c0_i32_0 : i32, i32, i32
  }
  func.func @transform_1(%arg0: i32) -> (i32, i32, i32) {
    %c0_i32 = arith.constant 0 : i32
    %c0_i32_0 = arith.constant 0 : i32
    %c0_i32_1 = arith.constant 0 : i32
    return %c0_i32, %arg0, %c0_i32_0 : i32, i32, i32
  }
  func.func @transform_2(%arg0: i32) -> (i32, i32) {
    %c0_i32 = arith.constant 0 : i32
    %c0_i32_0 = arith.constant 0 : i32
    return %arg0, %c0_i32 : i32, i32
  }
  func.func @transform_3(%arg0: i32) -> (i32, i32) {
    %c0_i32 = arith.constant 0 : i32
    %c0_i32_0 = arith.constant 0 : i32
    return %arg0, %c0_i32 : i32, i32
  }
  func.func @transform_4(%arg0: i32) -> (i32, i32) {
    %c0_i32 = arith.constant 0 : i32
    %c0_i32_0 = arith.constant 0 : i32
    return %arg0, %c0_i32 : i32, i32
  }
  func.func @transform_5(%arg0: i32) -> (i32, i32) {
    %c0_i32 = arith.constant 0 : i32
    %c0_i32_0 = arith.constant 0 : i32
    %c0_i32_1 = arith.constant 0 : i32
    return %c0_i32, %c0_i32_0 : i32, i32
  }
  func.func @transform_6(%arg0: i32) -> (i32, i32) {
    %c0_i32 = arith.constant 0 : i32
    %c0_i32_0 = arith.constant 0 : i32
    %c0_i32_1 = arith.constant 0 : i32
    return %c0_i32, %c0_i32_0 : i32, i32
  }
  func.func @transform_7(%arg0: i32) -> (i32, i32) {
    %c0_i32 = arith.constant 0 : i32
    %c0_i32_0 = arith.constant 0 : i32
    return %arg0, %c0_i32 : i32, i32
  }
  func.func @transform_8(%arg0: i32) -> (i32, i32) {
    %c0_i32 = arith.constant 0 : i32
    %c0_i32_0 = arith.constant 0 : i32
    return %arg0, %c0_i32 : i32, i32
  }
}

module attributes {stable_mosaic.version = 14 : i64} {
  func.func @_tc_mid_body(%arg0: i32, %arg1: memref<2x5000x64xf32, #tpu.memory_space<vmem>>, %arg2: memref<2x5000x64xf32, #tpu.memory_space<vmem>>, %arg3: memref<5000x64xf32, #tpu.memory_space<vmem>>, %arg4: memref<5000x64xf32, #tpu.memory_space<vmem>>, %arg5: memref<5000x128xf32, #tpu.memory_space<vmem>>, %arg6: memref<1x128xf32, #tpu.memory_space<vmem>>, %arg7: memref<128x64xf32, #tpu.memory_space<vmem>>, %arg8: memref<5000x64xf32, #tpu.memory_space<vmem>>) attributes {dimension_semantics = [#tpu.dimension_semantics<arbitrary>], iteration_bounds = array<i64: 2>, scalar_prefetch = 0 : i64, scratch_operands = 0 : i64, tpu.core_type = #tpu.core_type<tc>, window_params = [{transform_indices = @transform_0, window_bounds = array<i64: 2, 5000, 64>}, {transform_indices = @transform_1, window_bounds = array<i64: 2, 5000, 64>}, {transform_indices = @transform_2, window_bounds = array<i64: 5000, 64>}, {transform_indices = @transform_3, window_bounds = array<i64: 5000, 64>}, {transform_indices = @transform_4, window_bounds = array<i64: 5000, 128>}, {pipeline_mode = #tpu.pipeline_mode<synchronous>, transform_indices = @transform_5, window_bounds = array<i64: 1, 128>}, {pipeline_mode = #tpu.pipeline_mode<synchronous>, transform_indices = @transform_6, window_bounds = array<i64: 128, 64>}, {transform_indices = @transform_7, window_bounds = array<i64: 5000, 64>}]} {
    %get3A = arith.constant 0 : index
    %get3A_0 = arith.constant 0 : index
    %get3A_1 = arith.constant 0 : index
    %get3A_2 = vector.load %arg1[%get3A, %get3A_0, %get3A_1] : memref<2x5000x64xf32, #tpu.memory_space<vmem>>, vector<1x5000x64xf32>
    %get3A_3 = vector.shape_cast %get3A_2 : vector<1x5000x64xf32> to vector<5000x64xf32>
    %get3A_4 = arith.constant 1 : index
    %get3A_5 = arith.constant 0 : index
    %get3A_6 = arith.constant 0 : index
    %get3A_7 = vector.load %arg1[%get3A_4, %get3A_5, %get3A_6] : memref<2x5000x64xf32, #tpu.memory_space<vmem>>, vector<1x5000x64xf32>
    %get3A_8 = vector.shape_cast %get3A_7 : vector<1x5000x64xf32> to vector<5000x64xf32>
    %add3A = arith.addf %get3A_3, %get3A_8 : vector<5000x64xf32>
    %get3A_9 = arith.constant 0 : index
    %get3A_10 = arith.constant 0 : index
    %get3A_11 = vector.load %arg3[%get3A_9, %get3A_10] : memref<5000x64xf32, #tpu.memory_space<vmem>>, vector<5000x64xf32>
    %add3A_12 = arith.addf %add3A, %get3A_11 : vector<5000x64xf32>
    %get3A_13 = arith.constant 0 : index
    %get3A_14 = arith.constant 0 : index
    %get3A_15 = arith.constant 0 : index
    %get3A_16 = vector.load %arg2[%get3A_13, %get3A_14, %get3A_15] : memref<2x5000x64xf32, #tpu.memory_space<vmem>>, vector<1x5000x64xf32>
    %get3A_17 = vector.shape_cast %get3A_16 : vector<1x5000x64xf32> to vector<5000x64xf32>
    %get3A_18 = arith.constant 1 : index
    %get3A_19 = arith.constant 0 : index
    %get3A_20 = arith.constant 0 : index
    %get3A_21 = vector.load %arg2[%get3A_18, %get3A_19, %get3A_20] : memref<2x5000x64xf32, #tpu.memory_space<vmem>>, vector<1x5000x64xf32>
    %get3A_22 = vector.shape_cast %get3A_21 : vector<1x5000x64xf32> to vector<5000x64xf32>
    %add3A_23 = arith.addf %get3A_17, %get3A_22 : vector<5000x64xf32>
    %get3A_24 = arith.constant 0 : index
    %get3A_25 = arith.constant 0 : index
    %get3A_26 = vector.load %arg4[%get3A_24, %get3A_25] : memref<5000x64xf32, #tpu.memory_space<vmem>>, vector<5000x64xf32>
    %add3A_27 = arith.addf %add3A_23, %get3A_26 : vector<5000x64xf32>
    %concatenate3A = tpu.concatenate %add3A_12, %add3A_27 in 1 : vector<5000x64xf32>, vector<5000x64xf32> -> vector<5000x128xf32>
    %get3A_28 = arith.constant 0 : index
    %get3A_29 = arith.constant 0 : index
    %get3A_30 = vector.load %arg5[%get3A_28, %get3A_29] : memref<5000x128xf32, #tpu.memory_space<vmem>>, vector<5000x128xf32>
    %mul3A = arith.mulf %get3A_30, %concatenate3A : vector<5000x128xf32>
    %get3A_31 = arith.constant 0 : index
    %get3A_32 = arith.constant 0 : index
    %get3A_33 = vector.load %arg6[%get3A_31, %get3A_32] : memref<1x128xf32, #tpu.memory_space<vmem>>, vector<1x128xf32>
    %add3A_34 = vector.broadcast %get3A_33 : vector<1x128xf32> to vector<5000x128xf32>
    %add3A_35 = arith.addf %mul3A, %add3A_34 : vector<5000x128xf32>
    %max3A = arith.constant 0.000000e+00 : f32
    %max3A_36 = vector.broadcast %max3A : f32 to vector<5000x128xf32>
    %max3A_37 = arith.maximumf %add3A_35, %max3A_36 : vector<5000x128xf32>
    %get3A_38 = arith.constant 0 : index
    %get3A_39 = arith.constant 0 : index
    %get3A_40 = vector.load %arg7[%get3A_38, %get3A_39] : memref<128x64xf32, #tpu.memory_space<vmem>>, vector<128x64xf32>
    %dot_general3A = arith.constant dense<0.000000e+00> : vector<5000x64xf32>
    %dot_general3A_41 = tpu.matmul %max3A_37, %get3A_40, %dot_general3A {dimension_numbers = #tpu.dot_dimension_numbers<[1], [0], [0], [1], [0, 0, 1, 1], [], []>, transpose_lhs_hint = false} : vector<5000x128xf32>, vector<128x64xf32>, vector<5000x64xf32> -> vector<5000x64xf32>
    %get3A_42 = arith.constant 0 : index
    %get3A_43 = arith.constant 0 : index
    %get3A_44 = vector.load %arg5[%get3A_42, %get3A_43] : memref<5000x128xf32, #tpu.memory_space<vmem>>, vector<5000x64xf32>
    %mul3A_45 = arith.mulf %get3A_44, %dot_general3A_41 : vector<5000x64xf32>
    %swap3A = arith.constant 0 : index
    %swap3A_46 = arith.constant 0 : index
    %swap3A_47 = vector.load %arg8[%swap3A, %swap3A_46] : memref<5000x64xf32, #tpu.memory_space<vmem>>, vector<5000x64xf32>
    tpu.vector_store %arg8[%swap3A, %swap3A_46], %mul3A_45 {strides = array<i32>} : memref<5000x64xf32, #tpu.memory_space<vmem>>, vector<5000x64xf32>,
    return
  }
  func.func @transform_0(%arg0: i32) -> (i32, i32, i32) {
    %c0_i32 = arith.constant 0 : i32
    %c0_i32_0 = arith.constant 0 : i32
    %c0_i32_1 = arith.constant 0 : i32
    return %c0_i32, %arg0, %c0_i32_0 : i32, i32, i32
  }
  func.func @transform_1(%arg0: i32) -> (i32, i32, i32) {
    %c0_i32 = arith.constant 0 : i32
    %c0_i32_0 = arith.constant 0 : i32
    %c0_i32_1 = arith.constant 0 : i32
    return %c0_i32, %arg0, %c0_i32_0 : i32, i32, i32
  }
  func.func @transform_2(%arg0: i32) -> (i32, i32) {
    %c0_i32 = arith.constant 0 : i32
    %c0_i32_0 = arith.constant 0 : i32
    return %arg0, %c0_i32 : i32, i32
  }
  func.func @transform_3(%arg0: i32) -> (i32, i32) {
    %c0_i32 = arith.constant 0 : i32
    %c0_i32_0 = arith.constant 0 : i32
    return %arg0, %c0_i32 : i32, i32
  }
  func.func @transform_4(%arg0: i32) -> (i32, i32) {
    %c0_i32 = arith.constant 0 : i32
    %c0_i32_0 = arith.constant 0 : i32
    return %arg0, %c0_i32 : i32, i32
  }
  func.func @transform_5(%arg0: i32) -> (i32, i32) {
    %c0_i32 = arith.constant 0 : i32
    %c0_i32_0 = arith.constant 0 : i32
    %c0_i32_1 = arith.constant 0 : i32
    return %c0_i32, %c0_i32_0 : i32, i32
  }
  func.func @transform_6(%arg0: i32) -> (i32, i32) {
    %c0_i32 = arith.constant 0 : i32
    %c0_i32_0 = arith.constant 0 : i32
    %c0_i32_1 = arith.constant 0 : i32
    return %c0_i32, %c0_i32_0 : i32, i32
  }
  func.func @transform_7(%arg0: i32) -> (i32, i32) {
    %c0_i32 = arith.constant 0 : i32
    %c0_i32_0 = arith.constant 0 : i32
    return %arg0, %c0_i32 : i32, i32
  }
}

module attributes {stable_mosaic.version = 14 : i64} {
  func.func @_tc_last_body(%arg0: i32, %arg1: memref<2x5000x64xf32, #tpu.memory_space<vmem>>, %arg2: memref<5000x64xf32, #tpu.memory_space<vmem>>, %arg3: memref<5000x128xf32, #tpu.memory_space<vmem>>, %arg4: memref<1x64xf32, #tpu.memory_space<vmem>>, %arg5: memref<5000x64xf32, #tpu.memory_space<vmem>>) attributes {dimension_semantics = [#tpu.dimension_semantics<arbitrary>], iteration_bounds = array<i64: 2>, scalar_prefetch = 0 : i64, scratch_operands = 0 : i64, tpu.core_type = #tpu.core_type<tc>, window_params = [{transform_indices = @transform_0, window_bounds = array<i64: 2, 5000, 64>}, {transform_indices = @transform_1, window_bounds = array<i64: 5000, 64>}, {transform_indices = @transform_2, window_bounds = array<i64: 5000, 128>}, {pipeline_mode = #tpu.pipeline_mode<synchronous>, transform_indices = @transform_3, window_bounds = array<i64: 1, 64>}, {transform_indices = @transform_4, window_bounds = array<i64: 5000, 64>}]} {
    %get3A = arith.constant 0 : index
    %get3A_0 = arith.constant 0 : index
    %get3A_1 = vector.load %arg3[%get3A, %get3A_0] : memref<5000x128xf32, #tpu.memory_space<vmem>>, vector<5000x64xf32>
    %get3A_2 = arith.constant 0 : index
    %get3A_3 = arith.constant 0 : index
    %get3A_4 = arith.constant 0 : index
    %get3A_5 = vector.load %arg1[%get3A_2, %get3A_3, %get3A_4] : memref<2x5000x64xf32, #tpu.memory_space<vmem>>, vector<1x5000x64xf32>
    %get3A_6 = vector.shape_cast %get3A_5 : vector<1x5000x64xf32> to vector<5000x64xf32>
    %get3A_7 = arith.constant 1 : index
    %get3A_8 = arith.constant 0 : index
    %get3A_9 = arith.constant 0 : index
    %get3A_10 = vector.load %arg1[%get3A_7, %get3A_8, %get3A_9] : memref<2x5000x64xf32, #tpu.memory_space<vmem>>, vector<1x5000x64xf32>
    %get3A_11 = vector.shape_cast %get3A_10 : vector<1x5000x64xf32> to vector<5000x64xf32>
    %add3A = arith.addf %get3A_6, %get3A_11 : vector<5000x64xf32>
    %get3A_12 = arith.constant 0 : index
    %get3A_13 = arith.constant 0 : index
    %get3A_14 = vector.load %arg2[%get3A_12, %get3A_13] : memref<5000x64xf32, #tpu.memory_space<vmem>>, vector<5000x64xf32>
    %add3A_15 = arith.addf %add3A, %get3A_14 : vector<5000x64xf32>
    %mul3A = arith.mulf %get3A_1, %add3A_15 : vector<5000x64xf32>
    %get3A_16 = arith.constant 0 : index
    %get3A_17 = arith.constant 0 : index
    %get3A_18 = vector.load %arg4[%get3A_16, %get3A_17] : memref<1x64xf32, #tpu.memory_space<vmem>>, vector<1x64xf32>
    %add3A_19 = vector.broadcast %get3A_18 : vector<1x64xf32> to vector<5000x64xf32>
    %add3A_20 = arith.addf %mul3A, %add3A_19 : vector<5000x64xf32>
    %reduce_max3A = arith.constant dense<0xFF800000> : vector<5000xf32>
    %reduce_max3A_21 = vector.multi_reduction <maximumf>, %add3A_20, %reduce_max3A [1] : vector<5000x64xf32> to vector<5000xf32>
    %broadcast_in_dim3A = vector.shape_cast %reduce_max3A_21 : vector<5000xf32> to vector<5000x1xf32>
    %sub3A = vector.broadcast %broadcast_in_dim3A : vector<5000x1xf32> to vector<5000x64xf32>
    %sub3A_22 = arith.subf %add3A_20, %sub3A : vector<5000x64xf32>
    %exp3A = math.exp %sub3A_22 : vector<5000x64xf32>
    %reduce_sum3A = arith.constant dense<0.000000e+00> : vector<5000xf32>
    %reduce_sum3A_23 = vector.multi_reduction <add>, %exp3A, %reduce_sum3A [1] : vector<5000x64xf32> to vector<5000xf32>
    %broadcast_in_dim3A_24 = vector.shape_cast %reduce_sum3A_23 : vector<5000xf32> to vector<5000x1xf32>
    %log3A = math.log %broadcast_in_dim3A_24 : vector<5000x1xf32>
    %add3A_25 = arith.addf %log3A, %broadcast_in_dim3A : vector<5000x1xf32>
    %sub3A_26 = vector.broadcast %add3A_25 : vector<5000x1xf32> to vector<5000x64xf32>
    %sub3A_27 = arith.subf %add3A_20, %sub3A_26 : vector<5000x64xf32>
    %swap3A = arith.constant 0 : index
    %swap3A_28 = arith.constant 0 : index
    %swap3A_29 = vector.load %arg5[%swap3A, %swap3A_28] : memref<5000x64xf32, #tpu.memory_space<vmem>>, vector<5000x64xf32>
    tpu.vector_store %arg5[%swap3A, %swap3A_28], %sub3A_27 {strides = array<i32>} : memref<5000x64xf32, #tpu.memory_space<vmem>>, vector<5000x64xf32>,
    return
  }
  func.func @transform_0(%arg0: i32) -> (i32, i32, i32) {
    %c0_i32 = arith.constant 0 : i32
    %c0_i32_0 = arith.constant 0 : i32
    %c0_i32_1 = arith.constant 0 : i32
    return %c0_i32, %arg0, %c0_i32_0 : i32, i32, i32
  }
  func.func @transform_1(%arg0: i32) -> (i32, i32) {
    %c0_i32 = arith.constant 0 : i32
    %c0_i32_0 = arith.constant 0 : i32
    return %arg0, %c0_i32 : i32, i32
  }
  func.func @transform_2(%arg0: i32) -> (i32, i32) {
    %c0_i32 = arith.constant 0 : i32
    %c0_i32_0 = arith.constant 0 : i32
    return %arg0, %c0_i32 : i32, i32
  }
  func.func @transform_3(%arg0: i32) -> (i32, i32) {
    %c0_i32 = arith.constant 0 : i32
    %c0_i32_0 = arith.constant 0 : i32
    %c0_i32_1 = arith.constant 0 : i32
    return %c0_i32, %c0_i32_0 : i32, i32
  }
  func.func @transform_4(%arg0: i32) -> (i32, i32) {
    %c0_i32 = arith.constant 0 : i32
    %c0_i32_0 = arith.constant 0 : i32
    return %arg0, %c0_i32 : i32, i32
  }
}

</mosaic_0001>

<sc_bundles>
// kernel: kernel.10.cloned.1.call-start
scs
__scs_entry_jumppad:
0x0: {  	(pc) =	sbr.rel $0x88, $3  }
0x1: {  	(tag) =	ssettag $0x0;
	lr =	simm.s32 $0x1  }
0x2: {  	[smem:$0x3F99] =	sst lr;
	_ =	strace $0xD0000000  }
0x3: {  	_ = 	snop  }
0x4: {  	_ = 	snop  }
0x5: {  	_ = 	snop  }
0x6: {  	_ = 	snop  }
0x7: {  	_ = 	snop  }
__scs_overlays_trampoline_lowered:
0x8: {  	[smem:$0x3FA8] =	sst s0  }
0x9: {  	[smem:$0x3FA9] =	sst s1  }
0xa: {  	[smem:$0x3FAA] =	sst s2  }
0xb: {  	[smem:$0x3FAB] =	sst s3  }
0xc: {  	[smem:$0x3FAC] =	sst s4  }
0xd: {  	[smem:$0x3FAD] =	sst s5  }
0xe: {  	[smem:$0x3FAE] =	sst s6  }
0xf: {  	[smem:$0x3FAF] =	sst s7  }
0x10: {  	[smem:$0x3FB0] =	sst s8  }
0x11: {  	[smem:$0x3FB1] =	sst s9;
	s0 =	simm.s32 @!p0 $0x0  }
0x12: {  	s1 =	sld [smem:$0x3F97];
	s0 =	simm.s32 @p0 $0x1  }
0x13: {  	[smem:$0x3FB2] =	sst s0;
	s0 =	simm.s32 @!p1 $0x0  }
0x14: {  	s2 =	sld [smem:$0x3F96];
	s0 =	simm.s32 @p1 $0x1  }
0x15: {  	[smem:$0x3FB3] =	sst s0;
	s0 =	simm.s32 @!p2 $0x0  }
0x16: {  	s3 =	sld [smem:$0x3FDB];
	s0 =	simm.s32 @p2 $0x1  }
0x17: {  	s4 =	simm.s32 $0x1BF5;
	[smem:$0x3FB5] =	sst s0  }
0x18: {  	s0 =	sld [smem:$0x3F98];
	_ =	swait.ge [sflag:s4], $0x0  }
0x19: {  	s7 =	sld [smem:$0x3F99]  }
0x1a: {  	s8 =	sadd.s32 $0xFFFFE003, lr  }
0x1b: {  	s9 =	sadd.s32 $0xFFFFFEF7, lr;
	s5 =	simm.s32 $0xFFFFFFFF;
	p2 =	slt.u32 s8, $0xFFFFF086  }
0x1c: {  	p1 =	slt.u32 s9, $0xF7A;
	s5 =	simm.s32 @!p2 $0x0  }
0x1d: {  	s5 =	simm.s32 @p1 $0x1;
	p0 =	seq.s32 s7, s2  }
0x1e: {  	s7 =	smul.u32 @!p0 $0xF7A, s2;
	p2 =	seq.s32 @!p0 s5, $0x0  }
0x1f: {  	s9 =	smul.u32 $0xF7A, s1;
	s8 =	simm.s32 @!p0 $0x1BF5;
	p2 =	por !p2, p0  }
0x20: {  	[sflag:s8] =	ssyncset.s32 @!p0 $0xFFFFF086;
	s6 =	sadd.s32 @!p0 s3, s7;
	s7 =	simm.s32 @!p0 $0x108  }
0x21: {  	s3 =	sadd.s32 s3, s9;
	s6 =	sadd.s32 @!p0 $0x88, s6;
	s7 =	simm.s32 @p2 $0x1082  }
0x22: {  	[simem:s7], [sflag:s8] =	dma.local @!p0 [hbm:s6], $0xF7A  }
0x23: {  	s9 =	sor.u32 $0xD0000000, s2;
	s6 =	simm.s32 $0x108;
	_ =	swait.ge @!p0 [sflag:s8], $0x0  }
0x24: {  	s3 =	sadd.s32 $0x88, s3;
	s6 =	simm.s32 @!p1 $0x1082;
	[sflag:s4] =	ssyncset.s32 $0xFFFFF086  }
0x25: {  	[simem:s6], [sflag:s4] =	dma.local [hbm:s3], $0xF7A  }
0x26: {  	[smem:$0x3F99] =	sst s1;
	(tag) =	ssettag s2;
	_ =	strace s9  }
0x27: {  	s1 =	sld [smem:$0x3FA9]  }
0x28: {  	s2 =	sld [smem:$0x3FAA]  }
0x29: {  	s4 =	sld [smem:$0x3FAC]  }
0x2a: {  	p0 =	seq.s32 s5, $0x0;
	s5 =	sld [smem:$0x3FAD]  }
0x2b: {  	s6 =	sld [smem:$0x3FAE]  }
0x2c: {  	s7 =	sld [smem:$0x3FAF]  }
0x2d: {  	s3 =	simm.s32 $0x108;
	s8 =	sld [smem:$0x3FB0]  }
0x2e: {  	s3 =	simm.s32 @!p0 $0x1082;
	s9 =	sld [smem:$0x3FB1]  }
0x2f: {  	lr =	sadd.s32 s0, s3;
	s0 =	sld [smem:$0x3FA8]  }
0x30: {  	s3 =	sld [smem:$0x3FAB]  }
0x31: {  	[smem:$0x3FB4] =	sst s10  }
0x32: {  	s10 =	sld [smem:$0x3FB2];
	_ =	sdelay $0x3  }
0x33: {  	p0 =	seq.s32 s10, $0x1;
	s10 =	sld [smem:$0x3FB4];
	_ =	sdelay $0x3  }
0x34: {  	[smem:$0x3FB4] =	sst s10  }
0x35: {  	s10 =	sld [smem:$0x3FB3];
	_ =	sdelay $0x3  }
0x36: {  	p1 =	seq.s32 s10, $0x1;
	s10 =	sld [smem:$0x3FB4];
	_ =	sdelay $0x3  }
0x37: {  	[smem:$0x3FB4] =	sst s10  }
0x38: {  	s10 =	sld [smem:$0x3FB5]  }
0x39: {  	_ = 	snop;
	(pc) =	sbr.ind lr, $3  }
0x3a: {  	_ = 	snop  }
0x3b: {  	_ = 	snop  }
0x3c: {  	p2 =	seq.s32 s10, $0x1;
	s10 =	sld [smem:$0x3FB4]  }
0x3d: {  	_ =	shalt  }
0x3e: {  	_ =	shalt  }
0x3f: {  	_ =	shalt  }
0x40: {  	_ =	shalt  }
0x41: {  	_ =	shalt  }
0x42: {  	_ =	shalt  }
0x43: {  	_ =	shalt  }
0x44: {  	_ =	shalt  }
0x45: {  	_ =	shalt  }
0x46: {  	_ =	shalt  }
0x47: {  	_ =	shalt  }
0x48: {  	_ =	shalt  }
0x49: {  	_ =	shalt  }
0x4a: {  	_ =	shalt  }
0x4b: {  	_ =	shalt  }
0x4c: {  	_ =	shalt  }
0x4d: {  	_ =	shalt  }
0x4e: {  	_ =	shalt  }
0x4f: {  	_ =	shalt  }
0x50: {  	_ =	shalt  }
0x51: {  	_ =	shalt  }
0x52: {  	_ =	shalt  }
0x53: {  	_ =	shalt  }
0x54: {  	_ =	shalt  }
0x55: {  	_ =	shalt  }
0x56: {  	_ =	shalt  }
0x57: {  	_ =	shalt  }
0x58: {  	_ =	shalt  }
0x59: {  	_ =	shalt  }
0x5a: {  	_ =	shalt  }
0x5b: {  	_ =	shalt  }
0x5c: {  	_ =	shalt  }
0x5d: {  	_ =	shalt  }
0x5e: {  	_ =	shalt  }
0x5f: {  	_ =	shalt  }
0x60: {  	_ =	shalt  }
0x61: {  	_ =	shalt  }
0x62: {  	_ =	shalt  }
0x63: {  	_ =	shalt  }
0x64: {  	_ =	shalt  }
0x65: {  	_ =	shalt  }
0x66: {  	_ =	shalt  }
0x67: {  	_ =	shalt  }
0x68: {  	_ =	shalt  }
0x69: {  	_ =	shalt  }
0x6a: {  	_ =	shalt  }
0x6b: {  	_ =	shalt  }
0x6c: {  	_ =	shalt  }
0x6d: {  	_ =	shalt  }
0x6e: {  	_ =	shalt  }
0x6f: {  	_ =	shalt  }
0x70: {  	_ =	shalt  }
0x71: {  	_ =	shalt  }
0x72: {  	_ =	shalt  }
0x73: {  	_ =	shalt  }
0x74: {  	_ =	shalt  }
0x75: {  	_ =	shalt  }
0x76: {  	_ =	shalt  }
0x77: {  	_ =	shalt  }
0x78: {  	_ =	shalt  }
0x79: {  	_ =	shalt  }
0x7a: {  	_ =	shalt  }
0x7b: {  	_ =	shalt  }
0x7c: {  	_ =	shalt  }
0x7d: {  	_ =	shalt  }
0x7e: {  	_ =	shalt  }
0x7f: {  	_ =	shalt  }
0x80: {  	_ =	shalt  }
0x81: {  	_ =	shalt  }
0x82: {  	_ =	shalt  }
0x83: {  	_ =	shalt  }
0x84: {  	_ =	shalt  }
0x85: {  	_ =	shalt  }
0x86: {  	_ =	shalt  }
0x87: {  	_ =	shalt  }
.Lfunc_end0:
.L_simem_size_0:
called_computation_lowered:
.L_overlay_start_0:
0x88: {  	s2 =	sld [smem:$0x3FD9]  }
0x89: {  	s3 =	sld [smem:$0x3FFE];
	_ =	sdelay $0x1  }
0x8a: {  	s1 =	srdreg.scid  }
0x8b: {  	s0 =	sand.u32 $0x1, s1  }
0x8c: {  	s17 =	sshll.u32 s0, $0xA;
	s2 =	sadd.s32 s3, s2  }
0x8d: {  	s2 =	sadd.s32 s2, s17  }
0x8e: {  	[smem:$0x3FC0] =	sst s2  }
0x8f: {  	_ = 	snop  }
0x90: {  	s2 =	sld [smem:$0x3FD0];
	(tm) =	ssettm $0x1  }
0x91: {  	s18 =	sld [smem:$0x3FFB];
	_ =	sdelay $0x3  }
0x92: {  	_ =	strace s18  }
0x93: {  	s3 =	sld [smem:$0x3FFC];
	_ =	sdelay $0x3  }
0x94: {  	_ =	strace s3  }
0x95: {  	s3 =	sld [smem:$0x3FFD];
	_ =	sdelay $0x3  }
0x96: {  	_ =	strace s3  }
0x97: {  	_ =	strace $0x8FFFFFFF  }
0x98: {  	s19 =	sld [smem:$0x3FDB];
	_ =	sdelay $0x1  }
0x99: {  	s4 =	simm.s32 $_scs_section_size  }
0x9a: {  	s5 =	simm.s32 $_size__tile_overlayer_lowered;
	s6 =	simm.s32 $_tile_overlayer_lowered  }
0x9b: {  	s22 =	simm.s32 $0x1BFF;
	s21 =	sshll.u32 s6, $0x1;
	s3 =	sadd.s32 s4, s19  }
0x9c: {  	s7 =	simm.s32 $0x0;
	s20 =	sshll.u32 s5, $0x1;
	s5 =	sadd.s32 s21, s3  }
0x9d: {  	[timem:s7], [sflag:s22] =	dma.local [hbm:s5], s20  }
0x9e: {  	_ =	swait.ge [sflag:s22], s20  }
0x9f: {  	s4 =	ssub.s32 $0x0, s20;
	[sflag:s22] =	ssyncset.done $0x0  }
0xa0: {  	[sflag:s22] =	ssyncadd.s32 s4;
	_ =	sdelay $0x1  }
0xa1: {  	s23 =	simm.s32 $0x1B8B  }
0xa2: {  	_ =	swait.ge [sflag:s23], $0x1  }
0xa3: {  	[sflag:s23] =	ssyncset.done $0x0  }
0xa4: {  	s25 =	simm.s32 $0x1B8E;
	s24 =	sld [smem:$0x3FFE];
	[sflag:s23] =	ssyncadd.s32 $0xFFFFFFFF  }
0xa5: {  	s26 =	simm.s32 $execute0_lowered;
	[smem:$0x3FD2] =	sst s25  }
0xa6: {  	s5 =	sshll.u32 s26, $0x1;
	_ =	strace $0x80000046;
	[dreg:$0x1] =	wrdreg $0xFFFFFFFF  }
0xa7: {  	s28 =	simm.s32 $_size_execute0_lowered;
	s3 =	sadd.s32 s3, s5;
	[dreg:$0x0] =	wrdreg $0x0  }
0xa8: {  	s5 =	sshll.u32 s28, $0x1;
	[dreg:$0x2] =	wrdreg s3  }
0xa9: {  	[dreg:$0x3] =	wrdreg s5  }
0xaa: {  	[dreg:$0x4] =	wrdreg $0xC0  }
0xab: {  	_ =	task [dreg:s7], $0x5FFFF  }
0xac: {  	[dreg:$0x1] =	wrdreg $0xFFFFFFFF  }
0xad: {  	[dreg:$0x0] =	wrdreg $0x60  }
0xae: {  	[dreg:$0x2] =	wrdreg s2  }
0xaf: {  	[dreg:$0x3] =	wrdreg s24  }
0xb0: {  	[dreg:$0x4] =	wrdreg $0x30000  }
0xb1: {  	[dreg:$0x5] =	wrdreg $0x9  }
0xb2: {  	_ =	task.clear_ibuf [dreg:s7], $0x6FFFF;
	_ =	strace $0x90000046  }
0xb3: {  	s29 =	simm.s32 $0x9;
	_ =	strace $0x80000048  }
0xb4: {  	_ =	swait.ge [sflag:s29], $0x1  }
0xb5: {  	[sflag:s29] =	ssyncadd.s32 $0xFFFFFFFF  }
0xb6: {  	_ =	strace $0x90000048  }
0xb7: {  	_ =	sfence  }
0xb8: {  	s30 =	sld [smem:$0x0];
	_ =	sdelay $0x2  }
0xb9: {  	s31 =	sshll.u32 s1, $0xD;
	s1 =	sshrl.u32 s1, $0x2  }
0xba: {  	s3 =	sand.u32 $0x4000, s31;
	s1 =	sadd.s32 s1, s30  }
0xbb: {  	s0 =	sor.u32 s3, s0;
	s1 =	sshll.u32 s1, $0x11  }
0xbc: {  	s0 =	sor.u32 s1, s0  }
0xbd: {  	s0 =	sadd.s32 $0x8F2B, s0  }
0xbe: {  	[sflag:s0] =	ssyncadd.remote.s32 $0x1  }
0xbf: {  	_ =	sfence.sel $0xFFFF  }
0xc0: {  	[dreg:$0x0] =	wrdreg $0xFFFFFFFF;
	(pc) =	sbr.abs _section_cstart, $3  }
0xc1: {  	[dreg:$0x1] =	wrdreg $0xFFFFFFFF  }
0xc2: {  	_ =	task.clear_ibuf [dreg:s7], $0x2FFFF;
	_ =	strace $0x9FFFFFFF  }
0xc3: {  	(tm) =	ssettm $0x7FFFFFFF  }
tec
execute0_lowered:
.L_overlay_start_1:
0x0: {  	(tag) =	ssettag $0x1  }
0x1: {  	s6 =	rddreg [dreg:$0x0]  }
0x2: {  	s0 =	srdreg.scid;
	s7 =	rddreg [dreg:$0x1]  }
0x3: {  	s2 =	rddreg [dreg:$0x2];
	s1 =	stileid.u32  }
0x4: {  	s3 =	simm.s32 $0x0;
	s5 =	sand.u32 $0x1, s0;
	s0 =	rddreg [dreg:$0x3]  }
0x5: {  	s17 =	simm.s32 $0x0;
	[smem:$0x7FF] =	sst s3;
	s9 =	smul.u32 $0x9E00, s1  }
0x6: {  	s13 =	smul.u32 $0x2800, s1;
	s15 =	sadd.s32 $0x25800, s2;
	s31 =	sshll.u32 s1, $0x6  }
0x7: {  	p0 =	seq.s32 s1, $0xF;
	s4 =	sshll.u32 s5, $0x4;
	_ =	strace $0x80000047  }
0x8: {  	s10 =	ssub.s32 $0x2, s5;
	s11 =	smul.u32 $0x27100, s5;
	s5 =	sadd.s32 $0x18200, s7  }
0x9: {  	s15 =	sshrl.u32 @p0 s15, $0x3;
	s4 =	sor.u32 s1, s4;
	s12 =	sshrl.u32 s10, $0x1  }
0xa: {  	s26 =	sshrl.u32 s9, $0x2;
	s16 =	sadd.s32 s13, s2;
	s8 =	smul.u32 $0x500, s4  }
0xb: {  	s4 =	sadd.s32 $0x18800, s7;
	s7 =	sadd.s32 $0x18A00, s7;
	s10 =	ssub.s32 s10, s12  }
0xc: {  	s28 =	sadd.s32 s13, s11;
	s11 =	sshrl.u32 s11, $0x3;
	s14 =	sadd.s32 s26, s2  }
0xd: {  	s12 =	sor.u32 $0x1C01, s31;
	s16 =	sshrl.u32 @!p0 s16, $0x3;
	s29 =	sshrl.u32 s28, $0x3  }
0xe: {  	s30 =	sadd.s32 s7, s11;
	s9 =	smax.u32 s10, $0x1;
	s10 =	simm.s32 $0x1  }
0xf: {  	s11 =	simm.s32 $0x2800;
	s13 =	sshrl.u32 s14, $0x3;
	s14 =	simm.s32 $0x80  }
0x10: {  	s6 =	sadd.s32 s6, s8;
	s7 =	sadd.s32 s7, s29;
	s8 =	sadd.s32 $0x4B00, s30  }
.LBB2_1:
0x11: {  	[tilespmem:s3], [sflag:$0x1] =	stream.linear.gather [hbm4b:s6+s3], $0x2800, $0x38;
	[tilespmem:$0x5780] =	vst v63  }
0x12: {  	_ =	swait.ge [sflag:s10], $0x2800  }
0x13: {  	[sflag:s10] =	ssyncset.done $0x0  }
0x14: {  	[sflag:s10] =	ssyncadd.s32 $0xFFFFD800  }
0x15: {  	[tilespmem:s11], [sflag:$0x1] =	stream.linear.gather [hbm4b:s4+s3], $0x800, $0x38;
	[tilespmem:$0x5780] =	vst v63  }
0x16: {  	_ =	swait.ge [sflag:s10], $0x800  }
0x17: {  	[sflag:s10] =	ssyncset.done $0x0  }
0x18: {  	[sflag:s10] =	ssyncadd.s32 $0xFFFFF800  }
0x19: {  	[spmem:s13], [sflag:s12] =	dma.local [hbm:s5], $0x4F0  }
0x1a: {  	_ =	swait.ge [sflag:s10], $0x4F0  }
0x1b: {  	[sflag:s10] =	ssyncset.done $0x0  }
0x1c: {  	[sflag:s10] =	ssyncadd.s32 $0xFFFFFB10  }
0x1d: {  	s18 =	simm.s32 $0x0;
	[bflag:$0x0] =	sbarrier.arrive $0xFFFF  }
0x1e: {  	[spmem:s2] =	stream.indirect.scatter.add.f32 [tilespmem:s11], [sflag:$0x1], $0x10, s18, s14, $0xb8;
	[tilespmem:$0x5780] =	vst v63  }
0x1f: {  	_ =	swait.ge [sflag:s10], $0x800  }
0x20: {  	s18 =	simm.s32 $0x200;
	[sflag:s10] =	ssyncset.done $0x0  }
.LBB2_2:
0x21: {  	s19 =	sshra.s32 s18, $0x2;
	[sflag:s10] =	ssyncadd.s32 $0xFFFFF800;
	p1 =	sne.s32 s18, $0x9E00  }
0x22: {  	[spmem:s2] =	stream.indirect.scatter.add.f32 [tilespmem:s11], [sflag:$0x1], $0x10, s19, s14, $0xb8;
	[tilespmem:$0x5780] =	vst v63  }
.Ltmp0:
0x23: {  	_ = 	snop;
	(pc) =	sbr.rel @p1 .LBB2_2-.Ltmp0, $4  }
0x24: {  	_ = 	snop  }
0x25: {  	s18 =	sadd.s32 $0x200, s18  }
0x26: {  	_ =	swait.ge [sflag:s10], $0x800  }
0x27: {  	[sflag:s10] =	ssyncset.done $0x0  }
0x28: {  	[sflag:s10] =	ssyncadd.s32 $0xFFFFF800  }
0x29: {  	s18 =	simm.s32 @p0 $0x1;
	[bflag:$0x0] =	sbarrier.arrive $0xFFFF  }
0x2a: {  	[hbm:s8], [sflag:s12] =	dma.local @p0 [spmem:s15], $0x320  }
0x2b: {  	s17 =	sadd.s32 $0x1, s17;
	_ =	swait.ge @p0 [sflag:s18], $0x320  }
0x2c: {  	p1 =	sne.s32 s17, s9;
	[sflag:s18] =	ssyncset.done @p0 $0x0  }
.Ltmp1:
0x2d: {  	[sflag:s18] =	ssyncadd.s32 @p0 $0xFFFFFCE0;
	s18 =	simm.s32 @!p0 $0x1;
	(pc) =	sbr.rel @p1 .LBB2_1-.Ltmp1, $4  }
0x2e: {  	[hbm:s7], [sflag:s12] =	dma.local @!p0 [spmem:s16], $0x500  }
0x2f: {  	_ =	swait.ge @!p0 [sflag:s18], $0x500  }
0x30: {  	[sflag:s18] =	ssyncset.done @!p0 $0x0  }
0x31: {  	[sflag:s18] =	ssyncadd.s32 @!p0 $0xFFFFFB00  }
0x32: {  	_ =	sfence.sel $0x180000  }
0x33: {  	[bflag:$0x0] =	sbarrier.arrive $0xFFFF  }
0x34: {  	p0 =	sne.s32 s1, $0x0;
	_ =	strace $0x90000047  }
0x35: {  	s0 =	sadd.s32 @!p0 $0x100000, s0;
	[bflag:$0x2] =	sbarrier.arrive $0xFFFF  }
0x36: {  	[sflag:s0] =	ssyncadd.tile.s32 @!p0 $0x1;
	_ =	shalt  }
.Lfunc_end2:
_tile_overlayer_lowered:
.L_overlay_start_2:
0x37: {  	(tag) =	ssettag $0x2  }
0x38: {  	s0 =	rddreg [dreg:$0x0];
	s2 =	stileid.u32  }
0x39: {  	s1 =	rddreg [dreg:$0x1];
	p0 =	sne.s32 s2, $0x0  }
0x3a: {  	s3 =	rddreg [dreg:$0x2];
	[bflag:$0x3] =	sbarrier.arrive $0xFFFF;
	s2 =	simm.s32 @!p0 $0x1C01  }
0x3b: {  	[timem:s3], [sflag:s2] =	dma.local @!p0 [hbm:s0], s1  }
0x3c: {  	s0 =	simm.s32 @!p0 $0x1  }
0x3d: {  	_ =	swait.ge @!p0 [sflag:s0], s1  }
0x3e: {  	s1 =	ssub.s32 @!p0 $0x0, s1;
	[sflag:s0] =	ssyncset.done @!p0 $0x0  }
0x3f: {  	[sflag:s0] =	ssyncadd.s32 @!p0 s1  }
0x40: {  	[bflag:$0x3] =	sbarrier.arrive $0xFFFF  }
0x41: {  	_ =	shalt  }

// kernel: kernel.13.cloned.1.call-start
scs
__scs_entry_jumppad:
0x0: {  	(pc) =	sbr.rel $0x88, $3  }
0x1: {  	(tag) =	ssettag $0x0;
	lr =	simm.s32 $0x1  }
0x2: {  	[smem:$0x3F99] =	sst lr;
	_ =	strace $0xD0000000  }
0x3: {  	_ = 	snop  }
0x4: {  	_ = 	snop  }
0x5: {  	_ = 	snop  }
0x6: {  	_ = 	snop  }
0x7: {  	_ = 	snop  }
__scs_overlays_trampoline_lowered:
0x8: {  	[smem:$0x3FA8] =	sst s0  }
0x9: {  	[smem:$0x3FA9] =	sst s1  }
0xa: {  	[smem:$0x3FAA] =	sst s2  }
0xb: {  	[smem:$0x3FAB] =	sst s3  }
0xc: {  	[smem:$0x3FAC] =	sst s4  }
0xd: {  	[smem:$0x3FAD] =	sst s5  }
0xe: {  	[smem:$0x3FAE] =	sst s6  }
0xf: {  	[smem:$0x3FAF] =	sst s7  }
0x10: {  	[smem:$0x3FB0] =	sst s8  }
0x11: {  	[smem:$0x3FB1] =	sst s9;
	s0 =	simm.s32 @!p0 $0x0  }
0x12: {  	s1 =	sld [smem:$0x3F97];
	s0 =	simm.s32 @p0 $0x1  }
0x13: {  	[smem:$0x3FB2] =	sst s0;
	s0 =	simm.s32 @!p1 $0x0  }
0x14: {  	s2 =	sld [smem:$0x3F96];
	s0 =	simm.s32 @p1 $0x1  }
0x15: {  	[smem:$0x3FB3] =	sst s0;
	s0 =	simm.s32 @!p2 $0x0  }
0x16: {  	s3 =	sld [smem:$0x3FDB];
	s0 =	simm.s32 @p2 $0x1  }
0x17: {  	s4 =	simm.s32 $0x1BF5;
	[smem:$0x3FB5] =	sst s0  }
0x18: {  	s0 =	sld [smem:$0x3F98];
	_ =	swait.ge [sflag:s4], $0x0  }
0x19: {  	s7 =	sld [smem:$0x3F99]  }
0x1a: {  	s8 =	sadd.s32 $0xFFFFE003, lr  }
0x1b: {  	s9 =	sadd.s32 $0xFFFFFEF7, lr;
	s5 =	simm.s32 $0xFFFFFFFF;
	p2 =	slt.u32 s8, $0xFFFFF086  }
0x1c: {  	p1 =	slt.u32 s9, $0xF7A;
	s5 =	simm.s32 @!p2 $0x0  }
0x1d: {  	s5 =	simm.s32 @p1 $0x1;
	p0 =	seq.s32 s7, s2  }
0x1e: {  	s7 =	smul.u32 @!p0 $0xF7A, s2;
	p2 =	seq.s32 @!p0 s5, $0x0  }
0x1f: {  	s9 =	smul.u32 $0xF7A, s1;
	s8 =	simm.s32 @!p0 $0x1BF5;
	p2 =	por !p2, p0  }
0x20: {  	[sflag:s8] =	ssyncset.s32 @!p0 $0xFFFFF086;
	s6 =	sadd.s32 @!p0 s3, s7;
	s7 =	simm.s32 @!p0 $0x108  }
0x21: {  	s3 =	sadd.s32 s3, s9;
	s6 =	sadd.s32 @!p0 $0x88, s6;
	s7 =	simm.s32 @p2 $0x1082  }
0x22: {  	[simem:s7], [sflag:s8] =	dma.local @!p0 [hbm:s6], $0xF7A  }
0x23: {  	s9 =	sor.u32 $0xD0000000, s2;
	s6 =	simm.s32 $0x108;
	_ =	swait.ge @!p0 [sflag:s8], $0x0  }
0x24: {  	s3 =	sadd.s32 $0x88, s3;
	s6 =	simm.s32 @!p1 $0x1082;
	[sflag:s4] =	ssyncset.s32 $0xFFFFF086  }
0x25: {  	[simem:s6], [sflag:s4] =	dma.local [hbm:s3], $0xF7A  }
0x26: {  	[smem:$0x3F99] =	sst s1;
	(tag) =	ssettag s2;
	_ =	strace s9  }
0x27: {  	s1 =	sld [smem:$0x3FA9]  }
0x28: {  	s2 =	sld [smem:$0x3FAA]  }
0x29: {  	s4 =	sld [smem:$0x3FAC]  }
0x2a: {  	p0 =	seq.s32 s5, $0x0;
	s5 =	sld [smem:$0x3FAD]  }
0x2b: {  	s6 =	sld [smem:$0x3FAE]  }
0x2c: {  	s7 =	sld [smem:$0x3FAF]  }
0x2d: {  	s3 =	simm.s32 $0x108;
	s8 =	sld [smem:$0x3FB0]  }
0x2e: {  	s3 =	simm.s32 @!p0 $0x1082;
	s9 =	sld [smem:$0x3FB1]  }
0x2f: {  	lr =	sadd.s32 s0, s3;
	s0 =	sld [smem:$0x3FA8]  }
0x30: {  	s3 =	sld [smem:$0x3FAB]  }
0x31: {  	[smem:$0x3FB4] =	sst s10  }
0x32: {  	s10 =	sld [smem:$0x3FB2];
	_ =	sdelay $0x3  }
0x33: {  	p0 =	seq.s32 s10, $0x1;
	s10 =	sld [smem:$0x3FB4];
	_ =	sdelay $0x3  }
0x34: {  	[smem:$0x3FB4] =	sst s10  }
0x35: {  	s10 =	sld [smem:$0x3FB3];
	_ =	sdelay $0x3  }
0x36: {  	p1 =	seq.s32 s10, $0x1;
	s10 =	sld [smem:$0x3FB4];
	_ =	sdelay $0x3  }
0x37: {  	[smem:$0x3FB4] =	sst s10  }
0x38: {  	s10 =	sld [smem:$0x3FB5]  }
0x39: {  	_ = 	snop;
	(pc) =	sbr.ind lr, $3  }
0x3a: {  	_ = 	snop  }
0x3b: {  	_ = 	snop  }
0x3c: {  	p2 =	seq.s32 s10, $0x1;
	s10 =	sld [smem:$0x3FB4]  }
0x3d: {  	_ =	shalt  }
0x3e: {  	_ =	shalt  }
0x3f: {  	_ =	shalt  }
0x40: {  	_ =	shalt  }
0x41: {  	_ =	shalt  }
0x42: {  	_ =	shalt  }
0x43: {  	_ =	shalt  }
0x44: {  	_ =	shalt  }
0x45: {  	_ =	shalt  }
0x46: {  	_ =	shalt  }
0x47: {  	_ =	shalt  }
0x48: {  	_ =	shalt  }
0x49: {  	_ =	shalt  }
0x4a: {  	_ =	shalt  }
0x4b: {  	_ =	shalt  }
0x4c: {  	_ =	shalt  }
0x4d: {  	_ =	shalt  }
0x4e: {  	_ =	shalt  }
0x4f: {  	_ =	shalt  }
0x50: {  	_ =	shalt  }
0x51: {  	_ =	shalt  }
0x52: {  	_ =	shalt  }
0x53: {  	_ =	shalt  }
0x54: {  	_ =	shalt  }
0x55: {  	_ =	shalt  }
0x56: {  	_ =	shalt  }
0x57: {  	_ =	shalt  }
0x58: {  	_ =	shalt  }
0x59: {  	_ =	shalt  }
0x5a: {  	_ =	shalt  }
0x5b: {  	_ =	shalt  }
0x5c: {  	_ =	shalt  }
0x5d: {  	_ =	shalt  }
0x5e: {  	_ =	shalt  }
0x5f: {  	_ =	shalt  }
0x60: {  	_ =	shalt  }
0x61: {  	_ =	shalt  }
0x62: {  	_ =	shalt  }
0x63: {  	_ =	shalt  }
0x64: {  	_ =	shalt  }
0x65: {  	_ =	shalt  }
0x66: {  	_ =	shalt  }
0x67: {  	_ =	shalt  }
0x68: {  	_ =	shalt  }
0x69: {  	_ =	shalt  }
0x6a: {  	_ =	shalt  }
0x6b: {  	_ =	shalt  }
0x6c: {  	_ =	shalt  }
0x6d: {  	_ =	shalt  }
0x6e: {  	_ =	shalt  }
0x6f: {  	_ =	shalt  }
0x70: {  	_ =	shalt  }
0x71: {  	_ =	shalt  }
0x72: {  	_ =	shalt  }
0x73: {  	_ =	shalt  }
0x74: {  	_ =	shalt  }
0x75: {  	_ =	shalt  }
0x76: {  	_ =	shalt  }
0x77: {  	_ =	shalt  }
0x78: {  	_ =	shalt  }
0x79: {  	_ =	shalt  }
0x7a: {  	_ =	shalt  }
0x7b: {  	_ =	shalt  }
0x7c: {  	_ =	shalt  }
0x7d: {  	_ =	shalt  }
0x7e: {  	_ =	shalt  }
0x7f: {  	_ =	shalt  }
0x80: {  	_ =	shalt  }
0x81: {  	_ =	shalt  }
0x82: {  	_ =	shalt  }
0x83: {  	_ =	shalt  }
0x84: {  	_ =	shalt  }
0x85: {  	_ =	shalt  }
0x86: {  	_ =	shalt  }
0x87: {  	_ =	shalt  }
.Lfunc_end0:
.L_simem_size_0:
called_computation.1_lowered:
.L_overlay_start_0:
0x88: {  	s2 =	sld [smem:$0x3FD9]  }
0x89: {  	s3 =	sld [smem:$0x3FFE];
	_ =	sdelay $0x1  }
0x8a: {  	s1 =	srdreg.scid  }
0x8b: {  	s0 =	sand.u32 $0x1, s1  }
0x8c: {  	s17 =	sshll.u32 s0, $0xA;
	s2 =	sadd.s32 s3, s2  }
0x8d: {  	s2 =	sadd.s32 s2, s17  }
0x8e: {  	[smem:$0x3FC0] =	sst s2  }
0x8f: {  	_ = 	snop  }
0x90: {  	s2 =	sld [smem:$0x3FD0];
	(tm) =	ssettm $0x1  }
0x91: {  	s18 =	sld [smem:$0x3FFB];
	_ =	sdelay $0x3  }
0x92: {  	_ =	strace s18  }
0x93: {  	s3 =	sld [smem:$0x3FFC];
	_ =	sdelay $0x3  }
0x94: {  	_ =	strace s3  }
0x95: {  	s3 =	sld [smem:$0x3FFD];
	_ =	sdelay $0x3  }
0x96: {  	_ =	strace s3  }
0x97: {  	_ =	strace $0x8FFFFFFF  }
0x98: {  	s19 =	sld [smem:$0x3FDB];
	_ =	sdelay $0x1  }
0x99: {  	s4 =	simm.s32 $_scs_section_size  }
0x9a: {  	s5 =	simm.s32 $_size__tile_overlayer_lowered;
	s6 =	simm.s32 $_tile_overlayer_lowered  }
0x9b: {  	s22 =	simm.s32 $0x1BFF;
	s21 =	sshll.u32 s6, $0x1;
	s3 =	sadd.s32 s4, s19  }
0x9c: {  	s7 =	simm.s32 $0x0;
	s20 =	sshll.u32 s5, $0x1;
	s5 =	sadd.s32 s21, s3  }
0x9d: {  	[timem:s7], [sflag:s22] =	dma.local [hbm:s5], s20  }
0x9e: {  	_ =	swait.ge [sflag:s22], s20  }
0x9f: {  	s4 =	ssub.s32 $0x0, s20;
	[sflag:s22] =	ssyncset.done $0x0  }
0xa0: {  	[sflag:s22] =	ssyncadd.s32 s4;
	_ =	sdelay $0x1  }
0xa1: {  	s23 =	simm.s32 $0x1B8B  }
0xa2: {  	_ =	swait.ge [sflag:s23], $0x1  }
0xa3: {  	[sflag:s23] =	ssyncset.done $0x0  }
0xa4: {  	s25 =	simm.s32 $0x1B8E;
	s24 =	sld [smem:$0x3FFE];
	[sflag:s23] =	ssyncadd.s32 $0xFFFFFFFF  }
0xa5: {  	s26 =	simm.s32 $execute0_lowered;
	[smem:$0x3FD2] =	sst s25  }
0xa6: {  	s5 =	sshll.u32 s26, $0x1;
	_ =	strace $0x80000049;
	[dreg:$0x1] =	wrdreg $0xFFFFFFFF  }
0xa7: {  	s28 =	simm.s32 $_size_execute0_lowered;
	s3 =	sadd.s32 s3, s5;
	[dreg:$0x0] =	wrdreg $0x0  }
0xa8: {  	s5 =	sshll.u32 s28, $0x1;
	[dreg:$0x2] =	wrdreg s3  }
0xa9: {  	[dreg:$0x3] =	wrdreg s5  }
0xaa: {  	[dreg:$0x4] =	wrdreg $0xC0  }
0xab: {  	_ =	task [dreg:s7], $0x5FFFF  }
0xac: {  	[dreg:$0x1] =	wrdreg $0xFFFFFFFF  }
0xad: {  	[dreg:$0x0] =	wrdreg $0x60  }
0xae: {  	[dreg:$0x2] =	wrdreg s24  }
0xaf: {  	[dreg:$0x3] =	wrdreg s2  }
0xb0: {  	[dreg:$0x4] =	wrdreg $0xD0000  }
0xb1: {  	[dreg:$0x5] =	wrdreg $0x9  }
0xb2: {  	_ =	task.clear_ibuf [dreg:s7], $0x6FFFF;
	_ =	strace $0x90000049  }
0xb3: {  	s29 =	simm.s32 $0x9;
	_ =	strace $0x8000004B  }
0xb4: {  	_ =	swait.ge [sflag:s29], $0x1  }
0xb5: {  	[sflag:s29] =	ssyncadd.s32 $0xFFFFFFFF  }
0xb6: {  	_ =	strace $0x9000004B  }
0xb7: {  	_ =	sfence  }
0xb8: {  	s30 =	sld [smem:$0x0];
	_ =	sdelay $0x2  }
0xb9: {  	s31 =	sshll.u32 s1, $0xD;
	s1 =	sshrl.u32 s1, $0x2  }
0xba: {  	s3 =	sand.u32 $0x4000, s31;
	s1 =	sadd.s32 s1, s30  }
0xbb: {  	s0 =	sor.u32 s3, s0;
	s1 =	sshll.u32 s1, $0x11  }
0xbc: {  	s0 =	sor.u32 s1, s0  }
0xbd: {  	s0 =	sadd.s32 $0x8F2B, s0  }
0xbe: {  	[sflag:s0] =	ssyncadd.remote.s32 $0x1  }
0xbf: {  	_ =	sfence.sel $0xFFFF  }
0xc0: {  	[dreg:$0x0] =	wrdreg $0xFFFFFFFF;
	(pc) =	sbr.abs _section_cstart, $3  }
0xc1: {  	[dreg:$0x1] =	wrdreg $0xFFFFFFFF  }
0xc2: {  	_ =	task.clear_ibuf [dreg:s7], $0x2FFFF;
	_ =	strace $0x9FFFFFFF  }
0xc3: {  	(tm) =	ssettm $0x7FFFFFFF  }
tec
execute0_lowered:
.L_overlay_start_1:
0x0: {  	(tag) =	ssettag $0x1  }
0x1: {  	s1 =	rddreg [dreg:$0x0]  }
0x2: {  	s0 =	srdreg.scid;
	s2 =	rddreg [dreg:$0x1]  }
0x3: {  	s12 =	stileid.u32;
	s3 =	rddreg [dreg:$0x2];
	s5 =	simm.s32 $0x0  }
0x4: {  	s17 =	simm.s32 $0x5;
	s18 =	simm.s32 $0x2800;
	s19 =	simm.s32 $0x80  }
0x5: {  	s28 =	simm.s32 $0x1;
	s29 =	simm.s32 $0x2;
	s30 =	simm.s32 $0x3  }
0x6: {  	s31 =	simm.s32 $0x4;
	s0 =	sand.u32 $0x1, s0;
	[smem:$0x7FF] =	sst s5  }
0x7: {  	s5 =	sadd.s32 $0x3F400, s1;
	s6 =	sadd.s32 $0x52E00, s1;
	s7 =	smul.u32 $0x27800, s12  }
0x8: {  	s8 =	sadd.s32 $0x7B400, s1;
	s11 =	smul.u32 $0xA000, s12;
	s26 =	sadd.s32 $0x96000, s3  }
0x9: {  	p0 =	seq.s32 s12, $0xF;
	s4 =	sshll.u32 s0, $0x4;
	_ =	strace $0x8000004A  }
0xa: {  	s9 =	ssub.s32 $0x2, s0;
	s0 =	smul.u32 $0x9C400, s0;
	[dreg:$0xa] =	wrdreg s26  }
0xb: {  	s26 =	simm.s32 $0xB000;
	s4 =	sor.u32 s12, s4;
	s10 =	sshrl.u32 s9, $0x1  }
0xc: {  	s21 =	sshrl.u32 s7, $0x2;
	s24 =	sadd.s32 s11, s3;
	s4 =	smul.u32 $0x500, s4  }
0xd: {  	s9 =	ssub.s32 s9, s10;
	s22 =	sadd.s32 s11, s0;
	s0 =	sshrl.u32 s0, $0x3  }
0xe: {  	[dreg:$0x8] =	wrdreg s24;
	s24 =	simm.s32 $0x9000;
	s23 =	sshrl.u32 s22, $0x3  }
0xf: {  	s0 =	sadd.s32 $0x12C00, s0;
	s16 =	smax.u32 s9, $0x1;
	s22 =	simm.s32 $0x7000  }
0x10: {  	s4 =	sadd.s32 s4, s1;
	s1 =	sadd.s32 $0x54200, s1;
	s7 =	sadd.s32 s8, s23  }
0x11: {  	s25 =	sadd.s32 s8, s0;
	s8 =	simm.s32 $0x0;
	[dreg:$0x7] =	wrdreg s7  }
0x12: {  	s20 =	sadd.s32 $0xE200, s4;
	s4 =	sadd.s32 $0x4200, s4;
	[dreg:$0x9] =	wrdreg s25  }
0x13: {  	s15 =	sadd.s32 s1, s0;
	s25 =	simm.s32 $0x2980;
	[dreg:$0x4] =	wrdreg s20  }
0x14: {  	s0 =	simm.s32 $0x2680;
	s7 =	simm.s32 $0x2780;
	[dreg:$0x5] =	wrdreg s4  }
0x15: {  	s4 =	sadd.s32 s21, s3;
	s20 =	simm.s32 $0x5000;
	s21 =	simm.s32 $0x2880  }
0x16: {  	[dreg:$0x6] =	wrdreg s4;
	s4 =	sadd.s32 s1, s23;
	s23 =	simm.s32 $0x2900  }
0x17: {  	s1 =	simm.s32 $0x2600;
	[dreg:$0xb] =	wrdreg s4;
	s4 =	simm.s32 $0x2700  }
.LBB2_1:
0x18: {  	s9 =	simm.s32 $0x0;
	s10 =	rddreg [dreg:$0x4]  }
0x19: {  	[tilespmem:s9], [sflag:$0x5] =	stream.linear.gather [hbm4b:s10+s9], $0x2800, $0x38;
	[tilespmem:$0x16E00] =	vst v63  }
0x1a: {  	_ =	swait.ge [sflag:s17], $0x2800  }
0x1b: {  	[sflag:s17] =	ssyncset.done $0x0  }
0x1c: {  	s14 =	rddreg [dreg:$0x5];
	[sflag:s17] =	ssyncadd.s32 $0xFFFFD800  }
0x1d: {  	[tilespmem:s18], [sflag:$0x5] =	stream.linear.gather [hbm4b:s14+s9], $0x2800, $0x38;
	[tilespmem:$0x16E00] =	vst v63  }
0x1e: {  	_ =	swait.ge [sflag:s17], $0x2800  }
0x1f: {  	[sflag:s17] =	ssyncset.done $0x0  }
0x20: {  	[sflag:s17] =	ssyncadd.s32 $0xFFFFD800  }
0x21: {  	[tilespmem:s20], [sflag:$0x1] =	stream.indirect.gather [hbm4b:s2+s19], $0x40, s18, s19, $0xb8;
	[tilespmem:$0x16E00] =	vst v63  }
0x22: {  	s10 =	stileid.u32  }
0x23: {  	[tilespmem:s22], [sflag:$0x2] =	stream.indirect.gather [hbm4b:s2+s19], $0x40, s21, s19, $0xb8;
	[tilespmem:$0x16E00] =	vst v63  }
0x24: {  	s9 =	sshll.u32 s10, $0x6;
	s11 =	rddreg [dreg:$0x6]  }
0x25: {  	[tilespmem:s24], [sflag:$0x3] =	stream.indirect.gather [hbm4b:s2+s19], $0x40, s23, s19, $0xb8;
	[tilespmem:$0x16E00] =	vst v63  }
0x26: {  	s9 =	sor.u32 $0x1C05, s9;
	s10 =	sshrl.u32 s11, $0x3  }
0x27: {  	[tilespmem:s26], [sflag:$0x4] =	stream.indirect.gather [hbm4b:s2+s19], $0x40, s25, s19, $0xb8;
	[tilespmem:$0x16E00] =	vst v63  }
0x28: {  	[spmem:s10], [sflag:s9] =	dma.local [hbm:s6], $0x13C0  }
0x29: {  	_ =	swait.ge [sflag:s17], $0x13C0  }
0x2a: {  	[sflag:s17] =	ssyncset.done $0x0  }
0x2b: {  	[sflag:s17] =	ssyncadd.s32 $0xFFFFEC40  }
0x2c: {  	[bflag:$0x0] =	sbarrier.arrive $0xFFFF  }
0x2d: {  	_ =	swait.ge [sflag:s28], $0x2000  }
0x2e: {  	[sflag:s28] =	ssyncset.done $0x0  }
0x2f: {  	s11 =	simm.s32 $0x0;
	[sflag:s28] =	ssyncadd.s32 $0xFFFFE000  }
0x30: {  	[spmem:s3] =	stream.indirect.scatter.add.f32 [tilespmem:s20], [sflag:$0x5], $0x40, s11, s19, $0xb8;
	[tilespmem:$0x16E00] =	vst v63  }
0x31: {  	_ =	swait.ge [sflag:s17], $0x2000  }
0x32: {  	[sflag:s17] =	ssyncset.done $0x0  }
0x33: {  	s12 =	simm.s32 $0x2A00;
	[sflag:s17] =	ssyncadd.s32 $0xFFFFE000  }
0x34: {  	[tilespmem:s20], [sflag:$0x1] =	stream.indirect.gather [hbm4b:s2+s19], $0x40, s12, s19, $0xb8;
	[tilespmem:$0x16E00] =	vst v63  }
0x35: {  	_ =	swait.ge [sflag:s29], $0x2000  }
0x36: {  	[sflag:s29] =	ssyncset.done $0x0  }
0x37: {  	s13 =	simm.s32 $0x80;
	[sflag:s29] =	ssyncadd.s32 $0xFFFFE000  }
0x38: {  	[spmem:s3] =	stream.indirect.scatter.add.f32 [tilespmem:s22], [sflag:$0x5], $0x40, s13, s19, $0xb8;
	[tilespmem:$0x16E00] =	vst v63  }
0x39: {  	_ =	swait.ge [sflag:s17], $0x2000  }
0x3a: {  	[sflag:s17] =	ssyncset.done $0x0  }
0x3b: {  	s14 =	simm.s32 $0x2A80;
	[sflag:s17] =	ssyncadd.s32 $0xFFFFE000  }
0x3c: {  	[tilespmem:s22], [sflag:$0x2] =	stream.indirect.gather [hbm4b:s2+s19], $0x40, s14, s19, $0xb8;
	[tilespmem:$0x16E00] =	vst v63  }
0x3d: {  	_ =	swait.ge [sflag:s30], $0x2000  }
0x3e: {  	[sflag:s30] =	ssyncset.done $0x0  }
0x3f: {  	s12 =	simm.s32 $0x100;
	[sflag:s30] =	ssyncadd.s32 $0xFFFFE000  }
0x40: {  	[spmem:s3] =	stream.indirect.scatter.add.f32 [tilespmem:s24], [sflag:$0x5], $0x40, s12, s19, $0xb8;
	[tilespmem:$0x16E00] =	vst v63  }
0x41: {  	_ =	swait.ge [sflag:s17], $0x2000  }
0x42: {  	[sflag:s17] =	ssyncset.done $0x0  }
0x43: {  	s13 =	simm.s32 $0x2B00;
	[sflag:s17] =	ssyncadd.s32 $0xFFFFE000  }
0x44: {  	[tilespmem:s24], [sflag:$0x3] =	stream.indirect.gather [hbm4b:s2+s19], $0x40, s13, s19, $0xb8;
	[tilespmem:$0x16E00] =	vst v63  }
0x45: {  	_ =	swait.ge [sflag:s31], $0x2000  }
0x46: {  	[sflag:s31] =	ssyncset.done $0x0  }
0x47: {  	s14 =	simm.s32 $0x180;
	[sflag:s31] =	ssyncadd.s32 $0xFFFFE000  }
0x48: {  	[spmem:s3] =	stream.indirect.scatter.add.f32 [tilespmem:s26], [sflag:$0x5], $0x40, s14, s19, $0xb8;
	[tilespmem:$0x16E00] =	vst v63  }
0x49: {  	_ =	swait.ge [sflag:s17], $0x2000  }
0x4a: {  	[sflag:s17] =	ssyncset.done $0x0  }
0x4b: {  	s11 =	simm.s32 $0x800;
	s12 =	simm.s32 $0x2B80;
	[sflag:s17] =	ssyncadd.s32 $0xFFFFE000  }
.LBB2_2:
0x4c: {  	[tilespmem:s26], [sflag:$0x4] =	stream.indirect.gather [hbm4b:s2+s19], $0x40, s12, s19, $0xb8;
	[tilespmem:$0x16E00] =	vst v63  }
0x4d: {  	s12 =	smov.u32 s11  }
0x4e: {  	p1 =	sne.s32 s11, $0x9000;
	s11 =	sadd.s32 $0x800, s11;
	_ =	swait.ge [sflag:s28], $0x2000  }
0x4f: {  	[sflag:s28] =	ssyncset.done $0x0  }
0x50: {  	s12 =	sshra.s32 s12, $0x2;
	[sflag:s28] =	ssyncadd.s32 $0xFFFFE000  }
0x51: {  	[spmem:s3] =	stream.indirect.scatter.add.f32 [tilespmem:s20], [sflag:$0x5], $0x40, s12, s19, $0xb8;
	[tilespmem:$0x16E00] =	vst v63  }
0x52: {  	_ =	swait.ge [sflag:s17], $0x2000  }
0x53: {  	[sflag:s17] =	ssyncset.done $0x0  }
0x54: {  	s13 =	sadd.s32 $0x2A00, s12;
	[sflag:s17] =	ssyncadd.s32 $0xFFFFE000  }
0x55: {  	[tilespmem:s20], [sflag:$0x1] =	stream.indirect.gather [hbm4b:s2+s19], $0x40, s13, s19, $0xb8;
	[tilespmem:$0x16E00] =	vst v63  }
0x56: {  	_ =	swait.ge [sflag:s29], $0x2000  }
0x57: {  	[sflag:s29] =	ssyncset.done $0x0  }
0x58: {  	s13 =	sadd.s32 $0x80, s12;
	[sflag:s29] =	ssyncadd.s32 $0xFFFFE000  }
0x59: {  	[spmem:s3] =	stream.indirect.scatter.add.f32 [tilespmem:s22], [sflag:$0x5], $0x40, s13, s19, $0xb8;
	[tilespmem:$0x16E00] =	vst v63  }
0x5a: {  	_ =	swait.ge [sflag:s17], $0x2000  }
0x5b: {  	[sflag:s17] =	ssyncset.done $0x0  }
0x5c: {  	s13 =	sadd.s32 $0x2A80, s12;
	[sflag:s17] =	ssyncadd.s32 $0xFFFFE000  }
0x5d: {  	[tilespmem:s22], [sflag:$0x2] =	stream.indirect.gather [hbm4b:s2+s19], $0x40, s13, s19, $0xb8;
	[tilespmem:$0x16E00] =	vst v63  }
0x5e: {  	_ =	swait.ge [sflag:s30], $0x2000  }
0x5f: {  	[sflag:s30] =	ssyncset.done $0x0  }
0x60: {  	s13 =	sadd.s32 $0x100, s12;
	[sflag:s30] =	ssyncadd.s32 $0xFFFFE000  }
0x61: {  	[spmem:s3] =	stream.indirect.scatter.add.f32 [tilespmem:s24], [sflag:$0x5], $0x40, s13, s19, $0xb8;
	[tilespmem:$0x16E00] =	vst v63  }
0x62: {  	_ =	swait.ge [sflag:s17], $0x2000  }
0x63: {  	[sflag:s17] =	ssyncset.done $0x0  }
0x64: {  	s13 =	sadd.s32 $0x2B00, s12;
	[sflag:s17] =	ssyncadd.s32 $0xFFFFE000  }
0x65: {  	[tilespmem:s24], [sflag:$0x3] =	stream.indirect.gather [hbm4b:s2+s19], $0x40, s13, s19, $0xb8;
	[tilespmem:$0x16E00] =	vst v63  }
0x66: {  	_ =	swait.ge [sflag:s31], $0x2000  }
0x67: {  	[sflag:s31] =	ssyncset.done $0x0  }
.Ltmp0:
0x68: {  	s13 =	sadd.s32 $0x180, s12;
	[sflag:s31] =	ssyncadd.s32 $0xFFFFE000;
	(pc) =	sbr.rel @p1 .LBB2_2-.Ltmp0, $4  }
0x69: {  	[spmem:s3] =	stream.indirect.scatter.add.f32 [tilespmem:s26], [sflag:$0x5], $0x40, s13, s19, $0xb8;
	[tilespmem:$0x16E00] =	vst v63  }
0x6a: {  	_ =	swait.ge [sflag:s17], $0x2000  }
0x6b: {  	[sflag:s17] =	ssyncset.done $0x0  }
0x6c: {  	s12 =	sadd.s32 $0x2B80, s12;
	[sflag:s17] =	ssyncadd.s32 $0xFFFFE000  }
0x6d: {  	[tilespmem:s26], [sflag:$0x4] =	stream.indirect.gather [hbm4b:s2+s19], $0x40, s12, s19, $0xb8;
	[tilespmem:$0x16E00] =	vst v63  }
0x6e: {  	_ =	swait.ge [sflag:s28], $0x2000  }
0x6f: {  	[sflag:s28] =	ssyncset.done $0x0  }
0x70: {  	[sflag:s28] =	ssyncadd.s32 $0xFFFFE000  }
0x71: {  	[spmem:s3] =	stream.indirect.scatter.add.f32 [tilespmem:s20], [sflag:$0x5], $0x40, s1, s19, $0xb8;
	[tilespmem:$0x16E00] =	vst v63  }
0x72: {  	_ =	swait.ge [sflag:s17], $0x2000  }
0x73: {  	[sflag:s17] =	ssyncset.done $0x0  }
0x74: {  	[sflag:s17] =	ssyncadd.s32 $0xFFFFE000  }
0x75: {  	_ =	swait.ge [sflag:s29], $0x2000  }
0x76: {  	[sflag:s29] =	ssyncset.done $0x0  }
0x77: {  	[sflag:s29] =	ssyncadd.s32 $0xFFFFE000  }
0x78: {  	[spmem:s3] =	stream.indirect.scatter.add.f32 [tilespmem:s22], [sflag:$0x5], $0x40, s0, s19, $0xb8;
	[tilespmem:$0x16E00] =	vst v63  }
0x79: {  	_ =	swait.ge [sflag:s17], $0x2000  }
0x7a: {  	[sflag:s17] =	ssyncset.done $0x0  }
0x7b: {  	[sflag:s17] =	ssyncadd.s32 $0xFFFFE000  }
0x7c: {  	_ =	swait.ge [sflag:s30], $0x2000  }
0x7d: {  	[sflag:s30] =	ssyncset.done $0x0  }
0x7e: {  	[sflag:s30] =	ssyncadd.s32 $0xFFFFE000  }
0x7f: {  	[spmem:s3] =	stream.indirect.scatter.add.f32 [tilespmem:s24], [sflag:$0x5], $0x40, s4, s19, $0xb8;
	[tilespmem:$0x16E00] =	vst v63  }
0x80: {  	_ =	swait.ge [sflag:s17], $0x2000  }
0x81: {  	[sflag:s17] =	ssyncset.done $0x0  }
0x82: {  	[sflag:s17] =	ssyncadd.s32 $0xFFFFE000  }
0x83: {  	_ =	swait.ge [sflag:s31], $0x2000  }
0x84: {  	[sflag:s31] =	ssyncset.done $0x0  }
0x85: {  	[sflag:s31] =	ssyncadd.s32 $0xFFFFE000  }
0x86: {  	[spmem:s3] =	stream.indirect.scatter.add.f32 [tilespmem:s26], [sflag:$0x5], $0x40, s7, s19, $0xb8;
	[tilespmem:$0x16E00] =	vst v63  }
0x87: {  	_ =	swait.ge [sflag:s17], $0x2000  }
0x88: {  	[sflag:s17] =	ssyncset.done $0x0  }
0x89: {  	[sflag:s17] =	ssyncadd.s32 $0xFFFFE000  }
0x8a: {  	[tilespmem:s20], [sflag:$0x1] =	stream.indirect.gather [hbm4b:s5+s19], $0x40, s18, s19, $0xb8;
	[tilespmem:$0x16E00] =	vst v63  }
0x8b: {  	_ = 	snop  }
0x8c: {  	[tilespmem:s22], [sflag:$0x2] =	stream.indirect.gather [hbm4b:s5+s19], $0x40, s21, s19, $0xb8;
	[tilespmem:$0x16E00] =	vst v63  }
0x8d: {  	_ = 	snop  }
0x8e: {  	[tilespmem:s24], [sflag:$0x3] =	stream.indirect.gather [hbm4b:s5+s19], $0x40, s23, s19, $0xb8;
	[tilespmem:$0x16E00] =	vst v63  }
0x8f: {  	_ = 	snop  }
0x90: {  	[tilespmem:s26], [sflag:$0x4] =	stream.indirect.gather [hbm4b:s5+s19], $0x40, s25, s19, $0xb8;
	[tilespmem:$0x16E00] =	vst v63  }
0x91: {  	[bflag:$0x0] =	sbarrier.arrive $0xFFFF  }
0x92: {  	s11 =	rddreg [dreg:$0xa]  }
0x93: {  	s12 =	rddreg [dreg:$0x9];
	s11 =	sshrl.u32 @p0 s11, $0x3  }
0x94: {  	[hbm:s12], [sflag:s9] =	dma.local @p0 [spmem:s11], $0xC80  }
0x95: {  	s12 =	simm.s32 @p0 $0x5  }
0x96: {  	_ =	swait.ge @p0 [sflag:s12], $0xC80  }
0x97: {  	[sflag:s12] =	ssyncset.done @p0 $0x0  }
0x98: {  	[sflag:s12] =	ssyncadd.s32 @p0 $0xFFFFF380;
	s12 =	rddreg [dreg:$0x8]  }
0x99: {  	s13 =	rddreg [dreg:$0x7];
	s12 =	sshrl.u32 @!p0 s12, $0x3  }
0x9a: {  	[hbm:s13], [sflag:s9] =	dma.local @!p0 [spmem:s12], $0x1400  }
0x9b: {  	s13 =	simm.s32 @!p0 $0x5  }
0x9c: {  	_ =	swait.ge @!p0 [sflag:s13], $0x1400  }
0x9d: {  	[sflag:s13] =	ssyncset.done @!p0 $0x0  }
0x9e: {  	[sflag:s13] =	ssyncadd.s32 @!p0 $0xFFFFEC00  }
0x9f: {  	[bflag:$0x0] =	sbarrier.arrive $0xFFFF  }
0xa0: {  	[spmem:s10], [sflag:s9] =	dma.local [hbm:s6], $0x13C0  }
0xa1: {  	_ =	swait.ge [sflag:s17], $0x13C0  }
0xa2: {  	[sflag:s17] =	ssyncset.done $0x0  }
0xa3: {  	[sflag:s17] =	ssyncadd.s32 $0xFFFFEC40  }
0xa4: {  	[bflag:$0x0] =	sbarrier.arrive $0xFFFF  }
0xa5: {  	_ =	swait.ge [sflag:s28], $0x2000  }
0xa6: {  	[sflag:s28] =	ssyncset.done $0x0  }
0xa7: {  	s14 =	simm.s32 $0x0;
	[sflag:s28] =	ssyncadd.s32 $0xFFFFE000  }
0xa8: {  	[spmem:s3] =	stream.indirect.scatter.add.f32 [tilespmem:s20], [sflag:$0x5], $0x40, s14, s19, $0xb8;
	[tilespmem:$0x16E00] =	vst v63  }
0xa9: {  	_ =	swait.ge [sflag:s17], $0x2000  }
0xaa: {  	[sflag:s17] =	ssyncset.done $0x0  }
0xab: {  	s13 =	simm.s32 $0x2A00;
	[sflag:s17] =	ssyncadd.s32 $0xFFFFE000  }
0xac: {  	[tilespmem:s20], [sflag:$0x1] =	stream.indirect.gather [hbm4b:s5+s19], $0x40, s13, s19, $0xb8;
	[tilespmem:$0x16E00] =	vst v63  }
0xad: {  	_ =	swait.ge [sflag:s29], $0x2000  }
0xae: {  	[sflag:s29] =	ssyncset.done $0x0  }
0xaf: {  	s14 =	simm.s32 $0x80;
	[sflag:s29] =	ssyncadd.s32 $0xFFFFE000  }
0xb0: {  	[spmem:s3] =	stream.indirect.scatter.add.f32 [tilespmem:s22], [sflag:$0x5], $0x40, s14, s19, $0xb8;
	[tilespmem:$0x16E00] =	vst v63  }
0xb1: {  	_ =	swait.ge [sflag:s17], $0x2000  }
0xb2: {  	[sflag:s17] =	ssyncset.done $0x0  }
0xb3: {  	s13 =	simm.s32 $0x2A80;
	[sflag:s17] =	ssyncadd.s32 $0xFFFFE000  }
0xb4: {  	[tilespmem:s22], [sflag:$0x2] =	stream.indirect.gather [hbm4b:s5+s19], $0x40, s13, s19, $0xb8;
	[tilespmem:$0x16E00] =	vst v63  }
0xb5: {  	_ =	swait.ge [sflag:s30], $0x2000  }
0xb6: {  	[sflag:s30] =	ssyncset.done $0x0  }
0xb7: {  	s14 =	simm.s32 $0x100;
	[sflag:s30] =	ssyncadd.s32 $0xFFFFE000  }
0xb8: {  	[spmem:s3] =	stream.indirect.scatter.add.f32 [tilespmem:s24], [sflag:$0x5], $0x40, s14, s19, $0xb8;
	[tilespmem:$0x16E00] =	vst v63  }
0xb9: {  	_ =	swait.ge [sflag:s17], $0x2000  }
0xba: {  	[sflag:s17] =	ssyncset.done $0x0  }
0xbb: {  	s13 =	simm.s32 $0x2B00;
	[sflag:s17] =	ssyncadd.s32 $0xFFFFE000  }
0xbc: {  	[tilespmem:s24], [sflag:$0x3] =	stream.indirect.gather [hbm4b:s5+s19], $0x40, s13, s19, $0xb8;
	[tilespmem:$0x16E00] =	vst v63  }
0xbd: {  	_ =	swait.ge [sflag:s31], $0x2000  }
0xbe: {  	[sflag:s31] =	ssyncset.done $0x0  }
0xbf: {  	s14 =	simm.s32 $0x180;
	[sflag:s31] =	ssyncadd.s32 $0xFFFFE000  }
0xc0: {  	[spmem:s3] =	stream.indirect.scatter.add.f32 [tilespmem:s26], [sflag:$0x5], $0x40, s14, s19, $0xb8;
	[tilespmem:$0x16E00] =	vst v63  }
0xc1: {  	_ =	swait.ge [sflag:s17], $0x2000  }
0xc2: {  	[sflag:s17] =	ssyncset.done $0x0  }
0xc3: {  	s10 =	simm.s32 $0x800;
	s13 =	simm.s32 $0x2B80;
	[sflag:s17] =	ssyncadd.s32 $0xFFFFE000  }
.LBB2_4:
0xc4: {  	[tilespmem:s26], [sflag:$0x4] =	stream.indirect.gather [hbm4b:s5+s19], $0x40, s13, s19, $0xb8;
	[tilespmem:$0x16E00] =	vst v63  }
0xc5: {  	s13 =	smov.u32 s10  }
0xc6: {  	p1 =	sne.s32 s10, $0x9000;
	s10 =	sadd.s32 $0x800, s10;
	_ =	swait.ge [sflag:s28], $0x2000  }
0xc7: {  	[sflag:s28] =	ssyncset.done $0x0  }
0xc8: {  	s13 =	sshra.s32 s13, $0x2;
	[sflag:s28] =	ssyncadd.s32 $0xFFFFE000  }
0xc9: {  	[spmem:s3] =	stream.indirect.scatter.add.f32 [tilespmem:s20], [sflag:$0x5], $0x40, s13, s19, $0xb8;
	[tilespmem:$0x16E00] =	vst v63  }
0xca: {  	_ =	swait.ge [sflag:s17], $0x2000  }
0xcb: {  	[sflag:s17] =	ssyncset.done $0x0  }
0xcc: {  	s14 =	sadd.s32 $0x2A00, s13;
	[sflag:s17] =	ssyncadd.s32 $0xFFFFE000  }
0xcd: {  	[tilespmem:s20], [sflag:$0x1] =	stream.indirect.gather [hbm4b:s5+s19], $0x40, s14, s19, $0xb8;
	[tilespmem:$0x16E00] =	vst v63  }
0xce: {  	_ =	swait.ge [sflag:s29], $0x2000  }
0xcf: {  	[sflag:s29] =	ssyncset.done $0x0  }
0xd0: {  	s14 =	sadd.s32 $0x80, s13;
	[sflag:s29] =	ssyncadd.s32 $0xFFFFE000  }
0xd1: {  	[spmem:s3] =	stream.indirect.scatter.add.f32 [tilespmem:s22], [sflag:$0x5], $0x40, s14, s19, $0xb8;
	[tilespmem:$0x16E00] =	vst v63  }
0xd2: {  	_ =	swait.ge [sflag:s17], $0x2000  }
0xd3: {  	[sflag:s17] =	ssyncset.done $0x0  }
0xd4: {  	s14 =	sadd.s32 $0x2A80, s13;
	[sflag:s17] =	ssyncadd.s32 $0xFFFFE000  }
0xd5: {  	[tilespmem:s22], [sflag:$0x2] =	stream.indirect.gather [hbm4b:s5+s19], $0x40, s14, s19, $0xb8;
	[tilespmem:$0x16E00] =	vst v63  }
0xd6: {  	_ =	swait.ge [sflag:s30], $0x2000  }
0xd7: {  	[sflag:s30] =	ssyncset.done $0x0  }
0xd8: {  	s14 =	sadd.s32 $0x100, s13;
	[sflag:s30] =	ssyncadd.s32 $0xFFFFE000  }
0xd9: {  	[spmem:s3] =	stream.indirect.scatter.add.f32 [tilespmem:s24], [sflag:$0x5], $0x40, s14, s19, $0xb8;
	[tilespmem:$0x16E00] =	vst v63  }
0xda: {  	_ =	swait.ge [sflag:s17], $0x2000  }
0xdb: {  	[sflag:s17] =	ssyncset.done $0x0  }
0xdc: {  	s14 =	sadd.s32 $0x2B00, s13;
	[sflag:s17] =	ssyncadd.s32 $0xFFFFE000  }
0xdd: {  	[tilespmem:s24], [sflag:$0x3] =	stream.indirect.gather [hbm4b:s5+s19], $0x40, s14, s19, $0xb8;
	[tilespmem:$0x16E00] =	vst v63  }
0xde: {  	_ =	swait.ge [sflag:s31], $0x2000  }
0xdf: {  	[sflag:s31] =	ssyncset.done $0x0  }
.Ltmp1:
0xe0: {  	s14 =	sadd.s32 $0x180, s13;
	[sflag:s31] =	ssyncadd.s32 $0xFFFFE000;
	(pc) =	sbr.rel @p1 .LBB2_4-.Ltmp1, $4  }
0xe1: {  	[spmem:s3] =	stream.indirect.scatter.add.f32 [tilespmem:s26], [sflag:$0x5], $0x40, s14, s19, $0xb8;
	[tilespmem:$0x16E00] =	vst v63  }
0xe2: {  	_ =	swait.ge [sflag:s17], $0x2000  }
0xe3: {  	[sflag:s17] =	ssyncset.done $0x0  }
0xe4: {  	s13 =	sadd.s32 $0x2B80, s13;
	[sflag:s17] =	ssyncadd.s32 $0xFFFFE000  }
0xe5: {  	[tilespmem:s26], [sflag:$0x4] =	stream.indirect.gather [hbm4b:s5+s19], $0x40, s13, s19, $0xb8;
	[tilespmem:$0x16E00] =	vst v63  }
0xe6: {  	_ =	swait.ge [sflag:s28], $0x2000  }
0xe7: {  	[sflag:s28] =	ssyncset.done $0x0  }
0xe8: {  	[sflag:s28] =	ssyncadd.s32 $0xFFFFE000  }
0xe9: {  	[spmem:s3] =	stream.indirect.scatter.add.f32 [tilespmem:s20], [sflag:$0x5], $0x40, s1, s19, $0xb8;
	[tilespmem:$0x16E00] =	vst v63  }
0xea: {  	_ =	swait.ge [sflag:s17], $0x2000  }
0xeb: {  	[sflag:s17] =	ssyncset.done $0x0  }
0xec: {  	[sflag:s17] =	ssyncadd.s32 $0xFFFFE000  }
0xed: {  	_ =	swait.ge [sflag:s29], $0x2000  }
0xee: {  	[sflag:s29] =	ssyncset.done $0x0  }
0xef: {  	[sflag:s29] =	ssyncadd.s32 $0xFFFFE000  }
0xf0: {  	[spmem:s3] =	stream.indirect.scatter.add.f32 [tilespmem:s22], [sflag:$0x5], $0x40, s0, s19, $0xb8;
	[tilespmem:$0x16E00] =	vst v63  }
0xf1: {  	_ =	swait.ge [sflag:s17], $0x2000  }
0xf2: {  	[sflag:s17] =	ssyncset.done $0x0  }
0xf3: {  	[sflag:s17] =	ssyncadd.s32 $0xFFFFE000  }
0xf4: {  	_ =	swait.ge [sflag:s30], $0x2000  }
0xf5: {  	[sflag:s30] =	ssyncset.done $0x0  }
0xf6: {  	[sflag:s30] =	ssyncadd.s32 $0xFFFFE000  }
0xf7: {  	[spmem:s3] =	stream.indirect.scatter.add.f32 [tilespmem:s24], [sflag:$0x5], $0x40, s4, s19, $0xb8;
	[tilespmem:$0x16E00] =	vst v63  }
0xf8: {  	_ =	swait.ge [sflag:s17], $0x2000  }
0xf9: {  	[sflag:s17] =	ssyncset.done $0x0  }
0xfa: {  	[sflag:s17] =	ssyncadd.s32 $0xFFFFE000  }
0xfb: {  	_ =	swait.ge [sflag:s31], $0x2000  }
0xfc: {  	[sflag:s31] =	ssyncset.done $0x0  }
0xfd: {  	[sflag:s31] =	ssyncadd.s32 $0xFFFFE000  }
0xfe: {  	[spmem:s3] =	stream.indirect.scatter.add.f32 [tilespmem:s26], [sflag:$0x5], $0x40, s7, s19, $0xb8;
	[tilespmem:$0x16E00] =	vst v63  }
0xff: {  	_ =	swait.ge [sflag:s17], $0x2000  }
0x100: {  	[sflag:s17] =	ssyncset.done $0x0  }
0x101: {  	[sflag:s17] =	ssyncadd.s32 $0xFFFFE000  }
0x102: {  	s10 =	simm.s32 @p0 $0x5;
	[bflag:$0x0] =	sbarrier.arrive $0xFFFF  }
0x103: {  	[hbm:s15], [sflag:s9] =	dma.local @p0 [spmem:s11], $0xC80  }
0x104: {  	_ =	swait.ge @p0 [sflag:s10], $0xC80  }
0x105: {  	[sflag:s10] =	ssyncset.done @p0 $0x0  }
0x106: {  	s8 =	sadd.s32 $0x1, s8;
	[sflag:s10] =	ssyncadd.s32 @p0 $0xFFFFF380;
	s10 =	rddreg [dreg:$0xb]  }
0x107: {  	[hbm:s10], [sflag:s9] =	dma.local @!p0 [spmem:s12], $0x1400  }
0x108: {  	p1 =	sne.s32 s8, s16;
	s9 =	simm.s32 @!p0 $0x5  }
.Ltmp2:
0x109: {  	_ =	swait.ge @!p0 [sflag:s9], $0x1400;
	(pc) =	sbr.rel @p1 .LBB2_1-.Ltmp2, $3  }
0x10a: {  	[sflag:s9] =	ssyncset.done @!p0 $0x0  }
0x10b: {  	[sflag:s9] =	ssyncadd.s32 @!p0 $0xFFFFEC00  }
0x10c: {  	[bflag:$0x0] =	sbarrier.arrive $0xFFFF;
	_ =	sdelay $0x1  }
0x10d: {  	_ =	sfence.sel $0x180000  }
0x10e: {  	[bflag:$0x0] =	sbarrier.arrive $0xFFFF  }
0x10f: {  	_ =	strace $0x9000004A  }
0x110: {  	s0 =	stileid.u32;
	[bflag:$0x2] =	sbarrier.arrive $0xFFFF  }
0x111: {  	p0 =	sne.s32 s0, $0x0;
	s0 =	rddreg [dreg:$0x3]  }
0x112: {  	s0 =	sadd.s32 @!p0 $0x100000, s0  }
0x113: {  	[sflag:s0] =	ssyncadd.tile.s32 @!p0 $0x1;
	_ =	shalt  }
.Lfunc_end2:
_tile_overlayer_lowered:
.L_overlay_start_2:
0x114: {  	(tag) =	ssettag $0x2  }
0x115: {  	s0 =	rddreg [dreg:$0x0];
	s2 =	stileid.u32  }
0x116: {  	s1 =	rddreg [dreg:$0x1];
	p0 =	sne.s32 s2, $0x0  }
0x117: {  	s3 =	rddreg [dreg:$0x2];
	[bflag:$0x3] =	sbarrier.arrive $0xFFFF;
	s2 =	simm.s32 @!p0 $0x1C05  }
0x118: {  	[timem:s3], [sflag:s2] =	dma.local @!p0 [hbm:s0], s1  }
0x119: {  	s0 =	simm.s32 @!p0 $0x5  }
0x11a: {  	_ =	swait.ge @!p0 [sflag:s0], s1  }
0x11b: {  	s1 =	ssub.s32 @!p0 $0x0, s1;
	[sflag:s0] =	ssyncset.done @!p0 $0x0  }
0x11c: {  	[sflag:s0] =	ssyncadd.s32 @!p0 s1  }
0x11d: {  	[bflag:$0x3] =	sbarrier.arrive $0xFFFF  }
0x11e: {  	_ =	shalt  }

// kernel: kernel.16.cloned.1.call-start
scs
__scs_entry_jumppad:
0x0: {  	(pc) =	sbr.rel $0x88, $3  }
0x1: {  	(tag) =	ssettag $0x0;
	lr =	simm.s32 $0x1  }
0x2: {  	[smem:$0x3F99] =	sst lr;
	_ =	strace $0xD0000000  }
0x3: {  	_ = 	snop  }
0x4: {  	_ = 	snop  }
0x5: {  	_ = 	snop  }
0x6: {  	_ = 	snop  }
0x7: {  	_ = 	snop  }
__scs_overlays_trampoline_lowered:
0x8: {  	[smem:$0x3FA8] =	sst s0  }
0x9: {  	[smem:$0x3FA9] =	sst s1  }
0xa: {  	[smem:$0x3FAA] =	sst s2  }
0xb: {  	[smem:$0x3FAB] =	sst s3  }
0xc: {  	[smem:$0x3FAC] =	sst s4  }
0xd: {  	[smem:$0x3FAD] =	sst s5  }
0xe: {  	[smem:$0x3FAE] =	sst s6  }
0xf: {  	[smem:$0x3FAF] =	sst s7  }
0x10: {  	[smem:$0x3FB0] =	sst s8  }
0x11: {  	[smem:$0x3FB1] =	sst s9;
	s0 =	simm.s32 @!p0 $0x0  }
0x12: {  	s1 =	sld [smem:$0x3F97];
	s0 =	simm.s32 @p0 $0x1  }
0x13: {  	[smem:$0x3FB2] =	sst s0;
	s0 =	simm.s32 @!p1 $0x0  }
0x14: {  	s2 =	sld [smem:$0x3F96];
	s0 =	simm.s32 @p1 $0x1  }
0x15: {  	[smem:$0x3FB3] =	sst s0;
	s0 =	simm.s32 @!p2 $0x0  }
0x16: {  	s3 =	sld [smem:$0x3FDB];
	s0 =	simm.s32 @p2 $0x1  }
0x17: {  	s4 =	simm.s32 $0x1BF5;
	[smem:$0x3FB5] =	sst s0  }
0x18: {  	s0 =	sld [smem:$0x3F98];
	_ =	swait.ge [sflag:s4], $0x0  }
0x19: {  	s7 =	sld [smem:$0x3F99]  }
0x1a: {  	s8 =	sadd.s32 $0xFFFFE003, lr  }
0x1b: {  	s9 =	sadd.s32 $0xFFFFFEF7, lr;
	s5 =	simm.s32 $0xFFFFFFFF;
	p2 =	slt.u32 s8, $0xFFFFF086  }
0x1c: {  	p1 =	slt.u32 s9, $0xF7A;
	s5 =	simm.s32 @!p2 $0x0  }
0x1d: {  	s5 =	simm.s32 @p1 $0x1;
	p0 =	seq.s32 s7, s2  }
0x1e: {  	s7 =	smul.u32 @!p0 $0xF7A, s2;
	p2 =	seq.s32 @!p0 s5, $0x0  }
0x1f: {  	s9 =	smul.u32 $0xF7A, s1;
	s8 =	simm.s32 @!p0 $0x1BF5;
	p2 =	por !p2, p0  }
0x20: {  	[sflag:s8] =	ssyncset.s32 @!p0 $0xFFFFF086;
	s6 =	sadd.s32 @!p0 s3, s7;
	s7 =	simm.s32 @!p0 $0x108  }
0x21: {  	s3 =	sadd.s32 s3, s9;
	s6 =	sadd.s32 @!p0 $0x88, s6;
	s7 =	simm.s32 @p2 $0x1082  }
0x22: {  	[simem:s7], [sflag:s8] =	dma.local @!p0 [hbm:s6], $0xF7A  }
0x23: {  	s9 =	sor.u32 $0xD0000000, s2;
	s6 =	simm.s32 $0x108;
	_ =	swait.ge @!p0 [sflag:s8], $0x0  }
0x24: {  	s3 =	sadd.s32 $0x88, s3;
	s6 =	simm.s32 @!p1 $0x1082;
	[sflag:s4] =	ssyncset.s32 $0xFFFFF086  }
0x25: {  	[simem:s6], [sflag:s4] =	dma.local [hbm:s3], $0xF7A  }
0x26: {  	[smem:$0x3F99] =	sst s1;
	(tag) =	ssettag s2;
	_ =	strace s9  }
0x27: {  	s1 =	sld [smem:$0x3FA9]  }
0x28: {  	s2 =	sld [smem:$0x3FAA]  }
0x29: {  	s4 =	sld [smem:$0x3FAC]  }
0x2a: {  	p0 =	seq.s32 s5, $0x0;
	s5 =	sld [smem:$0x3FAD]  }
0x2b: {  	s6 =	sld [smem:$0x3FAE]  }
0x2c: {  	s7 =	sld [smem:$0x3FAF]  }
0x2d: {  	s3 =	simm.s32 $0x108;
	s8 =	sld [smem:$0x3FB0]  }
0x2e: {  	s3 =	simm.s32 @!p0 $0x1082;
	s9 =	sld [smem:$0x3FB1]  }
0x2f: {  	lr =	sadd.s32 s0, s3;
	s0 =	sld [smem:$0x3FA8]  }
0x30: {  	s3 =	sld [smem:$0x3FAB]  }
0x31: {  	[smem:$0x3FB4] =	sst s10  }
0x32: {  	s10 =	sld [smem:$0x3FB2];
	_ =	sdelay $0x3  }
0x33: {  	p0 =	seq.s32 s10, $0x1;
	s10 =	sld [smem:$0x3FB4];
	_ =	sdelay $0x3  }
0x34: {  	[smem:$0x3FB4] =	sst s10  }
0x35: {  	s10 =	sld [smem:$0x3FB3];
	_ =	sdelay $0x3  }
0x36: {  	p1 =	seq.s32 s10, $0x1;
	s10 =	sld [smem:$0x3FB4];
	_ =	sdelay $0x3  }
0x37: {  	[smem:$0x3FB4] =	sst s10  }
0x38: {  	s10 =	sld [smem:$0x3FB5]  }
0x39: {  	_ = 	snop;
	(pc) =	sbr.ind lr, $3  }
0x3a: {  	_ = 	snop  }
0x3b: {  	_ = 	snop  }
0x3c: {  	p2 =	seq.s32 s10, $0x1;
	s10 =	sld [smem:$0x3FB4]  }
0x3d: {  	_ =	shalt  }
0x3e: {  	_ =	shalt  }
0x3f: {  	_ =	shalt  }
0x40: {  	_ =	shalt  }
0x41: {  	_ =	shalt  }
0x42: {  	_ =	shalt  }
0x43: {  	_ =	shalt  }
0x44: {  	_ =	shalt  }
0x45: {  	_ =	shalt  }
0x46: {  	_ =	shalt  }
0x47: {  	_ =	shalt  }
0x48: {  	_ =	shalt  }
0x49: {  	_ =	shalt  }
0x4a: {  	_ =	shalt  }
0x4b: {  	_ =	shalt  }
0x4c: {  	_ =	shalt  }
0x4d: {  	_ =	shalt  }
0x4e: {  	_ =	shalt  }
0x4f: {  	_ =	shalt  }
0x50: {  	_ =	shalt  }
0x51: {  	_ =	shalt  }
0x52: {  	_ =	shalt  }
0x53: {  	_ =	shalt  }
0x54: {  	_ =	shalt  }
0x55: {  	_ =	shalt  }
0x56: {  	_ =	shalt  }
0x57: {  	_ =	shalt  }
0x58: {  	_ =	shalt  }
0x59: {  	_ =	shalt  }
0x5a: {  	_ =	shalt  }
0x5b: {  	_ =	shalt  }
0x5c: {  	_ =	shalt  }
0x5d: {  	_ =	shalt  }
0x5e: {  	_ =	shalt  }
0x5f: {  	_ =	shalt  }
0x60: {  	_ =	shalt  }
0x61: {  	_ =	shalt  }
0x62: {  	_ =	shalt  }
0x63: {  	_ =	shalt  }
0x64: {  	_ =	shalt  }
0x65: {  	_ =	shalt  }
0x66: {  	_ =	shalt  }
0x67: {  	_ =	shalt  }
0x68: {  	_ =	shalt  }
0x69: {  	_ =	shalt  }
0x6a: {  	_ =	shalt  }
0x6b: {  	_ =	shalt  }
0x6c: {  	_ =	shalt  }
0x6d: {  	_ =	shalt  }
0x6e: {  	_ =	shalt  }
0x6f: {  	_ =	shalt  }
0x70: {  	_ =	shalt  }
0x71: {  	_ =	shalt  }
0x72: {  	_ =	shalt  }
0x73: {  	_ =	shalt  }
0x74: {  	_ =	shalt  }
0x75: {  	_ =	shalt  }
0x76: {  	_ =	shalt  }
0x77: {  	_ =	shalt  }
0x78: {  	_ =	shalt  }
0x79: {  	_ =	shalt  }
0x7a: {  	_ =	shalt  }
0x7b: {  	_ =	shalt  }
0x7c: {  	_ =	shalt  }
0x7d: {  	_ =	shalt  }
0x7e: {  	_ =	shalt  }
0x7f: {  	_ =	shalt  }
0x80: {  	_ =	shalt  }
0x81: {  	_ =	shalt  }
0x82: {  	_ =	shalt  }
0x83: {  	_ =	shalt  }
0x84: {  	_ =	shalt  }
0x85: {  	_ =	shalt  }
0x86: {  	_ =	shalt  }
0x87: {  	_ =	shalt  }
.Lfunc_end0:
.L_simem_size_0:
called_computation.2_lowered:
.L_overlay_start_0:
0x88: {  	s2 =	sld [smem:$0x3FD9]  }
0x89: {  	s3 =	sld [smem:$0x3FFE];
	_ =	sdelay $0x1  }
0x8a: {  	s1 =	srdreg.scid  }
0x8b: {  	s0 =	sand.u32 $0x1, s1  }
0x8c: {  	s17 =	sshll.u32 s0, $0xA;
	s2 =	sadd.s32 s3, s2  }
0x8d: {  	s2 =	sadd.s32 s2, s17  }
0x8e: {  	[smem:$0x3FC0] =	sst s2  }
0x8f: {  	_ = 	snop  }
0x90: {  	s2 =	sld [smem:$0x3FD0];
	(tm) =	ssettm $0x1  }
0x91: {  	s18 =	sld [smem:$0x3FFB];
	_ =	sdelay $0x3  }
0x92: {  	_ =	strace s18  }
0x93: {  	s3 =	sld [smem:$0x3FFC];
	_ =	sdelay $0x3  }
0x94: {  	_ =	strace s3  }
0x95: {  	s3 =	sld [smem:$0x3FFD];
	_ =	sdelay $0x3  }
0x96: {  	_ =	strace s3  }
0x97: {  	_ =	strace $0x8FFFFFFF  }
0x98: {  	s19 =	sld [smem:$0x3FDB];
	_ =	sdelay $0x1  }
0x99: {  	s4 =	simm.s32 $_scs_section_size  }
0x9a: {  	s5 =	simm.s32 $_size__tile_overlayer_lowered;
	s6 =	simm.s32 $_tile_overlayer_lowered  }
0x9b: {  	s22 =	simm.s32 $0x1BFF;
	s21 =	sshll.u32 s6, $0x1;
	s3 =	sadd.s32 s4, s19  }
0x9c: {  	s7 =	simm.s32 $0x0;
	s20 =	sshll.u32 s5, $0x1;
	s5 =	sadd.s32 s21, s3  }
0x9d: {  	[timem:s7], [sflag:s22] =	dma.local [hbm:s5], s20  }
0x9e: {  	_ =	swait.ge [sflag:s22], s20  }
0x9f: {  	s4 =	ssub.s32 $0x0, s20;
	[sflag:s22] =	ssyncset.done $0x0  }
0xa0: {  	[sflag:s22] =	ssyncadd.s32 s4;
	_ =	sdelay $0x1  }
0xa1: {  	s23 =	simm.s32 $0x1B8B  }
0xa2: {  	_ =	swait.ge [sflag:s23], $0x1  }
0xa3: {  	[sflag:s23] =	ssyncset.done $0x0  }
0xa4: {  	s25 =	simm.s32 $0x1B8E;
	s24 =	sld [smem:$0x3FFE];
	[sflag:s23] =	ssyncadd.s32 $0xFFFFFFFF  }
0xa5: {  	s26 =	simm.s32 $execute0_lowered;
	[smem:$0x3FD2] =	sst s25  }
0xa6: {  	s5 =	sshll.u32 s26, $0x1;
	_ =	strace $0x8000004C;
	[dreg:$0x1] =	wrdreg $0xFFFFFFFF  }
0xa7: {  	s28 =	simm.s32 $_size_execute0_lowered;
	s3 =	sadd.s32 s3, s5;
	[dreg:$0x0] =	wrdreg $0x0  }
0xa8: {  	s5 =	sshll.u32 s28, $0x1;
	[dreg:$0x2] =	wrdreg s3  }
0xa9: {  	[dreg:$0x3] =	wrdreg s5  }
0xaa: {  	[dreg:$0x4] =	wrdreg $0xC0  }
0xab: {  	_ =	task [dreg:s7], $0x5FFFF  }
0xac: {  	[dreg:$0x1] =	wrdreg $0xFFFFFFFF  }
0xad: {  	[dreg:$0x0] =	wrdreg $0x60  }
0xae: {  	[dreg:$0x2] =	wrdreg s24  }
0xaf: {  	[dreg:$0x3] =	wrdreg s2  }
0xb0: {  	[dreg:$0x4] =	wrdreg $0xD0000  }
0xb1: {  	[dreg:$0x5] =	wrdreg $0x9  }
0xb2: {  	_ =	task.clear_ibuf [dreg:s7], $0x6FFFF;
	_ =	strace $0x9000004C  }
0xb3: {  	s29 =	simm.s32 $0x9;
	_ =	strace $0x8000004E  }
0xb4: {  	_ =	swait.ge [sflag:s29], $0x1  }
0xb5: {  	[sflag:s29] =	ssyncadd.s32 $0xFFFFFFFF  }
0xb6: {  	_ =	strace $0x9000004E  }
0xb7: {  	_ =	sfence  }
0xb8: {  	s30 =	sld [smem:$0x0];
	_ =	sdelay $0x2  }
0xb9: {  	s31 =	sshll.u32 s1, $0xD;
	s1 =	sshrl.u32 s1, $0x2  }
0xba: {  	s3 =	sand.u32 $0x4000, s31;
	s1 =	sadd.s32 s1, s30  }
0xbb: {  	s0 =	sor.u32 s3, s0;
	s1 =	sshll.u32 s1, $0x11  }
0xbc: {  	s0 =	sor.u32 s1, s0  }
0xbd: {  	s0 =	sadd.s32 $0x8F2B, s0  }
0xbe: {  	[sflag:s0] =	ssyncadd.remote.s32 $0x1  }
0xbf: {  	_ =	sfence.sel $0xFFFF  }
0xc0: {  	[dreg:$0x0] =	wrdreg $0xFFFFFFFF;
	(pc) =	sbr.abs _section_cstart, $3  }
0xc1: {  	[dreg:$0x1] =	wrdreg $0xFFFFFFFF  }
0xc2: {  	_ =	task.clear_ibuf [dreg:s7], $0x2FFFF;
	_ =	strace $0x9FFFFFFF  }
0xc3: {  	(tm) =	ssettm $0x7FFFFFFF  }
tec
execute0_lowered:
.L_overlay_start_1:
0x0: {  	(tag) =	ssettag $0x1  }
0x1: {  	s1 =	rddreg [dreg:$0x0]  }
0x2: {  	s0 =	srdreg.scid;
	s2 =	rddreg [dreg:$0x1]  }
0x3: {  	s12 =	stileid.u32;
	s3 =	rddreg [dreg:$0x2];
	s5 =	simm.s32 $0x0  }
0x4: {  	s17 =	simm.s32 $0x5;
	s18 =	simm.s32 $0x2800;
	s19 =	simm.s32 $0x80  }
0x5: {  	s28 =	simm.s32 $0x1;
	s29 =	simm.s32 $0x2;
	s30 =	simm.s32 $0x3  }
0x6: {  	s31 =	simm.s32 $0x4;
	s0 =	sand.u32 $0x1, s0;
	[smem:$0x7FF] =	sst s5  }
0x7: {  	s5 =	sadd.s32 $0x3F400, s1;
	s6 =	sadd.s32 $0x52E00, s1;
	s7 =	smul.u32 $0x27800, s12  }
0x8: {  	s8 =	sadd.s32 $0xA2600, s1;
	s11 =	smul.u32 $0xA000, s12;
	s26 =	sadd.s32 $0x96000, s3  }
0x9: {  	p0 =	seq.s32 s12, $0xF;
	s4 =	sshll.u32 s0, $0x4;
	_ =	strace $0x8000004D  }
0xa: {  	s9 =	ssub.s32 $0x2, s0;
	s0 =	smul.u32 $0x9C400, s0;
	[dreg:$0xa] =	wrdreg s26  }
0xb: {  	s26 =	simm.s32 $0xB000;
	s4 =	sor.u32 s12, s4;
	s10 =	sshrl.u32 s9, $0x1  }
0xc: {  	s21 =	sshrl.u32 s7, $0x2;
	s24 =	sadd.s32 s11, s3;
	s4 =	smul.u32 $0x500, s4  }
0xd: {  	s9 =	ssub.s32 s9, s10;
	s22 =	sadd.s32 s11, s0;
	s0 =	sshrl.u32 s0, $0x3  }
0xe: {  	[dreg:$0x8] =	wrdreg s24;
	s24 =	simm.s32 $0x9000;
	s23 =	sshrl.u32 s22, $0x3  }
0xf: {  	s0 =	sadd.s32 $0x12C00, s0;
	s16 =	smax.u32 s9, $0x1;
	s22 =	simm.s32 $0x7000  }
0x10: {  	s4 =	sadd.s32 s4, s1;
	s1 =	sadd.s32 $0x7B400, s1;
	s7 =	sadd.s32 s8, s23  }
0x11: {  	s25 =	sadd.s32 s8, s0;
	s8 =	simm.s32 $0x0;
	[dreg:$0x7] =	wrdreg s7  }
0x12: {  	s20 =	sadd.s32 $0xE200, s4;
	s4 =	sadd.s32 $0x4200, s4;
	[dreg:$0x9] =	wrdreg s25  }
0x13: {  	s15 =	sadd.s32 s1, s0;
	s25 =	simm.s32 $0x2980;
	[dreg:$0x4] =	wrdreg s20  }
0x14: {  	s0 =	simm.s32 $0x2680;
	s7 =	simm.s32 $0x2780;
	[dreg:$0x5] =	wrdreg s4  }
0x15: {  	s4 =	sadd.s32 s21, s3;
	s20 =	simm.s32 $0x5000;
	s21 =	simm.s32 $0x2880  }
0x16: {  	[dreg:$0x6] =	wrdreg s4;
	s4 =	sadd.s32 s1, s23;
	s23 =	simm.s32 $0x2900  }
0x17: {  	s1 =	simm.s32 $0x2600;
	[dreg:$0xb] =	wrdreg s4;
	s4 =	simm.s32 $0x2700  }
.LBB2_1:
0x18: {  	s9 =	simm.s32 $0x0;
	s10 =	rddreg [dreg:$0x4]  }
0x19: {  	[tilespmem:s9], [sflag:$0x5] =	stream.linear.gather [hbm4b:s10+s9], $0x2800, $0x38;
	[tilespmem:$0x16E00] =	vst v63  }
0x1a: {  	_ =	swait.ge [sflag:s17], $0x2800  }
0x1b: {  	[sflag:s17] =	ssyncset.done $0x0  }
0x1c: {  	s14 =	rddreg [dreg:$0x5];
	[sflag:s17] =	ssyncadd.s32 $0xFFFFD800  }
0x1d: {  	[tilespmem:s18], [sflag:$0x5] =	stream.linear.gather [hbm4b:s14+s9], $0x2800, $0x38;
	[tilespmem:$0x16E00] =	vst v63  }
0x1e: {  	_ =	swait.ge [sflag:s17], $0x2800  }
0x1f: {  	[sflag:s17] =	ssyncset.done $0x0  }
0x20: {  	[sflag:s17] =	ssyncadd.s32 $0xFFFFD800  }
0x21: {  	[tilespmem:s20], [sflag:$0x1] =	stream.indirect.gather [hbm4b:s2+s19], $0x40, s18, s19, $0xb8;
	[tilespmem:$0x16E00] =	vst v63  }
0x22: {  	s10 =	stileid.u32  }
0x23: {  	[tilespmem:s22], [sflag:$0x2] =	stream.indirect.gather [hbm4b:s2+s19], $0x40, s21, s19, $0xb8;
	[tilespmem:$0x16E00] =	vst v63  }
0x24: {  	s9 =	sshll.u32 s10, $0x6;
	s11 =	rddreg [dreg:$0x6]  }
0x25: {  	[tilespmem:s24], [sflag:$0x3] =	stream.indirect.gather [hbm4b:s2+s19], $0x40, s23, s19, $0xb8;
	[tilespmem:$0x16E00] =	vst v63  }
0x26: {  	s9 =	sor.u32 $0x1C05, s9;
	s10 =	sshrl.u32 s11, $0x3  }
0x27: {  	[tilespmem:s26], [sflag:$0x4] =	stream.indirect.gather [hbm4b:s2+s19], $0x40, s25, s19, $0xb8;
	[tilespmem:$0x16E00] =	vst v63  }
0x28: {  	[spmem:s10], [sflag:s9] =	dma.local [hbm:s6], $0x13C0  }
0x29: {  	_ =	swait.ge [sflag:s17], $0x13C0  }
0x2a: {  	[sflag:s17] =	ssyncset.done $0x0  }
0x2b: {  	[sflag:s17] =	ssyncadd.s32 $0xFFFFEC40  }
0x2c: {  	[bflag:$0x0] =	sbarrier.arrive $0xFFFF  }
0x2d: {  	_ =	swait.ge [sflag:s28], $0x2000  }
0x2e: {  	[sflag:s28] =	ssyncset.done $0x0  }
0x2f: {  	s11 =	simm.s32 $0x0;
	[sflag:s28] =	ssyncadd.s32 $0xFFFFE000  }
0x30: {  	[spmem:s3] =	stream.indirect.scatter.add.f32 [tilespmem:s20], [sflag:$0x5], $0x40, s11, s19, $0xb8;
	[tilespmem:$0x16E00] =	vst v63  }
0x31: {  	_ =	swait.ge [sflag:s17], $0x2000  }
0x32: {  	[sflag:s17] =	ssyncset.done $0x0  }
0x33: {  	s12 =	simm.s32 $0x2A00;
	[sflag:s17] =	ssyncadd.s32 $0xFFFFE000  }
0x34: {  	[tilespmem:s20], [sflag:$0x1] =	stream.indirect.gather [hbm4b:s2+s19], $0x40, s12, s19, $0xb8;
	[tilespmem:$0x16E00] =	vst v63  }
0x35: {  	_ =	swait.ge [sflag:s29], $0x2000  }
0x36: {  	[sflag:s29] =	ssyncset.done $0x0  }
0x37: {  	s13 =	simm.s32 $0x80;
	[sflag:s29] =	ssyncadd.s32 $0xFFFFE000  }
0x38: {  	[spmem:s3] =	stream.indirect.scatter.add.f32 [tilespmem:s22], [sflag:$0x5], $0x40, s13, s19, $0xb8;
	[tilespmem:$0x16E00] =	vst v63  }
0x39: {  	_ =	swait.ge [sflag:s17], $0x2000  }
0x3a: {  	[sflag:s17] =	ssyncset.done $0x0  }
0x3b: {  	s14 =	simm.s32 $0x2A80;
	[sflag:s17] =	ssyncadd.s32 $0xFFFFE000  }
0x3c: {  	[tilespmem:s22], [sflag:$0x2] =	stream.indirect.gather [hbm4b:s2+s19], $0x40, s14, s19, $0xb8;
	[tilespmem:$0x16E00] =	vst v63  }
0x3d: {  	_ =	swait.ge [sflag:s30], $0x2000  }
0x3e: {  	[sflag:s30] =	ssyncset.done $0x0  }
0x3f: {  	s12 =	simm.s32 $0x100;
	[sflag:s30] =	ssyncadd.s32 $0xFFFFE000  }
0x40: {  	[spmem:s3] =	stream.indirect.scatter.add.f32 [tilespmem:s24], [sflag:$0x5], $0x40, s12, s19, $0xb8;
	[tilespmem:$0x16E00] =	vst v63  }
0x41: {  	_ =	swait.ge [sflag:s17], $0x2000  }
0x42: {  	[sflag:s17] =	ssyncset.done $0x0  }
0x43: {  	s13 =	simm.s32 $0x2B00;
	[sflag:s17] =	ssyncadd.s32 $0xFFFFE000  }
0x44: {  	[tilespmem:s24], [sflag:$0x3] =	stream.indirect.gather [hbm4b:s2+s19], $0x40, s13, s19, $0xb8;
	[tilespmem:$0x16E00] =	vst v63  }
0x45: {  	_ =	swait.ge [sflag:s31], $0x2000  }
0x46: {  	[sflag:s31] =	ssyncset.done $0x0  }
0x47: {  	s14 =	simm.s32 $0x180;
	[sflag:s31] =	ssyncadd.s32 $0xFFFFE000  }
0x48: {  	[spmem:s3] =	stream.indirect.scatter.add.f32 [tilespmem:s26], [sflag:$0x5], $0x40, s14, s19, $0xb8;
	[tilespmem:$0x16E00] =	vst v63  }
0x49: {  	_ =	swait.ge [sflag:s17], $0x2000  }
0x4a: {  	[sflag:s17] =	ssyncset.done $0x0  }
0x4b: {  	s11 =	simm.s32 $0x800;
	s12 =	simm.s32 $0x2B80;
	[sflag:s17] =	ssyncadd.s32 $0xFFFFE000  }
.LBB2_2:
0x4c: {  	[tilespmem:s26], [sflag:$0x4] =	stream.indirect.gather [hbm4b:s2+s19], $0x40, s12, s19, $0xb8;
	[tilespmem:$0x16E00] =	vst v63  }
0x4d: {  	s12 =	smov.u32 s11  }
0x4e: {  	p1 =	sne.s32 s11, $0x9000;
	s11 =	sadd.s32 $0x800, s11;
	_ =	swait.ge [sflag:s28], $0x2000  }
0x4f: {  	[sflag:s28] =	ssyncset.done $0x0  }
0x50: {  	s12 =	sshra.s32 s12, $0x2;
	[sflag:s28] =	ssyncadd.s32 $0xFFFFE000  }
0x51: {  	[spmem:s3] =	stream.indirect.scatter.add.f32 [tilespmem:s20], [sflag:$0x5], $0x40, s12, s19, $0xb8;
	[tilespmem:$0x16E00] =	vst v63  }
0x52: {  	_ =	swait.ge [sflag:s17], $0x2000  }
0x53: {  	[sflag:s17] =	ssyncset.done $0x0  }
0x54: {  	s13 =	sadd.s32 $0x2A00, s12;
	[sflag:s17] =	ssyncadd.s32 $0xFFFFE000  }
0x55: {  	[tilespmem:s20], [sflag:$0x1] =	stream.indirect.gather [hbm4b:s2+s19], $0x40, s13, s19, $0xb8;
	[tilespmem:$0x16E00] =	vst v63  }
0x56: {  	_ =	swait.ge [sflag:s29], $0x2000  }
0x57: {  	[sflag:s29] =	ssyncset.done $0x0  }
0x58: {  	s13 =	sadd.s32 $0x80, s12;
	[sflag:s29] =	ssyncadd.s32 $0xFFFFE000  }
0x59: {  	[spmem:s3] =	stream.indirect.scatter.add.f32 [tilespmem:s22], [sflag:$0x5], $0x40, s13, s19, $0xb8;
	[tilespmem:$0x16E00] =	vst v63  }
0x5a: {  	_ =	swait.ge [sflag:s17], $0x2000  }
0x5b: {  	[sflag:s17] =	ssyncset.done $0x0  }
0x5c: {  	s13 =	sadd.s32 $0x2A80, s12;
	[sflag:s17] =	ssyncadd.s32 $0xFFFFE000  }
0x5d: {  	[tilespmem:s22], [sflag:$0x2] =	stream.indirect.gather [hbm4b:s2+s19], $0x40, s13, s19, $0xb8;
	[tilespmem:$0x16E00] =	vst v63  }
0x5e: {  	_ =	swait.ge [sflag:s30], $0x2000  }
0x5f: {  	[sflag:s30] =	ssyncset.done $0x0  }
0x60: {  	s13 =	sadd.s32 $0x100, s12;
	[sflag:s30] =	ssyncadd.s32 $0xFFFFE000  }
0x61: {  	[spmem:s3] =	stream.indirect.scatter.add.f32 [tilespmem:s24], [sflag:$0x5], $0x40, s13, s19, $0xb8;
	[tilespmem:$0x16E00] =	vst v63  }
0x62: {  	_ =	swait.ge [sflag:s17], $0x2000  }
0x63: {  	[sflag:s17] =	ssyncset.done $0x0  }
0x64: {  	s13 =	sadd.s32 $0x2B00, s12;
	[sflag:s17] =	ssyncadd.s32 $0xFFFFE000  }
0x65: {  	[tilespmem:s24], [sflag:$0x3] =	stream.indirect.gather [hbm4b:s2+s19], $0x40, s13, s19, $0xb8;
	[tilespmem:$0x16E00] =	vst v63  }
0x66: {  	_ =	swait.ge [sflag:s31], $0x2000  }
0x67: {  	[sflag:s31] =	ssyncset.done $0x0  }
.Ltmp0:
0x68: {  	s13 =	sadd.s32 $0x180, s12;
	[sflag:s31] =	ssyncadd.s32 $0xFFFFE000;
	(pc) =	sbr.rel @p1 .LBB2_2-.Ltmp0, $4  }
0x69: {  	[spmem:s3] =	stream.indirect.scatter.add.f32 [tilespmem:s26], [sflag:$0x5], $0x40, s13, s19, $0xb8;
	[tilespmem:$0x16E00] =	vst v63  }
0x6a: {  	_ =	swait.ge [sflag:s17], $0x2000  }
0x6b: {  	[sflag:s17] =	ssyncset.done $0x0  }
0x6c: {  	s12 =	sadd.s32 $0x2B80, s12;
	[sflag:s17] =	ssyncadd.s32 $0xFFFFE000  }
0x6d: {  	[tilespmem:s26], [sflag:$0x4] =	stream.indirect.gather [hbm4b:s2+s19], $0x40, s12, s19, $0xb8;
	[tilespmem:$0x16E00] =	vst v63  }
0x6e: {  	_ =	swait.ge [sflag:s28], $0x2000  }
0x6f: {  	[sflag:s28] =	ssyncset.done $0x0  }
0x70: {  	[sflag:s28] =	ssyncadd.s32 $0xFFFFE000  }
0x71: {  	[spmem:s3] =	stream.indirect.scatter.add.f32 [tilespmem:s20], [sflag:$0x5], $0x40, s1, s19, $0xb8;
	[tilespmem:$0x16E00] =	vst v63  }
0x72: {  	_ =	swait.ge [sflag:s17], $0x2000  }
0x73: {  	[sflag:s17] =	ssyncset.done $0x0  }
0x74: {  	[sflag:s17] =	ssyncadd.s32 $0xFFFFE000  }
0x75: {  	_ =	swait.ge [sflag:s29], $0x2000  }
0x76: {  	[sflag:s29] =	ssyncset.done $0x0  }
0x77: {  	[sflag:s29] =	ssyncadd.s32 $0xFFFFE000  }
0x78: {  	[spmem:s3] =	stream.indirect.scatter.add.f32 [tilespmem:s22], [sflag:$0x5], $0x40, s0, s19, $0xb8;
	[tilespmem:$0x16E00] =	vst v63  }
0x79: {  	_ =	swait.ge [sflag:s17], $0x2000  }
0x7a: {  	[sflag:s17] =	ssyncset.done $0x0  }
0x7b: {  	[sflag:s17] =	ssyncadd.s32 $0xFFFFE000  }
0x7c: {  	_ =	swait.ge [sflag:s30], $0x2000  }
0x7d: {  	[sflag:s30] =	ssyncset.done $0x0  }
0x7e: {  	[sflag:s30] =	ssyncadd.s32 $0xFFFFE000  }
0x7f: {  	[spmem:s3] =	stream.indirect.scatter.add.f32 [tilespmem:s24], [sflag:$0x5], $0x40, s4, s19, $0xb8;
	[tilespmem:$0x16E00] =	vst v63  }
0x80: {  	_ =	swait.ge [sflag:s17], $0x2000  }
0x81: {  	[sflag:s17] =	ssyncset.done $0x0  }
0x82: {  	[sflag:s17] =	ssyncadd.s32 $0xFFFFE000  }
0x83: {  	_ =	swait.ge [sflag:s31], $0x2000  }
0x84: {  	[sflag:s31] =	ssyncset.done $0x0  }
0x85: {  	[sflag:s31] =	ssyncadd.s32 $0xFFFFE000  }
0x86: {  	[spmem:s3] =	stream.indirect.scatter.add.f32 [tilespmem:s26], [sflag:$0x5], $0x40, s7, s19, $0xb8;
	[tilespmem:$0x16E00] =	vst v63  }
0x87: {  	_ =	swait.ge [sflag:s17], $0x2000  }
0x88: {  	[sflag:s17] =	ssyncset.done $0x0  }
0x89: {  	[sflag:s17] =	ssyncadd.s32 $0xFFFFE000  }
0x8a: {  	[tilespmem:s20], [sflag:$0x1] =	stream.indirect.gather [hbm4b:s5+s19], $0x40, s18, s19, $0xb8;
	[tilespmem:$0x16E00] =	vst v63  }
0x8b: {  	_ = 	snop  }
0x8c: {  	[tilespmem:s22], [sflag:$0x2] =	stream.indirect.gather [hbm4b:s5+s19], $0x40, s21, s19, $0xb8;
	[tilespmem:$0x16E00] =	vst v63  }
0x8d: {  	_ = 	snop  }
0x8e: {  	[tilespmem:s24], [sflag:$0x3] =	stream.indirect.gather [hbm4b:s5+s19], $0x40, s23, s19, $0xb8;
	[tilespmem:$0x16E00] =	vst v63  }
0x8f: {  	_ = 	snop  }
0x90: {  	[tilespmem:s26], [sflag:$0x4] =	stream.indirect.gather [hbm4b:s5+s19], $0x40, s25, s19, $0xb8;
	[tilespmem:$0x16E00] =	vst v63  }
0x91: {  	[bflag:$0x0] =	sbarrier.arrive $0xFFFF  }
0x92: {  	s11 =	rddreg [dreg:$0xa]  }
0x93: {  	s12 =	rddreg [dreg:$0x9];
	s11 =	sshrl.u32 @p0 s11, $0x3  }
0x94: {  	[hbm:s12], [sflag:s9] =	dma.local @p0 [spmem:s11], $0xC80  }
0x95: {  	s12 =	simm.s32 @p0 $0x5  }
0x96: {  	_ =	swait.ge @p0 [sflag:s12], $0xC80  }
0x97: {  	[sflag:s12] =	ssyncset.done @p0 $0x0  }
0x98: {  	[sflag:s12] =	ssyncadd.s32 @p0 $0xFFFFF380;
	s12 =	rddreg [dreg:$0x8]  }
0x99: {  	s13 =	rddreg [dreg:$0x7];
	s12 =	sshrl.u32 @!p0 s12, $0x3  }
0x9a: {  	[hbm:s13], [sflag:s9] =	dma.local @!p0 [spmem:s12], $0x1400  }
0x9b: {  	s13 =	simm.s32 @!p0 $0x5  }
0x9c: {  	_ =	swait.ge @!p0 [sflag:s13], $0x1400  }
0x9d: {  	[sflag:s13] =	ssyncset.done @!p0 $0x0  }
0x9e: {  	[sflag:s13] =	ssyncadd.s32 @!p0 $0xFFFFEC00  }
0x9f: {  	[bflag:$0x0] =	sbarrier.arrive $0xFFFF  }
0xa0: {  	[spmem:s10], [sflag:s9] =	dma.local [hbm:s6], $0x13C0  }
0xa1: {  	_ =	swait.ge [sflag:s17], $0x13C0  }
0xa2: {  	[sflag:s17] =	ssyncset.done $0x0  }
0xa3: {  	[sflag:s17] =	ssyncadd.s32 $0xFFFFEC40  }
0xa4: {  	[bflag:$0x0] =	sbarrier.arrive $0xFFFF  }
0xa5: {  	_ =	swait.ge [sflag:s28], $0x2000  }
0xa6: {  	[sflag:s28] =	ssyncset.done $0x0  }
0xa7: {  	s14 =	simm.s32 $0x0;
	[sflag:s28] =	ssyncadd.s32 $0xFFFFE000  }
0xa8: {  	[spmem:s3] =	stream.indirect.scatter.add.f32 [tilespmem:s20], [sflag:$0x5], $0x40, s14, s19, $0xb8;
	[tilespmem:$0x16E00] =	vst v63  }
0xa9: {  	_ =	swait.ge [sflag:s17], $0x2000  }
0xaa: {  	[sflag:s17] =	ssyncset.done $0x0  }
0xab: {  	s13 =	simm.s32 $0x2A00;
	[sflag:s17] =	ssyncadd.s32 $0xFFFFE000  }
0xac: {  	[tilespmem:s20], [sflag:$0x1] =	stream.indirect.gather [hbm4b:s5+s19], $0x40, s13, s19, $0xb8;
	[tilespmem:$0x16E00] =	vst v63  }
0xad: {  	_ =	swait.ge [sflag:s29], $0x2000  }
0xae: {  	[sflag:s29] =	ssyncset.done $0x0  }
0xaf: {  	s14 =	simm.s32 $0x80;
	[sflag:s29] =	ssyncadd.s32 $0xFFFFE000  }
0xb0: {  	[spmem:s3] =	stream.indirect.scatter.add.f32 [tilespmem:s22], [sflag:$0x5], $0x40, s14, s19, $0xb8;
	[tilespmem:$0x16E00] =	vst v63  }
0xb1: {  	_ =	swait.ge [sflag:s17], $0x2000  }
0xb2: {  	[sflag:s17] =	ssyncset.done $0x0  }
0xb3: {  	s13 =	simm.s32 $0x2A80;
	[sflag:s17] =	ssyncadd.s32 $0xFFFFE000  }
0xb4: {  	[tilespmem:s22], [sflag:$0x2] =	stream.indirect.gather [hbm4b:s5+s19], $0x40, s13, s19, $0xb8;
	[tilespmem:$0x16E00] =	vst v63  }
0xb5: {  	_ =	swait.ge [sflag:s30], $0x2000  }
0xb6: {  	[sflag:s30] =	ssyncset.done $0x0  }
0xb7: {  	s14 =	simm.s32 $0x100;
	[sflag:s30] =	ssyncadd.s32 $0xFFFFE000  }
0xb8: {  	[spmem:s3] =	stream.indirect.scatter.add.f32 [tilespmem:s24], [sflag:$0x5], $0x40, s14, s19, $0xb8;
	[tilespmem:$0x16E00] =	vst v63  }
0xb9: {  	_ =	swait.ge [sflag:s17], $0x2000  }
0xba: {  	[sflag:s17] =	ssyncset.done $0x0  }
0xbb: {  	s13 =	simm.s32 $0x2B00;
	[sflag:s17] =	ssyncadd.s32 $0xFFFFE000  }
0xbc: {  	[tilespmem:s24], [sflag:$0x3] =	stream.indirect.gather [hbm4b:s5+s19], $0x40, s13, s19, $0xb8;
	[tilespmem:$0x16E00] =	vst v63  }
0xbd: {  	_ =	swait.ge [sflag:s31], $0x2000  }
0xbe: {  	[sflag:s31] =	ssyncset.done $0x0  }
0xbf: {  	s14 =	simm.s32 $0x180;
	[sflag:s31] =	ssyncadd.s32 $0xFFFFE000  }
0xc0: {  	[spmem:s3] =	stream.indirect.scatter.add.f32 [tilespmem:s26], [sflag:$0x5], $0x40, s14, s19, $0xb8;
	[tilespmem:$0x16E00] =	vst v63  }
0xc1: {  	_ =	swait.ge [sflag:s17], $0x2000  }
0xc2: {  	[sflag:s17] =	ssyncset.done $0x0  }
0xc3: {  	s10 =	simm.s32 $0x800;
	s13 =	simm.s32 $0x2B80;
	[sflag:s17] =	ssyncadd.s32 $0xFFFFE000  }
.LBB2_4:
0xc4: {  	[tilespmem:s26], [sflag:$0x4] =	stream.indirect.gather [hbm4b:s5+s19], $0x40, s13, s19, $0xb8;
	[tilespmem:$0x16E00] =	vst v63  }
0xc5: {  	s13 =	smov.u32 s10  }
0xc6: {  	p1 =	sne.s32 s10, $0x9000;
	s10 =	sadd.s32 $0x800, s10;
	_ =	swait.ge [sflag:s28], $0x2000  }
0xc7: {  	[sflag:s28] =	ssyncset.done $0x0  }
0xc8: {  	s13 =	sshra.s32 s13, $0x2;
	[sflag:s28] =	ssyncadd.s32 $0xFFFFE000  }
0xc9: {  	[spmem:s3] =	stream.indirect.scatter.add.f32 [tilespmem:s20], [sflag:$0x5], $0x40, s13, s19, $0xb8;
	[tilespmem:$0x16E00] =	vst v63  }
0xca: {  	_ =	swait.ge [sflag:s17], $0x2000  }
0xcb: {  	[sflag:s17] =	ssyncset.done $0x0  }
0xcc: {  	s14 =	sadd.s32 $0x2A00, s13;
	[sflag:s17] =	ssyncadd.s32 $0xFFFFE000  }
0xcd: {  	[tilespmem:s20], [sflag:$0x1] =	stream.indirect.gather [hbm4b:s5+s19], $0x40, s14, s19, $0xb8;
	[tilespmem:$0x16E00] =	vst v63  }
0xce: {  	_ =	swait.ge [sflag:s29], $0x2000  }
0xcf: {  	[sflag:s29] =	ssyncset.done $0x0  }
0xd0: {  	s14 =	sadd.s32 $0x80, s13;
	[sflag:s29] =	ssyncadd.s32 $0xFFFFE000  }
0xd1: {  	[spmem:s3] =	stream.indirect.scatter.add.f32 [tilespmem:s22], [sflag:$0x5], $0x40, s14, s19, $0xb8;
	[tilespmem:$0x16E00] =	vst v63  }
0xd2: {  	_ =	swait.ge [sflag:s17], $0x2000  }
0xd3: {  	[sflag:s17] =	ssyncset.done $0x0  }
0xd4: {  	s14 =	sadd.s32 $0x2A80, s13;
	[sflag:s17] =	ssyncadd.s32 $0xFFFFE000  }
0xd5: {  	[tilespmem:s22], [sflag:$0x2] =	stream.indirect.gather [hbm4b:s5+s19], $0x40, s14, s19, $0xb8;
	[tilespmem:$0x16E00] =	vst v63  }
0xd6: {  	_ =	swait.ge [sflag:s30], $0x2000  }
0xd7: {  	[sflag:s30] =	ssyncset.done $0x0  }
0xd8: {  	s14 =	sadd.s32 $0x100, s13;
	[sflag:s30] =	ssyncadd.s32 $0xFFFFE000  }
0xd9: {  	[spmem:s3] =	stream.indirect.scatter.add.f32 [tilespmem:s24], [sflag:$0x5], $0x40, s14, s19, $0xb8;
	[tilespmem:$0x16E00] =	vst v63  }
0xda: {  	_ =	swait.ge [sflag:s17], $0x2000  }
0xdb: {  	[sflag:s17] =	ssyncset.done $0x0  }
0xdc: {  	s14 =	sadd.s32 $0x2B00, s13;
	[sflag:s17] =	ssyncadd.s32 $0xFFFFE000  }
0xdd: {  	[tilespmem:s24], [sflag:$0x3] =	stream.indirect.gather [hbm4b:s5+s19], $0x40, s14, s19, $0xb8;
	[tilespmem:$0x16E00] =	vst v63  }
0xde: {  	_ =	swait.ge [sflag:s31], $0x2000  }
0xdf: {  	[sflag:s31] =	ssyncset.done $0x0  }
.Ltmp1:
0xe0: {  	s14 =	sadd.s32 $0x180, s13;
	[sflag:s31] =	ssyncadd.s32 $0xFFFFE000;
	(pc) =	sbr.rel @p1 .LBB2_4-.Ltmp1, $4  }
0xe1: {  	[spmem:s3] =	stream.indirect.scatter.add.f32 [tilespmem:s26], [sflag:$0x5], $0x40, s14, s19, $0xb8;
	[tilespmem:$0x16E00] =	vst v63  }
0xe2: {  	_ =	swait.ge [sflag:s17], $0x2000  }
0xe3: {  	[sflag:s17] =	ssyncset.done $0x0  }
0xe4: {  	s13 =	sadd.s32 $0x2B80, s13;
	[sflag:s17] =	ssyncadd.s32 $0xFFFFE000  }
0xe5: {  	[tilespmem:s26], [sflag:$0x4] =	stream.indirect.gather [hbm4b:s5+s19], $0x40, s13, s19, $0xb8;
	[tilespmem:$0x16E00] =	vst v63  }
0xe6: {  	_ =	swait.ge [sflag:s28], $0x2000  }
0xe7: {  	[sflag:s28] =	ssyncset.done $0x0  }
0xe8: {  	[sflag:s28] =	ssyncadd.s32 $0xFFFFE000  }
0xe9: {  	[spmem:s3] =	stream.indirect.scatter.add.f32 [tilespmem:s20], [sflag:$0x5], $0x40, s1, s19, $0xb8;
	[tilespmem:$0x16E00] =	vst v63  }
0xea: {  	_ =	swait.ge [sflag:s17], $0x2000  }
0xeb: {  	[sflag:s17] =	ssyncset.done $0x0  }
0xec: {  	[sflag:s17] =	ssyncadd.s32 $0xFFFFE000  }
0xed: {  	_ =	swait.ge [sflag:s29], $0x2000  }
0xee: {  	[sflag:s29] =	ssyncset.done $0x0  }
0xef: {  	[sflag:s29] =	ssyncadd.s32 $0xFFFFE000  }
0xf0: {  	[spmem:s3] =	stream.indirect.scatter.add.f32 [tilespmem:s22], [sflag:$0x5], $0x40, s0, s19, $0xb8;
	[tilespmem:$0x16E00] =	vst v63  }
0xf1: {  	_ =	swait.ge [sflag:s17], $0x2000  }
0xf2: {  	[sflag:s17] =	ssyncset.done $0x0  }
0xf3: {  	[sflag:s17] =	ssyncadd.s32 $0xFFFFE000  }
0xf4: {  	_ =	swait.ge [sflag:s30], $0x2000  }
0xf5: {  	[sflag:s30] =	ssyncset.done $0x0  }
0xf6: {  	[sflag:s30] =	ssyncadd.s32 $0xFFFFE000  }
0xf7: {  	[spmem:s3] =	stream.indirect.scatter.add.f32 [tilespmem:s24], [sflag:$0x5], $0x40, s4, s19, $0xb8;
	[tilespmem:$0x16E00] =	vst v63  }
0xf8: {  	_ =	swait.ge [sflag:s17], $0x2000  }
0xf9: {  	[sflag:s17] =	ssyncset.done $0x0  }
0xfa: {  	[sflag:s17] =	ssyncadd.s32 $0xFFFFE000  }
0xfb: {  	_ =	swait.ge [sflag:s31], $0x2000  }
0xfc: {  	[sflag:s31] =	ssyncset.done $0x0  }
0xfd: {  	[sflag:s31] =	ssyncadd.s32 $0xFFFFE000  }
0xfe: {  	[spmem:s3] =	stream.indirect.scatter.add.f32 [tilespmem:s26], [sflag:$0x5], $0x40, s7, s19, $0xb8;
	[tilespmem:$0x16E00] =	vst v63  }
0xff: {  	_ =	swait.ge [sflag:s17], $0x2000  }
0x100: {  	[sflag:s17] =	ssyncset.done $0x0  }
0x101: {  	[sflag:s17] =	ssyncadd.s32 $0xFFFFE000  }
0x102: {  	s10 =	simm.s32 @p0 $0x5;
	[bflag:$0x0] =	sbarrier.arrive $0xFFFF  }
0x103: {  	[hbm:s15], [sflag:s9] =	dma.local @p0 [spmem:s11], $0xC80  }
0x104: {  	_ =	swait.ge @p0 [sflag:s10], $0xC80  }
0x105: {  	[sflag:s10] =	ssyncset.done @p0 $0x0  }
0x106: {  	s8 =	sadd.s32 $0x1, s8;
	[sflag:s10] =	ssyncadd.s32 @p0 $0xFFFFF380;
	s10 =	rddreg [dreg:$0xb]  }
0x107: {  	[hbm:s10], [sflag:s9] =	dma.local @!p0 [spmem:s12], $0x1400  }
0x108: {  	p1 =	sne.s32 s8, s16;
	s9 =	simm.s32 @!p0 $0x5  }
.Ltmp2:
0x109: {  	_ =	swait.ge @!p0 [sflag:s9], $0x1400;
	(pc) =	sbr.rel @p1 .LBB2_1-.Ltmp2, $3  }
0x10a: {  	[sflag:s9] =	ssyncset.done @!p0 $0x0  }
0x10b: {  	[sflag:s9] =	ssyncadd.s32 @!p0 $0xFFFFEC00  }
0x10c: {  	[bflag:$0x0] =	sbarrier.arrive $0xFFFF;
	_ =	sdelay $0x1  }
0x10d: {  	_ =	sfence.sel $0x180000  }
0x10e: {  	[bflag:$0x0] =	sbarrier.arrive $0xFFFF  }
0x10f: {  	_ =	strace $0x9000004D  }
0x110: {  	s0 =	stileid.u32;
	[bflag:$0x2] =	sbarrier.arrive $0xFFFF  }
0x111: {  	p0 =	sne.s32 s0, $0x0;
	s0 =	rddreg [dreg:$0x3]  }
0x112: {  	s0 =	sadd.s32 @!p0 $0x100000, s0  }
0x113: {  	[sflag:s0] =	ssyncadd.tile.s32 @!p0 $0x1;
	_ =	shalt  }
.Lfunc_end2:
_tile_overlayer_lowered:
.L_overlay_start_2:
0x114: {  	(tag) =	ssettag $0x2  }
0x115: {  	s0 =	rddreg [dreg:$0x0];
	s2 =	stileid.u32  }
0x116: {  	s1 =	rddreg [dreg:$0x1];
	p0 =	sne.s32 s2, $0x0  }
0x117: {  	s3 =	rddreg [dreg:$0x2];
	[bflag:$0x3] =	sbarrier.arrive $0xFFFF;
	s2 =	simm.s32 @!p0 $0x1C05  }
0x118: {  	[timem:s3], [sflag:s2] =	dma.local @!p0 [hbm:s0], s1  }
0x119: {  	s0 =	simm.s32 @!p0 $0x5  }
0x11a: {  	_ =	swait.ge @!p0 [sflag:s0], s1  }
0x11b: {  	s1 =	ssub.s32 @!p0 $0x0, s1;
	[sflag:s0] =	ssyncset.done @!p0 $0x0  }
0x11c: {  	[sflag:s0] =	ssyncadd.s32 @!p0 s1  }
0x11d: {  	[bflag:$0x3] =	sbarrier.arrive $0xFFFF  }
0x11e: {  	_ =	shalt  }

// kernel: kernel.19.cloned.1.call-start
scs
__scs_entry_jumppad:
0x0: {  	(pc) =	sbr.rel $0x88, $3  }
0x1: {  	(tag) =	ssettag $0x0;
	lr =	simm.s32 $0x1  }
0x2: {  	[smem:$0x3F99] =	sst lr;
	_ =	strace $0xD0000000  }
0x3: {  	_ = 	snop  }
0x4: {  	_ = 	snop  }
0x5: {  	_ = 	snop  }
0x6: {  	_ = 	snop  }
0x7: {  	_ = 	snop  }
__scs_overlays_trampoline_lowered:
0x8: {  	[smem:$0x3FA8] =	sst s0  }
0x9: {  	[smem:$0x3FA9] =	sst s1  }
0xa: {  	[smem:$0x3FAA] =	sst s2  }
0xb: {  	[smem:$0x3FAB] =	sst s3  }
0xc: {  	[smem:$0x3FAC] =	sst s4  }
0xd: {  	[smem:$0x3FAD] =	sst s5  }
0xe: {  	[smem:$0x3FAE] =	sst s6  }
0xf: {  	[smem:$0x3FAF] =	sst s7  }
0x10: {  	[smem:$0x3FB0] =	sst s8  }
0x11: {  	[smem:$0x3FB1] =	sst s9;
	s0 =	simm.s32 @!p0 $0x0  }
0x12: {  	s1 =	sld [smem:$0x3F97];
	s0 =	simm.s32 @p0 $0x1  }
0x13: {  	[smem:$0x3FB2] =	sst s0;
	s0 =	simm.s32 @!p1 $0x0  }
0x14: {  	s2 =	sld [smem:$0x3F96];
	s0 =	simm.s32 @p1 $0x1  }
0x15: {  	[smem:$0x3FB3] =	sst s0;
	s0 =	simm.s32 @!p2 $0x0  }
0x16: {  	s3 =	sld [smem:$0x3FDB];
	s0 =	simm.s32 @p2 $0x1  }
0x17: {  	s4 =	simm.s32 $0x1BF5;
	[smem:$0x3FB5] =	sst s0  }
0x18: {  	s0 =	sld [smem:$0x3F98];
	_ =	swait.ge [sflag:s4], $0x0  }
0x19: {  	s7 =	sld [smem:$0x3F99]  }
0x1a: {  	s8 =	sadd.s32 $0xFFFFE003, lr  }
0x1b: {  	s9 =	sadd.s32 $0xFFFFFEF7, lr;
	s5 =	simm.s32 $0xFFFFFFFF;
	p2 =	slt.u32 s8, $0xFFFFF086  }
0x1c: {  	p1 =	slt.u32 s9, $0xF7A;
	s5 =	simm.s32 @!p2 $0x0  }
0x1d: {  	s5 =	simm.s32 @p1 $0x1;
	p0 =	seq.s32 s7, s2  }
0x1e: {  	s7 =	smul.u32 @!p0 $0xF7A, s2;
	p2 =	seq.s32 @!p0 s5, $0x0  }
0x1f: {  	s9 =	smul.u32 $0xF7A, s1;
	s8 =	simm.s32 @!p0 $0x1BF5;
	p2 =	por !p2, p0  }
0x20: {  	[sflag:s8] =	ssyncset.s32 @!p0 $0xFFFFF086;
	s6 =	sadd.s32 @!p0 s3, s7;
	s7 =	simm.s32 @!p0 $0x108  }
0x21: {  	s3 =	sadd.s32 s3, s9;
	s6 =	sadd.s32 @!p0 $0x88, s6;
	s7 =	simm.s32 @p2 $0x1082  }
0x22: {  	[simem:s7], [sflag:s8] =	dma.local @!p0 [hbm:s6], $0xF7A  }
0x23: {  	s9 =	sor.u32 $0xD0000000, s2;
	s6 =	simm.s32 $0x108;
	_ =	swait.ge @!p0 [sflag:s8], $0x0  }
0x24: {  	s3 =	sadd.s32 $0x88, s3;
	s6 =	simm.s32 @!p1 $0x1082;
	[sflag:s4] =	ssyncset.s32 $0xFFFFF086  }
0x25: {  	[simem:s6], [sflag:s4] =	dma.local [hbm:s3], $0xF7A  }
0x26: {  	[smem:$0x3F99] =	sst s1;
	(tag) =	ssettag s2;
	_ =	strace s9  }
0x27: {  	s1 =	sld [smem:$0x3FA9]  }
0x28: {  	s2 =	sld [smem:$0x3FAA]  }
0x29: {  	s4 =	sld [smem:$0x3FAC]  }
0x2a: {  	p0 =	seq.s32 s5, $0x0;
	s5 =	sld [smem:$0x3FAD]  }
0x2b: {  	s6 =	sld [smem:$0x3FAE]  }
0x2c: {  	s7 =	sld [smem:$0x3FAF]  }
0x2d: {  	s3 =	simm.s32 $0x108;
	s8 =	sld [smem:$0x3FB0]  }
0x2e: {  	s3 =	simm.s32 @!p0 $0x1082;
	s9 =	sld [smem:$0x3FB1]  }
0x2f: {  	lr =	sadd.s32 s0, s3;
	s0 =	sld [smem:$0x3FA8]  }
0x30: {  	s3 =	sld [smem:$0x3FAB]  }
0x31: {  	[smem:$0x3FB4] =	sst s10  }
0x32: {  	s10 =	sld [smem:$0x3FB2];
	_ =	sdelay $0x3  }
0x33: {  	p0 =	seq.s32 s10, $0x1;
	s10 =	sld [smem:$0x3FB4];
	_ =	sdelay $0x3  }
0x34: {  	[smem:$0x3FB4] =	sst s10  }
0x35: {  	s10 =	sld [smem:$0x3FB3];
	_ =	sdelay $0x3  }
0x36: {  	p1 =	seq.s32 s10, $0x1;
	s10 =	sld [smem:$0x3FB4];
	_ =	sdelay $0x3  }
0x37: {  	[smem:$0x3FB4] =	sst s10  }
0x38: {  	s10 =	sld [smem:$0x3FB5]  }
0x39: {  	_ = 	snop;
	(pc) =	sbr.ind lr, $3  }
0x3a: {  	_ = 	snop  }
0x3b: {  	_ = 	snop  }
0x3c: {  	p2 =	seq.s32 s10, $0x1;
	s10 =	sld [smem:$0x3FB4]  }
0x3d: {  	_ =	shalt  }
0x3e: {  	_ =	shalt  }
0x3f: {  	_ =	shalt  }
0x40: {  	_ =	shalt  }
0x41: {  	_ =	shalt  }
0x42: {  	_ =	shalt  }
0x43: {  	_ =	shalt  }
0x44: {  	_ =	shalt  }
0x45: {  	_ =	shalt  }
0x46: {  	_ =	shalt  }
0x47: {  	_ =	shalt  }
0x48: {  	_ =	shalt  }
0x49: {  	_ =	shalt  }
0x4a: {  	_ =	shalt  }
0x4b: {  	_ =	shalt  }
0x4c: {  	_ =	shalt  }
0x4d: {  	_ =	shalt  }
0x4e: {  	_ =	shalt  }
0x4f: {  	_ =	shalt  }
0x50: {  	_ =	shalt  }
0x51: {  	_ =	shalt  }
0x52: {  	_ =	shalt  }
0x53: {  	_ =	shalt  }
0x54: {  	_ =	shalt  }
0x55: {  	_ =	shalt  }
0x56: {  	_ =	shalt  }
0x57: {  	_ =	shalt  }
0x58: {  	_ =	shalt  }
0x59: {  	_ =	shalt  }
0x5a: {  	_ =	shalt  }
0x5b: {  	_ =	shalt  }
0x5c: {  	_ =	shalt  }
0x5d: {  	_ =	shalt  }
0x5e: {  	_ =	shalt  }
0x5f: {  	_ =	shalt  }
0x60: {  	_ =	shalt  }
0x61: {  	_ =	shalt  }
0x62: {  	_ =	shalt  }
0x63: {  	_ =	shalt  }
0x64: {  	_ =	shalt  }
0x65: {  	_ =	shalt  }
0x66: {  	_ =	shalt  }
0x67: {  	_ =	shalt  }
0x68: {  	_ =	shalt  }
0x69: {  	_ =	shalt  }
0x6a: {  	_ =	shalt  }
0x6b: {  	_ =	shalt  }
0x6c: {  	_ =	shalt  }
0x6d: {  	_ =	shalt  }
0x6e: {  	_ =	shalt  }
0x6f: {  	_ =	shalt  }
0x70: {  	_ =	shalt  }
0x71: {  	_ =	shalt  }
0x72: {  	_ =	shalt  }
0x73: {  	_ =	shalt  }
0x74: {  	_ =	shalt  }
0x75: {  	_ =	shalt  }
0x76: {  	_ =	shalt  }
0x77: {  	_ =	shalt  }
0x78: {  	_ =	shalt  }
0x79: {  	_ =	shalt  }
0x7a: {  	_ =	shalt  }
0x7b: {  	_ =	shalt  }
0x7c: {  	_ =	shalt  }
0x7d: {  	_ =	shalt  }
0x7e: {  	_ =	shalt  }
0x7f: {  	_ =	shalt  }
0x80: {  	_ =	shalt  }
0x81: {  	_ =	shalt  }
0x82: {  	_ =	shalt  }
0x83: {  	_ =	shalt  }
0x84: {  	_ =	shalt  }
0x85: {  	_ =	shalt  }
0x86: {  	_ =	shalt  }
0x87: {  	_ =	shalt  }
.Lfunc_end0:
.L_simem_size_0:
called_computation.3_lowered:
.L_overlay_start_0:
0x88: {  	s2 =	sld [smem:$0x3FD9]  }
0x89: {  	s3 =	sld [smem:$0x3FFE];
	_ =	sdelay $0x1  }
0x8a: {  	s1 =	srdreg.scid  }
0x8b: {  	s0 =	sand.u32 $0x1, s1  }
0x8c: {  	s17 =	sshll.u32 s0, $0xA;
	s2 =	sadd.s32 s3, s2  }
0x8d: {  	s2 =	sadd.s32 s2, s17  }
0x8e: {  	[smem:$0x3FC0] =	sst s2  }
0x8f: {  	_ = 	snop  }
0x90: {  	s2 =	sld [smem:$0x3FD0];
	(tm) =	ssettm $0x1  }
0x91: {  	s18 =	sld [smem:$0x3FFB];
	_ =	sdelay $0x3  }
0x92: {  	_ =	strace s18  }
0x93: {  	s3 =	sld [smem:$0x3FFC];
	_ =	sdelay $0x3  }
0x94: {  	_ =	strace s3  }
0x95: {  	s3 =	sld [smem:$0x3FFD];
	_ =	sdelay $0x3  }
0x96: {  	_ =	strace s3  }
0x97: {  	_ =	strace $0x8FFFFFFF  }
0x98: {  	s19 =	sld [smem:$0x3FDB];
	_ =	sdelay $0x1  }
0x99: {  	s4 =	simm.s32 $_scs_section_size  }
0x9a: {  	s5 =	simm.s32 $_size__tile_overlayer_lowered;
	s6 =	simm.s32 $_tile_overlayer_lowered  }
0x9b: {  	s22 =	simm.s32 $0x1BFF;
	s21 =	sshll.u32 s6, $0x1;
	s3 =	sadd.s32 s4, s19  }
0x9c: {  	s7 =	simm.s32 $0x0;
	s20 =	sshll.u32 s5, $0x1;
	s5 =	sadd.s32 s21, s3  }
0x9d: {  	[timem:s7], [sflag:s22] =	dma.local [hbm:s5], s20  }
0x9e: {  	_ =	swait.ge [sflag:s22], s20  }
0x9f: {  	s4 =	ssub.s32 $0x0, s20;
	[sflag:s22] =	ssyncset.done $0x0  }
0xa0: {  	[sflag:s22] =	ssyncadd.s32 s4;
	_ =	sdelay $0x1  }
0xa1: {  	s23 =	simm.s32 $0x1B8B  }
0xa2: {  	_ =	swait.ge [sflag:s23], $0x1  }
0xa3: {  	[sflag:s23] =	ssyncset.done $0x0  }
0xa4: {  	s25 =	simm.s32 $0x1B8E;
	s24 =	sld [smem:$0x3FFE];
	[sflag:s23] =	ssyncadd.s32 $0xFFFFFFFF  }
0xa5: {  	s26 =	simm.s32 $execute0_lowered;
	[smem:$0x3FD2] =	sst s25  }
0xa6: {  	s5 =	sshll.u32 s26, $0x1;
	_ =	strace $0x8000004F;
	[dreg:$0x1] =	wrdreg $0xFFFFFFFF  }
0xa7: {  	s28 =	simm.s32 $_size_execute0_lowered;
	s3 =	sadd.s32 s3, s5;
	[dreg:$0x0] =	wrdreg $0x0  }
0xa8: {  	s5 =	sshll.u32 s28, $0x1;
	[dreg:$0x2] =	wrdreg s3  }
0xa9: {  	[dreg:$0x3] =	wrdreg s5  }
0xaa: {  	[dreg:$0x4] =	wrdreg $0xC0  }
0xab: {  	_ =	task [dreg:s7], $0x5FFFF  }
0xac: {  	[dreg:$0x1] =	wrdreg $0xFFFFFFFF  }
0xad: {  	[dreg:$0x0] =	wrdreg $0x60  }
0xae: {  	[dreg:$0x2] =	wrdreg s24  }
0xaf: {  	[dreg:$0x3] =	wrdreg s2  }
0xb0: {  	[dreg:$0x4] =	wrdreg $0xD0000  }
0xb1: {  	[dreg:$0x5] =	wrdreg $0x9  }
0xb2: {  	_ =	task.clear_ibuf [dreg:s7], $0x6FFFF;
	_ =	strace $0x9000004F  }
0xb3: {  	s29 =	simm.s32 $0x9;
	_ =	strace $0x80000051  }
0xb4: {  	_ =	swait.ge [sflag:s29], $0x1  }
0xb5: {  	[sflag:s29] =	ssyncadd.s32 $0xFFFFFFFF  }
0xb6: {  	_ =	strace $0x90000051  }
0xb7: {  	_ =	sfence  }
0xb8: {  	s30 =	sld [smem:$0x0];
	_ =	sdelay $0x2  }
0xb9: {  	s31 =	sshll.u32 s1, $0xD;
	s1 =	sshrl.u32 s1, $0x2  }
0xba: {  	s3 =	sand.u32 $0x4000, s31;
	s1 =	sadd.s32 s1, s30  }
0xbb: {  	s0 =	sor.u32 s3, s0;
	s1 =	sshll.u32 s1, $0x11  }
0xbc: {  	s0 =	sor.u32 s1, s0  }
0xbd: {  	s0 =	sadd.s32 $0x8F2B, s0  }
0xbe: {  	[sflag:s0] =	ssyncadd.remote.s32 $0x1  }
0xbf: {  	_ =	sfence.sel $0xFFFF  }
0xc0: {  	[dreg:$0x0] =	wrdreg $0xFFFFFFFF;
	(pc) =	sbr.abs _section_cstart, $3  }
0xc1: {  	[dreg:$0x1] =	wrdreg $0xFFFFFFFF  }
0xc2: {  	_ =	task.clear_ibuf [dreg:s7], $0x2FFFF;
	_ =	strace $0x9FFFFFFF  }
0xc3: {  	(tm) =	ssettm $0x7FFFFFFF  }
tec
execute0_lowered:
.L_overlay_start_1:
0x0: {  	(tag) =	ssettag $0x1  }
0x1: {  	s0 =	rddreg [dreg:$0x0]  }
0x2: {  	s1 =	srdreg.scid;
	s2 =	rddreg [dreg:$0x1]  }
0x3: {  	s3 =	rddreg [dreg:$0x2];
	s17 =	stileid.u32  }
0x4: {  	s4 =	simm.s32 $0x0;
	s12 =	simm.s32 $0x2800;
	s13 =	simm.s32 $0x80  }
0x5: {  	s14 =	simm.s32 $0x5000;
	s16 =	simm.s32 $0x7000;
	s18 =	simm.s32 $0x9000  }
0x6: {  	s20 =	simm.s32 $0xB000;
	s22 =	simm.s32 $0x1;
	s23 =	simm.s32 $0x2  }
0x7: {  	s26 =	simm.s32 $0x3;
	s28 =	simm.s32 $0x4;
	s30 =	simm.s32 $0x2680  }
0x8: {  	s31 =	simm.s32 $0x2700;
	s1 =	sand.u32 $0x1, s1;
	s9 =	smul.u32 $0xA000, s17  }
0x9: {  	[smem:$0x7FF] =	sst s4;
	s29 =	smul.u32 $0x27800, s17;
	p0 =	seq.s32 s17, $0xF  }
0xa: {  	s5 =	sshll.u32 s1, $0x4;
	s6 =	ssub.s32 $0x2, s1;
	s1 =	smul.u32 $0x9C400, s1  }
0xb: {  	_ =	strace $0x80000050;
	s5 =	sor.u32 s17, s5;
	s8 =	sshrl.u32 s6, $0x1  }
0xc: {  	s5 =	smul.u32 $0x500, s5;
	s10 =	ssub.s32 s6, s8;
	s11 =	sadd.s32 s9, s1  }
0xd: {  	s8 =	sshrl.u32 s29, $0x2;
	s1 =	sshrl.u32 s1, $0x3;
	s11 =	sshrl.u32 s11, $0x3  }
0xe: {  	s15 =	sadd.s32 s8, s3;
	s10 =	smax.u32 s10, $0x1;
	s7 =	sadd.s32 s5, s0  }
0xf: {  	s5 =	sadd.s32 $0x52E00, s0;
	s0 =	sadd.s32 $0x18200, s0;
	s21 =	sshrl.u32 s15, $0x3  }
0x10: {  	s6 =	sadd.s32 $0xE200, s7;
	s7 =	sadd.s32 $0x4200, s7;
	s8 =	sadd.s32 s0, s11  }
0x11: {  	s0 =	sadd.s32 s0, s1;
	s1 =	sadd.s32 s9, s3;
	s11 =	simm.s32 $0x5  }
0x12: {  	s9 =	sadd.s32 $0x12C00, s0;
	s0 =	sadd.s32 $0x96000, s3;
	s25 =	sshrl.u32 @!p0 s1, $0x3  }
0x13: {  	s1 =	simm.s32 $0x0;
	s24 =	sshrl.u32 @p0 s0, $0x3;
	s0 =	simm.s32 $0x2780  }
.LBB2_1:
0x14: {  	[tilespmem:s4], [sflag:$0x5] =	stream.linear.gather [hbm4b:s6+s4], $0x2800, $0x38;
	[tilespmem:$0x16E00] =	vst v63  }
0x15: {  	_ =	swait.ge [sflag:s11], $0x2800  }
0x16: {  	[sflag:s11] =	ssyncset.done $0x0  }
0x17: {  	[sflag:s11] =	ssyncadd.s32 $0xFFFFD800  }
0x18: {  	[tilespmem:s12], [sflag:$0x5] =	stream.linear.gather [hbm4b:s7+s4], $0x2800, $0x38;
	[tilespmem:$0x16E00] =	vst v63  }
0x19: {  	_ =	swait.ge [sflag:s11], $0x2800  }
0x1a: {  	[sflag:s11] =	ssyncset.done $0x0  }
0x1b: {  	[sflag:s11] =	ssyncadd.s32 $0xFFFFD800  }
0x1c: {  	[tilespmem:s14], [sflag:$0x1] =	stream.indirect.gather [hbm4b:s2+s13], $0x40, s12, s13, $0xb8;
	[tilespmem:$0x16E00] =	vst v63  }
0x1d: {  	s15 =	simm.s32 $0x2880;
	s17 =	stileid.u32  }
0x1e: {  	[tilespmem:s16], [sflag:$0x2] =	stream.indirect.gather [hbm4b:s2+s13], $0x40, s15, s13, $0xb8;
	[tilespmem:$0x16E00] =	vst v63  }
0x1f: {  	s19 =	simm.s32 $0x2900;
	s15 =	sshll.u32 s17, $0x6  }
0x20: {  	[tilespmem:s18], [sflag:$0x3] =	stream.indirect.gather [hbm4b:s2+s13], $0x40, s19, s13, $0xb8;
	[tilespmem:$0x16E00] =	vst v63  }
0x21: {  	s29 =	simm.s32 $0x2980;
	s15 =	sor.u32 $0x1C05, s15  }
0x22: {  	[tilespmem:s20], [sflag:$0x4] =	stream.indirect.gather [hbm4b:s2+s13], $0x40, s29, s13, $0xb8;
	[tilespmem:$0x16E00] =	vst v63  }
0x23: {  	[spmem:s21], [sflag:s15] =	dma.local [hbm:s5], $0x13C0  }
0x24: {  	_ =	swait.ge [sflag:s11], $0x13C0  }
0x25: {  	[sflag:s11] =	ssyncset.done $0x0  }
0x26: {  	[sflag:s11] =	ssyncadd.s32 $0xFFFFEC40  }
0x27: {  	[bflag:$0x0] =	sbarrier.arrive $0xFFFF  }
0x28: {  	_ =	swait.ge [sflag:s22], $0x2000  }
0x29: {  	[sflag:s22] =	ssyncset.done $0x0  }
0x2a: {  	s17 =	simm.s32 $0x0;
	[sflag:s22] =	ssyncadd.s32 $0xFFFFE000  }
0x2b: {  	[spmem:s3] =	stream.indirect.scatter.add.f32 [tilespmem:s14], [sflag:$0x5], $0x40, s17, s13, $0xb8;
	[tilespmem:$0x16E00] =	vst v63  }
0x2c: {  	_ =	swait.ge [sflag:s11], $0x2000  }
0x2d: {  	[sflag:s11] =	ssyncset.done $0x0  }
0x2e: {  	s19 =	simm.s32 $0x2A00;
	[sflag:s11] =	ssyncadd.s32 $0xFFFFE000  }
0x2f: {  	[tilespmem:s14], [sflag:$0x1] =	stream.indirect.gather [hbm4b:s2+s13], $0x40, s19, s13, $0xb8;
	[tilespmem:$0x16E00] =	vst v63  }
0x30: {  	_ =	swait.ge [sflag:s23], $0x2000  }
0x31: {  	[sflag:s23] =	ssyncset.done $0x0  }
0x32: {  	s29 =	simm.s32 $0x80;
	[sflag:s23] =	ssyncadd.s32 $0xFFFFE000  }
0x33: {  	[spmem:s3] =	stream.indirect.scatter.add.f32 [tilespmem:s16], [sflag:$0x5], $0x40, s29, s13, $0xb8;
	[tilespmem:$0x16E00] =	vst v63  }
0x34: {  	_ =	swait.ge [sflag:s11], $0x2000  }
0x35: {  	[sflag:s11] =	ssyncset.done $0x0  }
0x36: {  	s19 =	simm.s32 $0x2A80;
	[sflag:s11] =	ssyncadd.s32 $0xFFFFE000  }
0x37: {  	[tilespmem:s16], [sflag:$0x2] =	stream.indirect.gather [hbm4b:s2+s13], $0x40, s19, s13, $0xb8;
	[tilespmem:$0x16E00] =	vst v63  }
0x38: {  	_ =	swait.ge [sflag:s26], $0x2000  }
0x39: {  	[sflag:s26] =	ssyncset.done $0x0  }
0x3a: {  	s29 =	simm.s32 $0x100;
	[sflag:s26] =	ssyncadd.s32 $0xFFFFE000  }
0x3b: {  	[spmem:s3] =	stream.indirect.scatter.add.f32 [tilespmem:s18], [sflag:$0x5], $0x40, s29, s13, $0xb8;
	[tilespmem:$0x16E00] =	vst v63  }
0x3c: {  	_ =	swait.ge [sflag:s11], $0x2000  }
0x3d: {  	[sflag:s11] =	ssyncset.done $0x0  }
0x3e: {  	s19 =	simm.s32 $0x2B00;
	[sflag:s11] =	ssyncadd.s32 $0xFFFFE000  }
0x3f: {  	[tilespmem:s18], [sflag:$0x3] =	stream.indirect.gather [hbm4b:s2+s13], $0x40, s19, s13, $0xb8;
	[tilespmem:$0x16E00] =	vst v63  }
0x40: {  	_ =	swait.ge [sflag:s28], $0x2000  }
0x41: {  	[sflag:s28] =	ssyncset.done $0x0  }
0x42: {  	s29 =	simm.s32 $0x180;
	[sflag:s28] =	ssyncadd.s32 $0xFFFFE000  }
0x43: {  	[spmem:s3] =	stream.indirect.scatter.add.f32 [tilespmem:s20], [sflag:$0x5], $0x40, s29, s13, $0xb8;
	[tilespmem:$0x16E00] =	vst v63  }
0x44: {  	_ =	swait.ge [sflag:s11], $0x2000  }
0x45: {  	[sflag:s11] =	ssyncset.done $0x0  }
0x46: {  	s17 =	simm.s32 $0x800;
	s19 =	simm.s32 $0x2B80;
	[sflag:s11] =	ssyncadd.s32 $0xFFFFE000  }
.LBB2_2:
0x47: {  	[tilespmem:s20], [sflag:$0x4] =	stream.indirect.gather [hbm4b:s2+s13], $0x40, s19, s13, $0xb8;
	[tilespmem:$0x16E00] =	vst v63  }
0x48: {  	s19 =	smov.u32 s17  }
0x49: {  	p1 =	sne.s32 s17, $0x9000;
	s17 =	sadd.s32 $0x800, s17;
	_ =	swait.ge [sflag:s22], $0x2000  }
0x4a: {  	[sflag:s22] =	ssyncset.done $0x0  }
0x4b: {  	s19 =	sshra.s32 s19, $0x2;
	[sflag:s22] =	ssyncadd.s32 $0xFFFFE000  }
0x4c: {  	[spmem:s3] =	stream.indirect.scatter.add.f32 [tilespmem:s14], [sflag:$0x5], $0x40, s19, s13, $0xb8;
	[tilespmem:$0x16E00] =	vst v63  }
0x4d: {  	_ =	swait.ge [sflag:s11], $0x2000  }
0x4e: {  	[sflag:s11] =	ssyncset.done $0x0  }
0x4f: {  	s29 =	sadd.s32 $0x2A00, s19;
	[sflag:s11] =	ssyncadd.s32 $0xFFFFE000  }
0x50: {  	[tilespmem:s14], [sflag:$0x1] =	stream.indirect.gather [hbm4b:s2+s13], $0x40, s29, s13, $0xb8;
	[tilespmem:$0x16E00] =	vst v63  }
0x51: {  	_ =	swait.ge [sflag:s23], $0x2000  }
0x52: {  	[sflag:s23] =	ssyncset.done $0x0  }
0x53: {  	s29 =	sadd.s32 $0x80, s19;
	[sflag:s23] =	ssyncadd.s32 $0xFFFFE000  }
0x54: {  	[spmem:s3] =	stream.indirect.scatter.add.f32 [tilespmem:s16], [sflag:$0x5], $0x40, s29, s13, $0xb8;
	[tilespmem:$0x16E00] =	vst v63  }
0x55: {  	_ =	swait.ge [sflag:s11], $0x2000  }
0x56: {  	[sflag:s11] =	ssyncset.done $0x0  }
0x57: {  	s29 =	sadd.s32 $0x2A80, s19;
	[sflag:s11] =	ssyncadd.s32 $0xFFFFE000  }
0x58: {  	[tilespmem:s16], [sflag:$0x2] =	stream.indirect.gather [hbm4b:s2+s13], $0x40, s29, s13, $0xb8;
	[tilespmem:$0x16E00] =	vst v63  }
0x59: {  	_ =	swait.ge [sflag:s26], $0x2000  }
0x5a: {  	[sflag:s26] =	ssyncset.done $0x0  }
0x5b: {  	s29 =	sadd.s32 $0x100, s19;
	[sflag:s26] =	ssyncadd.s32 $0xFFFFE000  }
0x5c: {  	[spmem:s3] =	stream.indirect.scatter.add.f32 [tilespmem:s18], [sflag:$0x5], $0x40, s29, s13, $0xb8;
	[tilespmem:$0x16E00] =	vst v63  }
0x5d: {  	_ =	swait.ge [sflag:s11], $0x2000  }
0x5e: {  	[sflag:s11] =	ssyncset.done $0x0  }
0x5f: {  	s29 =	sadd.s32 $0x2B00, s19;
	[sflag:s11] =	ssyncadd.s32 $0xFFFFE000  }
0x60: {  	[tilespmem:s18], [sflag:$0x3] =	stream.indirect.gather [hbm4b:s2+s13], $0x40, s29, s13, $0xb8;
	[tilespmem:$0x16E00] =	vst v63  }
0x61: {  	_ =	swait.ge [sflag:s28], $0x2000  }
0x62: {  	[sflag:s28] =	ssyncset.done $0x0  }
.Ltmp0:
0x63: {  	s29 =	sadd.s32 $0x180, s19;
	[sflag:s28] =	ssyncadd.s32 $0xFFFFE000;
	(pc) =	sbr.rel @p1 .LBB2_2-.Ltmp0, $4  }
0x64: {  	[spmem:s3] =	stream.indirect.scatter.add.f32 [tilespmem:s20], [sflag:$0x5], $0x40, s29, s13, $0xb8;
	[tilespmem:$0x16E00] =	vst v63  }
0x65: {  	_ =	swait.ge [sflag:s11], $0x2000  }
0x66: {  	[sflag:s11] =	ssyncset.done $0x0  }
0x67: {  	s19 =	sadd.s32 $0x2B80, s19;
	[sflag:s11] =	ssyncadd.s32 $0xFFFFE000  }
0x68: {  	[tilespmem:s20], [sflag:$0x4] =	stream.indirect.gather [hbm4b:s2+s13], $0x40, s19, s13, $0xb8;
	[tilespmem:$0x16E00] =	vst v63  }
0x69: {  	_ =	swait.ge [sflag:s22], $0x2000  }
0x6a: {  	[sflag:s22] =	ssyncset.done $0x0  }
0x6b: {  	s17 =	simm.s32 $0x2600;
	[sflag:s22] =	ssyncadd.s32 $0xFFFFE000  }
0x6c: {  	[spmem:s3] =	stream.indirect.scatter.add.f32 [tilespmem:s14], [sflag:$0x5], $0x40, s17, s13, $0xb8;
	[tilespmem:$0x16E00] =	vst v63  }
0x6d: {  	_ =	swait.ge [sflag:s11], $0x2000  }
0x6e: {  	[sflag:s11] =	ssyncset.done $0x0  }
0x6f: {  	[sflag:s11] =	ssyncadd.s32 $0xFFFFE000  }
0x70: {  	_ =	swait.ge [sflag:s23], $0x2000  }
0x71: {  	[sflag:s23] =	ssyncset.done $0x0  }
0x72: {  	[sflag:s23] =	ssyncadd.s32 $0xFFFFE000  }
0x73: {  	[spmem:s3] =	stream.indirect.scatter.add.f32 [tilespmem:s16], [sflag:$0x5], $0x40, s30, s13, $0xb8;
	[tilespmem:$0x16E00] =	vst v63  }
0x74: {  	_ =	swait.ge [sflag:s11], $0x2000  }
0x75: {  	[sflag:s11] =	ssyncset.done $0x0  }
0x76: {  	[sflag:s11] =	ssyncadd.s32 $0xFFFFE000  }
0x77: {  	_ =	swait.ge [sflag:s26], $0x2000  }
0x78: {  	[sflag:s26] =	ssyncset.done $0x0  }
0x79: {  	[sflag:s26] =	ssyncadd.s32 $0xFFFFE000  }
0x7a: {  	[spmem:s3] =	stream.indirect.scatter.add.f32 [tilespmem:s18], [sflag:$0x5], $0x40, s31, s13, $0xb8;
	[tilespmem:$0x16E00] =	vst v63  }
0x7b: {  	_ =	swait.ge [sflag:s11], $0x2000  }
0x7c: {  	[sflag:s11] =	ssyncset.done $0x0  }
0x7d: {  	[sflag:s11] =	ssyncadd.s32 $0xFFFFE000  }
0x7e: {  	_ =	swait.ge [sflag:s28], $0x2000  }
0x7f: {  	[sflag:s28] =	ssyncset.done $0x0  }
0x80: {  	[sflag:s28] =	ssyncadd.s32 $0xFFFFE000  }
0x81: {  	[spmem:s3] =	stream.indirect.scatter.add.f32 [tilespmem:s20], [sflag:$0x5], $0x40, s0, s13, $0xb8;
	[tilespmem:$0x16E00] =	vst v63  }
0x82: {  	_ =	swait.ge [sflag:s11], $0x2000  }
0x83: {  	[sflag:s11] =	ssyncset.done $0x0  }
0x84: {  	[sflag:s11] =	ssyncadd.s32 $0xFFFFE000  }
0x85: {  	s17 =	simm.s32 @p0 $0x5;
	[bflag:$0x0] =	sbarrier.arrive $0xFFFF  }
0x86: {  	[hbm:s9], [sflag:s15] =	dma.local @p0 [spmem:s24], $0xC80  }
0x87: {  	_ =	swait.ge @p0 [sflag:s17], $0xC80  }
0x88: {  	[sflag:s17] =	ssyncset.done @p0 $0x0  }
0x89: {  	s1 =	sadd.s32 $0x1, s1;
	[sflag:s17] =	ssyncadd.s32 @p0 $0xFFFFF380  }
0x8a: {  	[hbm:s8], [sflag:s15] =	dma.local @!p0 [spmem:s25], $0x1400  }
0x8b: {  	p1 =	sne.s32 s1, s10;
	s15 =	simm.s32 @!p0 $0x5  }
.Ltmp1:
0x8c: {  	_ =	swait.ge @!p0 [sflag:s15], $0x1400;
	(pc) =	sbr.rel @p1 .LBB2_1-.Ltmp1, $3  }
0x8d: {  	[sflag:s15] =	ssyncset.done @!p0 $0x0  }
0x8e: {  	[sflag:s15] =	ssyncadd.s32 @!p0 $0xFFFFEC00  }
0x8f: {  	[bflag:$0x0] =	sbarrier.arrive $0xFFFF;
	_ =	sdelay $0x1  }
0x90: {  	_ =	sfence.sel $0x180000  }
0x91: {  	[bflag:$0x0] =	sbarrier.arrive $0xFFFF  }
0x92: {  	_ =	strace $0x90000050  }
0x93: {  	s0 =	stileid.u32;
	[bflag:$0x2] =	sbarrier.arrive $0xFFFF  }
0x94: {  	p0 =	sne.s32 s0, $0x0;
	s0 =	rddreg [dreg:$0x3]  }
0x95: {  	s0 =	sadd.s32 @!p0 $0x100000, s0  }
0x96: {  	[sflag:s0] =	ssyncadd.tile.s32 @!p0 $0x1;
	_ =	shalt  }
.Lfunc_end2:
_tile_overlayer_lowered:
.L_overlay_start_2:
0x97: {  	(tag) =	ssettag $0x2  }
0x98: {  	s0 =	rddreg [dreg:$0x0];
	s2 =	stileid.u32  }
0x99: {  	s1 =	rddreg [dreg:$0x1];
	p0 =	sne.s32 s2, $0x0  }
0x9a: {  	s3 =	rddreg [dreg:$0x2];
	[bflag:$0x3] =	sbarrier.arrive $0xFFFF;
	s2 =	simm.s32 @!p0 $0x1C05  }
0x9b: {  	[timem:s3], [sflag:s2] =	dma.local @!p0 [hbm:s0], s1  }
0x9c: {  	s0 =	simm.s32 @!p0 $0x5  }
0x9d: {  	_ =	swait.ge @!p0 [sflag:s0], s1  }
0x9e: {  	s1 =	ssub.s32 @!p0 $0x0, s1;
	[sflag:s0] =	ssyncset.done @!p0 $0x0  }
0x9f: {  	[sflag:s0] =	ssyncadd.s32 @!p0 s1  }
0xa0: {  	[bflag:$0x3] =	sbarrier.arrive $0xFFFF  }
0xa1: {  	_ =	shalt  }

</sc_bundles>
